<compile_context>
chip_gen: v7x
topology: tpu7x:2x2x1
jax: 0.10.2.dev20260603
libtpu: 0.0.44.dev20260713+nightly
codegen_flags: <defaults>
</compile_context>

<pallas_src>
import functools

import jax
import jax.numpy as jnp
from jax import lax
from jax.experimental import pallas as pl
from jax.experimental.pallas import tpu as pltpu
from jax.experimental.pallas import tpu_sc as plsc

N_TOTAL = 20000
N_SUB = 10000
E = 320000
D = 128
HID = 128
NUM_LATENT = 4
DK = 32
OUT_DIM = 64
T = 2048

ACCW = 144
NACC = 2056
SB = 2000
KCAP = SB + 16
EB = 48
NTILE = 16
EPT = E // NTILE
NBATCH = EPT // EB
TPT = T // NTILE


def _prep_body(x_ref, wfc_ref, bfc_ref, wz_ref, bz_ref, z_ref):
    t = jnp.dot(x_ref[...], wfc_ref[0], preferred_element_type=jnp.float32)
    t = t + bfc_ref[0]
    z = jnp.dot(t, wz_ref[0], preferred_element_type=jnp.float32)
    z_ref[0] = jnp.tanh(z + bz_ref[0])


def _make_ztables(feats, wfc, bfc, wz, bz):
    return pl.pallas_call(
        _prep_body,
        grid=(2, 2),
        in_specs=[
            pl.BlockSpec((N_SUB, D), lambda i, j: (i, 0)),
            pl.BlockSpec((1, D, HID), lambda i, j: (i, 0, 0)),
            pl.BlockSpec((1, 1, HID), lambda i, j: (i, 0, 0)),
            pl.BlockSpec((1, HID, HID), lambda i, j: (j, 0, 0)),
            pl.BlockSpec((1, 1, HID), lambda i, j: (j, 0, 0)),
        ],
        out_specs=pl.BlockSpec((1, N_SUB, HID), lambda i, j: (j, i, 0)),
        out_shape=jax.ShapeDtypeStruct((2, N_TOTAL, HID), jnp.float32),
    )(feats, wfc, bfc, wz, bz)


def _sc_body(zall, nidx, esrc, edst, tgt, mout,
             node_tab, m_tab, tgt_all, src_v, dst_v, gsrc_v, gdst_v, dslot_v,
             tslot_v, zsrc, zdst, rows, trow, mrow,
             ksrc, kdst, kslot, gsrc2, gdst2, dslot2, zsrc2, zdst2, rows2,
             hbm_dummy, acc, zt,
             sem1, sem2, sem3, sem4, sem5, sem6, sem7, sem8):
    c = lax.axis_index("c")
    s = lax.axis_index("s")
    iota16 = lax.iota(jnp.int32, 16)
    zero16 = jnp.zeros((16,), jnp.float32)
    latm = [(iota16 == k).astype(jnp.float32) for k in range(NUM_LATENT)]

    def _zrow(i, carry):
        def _zcol(j, carry2):
            plsc.store_scatter(rows, [jnp.full((16,), i, jnp.int32),
                                      j * 16 + iota16], zero16)
            return carry2
        return lax.fori_loop(0, ACCW // 16, _zcol, carry)
    lax.fori_loop(0, EB, _zrow, 0)

    def _zacc(t, carry):
        chunk = s + 16 * t

        @pl.when(chunk < NACC // EB)
        def _():
            pltpu.sync_copy(rows,
                            acc.at[pl.ds(pl.multiple_of(chunk * EB, 8), EB)])

        @pl.when(chunk == NACC // EB)
        def _():
            pltpu.sync_copy(rows.at[pl.ds(0, NACC % EB)],
                            acc.at[pl.ds((NACC // EB) * EB, NACC % EB)])
        return carry
    lax.fori_loop(0, NACC // EB // 16 + 1, _zacc, 0)

    pltpu.sync_copy(nidx.at[pl.ds(pl.multiple_of(c * N_SUB, 8), N_SUB)],
                    node_tab)
    pltpu.sync_copy(tgt.at[pl.ds(pl.multiple_of(c * T, 8), T)], tgt_all)

    dump16 = jnp.full((16,), T, jnp.int32)

    def _minit(i, carry):
        m_tab[pl.ds(i * 16, 16)] = dump16
        return carry
    lax.fori_loop(0, N_SUB // 16, _minit, 0)

    def _mfill(g, carry):
        tv = tgt_all[pl.ds(g * 16, 16)]
        plsc.store_scatter(m_tab, [tv], iota16 + g * 16)
        return carry
    lax.fori_loop(0, T // 16, _mfill, 0)

    tb0 = s * TPT

    def _stage(g, carry):
        tv = tgt_all[pl.ds(tb0 + g * 16, 16)]
        gsrc_v[pl.ds(0, 16)] = plsc.load_gather(node_tab, [tv]) + c * N_TOTAL
        pltpu.async_copy(zall.at[gsrc_v.at[pl.ds(0, 16)]],
                         zsrc.at[pl.ds(0, 16)], sem1).wait()
        pltpu.sync_copy(zsrc.at[pl.ds(0, 16)],
                        zt.at[pl.ds(pl.multiple_of(tb0 + g * 16, 8), 16)])
        return carry
    lax.fori_loop(0, TPT // 16, _stage, 0)

    plsc.subcore_barrier()

    zofs = c * N_TOTAL
    ebase = c * E + s * EPT

    def _kinit(i, carry):
        z16 = jnp.zeros((16,), jnp.int32)
        ksrc[pl.ds(i * 16, 16)] = z16
        kdst[pl.ds(i * 16, 16)] = z16
        return carry
    lax.fori_loop(0, KCAP // 16, _kinit, 0)

    def _super(sb, carry):
        def _ks(i, carry2):
            kslot[pl.ds(i * 16, 16)] = dump16
            return carry2
        lax.fori_loop(0, KCAP // 16, _ks, 0)

        sbase = pl.multiple_of(ebase + sb * SB, 8)

        cpa = pltpu.async_copy(esrc.at[pl.ds(sbase, SB)], src_v, sem1)
        cpb = pltpu.async_copy(edst.at[pl.ds(sbase, SB)], dst_v, sem2)
        cpa.wait()
        cpb.wait()

        def _cgrp(g, cnt2):
            sv = src_v[pl.ds(g * 16, 16)]
            dv = dst_v[pl.ds(g * 16, 16)]
            slot16 = plsc.load_gather(m_tab, [dv])
            mask = slot16 != dump16
            cs = plsc.cumsum(mask.astype(jnp.int32))
            pos = cnt2 + cs - 1
            plsc.store_scatter(ksrc, [pos], sv, mask=mask)
            plsc.store_scatter(kdst, [pos], dv, mask=mask)
            plsc.store_scatter(kslot, [pos], slot16, mask=mask)
            return cnt2 + jnp.max(cs)
        nk = lax.fori_loop(0, SB // 16, _cgrp, jnp.int32(0))
        nb = (nk + EB - 1) // EB

        def _fire(b, gsrc_p, gdst_p, dslot_p, zsrc_p, zdst_p, sga, sgb,
                  rows_p, ssem_p):
            @pl.when(b >= 2)
            def _():
                pltpu.make_async_copy(hbm_dummy, rows_p, ssem_p).wait()

            k0 = b * EB

            def _comp(g, carry3):
                k16 = k0 + g * 16 + iota16
                sv = plsc.load_gather(ksrc, [k16])
                gsrc_p[pl.ds(g * 16, 16)] = (plsc.load_gather(node_tab, [sv])
                                             + zofs)
                dslot_p[pl.ds(g * 16, 16)] = plsc.load_gather(kslot, [k16])
                return carry3
            lax.fori_loop(0, EB // 16, _comp, 0)
            for g in range(EB // 16):
                sl = pl.ds(g * 16, 16)
                pltpu.async_copy(zall.at[gsrc_p.at[sl]], zsrc_p.at[sl], sga)
                pltpu.async_copy(zt.at[dslot_p.at[sl]], zdst_p.at[sl], sgb)

        def _process(b, gsrc_p, gdst_p, dslot_p, zsrc_p, zdst_p, sga, sgb,
                     rows_p, ssem_p):
            for g in range(EB // 16):
                sl = pl.ds(g * 16, 16)
                pltpu.make_async_copy(zall.at[pl.ds(0, 16)],
                                      zsrc_p.at[sl], sga).wait()
                pltpu.make_async_copy(zall.at[pl.ds(0, 16)],
                                      zdst_p.at[sl], sgb).wait()

            def _edge(r2, carry3):
                for dr in range(1):
                    r = r2 + dr
                    rfull = jnp.full((16,), r, jnp.int32)
                    av = [plsc.load_gather(zsrc_p, [rfull, j * 16 + iota16])
                          for j in range(HID // 16)]
                    bv = [plsc.load_gather(zdst_p, [rfull, j * 16 + iota16])
                          for j in range(HID // 16)]
                    dvec = jnp.zeros((16,), jnp.float32)
                    for k in range(NUM_LATENT):
                        p = (av[2 * k] * bv[2 * k]
                             + av[2 * k + 1] * bv[2 * k + 1])
                        s = jnp.sum(p)
                        e = jnp.maximum(s, s * 0.2)
                        eev = jnp.exp(jnp.full((16,), e, jnp.float32))
                        plsc.store_scatter(rows_p, [rfull, k * DK + iota16],
                                           av[2 * k] * eev)
                        plsc.store_scatter(rows_p,
                                           [rfull, k * DK + 16 + iota16],
                                           av[2 * k + 1] * eev)
                        dvec = dvec + eev * latm[k]
                    plsc.store_scatter(rows_p, [rfull, 128 + iota16], dvec)
                return carry3
            lax.fori_loop(0, EB, _edge, 0)

            pltpu.async_copy(rows_p, acc.at[dslot_p], ssem_p, add=True)

        p0 = (gsrc_v, gdst_v, dslot_v, zsrc, zdst, sem3, sem4, rows, sem7)
        p1 = (gsrc2, gdst2, dslot2, zsrc2, zdst2, sem5, sem6, rows2, sem8)

        @pl.when(nb > 0)
        def _():
            _fire(0, *p0)

        def _pairs(i, carry2):
            b0 = 2 * i
            b1 = b0 + 1

            @pl.when(b1 < nb)
            def _():
                _fire(b1, *p1)

            @pl.when(b0 < nb)
            def _():
                _process(b0, *p0)

            @pl.when(b1 + 1 < nb)
            def _():
                _fire(b1 + 1, *p0)

            @pl.when(b1 < nb)
            def _():
                _process(b1, *p1)
            return carry2
        lax.fori_loop(0, (nb + 1) // 2, _pairs, 0)

        @pl.when(((nb >= 1) & ((nb - 1) % 2 == 0)) | (nb >= 2))
        def _():
            pltpu.make_async_copy(hbm_dummy, rows, sem7).wait()

        @pl.when((nb >= 2) | ((nb >= 1) & ((nb - 1) % 2 == 1)))
        def _():
            pltpu.make_async_copy(hbm_dummy, rows2, sem8).wait()
        return carry
    lax.fori_loop(0, EPT // SB, _super, 0)

    plsc.subcore_barrier()

    for ch in range(TPT // 32):
        def _tslot(g, carry, ch=ch):
            tv = tgt_all[pl.ds(tb0 + ch * 32 + g * 16, 16)]
            tslot_v[pl.ds(g * 16, 16)] = plsc.load_gather(m_tab, [tv])
            return carry
        lax.fori_loop(0, 2, _tslot, 0)

        pltpu.async_copy(acc.at[tslot_v], trow, sem1).wait()

        def _nrm(i, carry):
            ifull = jnp.full((16,), i, jnp.int32)
            for k in range(NUM_LATENT):
                dk = plsc.load_gather(
                    trow, [ifull, jnp.full((16,), 128 + k, jnp.int32)])
                dk = dk + 1e-9
                for j2 in range(2):
                    off = k * DK + j2 * 16
                    v = plsc.load_gather(trow, [ifull, off + iota16]) / dk
                    plsc.store_scatter(mrow, [ifull, off + iota16], v)
            return carry
        lax.fori_loop(0, 32, _nrm, 0)

        pltpu.sync_copy(
            mrow, mout.at[c, pl.ds(pl.multiple_of(tb0 + ch * 32, 8), 32)])


def _sc_aggregate(zall, nidx, esrc, edst, tgt):
    mesh = plsc.VectorSubcoreMesh(core_axis_name="c", subcore_axis_name="s")
    return pl.kernel(
        _sc_body,
        out_type=jax.ShapeDtypeStruct((2, T, HID), jnp.float32),
        mesh=mesh,
        compiler_params=pltpu.CompilerParams(use_tc_tiling_on_sc=False,
                                             needs_layout_passes=False),
        scratch_types=[
            pltpu.VMEM((N_SUB,), jnp.int32),
            pltpu.VMEM((N_SUB,), jnp.int32),
            pltpu.VMEM((T,), jnp.int32),
            pltpu.VMEM((SB,), jnp.int32),
            pltpu.VMEM((SB,), jnp.int32),
            pltpu.VMEM((EB,), jnp.int32),
            pltpu.VMEM((EB,), jnp.int32),
            pltpu.VMEM((EB,), jnp.int32),
            pltpu.VMEM((32,), jnp.int32),
            pltpu.VMEM((EB, HID), jnp.float32),
            pltpu.VMEM((EB, HID), jnp.float32),
            pltpu.VMEM((EB, ACCW), jnp.float32),
            pltpu.VMEM((32, ACCW), jnp.float32),
            pltpu.VMEM((32, HID), jnp.float32),
            pltpu.VMEM((KCAP,), jnp.int32),
            pltpu.VMEM((KCAP,), jnp.int32),
            pltpu.VMEM((KCAP,), jnp.int32),
            pltpu.VMEM((EB,), jnp.int32),
            pltpu.VMEM((EB,), jnp.int32),
            pltpu.VMEM((EB,), jnp.int32),
            pltpu.VMEM((EB, HID), jnp.float32),
            pltpu.VMEM((EB, HID), jnp.float32),
            pltpu.VMEM((EB, ACCW), jnp.float32),
            pltpu.HBM((EB, ACCW), jnp.float32),
            pltpu.VMEM_SHARED((NACC, ACCW), jnp.float32),
            pltpu.VMEM_SHARED((NACC, HID), jnp.float32),
        ] + [pltpu.SemaphoreType.DMA] * 8,
    )(zall, nidx, esrc, edst, tgt)


def _out_body(m_ref, w_ref, b_ref, o_ref):
    o = jnp.dot(m_ref[0], w_ref[0], preferred_element_type=jnp.float32)
    o_ref[0] = o + b_ref[0]


def _project_out(mout, w, b):
    return pl.pallas_call(
        _out_body,
        grid=(2,),
        in_specs=[
            pl.BlockSpec((1, T, HID), lambda j: (j, 0, 0)),
            pl.BlockSpec((1, HID, OUT_DIM), lambda j: (j, 0, 0)),
            pl.BlockSpec((1, 1, OUT_DIM), lambda j: (j, 0, 0)),
        ],
        out_specs=pl.BlockSpec((1, T, OUT_DIM), lambda j: (j, 0, 0)),
        out_shape=jax.ShapeDtypeStruct((2, T, OUT_DIM), jnp.float32),
    )(mout, w, b)


def kernel(feat0, feat1, type_mask, node_idx_gene, node_idx_dis,
           edge_index_gene, edge_index_dis, target_idx_gene, target_idx_dis,
           fc_type_W, fc_type_b, gene_Wf, gene_bf, gene_fc1_W, gene_fc1_b,
           gene_fc2_W, gene_fcout_W, gene_fcout_b, dis_Wf, dis_bf, dis_fc1_W,
           dis_fc1_b, dis_fc2_W, dis_fcout_W, dis_fcout_b):
    feats = jnp.concatenate([feat0, feat1], axis=0)
    wz = jnp.stack([
        jnp.transpose(gene_Wf, (1, 0, 2)).reshape(HID, HID),
        jnp.transpose(dis_Wf, (1, 0, 2)).reshape(HID, HID),
    ])
    bz = jnp.stack([gene_bf.reshape(1, HID), dis_bf.reshape(1, HID)])

    zall = _make_ztables(feats, fc_type_W, fc_type_b.reshape(2, 1, HID), wz, bz)
    zflat = zall.reshape(2 * N_TOTAL, HID)

    nidx = jnp.concatenate([node_idx_gene, node_idx_dis])
    esrc = jnp.concatenate([edge_index_gene[0], edge_index_dis[0]])
    edst = jnp.concatenate([edge_index_gene[1], edge_index_dis[1]])
    tgt = jnp.concatenate([target_idx_gene, target_idx_dis])

    mout = _sc_aggregate(zflat, nidx, esrc, edst, tgt)

    wout = jnp.stack([gene_fcout_W, dis_fcout_W])
    bout = jnp.stack([gene_fcout_b.reshape(1, OUT_DIM),
                      dis_fcout_b.reshape(1, OUT_DIM)])
    logits = _project_out(mout, wout, bout)
    return (logits[0], logits[1])

# --- scband reference (transcript-rebuilt; emitter-appended) ---
"""Pipeline reference for scband-factor-hne-lp-7593502179680 (READ-ONLY COPY).

The authoritative reference and input builder live on the scoring server;
editing this copy changes nothing except your own understanding.
"""

import jax, jax.numpy as jnp
import numpy as np

N_TOTAL = 20000
N_TYPE = 10000
N_SUB = 10000
E = 320000
D_FEAT = 128
HID = 128
NUM_LATENT = 4
DK = HID // NUM_LATENT
OUT_DIM = 64
T = 2048

def setup_inputs(seed: int = 0):
    key = jax.random.key(seed)
    ks = jax.random.split(key, 24)
    def nrm(i, shape, scale):
        return jax.random.normal(ks[i], shape, jnp.float32) * scale
    inp = {}
    inp['feat0'] = nrm(0, (N_TYPE, D_FEAT), 1.0)
    inp['feat1'] = nrm(1, (N_TYPE, D_FEAT), 1.0)
    inp['type_mask'] = jnp.concatenate([jnp.zeros((N_TYPE,), jnp.int32), jnp.ones((N_TYPE,), jnp.int32)])
    inp['node_idx_gene'] = jax.random.randint(ks[2], (N_SUB,), 0, N_TOTAL, jnp.int32)
    inp['node_idx_dis'] = jax.random.randint(ks[3], (N_SUB,), 0, N_TOTAL, jnp.int32)
    inp['edge_index_gene'] = jax.random.randint(ks[4], (2, E), 0, N_SUB, jnp.int32)
    inp['edge_index_dis'] = jax.random.randint(ks[5], (2, E), 0, N_SUB, jnp.int32)
    inp['target_idx_gene'] = jax.random.randint(ks[6], (T,), 0, N_SUB, jnp.int32)
    inp['target_idx_dis'] = jax.random.randint(ks[7], (T,), 0, N_SUB, jnp.int32)
    inp['fc_type_W'] = nrm(8, (2, D_FEAT, HID), 0.1)
    inp['fc_type_b'] = jnp.zeros((2, HID), jnp.float32)
    inp['gene_Wf'] = nrm(9, (NUM_LATENT, HID, DK), 0.12)
    inp['gene_bf'] = jnp.zeros((NUM_LATENT, DK), jnp.float32)
    inp['gene_fc1_W'] = nrm(10, (HID, HID), 0.12)
    inp['gene_fc1_b'] = jnp.zeros((HID,), jnp.float32)
    inp['gene_fc2_W'] = nrm(11, (HID, 1), 0.12)
    inp['gene_fcout_W'] = nrm(12, (HID, OUT_DIM), 0.12)
    inp['gene_fcout_b'] = jnp.zeros((OUT_DIM,), jnp.float32)
    inp['dis_Wf'] = nrm(13, (NUM_LATENT, HID, DK), 0.12)
    inp['dis_bf'] = jnp.zeros((NUM_LATENT, DK), jnp.float32)
    inp['dis_fc1_W'] = nrm(14, (HID, HID), 0.12)
    inp['dis_fc1_b'] = jnp.zeros((HID,), jnp.float32)
    inp['dis_fc2_W'] = nrm(15, (HID, 1), 0.12)
    inp['dis_fcout_W'] = nrm(16, (HID, OUT_DIM), 0.12)
    inp['dis_fcout_b'] = jnp.zeros((OUT_DIM,), jnp.float32)
    return inp

def _factor_gnn(feat, src, dst, Wf, bf):
    # disentangled factor GNN: per-latent projection + edge attention (segment softmax) + scatter-add aggregation
    n = feat.shape[0]
    outs = []
    for k in range(NUM_LATENT):
        z = jnp.tanh(feat @ Wf[k] + bf[k])
        e = jax.nn.leaky_relu(jnp.sum(z[src] * z[dst], axis=-1), 0.2)
        emax = jax.ops.segment_max(e, dst, num_segments=n)
        emax = jnp.where(jnp.isfinite(emax), emax, 0.0)
        ee = jnp.exp(e - emax[dst])
        denom = jax.ops.segment_sum(ee, dst, num_segments=n)
        att = ee / (denom[dst] + 1e-9)
        outs.append(jax.ops.segment_sum(att[:, None] * z[src], dst, num_segments=n))
    return jnp.concatenate(outs, axis=-1)

def _hne_branch(trans, node_idx, edge_index, target_idx, Wf, bf, fc1_W, fc1_b, fc2_W, fcout_W, fcout_b):
    feat = trans[node_idx]
    emb = _factor_gnn(feat, edge_index[0], edge_index[1], Wf, bf)
    mout = emb[target_idx].reshape(-1, HID)
    # semantic attention over metapaths (num_paths=1 here, softmax over a single beta)
    f1 = jnp.tanh(mout @ fc1_W + fc1_b)
    beta = jnp.mean(f1, axis=0) @ fc2_W
    beta = jax.nn.softmax(beta, axis=0)
    h = beta[0] * mout
    return h @ fcout_W + fcout_b

def reference(feat0, feat1, type_mask, node_idx_gene, node_idx_dis, edge_index_gene, edge_index_dis, target_idx_gene, target_idx_dis, fc_type_W, fc_type_b, gene_Wf, gene_bf, gene_fc1_W, gene_fc1_b, gene_fc2_W, gene_fcout_W, gene_fcout_b, dis_Wf, dis_bf, dis_fc1_W, dis_fc1_b, dis_fc2_W, dis_fcout_W, dis_fcout_b):
    trans = jnp.zeros((N_TOTAL, HID), jnp.float32)
    for i, f in enumerate([feat0, feat1]):
        idx = jnp.nonzero(type_mask == i, size=N_TYPE)[0]
        trans = trans.at[idx].set(f @ fc_type_W[i] + fc_type_b[i])
    logits_gene = _hne_branch(trans, node_idx_gene, edge_index_gene, target_idx_gene, gene_Wf, gene_bf, gene_fc1_W, gene_fc1_b, gene_fc2_W, gene_fcout_W, gene_fcout_b)
    logits_dis = _hne_branch(trans, node_idx_dis, edge_index_dis, target_idx_dis, dis_Wf, dis_bf, dis_fc1_W, dis_fc1_b, dis_fc2_W, dis_fcout_W, dis_fcout_b)
    return (logits_gene, logits_dis)

if __name__ == "__main__":
    import jax
    _d = setup_inputs()
    print(jax.jit(kernel)(*tuple(_d.values())))

</pallas_src>

<mosaic_0001>
#map = affine_map<(d0, d1) -> (0, 0)>
#map1 = affine_map<(d0, d1) -> (0)>
#map2 = affine_map<(d0, d1) -> (0, 0, 0)>
module attributes {stable_mosaic.version = 14 : i64} {
  func.func @_sc_body(%arg0: i32, %arg1: i32, %arg2: memref<40000x128xf32, #tpu.memory_space<hbm>>, %arg3: memref<20000xi32, #tpu.memory_space<hbm>>, %arg4: memref<640000xi32, #tpu.memory_space<hbm>>, %arg5: memref<640000xi32, #tpu.memory_space<hbm>>, %arg6: memref<4096xi32, #tpu.memory_space<hbm>>, %arg7: memref<2x2048x128xf32, #tpu.memory_space<hbm>>, %arg8: memref<10000xi32, #tpu.memory_space<vmem>>, %arg9: memref<10000xi32, #tpu.memory_space<vmem>>, %arg10: memref<2048xi32, #tpu.memory_space<vmem>>, %arg11: memref<2000xi32, #tpu.memory_space<vmem>>, %arg12: memref<2000xi32, #tpu.memory_space<vmem>>, %arg13: memref<48xi32, #tpu.memory_space<vmem>>, %arg14: memref<48xi32, #tpu.memory_space<vmem>>, %arg15: memref<48xi32, #tpu.memory_space<vmem>>, %arg16: memref<32xi32, #tpu.memory_space<vmem>>, %arg17: memref<48x128xf32, #tpu.memory_space<vmem>>, %arg18: memref<48x128xf32, #tpu.memory_space<vmem>>, %arg19: memref<48x144xf32, #tpu.memory_space<vmem>>, %arg20: memref<32x144xf32, #tpu.memory_space<vmem>>, %arg21: memref<32x128xf32, #tpu.memory_space<vmem>>, %arg22: memref<2016xi32, #tpu.memory_space<vmem>>, %arg23: memref<2016xi32, #tpu.memory_space<vmem>>, %arg24: memref<2016xi32, #tpu.memory_space<vmem>>, %arg25: memref<48xi32, #tpu.memory_space<vmem>>, %arg26: memref<48xi32, #tpu.memory_space<vmem>>, %arg27: memref<48xi32, #tpu.memory_space<vmem>>, %arg28: memref<48x128xf32, #tpu.memory_space<vmem>>, %arg29: memref<48x128xf32, #tpu.memory_space<vmem>>, %arg30: memref<48x144xf32, #tpu.memory_space<vmem>>, %arg31: memref<48x144xf32, #tpu.memory_space<hbm>>, %arg32: memref<2056x144xf32, #tpu.memory_space<vmem_shared>>, %arg33: memref<2056x128xf32, #tpu.memory_space<vmem_shared>>, %arg34: memref<!tpu.dma_semaphore, #tpu.memory_space<semaphore_mem>>, %arg35: memref<!tpu.dma_semaphore, #tpu.memory_space<semaphore_mem>>, %arg36: memref<!tpu.dma_semaphore, #tpu.memory_space<semaphore_mem>>, %arg37: memref<!tpu.dma_semaphore, #tpu.memory_space<semaphore_mem>>, %arg38: memref<!tpu.dma_semaphore, #tpu.memory_space<semaphore_mem>>, %arg39: memref<!tpu.dma_semaphore, #tpu.memory_space<semaphore_mem>>, %arg40: memref<!tpu.dma_semaphore, #tpu.memory_space<semaphore_mem>>, %arg41: memref<!tpu.dma_semaphore, #tpu.memory_space<semaphore_mem>>) attributes {dimension_semantics = [#tpu.dimension_semantics<core_parallel>, #tpu.dimension_semantics<subcore_parallel>], iteration_bounds = array<i64: 2, 16>, scalar_prefetch = 0 : i64, scratch_operands = 34 : i64, tpu.core_type = #tpu.core_type<sc_vector_subcore>, window_params = [{transform_indices = #map}, {transform_indices = #map1}, {transform_indices = #map1}, {transform_indices = #map1}, {transform_indices = #map1}, {transform_indices = #map2}]} {
    %iota3A = tpu.iota {dimensions = array<i32: 0>} : vector<16xi32>
    %broadcast_in_dim3A = arith.constant 0.000000e+00 : f32
    %broadcast_in_dim3A_0 = vector.broadcast %broadcast_in_dim3A : f32 to vector<16xf32>
    %eq3A = arith.constant 0 : i32
    %eq3A_1 = vector.broadcast %eq3A : i32 to vector<16xi32>
    %eq3A_2 = arith.cmpi eq, %iota3A, %eq3A_1 : vector<16xi32>
    %convert_element_type3A = arith.extui %eq3A_2 : vector<16xi1> to vector<16xi32>
    %convert_element_type3A_3 = arith.sitofp %convert_element_type3A : vector<16xi32> to vector<16xf32>
    %eq3A_4 = arith.constant 1 : i32
    %eq3A_5 = vector.broadcast %eq3A_4 : i32 to vector<16xi32>
    %eq3A_6 = arith.cmpi eq, %iota3A, %eq3A_5 : vector<16xi32>
    %convert_element_type3A_7 = arith.extui %eq3A_6 : vector<16xi1> to vector<16xi32>
    %convert_element_type3A_8 = arith.sitofp %convert_element_type3A_7 : vector<16xi32> to vector<16xf32>
    %eq3A_9 = arith.constant 2 : i32
    %eq3A_10 = vector.broadcast %eq3A_9 : i32 to vector<16xi32>
    %eq3A_11 = arith.cmpi eq, %iota3A, %eq3A_10 : vector<16xi32>
    %convert_element_type3A_12 = arith.extui %eq3A_11 : vector<16xi1> to vector<16xi32>
    %convert_element_type3A_13 = arith.sitofp %convert_element_type3A_12 : vector<16xi32> to vector<16xf32>
    %eq3A_14 = arith.constant 3 : i32
    %eq3A_15 = vector.broadcast %eq3A_14 : i32 to vector<16xi32>
    %eq3A_16 = arith.cmpi eq, %iota3A, %eq3A_15 : vector<16xi32>
    %convert_element_type3A_17 = arith.extui %eq3A_16 : vector<16xi1> to vector<16xi32>
    %convert_element_type3A_18 = arith.sitofp %convert_element_type3A_17 : vector<16xi32> to vector<16xf32>
    %scan3A = arith.constant 0 : i32
    %scan3A_19 = arith.constant 0 : i32
    %scan3A_20 = arith.constant 48 : i32
    %scan3A_21 = arith.addi %scan3A_19, %scan3A_20 : i32
    %scan3A_22 = arith.constant 1 : i32
    scf.for %scan3A_157 = %scan3A_19 to %scan3A_21 step %scan3A_22  : i32 {
      %scan3A_158 = arith.constant 0 : i32
      %scan3A_159 = arith.constant 9 : i32
      %scan3A_160 = arith.addi %scan3A_158, %scan3A_159 : i32
      %scan3A_161 = arith.constant 1 : i32
      scf.for %scan3A_163 = %scan3A_158 to %scan3A_160 step %scan3A_161  : i32 {
        %broadcast_in_dim3A_164 = vector.broadcast %scan3A_157 : i32 to vector<16xi32>
        %mul3A_165 = arith.constant 16 : i32
        %mul3A_166 = arith.muli %scan3A_163, %mul3A_165 : i32
        %add3A_167 = vector.broadcast %mul3A_166 : i32 to vector<16xi32>
        %add3A_168 = arith.addi %add3A_167, %iota3A : vector<16xi32>
        tpu.vector_store_idx %arg19[%broadcast_in_dim3A_164, %add3A_168], %broadcast_in_dim3A_0 : memref<48x144xf32, #tpu.memory_space<vmem>>[vector<16xi32>, vector<16xi32>], vector<16xf32>,
      }
      %scan3A_162 = arith.constant 9 : i32
    }
    %scan3A_23 = arith.constant 48 : i32
    %scan3A_24 = arith.constant 0 : i32
    %scan3A_25 = arith.constant 0 : i32
    %scan3A_26 = arith.constant 3 : i32
    %scan3A_27 = arith.addi %scan3A_25, %scan3A_26 : i32
    %scan3A_28 = arith.constant 1 : i32
    scf.for %scan3A_157 = %scan3A_25 to %scan3A_27 step %scan3A_28  : i32 {
      %mul3A_158 = arith.constant 16 : i32
      %mul3A_159 = arith.muli %mul3A_158, %scan3A_157 : i32
      %add3A_160 = arith.addi %arg1, %mul3A_159 : i32
      %lt3A = arith.constant 42 : i32
      %lt3A_161 = arith.cmpi slt, %add3A_160, %lt3A : i32
      %convert_element_type3A_162 = arith.extui %lt3A_161 : i1 to i32
      %cond3A = arith.constant 0 : i32
      %cond3A_163 = arith.cmpi ne, %convert_element_type3A_162, %cond3A : i32
      scf.if %cond3A_163 {
        %mul3A_169 = arith.constant 48 : i32
        %mul3A_170 = arith.muli %add3A_160, %mul3A_169 : i32
        %multiple_of3A_171 = tpu.assume_multiple %mul3A_170, 8 : i32
        "tpu.region"() ({
          %run_scoped3A = tpu.sem_alloc : memref<!tpu.dma_semaphore, #tpu.memory_space<semaphore_mem>>
          %dma_start3A_172 = arith.constant 0 : i32
          %dma_start3A_173 = tpu.memref_slice %arg32[%multiple_of3A_171, %dma_start3A_172] : memref<2056x144xf32, #tpu.memory_space<vmem_shared>> -> memref<48x144xf32, #tpu.memory_space<vmem_shared>>
          %dma_start3A_174 = arith.constant 0 : i32
          %dma_start3A_175 = tpu.memref_slice %arg32[%multiple_of3A_171, %dma_start3A_174] : memref<2056x144xf32, #tpu.memory_space<vmem_shared>> -> memref<48x144xf32, #tpu.memory_space<vmem_shared>>
          tpu.enqueue_dma source(%arg19 : memref<48x144xf32, #tpu.memory_space<vmem>>) target(%dma_start3A_175 : memref<48x144xf32, #tpu.memory_space<vmem_shared>>) target_semaphore(%run_scoped3A : memref<!tpu.dma_semaphore, #tpu.memory_space<semaphore_mem>>)
          %dma_wait3A_176 = arith.constant 0 : i32
          %dma_wait3A_177 = tpu.memref_slice %arg32[%multiple_of3A_171, %dma_wait3A_176] : memref<2056x144xf32, #tpu.memory_space<vmem_shared>> -> memref<48x144xf32, #tpu.memory_space<vmem_shared>>
          %dma_wait3A_178 = arith.constant 0 : i32
          %dma_wait3A_179 = tpu.memref_slice %arg32[%multiple_of3A_171, %dma_wait3A_178] : memref<2056x144xf32, #tpu.memory_space<vmem_shared>> -> memref<48x144xf32, #tpu.memory_space<vmem_shared>>
          tpu.wait_dma2 semaphore(%run_scoped3A : memref<!tpu.dma_semaphore, #tpu.memory_space<semaphore_mem>>) src(%arg19 : memref<48x144xf32, #tpu.memory_space<vmem>>) dst(%dma_wait3A_179 : memref<48x144xf32, #tpu.memory_space<vmem_shared>>)
          tpu.yield
        }) : () -> ()
      } else {
      }
      %eq3A_164 = arith.constant 42 : i32
      %eq3A_165 = arith.cmpi eq, %add3A_160, %eq3A_164 : i32
      %convert_element_type3A_166 = arith.extui %eq3A_165 : i1 to i32
      %cond3A_167 = arith.constant 0 : i32
      %cond3A_168 = arith.cmpi ne, %convert_element_type3A_166, %cond3A_167 : i32
      scf.if %cond3A_168 {
        "tpu.region"() ({
          %run_scoped3A = tpu.sem_alloc : memref<!tpu.dma_semaphore, #tpu.memory_space<semaphore_mem>>
          %dma_start3A_169 = arith.constant 0 : i32
          %dma_start3A_170 = arith.constant 0 : i32
          %dma_start3A_171 = tpu.memref_slice %arg19[%dma_start3A_169, %dma_start3A_170] : memref<48x144xf32, #tpu.memory_space<vmem>> -> memref<40x144xf32, #tpu.memory_space<vmem>>
          %dma_start3A_172 = arith.constant 2016 : i32
          %dma_start3A_173 = arith.constant 0 : i32
          %dma_start3A_174 = tpu.memref_slice %arg32[%dma_start3A_172, %dma_start3A_173] : memref<2056x144xf32, #tpu.memory_space<vmem_shared>> -> memref<40x144xf32, #tpu.memory_space<vmem_shared>>
          %dma_start3A_175 = arith.constant 2016 : i32
          %dma_start3A_176 = arith.constant 0 : i32
          %dma_start3A_177 = tpu.memref_slice %arg32[%dma_start3A_175, %dma_start3A_176] : memref<2056x144xf32, #tpu.memory_space<vmem_shared>> -> memref<40x144xf32, #tpu.memory_space<vmem_shared>>
          %dma_start3A_178 = arith.constant 0 : i32
          %dma_start3A_179 = arith.constant 0 : i32
          %dma_start3A_180 = tpu.memref_slice %arg19[%dma_start3A_178, %dma_start3A_179] : memref<48x144xf32, #tpu.memory_space<vmem>> -> memref<40x144xf32, #tpu.memory_space<vmem>>
          tpu.enqueue_dma source(%dma_start3A_180 : memref<40x144xf32, #tpu.memory_space<vmem>>) target(%dma_start3A_177 : memref<40x144xf32, #tpu.memory_space<vmem_shared>>) target_semaphore(%run_scoped3A : memref<!tpu.dma_semaphore, #tpu.memory_space<semaphore_mem>>)
          %dma_wait3A_181 = arith.constant 0 : i32
          %dma_wait3A_182 = arith.constant 0 : i32
          %dma_wait3A_183 = tpu.memref_slice %arg19[%dma_wait3A_181, %dma_wait3A_182] : memref<48x144xf32, #tpu.memory_space<vmem>> -> memref<40x144xf32, #tpu.memory_space<vmem>>
          %dma_wait3A_184 = arith.constant 2016 : i32
          %dma_wait3A_185 = arith.constant 0 : i32
          %dma_wait3A_186 = tpu.memref_slice %arg32[%dma_wait3A_184, %dma_wait3A_185] : memref<2056x144xf32, #tpu.memory_space<vmem_shared>> -> memref<40x144xf32, #tpu.memory_space<vmem_shared>>
          %dma_wait3A_187 = arith.constant 2016 : i32
          %dma_wait3A_188 = arith.constant 0 : i32
          %dma_wait3A_189 = tpu.memref_slice %arg32[%dma_wait3A_187, %dma_wait3A_188] : memref<2056x144xf32, #tpu.memory_space<vmem_shared>> -> memref<40x144xf32, #tpu.memory_space<vmem_shared>>
          %dma_wait3A_190 = arith.constant 0 : i32
          %dma_wait3A_191 = arith.constant 0 : i32
          %dma_wait3A_192 = tpu.memref_slice %arg19[%dma_wait3A_190, %dma_wait3A_191] : memref<48x144xf32, #tpu.memory_space<vmem>> -> memref<40x144xf32, #tpu.memory_space<vmem>>
          tpu.wait_dma2 semaphore(%run_scoped3A : memref<!tpu.dma_semaphore, #tpu.memory_space<semaphore_mem>>) src(%dma_wait3A_192 : memref<40x144xf32, #tpu.memory_space<vmem>>) dst(%dma_wait3A_189 : memref<40x144xf32, #tpu.memory_space<vmem_shared>>)
          tpu.yield
        }) : () -> ()
      } else {
      }
    }
    %scan3A_29 = arith.constant 3 : i32
    %mul3A = arith.constant 10000 : i32
    %mul3A_30 = arith.muli %arg0, %mul3A : i32
    %multiple_of3A = tpu.assume_multiple %mul3A_30, 8 : i32
    "tpu.region"() ({
      %run_scoped3A = tpu.sem_alloc : memref<!tpu.dma_semaphore, #tpu.memory_space<semaphore_mem>>
      %dma_start3A_157 = tpu.memref_slice %arg3[%multiple_of3A] : memref<20000xi32, #tpu.memory_space<hbm>> -> memref<10000xi32, #tpu.memory_space<hbm>>
      %dma_start3A_158 = tpu.memref_slice %arg3[%multiple_of3A] : memref<20000xi32, #tpu.memory_space<hbm>> -> memref<10000xi32, #tpu.memory_space<hbm>>
      tpu.enqueue_dma source(%dma_start3A_158 : memref<10000xi32, #tpu.memory_space<hbm>>) target(%arg8 : memref<10000xi32, #tpu.memory_space<vmem>>) target_semaphore(%run_scoped3A : memref<!tpu.dma_semaphore, #tpu.memory_space<semaphore_mem>>)
      %dma_wait3A_159 = tpu.memref_slice %arg3[%multiple_of3A] : memref<20000xi32, #tpu.memory_space<hbm>> -> memref<10000xi32, #tpu.memory_space<hbm>>
      %dma_wait3A_160 = tpu.memref_slice %arg3[%multiple_of3A] : memref<20000xi32, #tpu.memory_space<hbm>> -> memref<10000xi32, #tpu.memory_space<hbm>>
      tpu.wait_dma2 semaphore(%run_scoped3A : memref<!tpu.dma_semaphore, #tpu.memory_space<semaphore_mem>>) src(%dma_wait3A_160 : memref<10000xi32, #tpu.memory_space<hbm>>) dst(%arg8 : memref<10000xi32, #tpu.memory_space<vmem>>)
      tpu.yield
    }) : () -> ()
    %mul3A_31 = arith.constant 2048 : i32
    %mul3A_32 = arith.muli %arg0, %mul3A_31 : i32
    %multiple_of3A_33 = tpu.assume_multiple %mul3A_32, 8 : i32
    "tpu.region"() ({
      %run_scoped3A = tpu.sem_alloc : memref<!tpu.dma_semaphore, #tpu.memory_space<semaphore_mem>>
      %dma_start3A_157 = tpu.memref_slice %arg6[%multiple_of3A_33] : memref<4096xi32, #tpu.memory_space<hbm>> -> memref<2048xi32, #tpu.memory_space<hbm>>
      %dma_start3A_158 = tpu.memref_slice %arg6[%multiple_of3A_33] : memref<4096xi32, #tpu.memory_space<hbm>> -> memref<2048xi32, #tpu.memory_space<hbm>>
      tpu.enqueue_dma source(%dma_start3A_158 : memref<2048xi32, #tpu.memory_space<hbm>>) target(%arg10 : memref<2048xi32, #tpu.memory_space<vmem>>) target_semaphore(%run_scoped3A : memref<!tpu.dma_semaphore, #tpu.memory_space<semaphore_mem>>)
      %dma_wait3A_159 = tpu.memref_slice %arg6[%multiple_of3A_33] : memref<4096xi32, #tpu.memory_space<hbm>> -> memref<2048xi32, #tpu.memory_space<hbm>>
      %dma_wait3A_160 = tpu.memref_slice %arg6[%multiple_of3A_33] : memref<4096xi32, #tpu.memory_space<hbm>> -> memref<2048xi32, #tpu.memory_space<hbm>>
      tpu.wait_dma2 semaphore(%run_scoped3A : memref<!tpu.dma_semaphore, #tpu.memory_space<semaphore_mem>>) src(%dma_wait3A_160 : memref<2048xi32, #tpu.memory_space<hbm>>) dst(%arg10 : memref<2048xi32, #tpu.memory_space<vmem>>)
      tpu.yield
    }) : () -> ()
    %broadcast_in_dim3A_34 = arith.constant 2048 : i32
    %broadcast_in_dim3A_35 = vector.broadcast %broadcast_in_dim3A_34 : i32 to vector<16xi32>
    %scan3A_36 = arith.constant 0 : i32
    %scan3A_37 = arith.constant 0 : i32
    %scan3A_38 = arith.constant 625 : i32
    %scan3A_39 = arith.addi %scan3A_37, %scan3A_38 : i32
    %scan3A_40 = arith.constant 1 : i32
    scf.for %scan3A_157 = %scan3A_37 to %scan3A_39 step %scan3A_40  : i32 {
      %mul3A_158 = arith.constant 16 : i32
      %mul3A_159 = arith.muli %scan3A_157, %mul3A_158 : i32
      %swap3A = arith.index_cast %mul3A_159 : i32 to index
      %swap3A_160 = tpu.vector_load %arg9[%swap3A] {strides = array<i32>} : memref<10000xi32, #tpu.memory_space<vmem>>, vector<16xi32>,
      tpu.vector_store %arg9[%swap3A], %broadcast_in_dim3A_35 {strides = array<i32>} : memref<10000xi32, #tpu.memory_space<vmem>>, vector<16xi32>,
    }
    %scan3A_41 = arith.constant 625 : i32
    %scan3A_42 = arith.constant 0 : i32
    %scan3A_43 = arith.constant 0 : i32
    %scan3A_44 = arith.constant 128 : i32
    %scan3A_45 = arith.addi %scan3A_43, %scan3A_44 : i32
    %scan3A_46 = arith.constant 1 : i32
    scf.for %scan3A_157 = %scan3A_43 to %scan3A_45 step %scan3A_46  : i32 {
      %mul3A_158 = arith.constant 16 : i32
      %mul3A_159 = arith.muli %scan3A_157, %mul3A_158 : i32
      %get3A = arith.index_cast %mul3A_159 : i32 to index
      %get3A_160 = tpu.vector_load %arg10[%get3A] {strides = array<i32>} : memref<2048xi32, #tpu.memory_space<vmem>>, vector<16xi32>,
      %mul3A_161 = arith.constant 16 : i32
      %mul3A_162 = arith.muli %scan3A_157, %mul3A_161 : i32
      %add3A_163 = vector.broadcast %mul3A_162 : i32 to vector<16xi32>
      %add3A_164 = arith.addi %iota3A, %add3A_163 : vector<16xi32>
      tpu.vector_store_idx %arg9[%get3A_160], %add3A_164 : memref<10000xi32, #tpu.memory_space<vmem>>[vector<16xi32>], vector<16xi32>,
    }
    %scan3A_47 = arith.constant 128 : i32
    %mul3A_48 = arith.constant 128 : i32
    %mul3A_49 = arith.muli %arg1, %mul3A_48 : i32
    %scan3A_50 = arith.constant 0 : i32
    %scan3A_51 = arith.constant 0 : i32
    %scan3A_52 = arith.constant 8 : i32
    %scan3A_53 = arith.addi %scan3A_51, %scan3A_52 : i32
    %scan3A_54 = arith.constant 1 : i32
    scf.for %scan3A_157 = %scan3A_51 to %scan3A_53 step %scan3A_54  : i32 {
      %mul3A_158 = arith.constant 16 : i32
      %mul3A_159 = arith.muli %scan3A_157, %mul3A_158 : i32
      %add3A_160 = arith.addi %mul3A_49, %mul3A_159 : i32
      %get3A = arith.index_cast %add3A_160 : i32 to index
      %get3A_161 = tpu.vector_load %arg10[%get3A] {strides = array<i32>} : memref<2048xi32, #tpu.memory_space<vmem>>, vector<16xi32>,
      %gather3A = tpu.vector_load_idx %arg8[%get3A_161] : memref<10000xi32, #tpu.memory_space<vmem>>[vector<16xi32>], vector<16xi32>,
      %mul3A_162 = arith.constant 20000 : i32
      %mul3A_163 = arith.muli %arg0, %mul3A_162 : i32
      %add3A_164 = vector.broadcast %mul3A_163 : i32 to vector<16xi32>
      %add3A_165 = arith.addi %gather3A, %add3A_164 : vector<16xi32>
      %swap3A = arith.constant 0 : index
      %swap3A_166 = tpu.vector_load %arg13[%swap3A] {strides = array<i32>} : memref<48xi32, #tpu.memory_space<vmem>>, vector<16xi32>,
      tpu.vector_store %arg13[%swap3A], %add3A_165 {strides = array<i32>} : memref<48xi32, #tpu.memory_space<vmem>>, vector<16xi32>,
      %dma_start3A_167 = arith.constant 0 : i32
      %dma_start3A_168 = arith.constant 0 : i32
      %dma_start3A_169 = tpu.memref_slice %arg17[%dma_start3A_167, %dma_start3A_168] : memref<48x128xf32, #tpu.memory_space<vmem>> -> memref<16x128xf32, #tpu.memory_space<vmem>>
      %dma_start3A_170 = arith.constant 0 : i32
      %dma_start3A_171 = tpu.memref_slice %arg13[%dma_start3A_170] : memref<48xi32, #tpu.memory_space<vmem>> -> memref<16xi32, #tpu.memory_space<vmem>>
      %dma_start3A_172 = arith.constant 0 : i32
      %dma_start3A_173 = arith.constant 0 : i32
      %dma_start3A_174 = tpu.memref_slice %arg2[%dma_start3A_172, %dma_start3A_173] : memref<40000x128xf32, #tpu.memory_space<hbm>> -> memref<40000x128xf32, #tpu.memory_space<hbm>>
      tpu.enqueue_indirect_dma source(%dma_start3A_174 : memref<40000x128xf32, #tpu.memory_space<hbm>>) target(%dma_start3A_169 : memref<16x128xf32, #tpu.memory_space<vmem>>) offsets(%dma_start3A_171 : memref<16xi32, #tpu.memory_space<vmem>>) semaphore(%arg34 : memref<!tpu.dma_semaphore, #tpu.memory_space<semaphore_mem>>)
      %dma_wait3A_175 = arith.constant 0 : i32
      %dma_wait3A_176 = arith.constant 0 : i32
      %dma_wait3A_177 = tpu.memref_slice %arg17[%dma_wait3A_175, %dma_wait3A_176] : memref<48x128xf32, #tpu.memory_space<vmem>> -> memref<16x128xf32, #tpu.memory_space<vmem>>
      %dma_wait3A_178 = arith.constant 0 : i32
      %dma_wait3A_179 = tpu.memref_slice %arg13[%dma_wait3A_178] : memref<48xi32, #tpu.memory_space<vmem>> -> memref<16xi32, #tpu.memory_space<vmem>>
      %dma_wait3A_180 = arith.constant 0 : i32
      %dma_wait3A_181 = arith.constant 0 : i32
      %dma_wait3A_182 = tpu.memref_slice %arg2[%dma_wait3A_180, %dma_wait3A_181] : memref<40000x128xf32, #tpu.memory_space<hbm>> -> memref<40000x128xf32, #tpu.memory_space<hbm>>
      tpu.wait_indirect_dma semaphore(%arg34 : memref<!tpu.dma_semaphore, #tpu.memory_space<semaphore_mem>>) src(%dma_wait3A_182 : memref<40000x128xf32, #tpu.memory_space<hbm>>) dst(%dma_wait3A_177 : memref<16x128xf32, #tpu.memory_space<vmem>>)
      %mul3A_183 = arith.constant 16 : i32
      %mul3A_184 = arith.muli %scan3A_157, %mul3A_183 : i32
      %add3A_185 = arith.addi %mul3A_49, %mul3A_184 : i32
      %multiple_of3A_186 = tpu.assume_multiple %add3A_185, 8 : i32
      "tpu.region"() ({
        %run_scoped3A = tpu.sem_alloc : memref<!tpu.dma_semaphore, #tpu.memory_space<semaphore_mem>>
        %dma_start3A_187 = arith.constant 0 : i32
        %dma_start3A_188 = arith.constant 0 : i32
        %dma_start3A_189 = tpu.memref_slice %arg17[%dma_start3A_187, %dma_start3A_188] : memref<48x128xf32, #tpu.memory_space<vmem>> -> memref<16x128xf32, #tpu.memory_space<vmem>>
        %dma_start3A_190 = arith.constant 0 : i32
        %dma_start3A_191 = tpu.memref_slice %arg33[%multiple_of3A_186, %dma_start3A_190] : memref<2056x128xf32, #tpu.memory_space<vmem_shared>> -> memref<16x128xf32, #tpu.memory_space<vmem_shared>>
        %dma_start3A_192 = arith.constant 0 : i32
        %dma_start3A_193 = tpu.memref_slice %arg33[%multiple_of3A_186, %dma_start3A_192] : memref<2056x128xf32, #tpu.memory_space<vmem_shared>> -> memref<16x128xf32, #tpu.memory_space<vmem_shared>>
        %dma_start3A_194 = arith.constant 0 : i32
        %dma_start3A_195 = arith.constant 0 : i32
        %dma_start3A_196 = tpu.memref_slice %arg17[%dma_start3A_194, %dma_start3A_195] : memref<48x128xf32, #tpu.memory_space<vmem>> -> memref<16x128xf32, #tpu.memory_space<vmem>>
        tpu.enqueue_dma source(%dma_start3A_196 : memref<16x128xf32, #tpu.memory_space<vmem>>) target(%dma_start3A_193 : memref<16x128xf32, #tpu.memory_space<vmem_shared>>) target_semaphore(%run_scoped3A : memref<!tpu.dma_semaphore, #tpu.memory_space<semaphore_mem>>)
        %dma_wait3A_197 = arith.constant 0 : i32
        %dma_wait3A_198 = arith.constant 0 : i32
        %dma_wait3A_199 = tpu.memref_slice %arg17[%dma_wait3A_197, %dma_wait3A_198] : memref<48x128xf32, #tpu.memory_space<vmem>> -> memref<16x128xf32, #tpu.memory_space<vmem>>
        %dma_wait3A_200 = arith.constant 0 : i32
        %dma_wait3A_201 = tpu.memref_slice %arg33[%multiple_of3A_186, %dma_wait3A_200] : memref<2056x128xf32, #tpu.memory_space<vmem_shared>> -> memref<16x128xf32, #tpu.memory_space<vmem_shared>>
        %dma_wait3A_202 = arith.constant 0 : i32
        %dma_wait3A_203 = tpu.memref_slice %arg33[%multiple_of3A_186, %dma_wait3A_202] : memref<2056x128xf32, #tpu.memory_space<vmem_shared>> -> memref<16x128xf32, #tpu.memory_space<vmem_shared>>
        %dma_wait3A_204 = arith.constant 0 : i32
        %dma_wait3A_205 = arith.constant 0 : i32
        %dma_wait3A_206 = tpu.memref_slice %arg17[%dma_wait3A_204, %dma_wait3A_205] : memref<48x128xf32, #tpu.memory_space<vmem>> -> memref<16x128xf32, #tpu.memory_space<vmem>>
        tpu.wait_dma2 semaphore(%run_scoped3A : memref<!tpu.dma_semaphore, #tpu.memory_space<semaphore_mem>>) src(%dma_wait3A_206 : memref<16x128xf32, #tpu.memory_space<vmem>>) dst(%dma_wait3A_203 : memref<16x128xf32, #tpu.memory_space<vmem_shared>>)
        tpu.yield
      }) : () -> ()
    }
    %scan3A_55 = arith.constant 8 : i32
    %barrier3A = arith.constant 0 : index
    tpu.barrier barrier_id(%barrier3A)
    %mul3A_56 = arith.constant 20000 : i32
    %mul3A_57 = arith.muli %arg0, %mul3A_56 : i32
    %mul3A_58 = arith.constant 320000 : i32
    %mul3A_59 = arith.muli %arg0, %mul3A_58 : i32
    %mul3A_60 = arith.constant 20000 : i32
    %mul3A_61 = arith.muli %arg1, %mul3A_60 : i32
    %add3A = arith.addi %mul3A_59, %mul3A_61 : i32
    %scan3A_62 = arith.constant 0 : i32
    %scan3A_63 = arith.constant 0 : i32
    %scan3A_64 = arith.constant 126 : i32
    %scan3A_65 = arith.addi %scan3A_63, %scan3A_64 : i32
    %scan3A_66 = arith.constant 1 : i32
    scf.for %scan3A_157 = %scan3A_63 to %scan3A_65 step %scan3A_66  : i32 {
      %broadcast_in_dim3A_158 = arith.constant 0 : i32
      %broadcast_in_dim3A_159 = vector.broadcast %broadcast_in_dim3A_158 : i32 to vector<16xi32>
      %mul3A_160 = arith.constant 16 : i32
      %mul3A_161 = arith.muli %scan3A_157, %mul3A_160 : i32
      %swap3A = arith.index_cast %mul3A_161 : i32 to index
      %swap3A_162 = tpu.vector_load %arg22[%swap3A] {strides = array<i32>} : memref<2016xi32, #tpu.memory_space<vmem>>, vector<16xi32>,
      tpu.vector_store %arg22[%swap3A], %broadcast_in_dim3A_159 {strides = array<i32>} : memref<2016xi32, #tpu.memory_space<vmem>>, vector<16xi32>,
      %mul3A_163 = arith.constant 16 : i32
      %mul3A_164 = arith.muli %scan3A_157, %mul3A_163 : i32
      %swap3A_165 = arith.index_cast %mul3A_164 : i32 to index
      %swap3A_166 = tpu.vector_load %arg23[%swap3A_165] {strides = array<i32>} : memref<2016xi32, #tpu.memory_space<vmem>>, vector<16xi32>,
      tpu.vector_store %arg23[%swap3A_165], %broadcast_in_dim3A_159 {strides = array<i32>} : memref<2016xi32, #tpu.memory_space<vmem>>, vector<16xi32>,
    }
    %scan3A_67 = arith.constant 126 : i32
    %scan3A_68 = arith.constant 0 : i32
    %scan3A_69 = arith.constant 0 : i32
    %scan3A_70 = arith.constant 10 : i32
    %scan3A_71 = arith.addi %scan3A_69, %scan3A_70 : i32
    %scan3A_72 = arith.constant 1 : i32
    scf.for %scan3A_157 = %scan3A_69 to %scan3A_71 step %scan3A_72  : i32 {
      %scan3A_158 = arith.constant 0 : i32
      %scan3A_159 = arith.constant 0 : i32
      %scan3A_160 = arith.constant 126 : i32
      %scan3A_161 = arith.addi %scan3A_159, %scan3A_160 : i32
      %scan3A_162 = arith.constant 1 : i32
      scf.for %scan3A_296 = %scan3A_159 to %scan3A_161 step %scan3A_162  : i32 {
        %mul3A_297 = arith.constant 16 : i32
        %mul3A_298 = arith.muli %scan3A_296, %mul3A_297 : i32
        %swap3A = arith.index_cast %mul3A_298 : i32 to index
        %swap3A_299 = tpu.vector_load %arg24[%swap3A] {strides = array<i32>} : memref<2016xi32, #tpu.memory_space<vmem>>, vector<16xi32>,
        tpu.vector_store %arg24[%swap3A], %broadcast_in_dim3A_35 {strides = array<i32>} : memref<2016xi32, #tpu.memory_space<vmem>>, vector<16xi32>,
      }
      %scan3A_163 = arith.constant 126 : i32
      %mul3A_164 = arith.constant 2000 : i32
      %mul3A_165 = arith.muli %scan3A_157, %mul3A_164 : i32
      %add3A_166 = arith.addi %add3A, %mul3A_165 : i32
      %multiple_of3A_167 = tpu.assume_multiple %add3A_166, 8 : i32
      %dma_start3A_168 = tpu.memref_slice %arg4[%multiple_of3A_167] : memref<640000xi32, #tpu.memory_space<hbm>> -> memref<2000xi32, #tpu.memory_space<hbm>>
      %dma_start3A_169 = tpu.memref_slice %arg4[%multiple_of3A_167] : memref<640000xi32, #tpu.memory_space<hbm>> -> memref<2000xi32, #tpu.memory_space<hbm>>
      tpu.enqueue_dma source(%dma_start3A_169 : memref<2000xi32, #tpu.memory_space<hbm>>) target(%arg11 : memref<2000xi32, #tpu.memory_space<vmem>>) target_semaphore(%arg34 : memref<!tpu.dma_semaphore, #tpu.memory_space<semaphore_mem>>)
      %dma_start3A_170 = tpu.memref_slice %arg5[%multiple_of3A_167] : memref<640000xi32, #tpu.memory_space<hbm>> -> memref<2000xi32, #tpu.memory_space<hbm>>
      %dma_start3A_171 = tpu.memref_slice %arg5[%multiple_of3A_167] : memref<640000xi32, #tpu.memory_space<hbm>> -> memref<2000xi32, #tpu.memory_space<hbm>>
      tpu.enqueue_dma source(%dma_start3A_171 : memref<2000xi32, #tpu.memory_space<hbm>>) target(%arg12 : memref<2000xi32, #tpu.memory_space<vmem>>) target_semaphore(%arg35 : memref<!tpu.dma_semaphore, #tpu.memory_space<semaphore_mem>>)
      %dma_wait3A_172 = tpu.memref_slice %arg4[%multiple_of3A_167] : memref<640000xi32, #tpu.memory_space<hbm>> -> memref<2000xi32, #tpu.memory_space<hbm>>
      %dma_wait3A_173 = tpu.memref_slice %arg4[%multiple_of3A_167] : memref<640000xi32, #tpu.memory_space<hbm>> -> memref<2000xi32, #tpu.memory_space<hbm>>
      tpu.wait_dma2 semaphore(%arg34 : memref<!tpu.dma_semaphore, #tpu.memory_space<semaphore_mem>>) src(%dma_wait3A_173 : memref<2000xi32, #tpu.memory_space<hbm>>) dst(%arg11 : memref<2000xi32, #tpu.memory_space<vmem>>)
      %dma_wait3A_174 = tpu.memref_slice %arg5[%multiple_of3A_167] : memref<640000xi32, #tpu.memory_space<hbm>> -> memref<2000xi32, #tpu.memory_space<hbm>>
      %dma_wait3A_175 = tpu.memref_slice %arg5[%multiple_of3A_167] : memref<640000xi32, #tpu.memory_space<hbm>> -> memref<2000xi32, #tpu.memory_space<hbm>>
      tpu.wait_dma2 semaphore(%arg35 : memref<!tpu.dma_semaphore, #tpu.memory_space<semaphore_mem>>) src(%dma_wait3A_175 : memref<2000xi32, #tpu.memory_space<hbm>>) dst(%arg12 : memref<2000xi32, #tpu.memory_space<vmem>>)
      %scan3A_176 = arith.constant 0 : i32
      %scan3A_177 = arith.constant 0 : i32
      %scan3A_178 = arith.constant 125 : i32
      %scan3A_179 = arith.addi %scan3A_177, %scan3A_178 : i32
      %scan3A_180 = arith.constant 1 : i32
      %scan3A_181 = scf.for %scan3A_296 = %scan3A_177 to %scan3A_179 step %scan3A_180 iter_args(%scan3A_297 = %scan3A_176) -> (i32)  : i32 {
        %mul3A_298 = arith.constant 16 : i32
        %mul3A_299 = arith.muli %scan3A_296, %mul3A_298 : i32
        %get3A = arith.index_cast %mul3A_299 : i32 to index
        %get3A_300 = tpu.vector_load %arg11[%get3A] {strides = array<i32>} : memref<2000xi32, #tpu.memory_space<vmem>>, vector<16xi32>,
        %mul3A_301 = arith.constant 16 : i32
        %mul3A_302 = arith.muli %scan3A_296, %mul3A_301 : i32
        %get3A_303 = arith.index_cast %mul3A_302 : i32 to index
        %get3A_304 = tpu.vector_load %arg12[%get3A_303] {strides = array<i32>} : memref<2000xi32, #tpu.memory_space<vmem>>, vector<16xi32>,
        %gather3A = tpu.vector_load_idx %arg9[%get3A_304] : memref<10000xi32, #tpu.memory_space<vmem>>[vector<16xi32>], vector<16xi32>,
        %ne3A_305 = arith.cmpi ne, %gather3A, %broadcast_in_dim3A_35 : vector<16xi32>
        %convert_element_type3A_306 = arith.extui %ne3A_305 : vector<16xi1> to vector<16xi32>
        %broadcast_in_dim3A_307 = arith.constant true
        %broadcast_in_dim3A_308 = vector.broadcast %broadcast_in_dim3A_307 : i1 to vector<16xi1>
        %masked_cumsum3A = tpu.scan <sum>, %convert_element_type3A_306 masked %broadcast_in_dim3A_308 : vector<16xi32>, vector<16xi1> -> vector<16xi32>
        %add3A_309 = vector.broadcast %scan3A_297 : i32 to vector<16xi32>
        %add3A_310 = arith.addi %add3A_309, %masked_cumsum3A : vector<16xi32>
        %sub3A_311 = arith.constant 1 : i32
        %sub3A_312 = vector.broadcast %sub3A_311 : i32 to vector<16xi32>
        %sub3A_313 = arith.subi %add3A_310, %sub3A_312 : vector<16xi32>
        tpu.vector_store_idx %arg22[%sub3A_313], %get3A_300 masked %ne3A_305 : memref<2016xi32, #tpu.memory_space<vmem>>[vector<16xi32>], vector<16xi32>, vector<16xi1>
        tpu.vector_store_idx %arg23[%sub3A_313], %get3A_304 masked %ne3A_305 : memref<2016xi32, #tpu.memory_space<vmem>>[vector<16xi32>], vector<16xi32>, vector<16xi1>
        tpu.vector_store_idx %arg24[%sub3A_313], %gather3A masked %ne3A_305 : memref<2016xi32, #tpu.memory_space<vmem>>[vector<16xi32>], vector<16xi32>, vector<16xi1>
        %reduce_max3A = arith.constant true
        %reduce_max3A_314 = vector.broadcast %reduce_max3A : i1 to vector<16xi1>
        %reduce_max3A_315 = arith.constant -2147483648 : i32
        %reduce_max3A_316 = vector.broadcast %reduce_max3A_315 : i32 to vector<16xi32>
        %reduce_max3A_317 = arith.xori %masked_cumsum3A, %reduce_max3A_316 : vector<16xi32>
        %reduce_max3A_318 = tpu.scan <max>, %reduce_max3A_317 masked %reduce_max3A_314 : vector<16xi32>, vector<16xi1> -> vector<16xi32>
        %reduce_max3A_319 = arith.xori %reduce_max3A_318, %reduce_max3A_316 : vector<16xi32>
        %reduce_max3A_320 = vector.extract %reduce_max3A_319[15] : i32 from vector<16xi32>
        %add3A_321 = arith.addi %scan3A_297, %reduce_max3A_320 : i32
        scf.yield %add3A_321 : i32
      }
      %scan3A_182 = arith.constant 125 : i32
      %add3A_183 = arith.constant 48 : i32
      %add3A_184 = arith.addi %scan3A_181, %add3A_183 : i32
      %sub3A = arith.constant 1 : i32
      %sub3A_185 = arith.subi %add3A_184, %sub3A : i32
      %jit3A = arith.constant 48 : i32
      %div3A = arith.divsi %sub3A_185, %jit3A : i32
      %sign3A = arith.constant 0 : i32
      %sign3A_186 = arith.cmpi sgt, %sub3A_185, %sign3A : i32
      %sign3A_187 = arith.extui %sign3A_186 : i1 to i32
      %sign3A_188 = arith.constant 0 : i32
      %sign3A_189 = arith.cmpi slt, %sub3A_185, %sign3A_188 : i32
      %sign3A_190 = arith.extui %sign3A_189 : i1 to i32
      %sign3A_191 = arith.subi %sign3A_187, %sign3A_190 : i32
      %sign3A_192 = arith.constant 0 : i32
      %sign3A_193 = arith.cmpi sgt, %jit3A, %sign3A_192 : i32
      %sign3A_194 = arith.extui %sign3A_193 : i1 to i32
      %sign3A_195 = arith.constant 0 : i32
      %sign3A_196 = arith.cmpi slt, %jit3A, %sign3A_195 : i32
      %sign3A_197 = arith.extui %sign3A_196 : i1 to i32
      %sign3A_198 = arith.subi %sign3A_194, %sign3A_197 : i32
      %ne3A = arith.cmpi ne, %sign3A_191, %sign3A_198 : i32
      %rem3A = arith.remsi %sub3A_185, %jit3A : i32
      %ne3A_199 = arith.constant 0 : i32
      %ne3A_200 = arith.cmpi ne, %rem3A, %ne3A_199 : i32
      %and3A = arith.andi %ne3A, %ne3A_200 : i1
      %sub3A_201 = arith.constant 1 : i32
      %sub3A_202 = arith.subi %div3A, %sub3A_201 : i32
      %select_n3A = arith.select %and3A, %sub3A_202, %div3A : i32
      %gt3A = arith.constant 0 : i32
      %gt3A_203 = arith.cmpi sgt, %select_n3A, %gt3A : i32
      %convert_element_type3A_204 = arith.extui %gt3A_203 : i1 to i32
      %cond3A = arith.constant 0 : i32
      %cond3A_205 = arith.cmpi ne, %convert_element_type3A_204, %cond3A : i32
      scf.if %cond3A_205 {
        %scan3A_296 = arith.constant 0 : i32
        %scan3A_297 = arith.constant 0 : i32
        %scan3A_298 = arith.constant 3 : i32
        %scan3A_299 = arith.addi %scan3A_297, %scan3A_298 : i32
        %scan3A_300 = arith.constant 1 : i32
        scf.for %scan3A_350 = %scan3A_297 to %scan3A_299 step %scan3A_300  : i32 {
          %mul3A_351 = arith.constant 16 : i32
          %mul3A_352 = arith.muli %scan3A_350, %mul3A_351 : i32
          %add3A_353 = arith.constant 0 : i32
          %add3A_354 = arith.addi %add3A_353, %mul3A_352 : i32
          %add3A_355 = vector.broadcast %add3A_354 : i32 to vector<16xi32>
          %add3A_356 = arith.addi %add3A_355, %iota3A : vector<16xi32>
          %gather3A = tpu.vector_load_idx %arg22[%add3A_356] : memref<2016xi32, #tpu.memory_space<vmem>>[vector<16xi32>], vector<16xi32>,
          %gather3A_357 = tpu.vector_load_idx %arg8[%gather3A] : memref<10000xi32, #tpu.memory_space<vmem>>[vector<16xi32>], vector<16xi32>,
          %add3A_358 = vector.broadcast %mul3A_57 : i32 to vector<16xi32>
          %add3A_359 = arith.addi %gather3A_357, %add3A_358 : vector<16xi32>
          %mul3A_360 = arith.constant 16 : i32
          %mul3A_361 = arith.muli %scan3A_350, %mul3A_360 : i32
          %swap3A = arith.index_cast %mul3A_361 : i32 to index
          %swap3A_362 = tpu.vector_load %arg13[%swap3A] {strides = array<i32>} : memref<48xi32, #tpu.memory_space<vmem>>, vector<16xi32>,
          tpu.vector_store %arg13[%swap3A], %add3A_359 {strides = array<i32>} : memref<48xi32, #tpu.memory_space<vmem>>, vector<16xi32>,
          %gather3A_363 = tpu.vector_load_idx %arg24[%add3A_356] : memref<2016xi32, #tpu.memory_space<vmem>>[vector<16xi32>], vector<16xi32>,
          %mul3A_364 = arith.constant 16 : i32
          %mul3A_365 = arith.muli %scan3A_350, %mul3A_364 : i32
          %swap3A_366 = arith.index_cast %mul3A_365 : i32 to index
          %swap3A_367 = tpu.vector_load %arg15[%swap3A_366] {strides = array<i32>} : memref<48xi32, #tpu.memory_space<vmem>>, vector<16xi32>,
          tpu.vector_store %arg15[%swap3A_366], %gather3A_363 {strides = array<i32>} : memref<48xi32, #tpu.memory_space<vmem>>, vector<16xi32>,
        }
        %scan3A_301 = arith.constant 3 : i32
        %dma_start3A_302 = arith.constant 0 : i32
        %dma_start3A_303 = arith.constant 0 : i32
        %dma_start3A_304 = tpu.memref_slice %arg17[%dma_start3A_302, %dma_start3A_303] : memref<48x128xf32, #tpu.memory_space<vmem>> -> memref<16x128xf32, #tpu.memory_space<vmem>>
        %dma_start3A_305 = arith.constant 0 : i32
        %dma_start3A_306 = tpu.memref_slice %arg13[%dma_start3A_305] : memref<48xi32, #tpu.memory_space<vmem>> -> memref<16xi32, #tpu.memory_space<vmem>>
        %dma_start3A_307 = arith.constant 0 : i32
        %dma_start3A_308 = arith.constant 0 : i32
        %dma_start3A_309 = tpu.memref_slice %arg2[%dma_start3A_307, %dma_start3A_308] : memref<40000x128xf32, #tpu.memory_space<hbm>> -> memref<40000x128xf32, #tpu.memory_space<hbm>>
        tpu.enqueue_indirect_dma source(%dma_start3A_309 : memref<40000x128xf32, #tpu.memory_space<hbm>>) target(%dma_start3A_304 : memref<16x128xf32, #tpu.memory_space<vmem>>) offsets(%dma_start3A_306 : memref<16xi32, #tpu.memory_space<vmem>>) semaphore(%arg36 : memref<!tpu.dma_semaphore, #tpu.memory_space<semaphore_mem>>)
        %dma_start3A_310 = arith.constant 0 : i32
        %dma_start3A_311 = arith.constant 0 : i32
        %dma_start3A_312 = tpu.memref_slice %arg18[%dma_start3A_310, %dma_start3A_311] : memref<48x128xf32, #tpu.memory_space<vmem>> -> memref<16x128xf32, #tpu.memory_space<vmem>>
        %dma_start3A_313 = arith.constant 0 : i32
        %dma_start3A_314 = tpu.memref_slice %arg15[%dma_start3A_313] : memref<48xi32, #tpu.memory_space<vmem>> -> memref<16xi32, #tpu.memory_space<vmem>>
        %dma_start3A_315 = arith.constant 0 : i32
        %dma_start3A_316 = arith.constant 0 : i32
        %dma_start3A_317 = tpu.memref_slice %arg33[%dma_start3A_315, %dma_start3A_316] : memref<2056x128xf32, #tpu.memory_space<vmem_shared>> -> memref<2056x128xf32, #tpu.memory_space<vmem_shared>>
        tpu.enqueue_indirect_dma source(%dma_start3A_317 : memref<2056x128xf32, #tpu.memory_space<vmem_shared>>) target(%dma_start3A_312 : memref<16x128xf32, #tpu.memory_space<vmem>>) offsets(%dma_start3A_314 : memref<16xi32, #tpu.memory_space<vmem>>) semaphore(%arg37 : memref<!tpu.dma_semaphore, #tpu.memory_space<semaphore_mem>>)
        %dma_start3A_318 = arith.constant 16 : i32
        %dma_start3A_319 = arith.constant 0 : i32
        %dma_start3A_320 = tpu.memref_slice %arg17[%dma_start3A_318, %dma_start3A_319] : memref<48x128xf32, #tpu.memory_space<vmem>> -> memref<16x128xf32, #tpu.memory_space<vmem>>
        %dma_start3A_321 = arith.constant 16 : i32
        %dma_start3A_322 = tpu.memref_slice %arg13[%dma_start3A_321] : memref<48xi32, #tpu.memory_space<vmem>> -> memref<16xi32, #tpu.memory_space<vmem>>
        %dma_start3A_323 = arith.constant 0 : i32
        %dma_start3A_324 = arith.constant 0 : i32
        %dma_start3A_325 = tpu.memref_slice %arg2[%dma_start3A_323, %dma_start3A_324] : memref<40000x128xf32, #tpu.memory_space<hbm>> -> memref<40000x128xf32, #tpu.memory_space<hbm>>
        tpu.enqueue_indirect_dma source(%dma_start3A_325 : memref<40000x128xf32, #tpu.memory_space<hbm>>) target(%dma_start3A_320 : memref<16x128xf32, #tpu.memory_space<vmem>>) offsets(%dma_start3A_322 : memref<16xi32, #tpu.memory_space<vmem>>) semaphore(%arg36 : memref<!tpu.dma_semaphore, #tpu.memory_space<semaphore_mem>>)
        %dma_start3A_326 = arith.constant 16 : i32
        %dma_start3A_327 = arith.constant 0 : i32
        %dma_start3A_328 = tpu.memref_slice %arg18[%dma_start3A_326, %dma_start3A_327] : memref<48x128xf32, #tpu.memory_space<vmem>> -> memref<16x128xf32, #tpu.memory_space<vmem>>
        %dma_start3A_329 = arith.constant 16 : i32
        %dma_start3A_330 = tpu.memref_slice %arg15[%dma_start3A_329] : memref<48xi32, #tpu.memory_space<vmem>> -> memref<16xi32, #tpu.memory_space<vmem>>
        %dma_start3A_331 = arith.constant 0 : i32
        %dma_start3A_332 = arith.constant 0 : i32
        %dma_start3A_333 = tpu.memref_slice %arg33[%dma_start3A_331, %dma_start3A_332] : memref<2056x128xf32, #tpu.memory_space<vmem_shared>> -> memref<2056x128xf32, #tpu.memory_space<vmem_shared>>
        tpu.enqueue_indirect_dma source(%dma_start3A_333 : memref<2056x128xf32, #tpu.memory_space<vmem_shared>>) target(%dma_start3A_328 : memref<16x128xf32, #tpu.memory_space<vmem>>) offsets(%dma_start3A_330 : memref<16xi32, #tpu.memory_space<vmem>>) semaphore(%arg37 : memref<!tpu.dma_semaphore, #tpu.memory_space<semaphore_mem>>)
        %dma_start3A_334 = arith.constant 32 : i32
        %dma_start3A_335 = arith.constant 0 : i32
        %dma_start3A_336 = tpu.memref_slice %arg17[%dma_start3A_334, %dma_start3A_335] : memref<48x128xf32, #tpu.memory_space<vmem>> -> memref<16x128xf32, #tpu.memory_space<vmem>>
        %dma_start3A_337 = arith.constant 32 : i32
        %dma_start3A_338 = tpu.memref_slice %arg13[%dma_start3A_337] : memref<48xi32, #tpu.memory_space<vmem>> -> memref<16xi32, #tpu.memory_space<vmem>>
        %dma_start3A_339 = arith.constant 0 : i32
        %dma_start3A_340 = arith.constant 0 : i32
        %dma_start3A_341 = tpu.memref_slice %arg2[%dma_start3A_339, %dma_start3A_340] : memref<40000x128xf32, #tpu.memory_space<hbm>> -> memref<40000x128xf32, #tpu.memory_space<hbm>>
        tpu.enqueue_indirect_dma source(%dma_start3A_341 : memref<40000x128xf32, #tpu.memory_space<hbm>>) target(%dma_start3A_336 : memref<16x128xf32, #tpu.memory_space<vmem>>) offsets(%dma_start3A_338 : memref<16xi32, #tpu.memory_space<vmem>>) semaphore(%arg36 : memref<!tpu.dma_semaphore, #tpu.memory_space<semaphore_mem>>)
        %dma_start3A_342 = arith.constant 32 : i32
        %dma_start3A_343 = arith.constant 0 : i32
        %dma_start3A_344 = tpu.memref_slice %arg18[%dma_start3A_342, %dma_start3A_343] : memref<48x128xf32, #tpu.memory_space<vmem>> -> memref<16x128xf32, #tpu.memory_space<vmem>>
        %dma_start3A_345 = arith.constant 32 : i32
        %dma_start3A_346 = tpu.memref_slice %arg15[%dma_start3A_345] : memref<48xi32, #tpu.memory_space<vmem>> -> memref<16xi32, #tpu.memory_space<vmem>>
        %dma_start3A_347 = arith.constant 0 : i32
        %dma_start3A_348 = arith.constant 0 : i32
        %dma_start3A_349 = tpu.memref_slice %arg33[%dma_start3A_347, %dma_start3A_348] : memref<2056x128xf32, #tpu.memory_space<vmem_shared>> -> memref<2056x128xf32, #tpu.memory_space<vmem_shared>>
        tpu.enqueue_indirect_dma source(%dma_start3A_349 : memref<2056x128xf32, #tpu.memory_space<vmem_shared>>) target(%dma_start3A_344 : memref<16x128xf32, #tpu.memory_space<vmem>>) offsets(%dma_start3A_346 : memref<16xi32, #tpu.memory_space<vmem>>) semaphore(%arg37 : memref<!tpu.dma_semaphore, #tpu.memory_space<semaphore_mem>>)
      } else {
      }
      %add3A_206 = arith.constant 1 : i32
      %add3A_207 = arith.addi %select_n3A, %add3A_206 : i32
      %jit3A_208 = arith.constant 2 : i32
      %div3A_209 = arith.divsi %add3A_207, %jit3A_208 : i32
      %sign3A_210 = arith.constant 0 : i32
      %sign3A_211 = arith.cmpi sgt, %add3A_207, %sign3A_210 : i32
      %sign3A_212 = arith.extui %sign3A_211 : i1 to i32
      %sign3A_213 = arith.constant 0 : i32
      %sign3A_214 = arith.cmpi slt, %add3A_207, %sign3A_213 : i32
      %sign3A_215 = arith.extui %sign3A_214 : i1 to i32
      %sign3A_216 = arith.subi %sign3A_212, %sign3A_215 : i32
      %sign3A_217 = arith.constant 0 : i32
      %sign3A_218 = arith.cmpi sgt, %jit3A_208, %sign3A_217 : i32
      %sign3A_219 = arith.extui %sign3A_218 : i1 to i32
      %sign3A_220 = arith.constant 0 : i32
      %sign3A_221 = arith.cmpi slt, %jit3A_208, %sign3A_220 : i32
      %sign3A_222 = arith.extui %sign3A_221 : i1 to i32
      %sign3A_223 = arith.subi %sign3A_219, %sign3A_222 : i32
      %ne3A_224 = arith.cmpi ne, %sign3A_216, %sign3A_223 : i32
      %rem3A_225 = arith.remsi %add3A_207, %jit3A_208 : i32
      %ne3A_226 = arith.constant 0 : i32
      %ne3A_227 = arith.cmpi ne, %rem3A_225, %ne3A_226 : i32
      %and3A_228 = arith.andi %ne3A_224, %ne3A_227 : i1
      %sub3A_229 = arith.constant 1 : i32
      %sub3A_230 = arith.subi %div3A_209, %sub3A_229 : i32
      %select_n3A_231 = arith.select %and3A_228, %sub3A_230, %div3A_209 : i32
      %while3A = arith.constant 0 : i32
      %while3A_232 = arith.constant 0 : i32
      %while3A_233 = arith.subi %select_n3A_231, %while3A_232 : i32
      %while3A_234 = arith.addi %while3A_232, %while3A_233 : i32
      %while3A_235 = arith.constant 1 : i32
      %while3A_236 = arith.divsi %while3A_233, %while3A_235 : i32
      %while3A_237 = arith.muli %while3A_236, %while3A_235 : i32
      %while3A_238 = arith.addi %while3A_232, %while3A_237 : i32
      %while3A_239 = arith.constant 1 : i32
      scf.for %while3A_296 = %while3A_232 to %while3A_238 step %while3A_239  : i32 {
        %mul3A_297 = arith.constant 2 : i32
        %mul3A_298 = arith.muli %mul3A_297, %while3A_296 : i32
        %add3A_299 = arith.constant 1 : i32
        %add3A_300 = arith.addi %mul3A_298, %add3A_299 : i32
        %lt3A_301 = arith.cmpi slt, %add3A_300, %select_n3A : i32
        %convert_element_type3A_302 = arith.extui %lt3A_301 : i1 to i32
        %cond3A_303 = arith.constant 0 : i32
        %cond3A_304 = arith.cmpi ne, %convert_element_type3A_302, %cond3A_303 : i32
        scf.if %cond3A_304 {
          %ge3A_319 = arith.constant 2 : i32
          %ge3A_320 = arith.cmpi sge, %add3A_300, %ge3A_319 : i32
          %convert_element_type3A_321 = arith.extui %ge3A_320 : i1 to i32
          %cond3A_322 = arith.constant 0 : i32
          %cond3A_323 = arith.cmpi ne, %convert_element_type3A_321, %cond3A_322 : i32
          scf.if %cond3A_323 {
            tpu.wait_dma2 semaphore(%arg41 : memref<!tpu.dma_semaphore, #tpu.memory_space<semaphore_mem>>) src(%arg31 : memref<48x144xf32, #tpu.memory_space<hbm>>) dst(%arg30 : memref<48x144xf32, #tpu.memory_space<vmem>>)
          } else {
          }
          %mul3A_324 = arith.constant 48 : i32
          %mul3A_325 = arith.muli %add3A_300, %mul3A_324 : i32
          %scan3A_326 = arith.constant 0 : i32
          %scan3A_327 = arith.constant 0 : i32
          %scan3A_328 = arith.constant 3 : i32
          %scan3A_329 = arith.addi %scan3A_327, %scan3A_328 : i32
          %scan3A_330 = arith.constant 1 : i32
          scf.for %scan3A_380 = %scan3A_327 to %scan3A_329 step %scan3A_330  : i32 {
            %mul3A_381 = arith.constant 16 : i32
            %mul3A_382 = arith.muli %scan3A_380, %mul3A_381 : i32
            %add3A_383 = arith.addi %mul3A_325, %mul3A_382 : i32
            %add3A_384 = vector.broadcast %add3A_383 : i32 to vector<16xi32>
            %add3A_385 = arith.addi %add3A_384, %iota3A : vector<16xi32>
            %gather3A = tpu.vector_load_idx %arg22[%add3A_385] : memref<2016xi32, #tpu.memory_space<vmem>>[vector<16xi32>], vector<16xi32>,
            %gather3A_386 = tpu.vector_load_idx %arg8[%gather3A] : memref<10000xi32, #tpu.memory_space<vmem>>[vector<16xi32>], vector<16xi32>,
            %add3A_387 = vector.broadcast %mul3A_57 : i32 to vector<16xi32>
            %add3A_388 = arith.addi %gather3A_386, %add3A_387 : vector<16xi32>
            %mul3A_389 = arith.constant 16 : i32
            %mul3A_390 = arith.muli %scan3A_380, %mul3A_389 : i32
            %swap3A = arith.index_cast %mul3A_390 : i32 to index
            %swap3A_391 = tpu.vector_load %arg25[%swap3A] {strides = array<i32>} : memref<48xi32, #tpu.memory_space<vmem>>, vector<16xi32>,
            tpu.vector_store %arg25[%swap3A], %add3A_388 {strides = array<i32>} : memref<48xi32, #tpu.memory_space<vmem>>, vector<16xi32>,
            %gather3A_392 = tpu.vector_load_idx %arg24[%add3A_385] : memref<2016xi32, #tpu.memory_space<vmem>>[vector<16xi32>], vector<16xi32>,
            %mul3A_393 = arith.constant 16 : i32
            %mul3A_394 = arith.muli %scan3A_380, %mul3A_393 : i32
            %swap3A_395 = arith.index_cast %mul3A_394 : i32 to index
            %swap3A_396 = tpu.vector_load %arg27[%swap3A_395] {strides = array<i32>} : memref<48xi32, #tpu.memory_space<vmem>>, vector<16xi32>,
            tpu.vector_store %arg27[%swap3A_395], %gather3A_392 {strides = array<i32>} : memref<48xi32, #tpu.memory_space<vmem>>, vector<16xi32>,
          }
          %scan3A_331 = arith.constant 3 : i32
          %dma_start3A_332 = arith.constant 0 : i32
          %dma_start3A_333 = arith.constant 0 : i32
          %dma_start3A_334 = tpu.memref_slice %arg28[%dma_start3A_332, %dma_start3A_333] : memref<48x128xf32, #tpu.memory_space<vmem>> -> memref<16x128xf32, #tpu.memory_space<vmem>>
          %dma_start3A_335 = arith.constant 0 : i32
          %dma_start3A_336 = tpu.memref_slice %arg25[%dma_start3A_335] : memref<48xi32, #tpu.memory_space<vmem>> -> memref<16xi32, #tpu.memory_space<vmem>>
          %dma_start3A_337 = arith.constant 0 : i32
          %dma_start3A_338 = arith.constant 0 : i32
          %dma_start3A_339 = tpu.memref_slice %arg2[%dma_start3A_337, %dma_start3A_338] : memref<40000x128xf32, #tpu.memory_space<hbm>> -> memref<40000x128xf32, #tpu.memory_space<hbm>>
          tpu.enqueue_indirect_dma source(%dma_start3A_339 : memref<40000x128xf32, #tpu.memory_space<hbm>>) target(%dma_start3A_334 : memref<16x128xf32, #tpu.memory_space<vmem>>) offsets(%dma_start3A_336 : memref<16xi32, #tpu.memory_space<vmem>>) semaphore(%arg38 : memref<!tpu.dma_semaphore, #tpu.memory_space<semaphore_mem>>)
          %dma_start3A_340 = arith.constant 0 : i32
          %dma_start3A_341 = arith.constant 0 : i32
          %dma_start3A_342 = tpu.memref_slice %arg29[%dma_start3A_340, %dma_start3A_341] : memref<48x128xf32, #tpu.memory_space<vmem>> -> memref<16x128xf32, #tpu.memory_space<vmem>>
          %dma_start3A_343 = arith.constant 0 : i32
          %dma_start3A_344 = tpu.memref_slice %arg27[%dma_start3A_343] : memref<48xi32, #tpu.memory_space<vmem>> -> memref<16xi32, #tpu.memory_space<vmem>>
          %dma_start3A_345 = arith.constant 0 : i32
          %dma_start3A_346 = arith.constant 0 : i32
          %dma_start3A_347 = tpu.memref_slice %arg33[%dma_start3A_345, %dma_start3A_346] : memref<2056x128xf32, #tpu.memory_space<vmem_shared>> -> memref<2056x128xf32, #tpu.memory_space<vmem_shared>>
          tpu.enqueue_indirect_dma source(%dma_start3A_347 : memref<2056x128xf32, #tpu.memory_space<vmem_shared>>) target(%dma_start3A_342 : memref<16x128xf32, #tpu.memory_space<vmem>>) offsets(%dma_start3A_344 : memref<16xi32, #tpu.memory_space<vmem>>) semaphore(%arg39 : memref<!tpu.dma_semaphore, #tpu.memory_space<semaphore_mem>>)
          %dma_start3A_348 = arith.constant 16 : i32
          %dma_start3A_349 = arith.constant 0 : i32
          %dma_start3A_350 = tpu.memref_slice %arg28[%dma_start3A_348, %dma_start3A_349] : memref<48x128xf32, #tpu.memory_space<vmem>> -> memref<16x128xf32, #tpu.memory_space<vmem>>
          %dma_start3A_351 = arith.constant 16 : i32
          %dma_start3A_352 = tpu.memref_slice %arg25[%dma_start3A_351] : memref<48xi32, #tpu.memory_space<vmem>> -> memref<16xi32, #tpu.memory_space<vmem>>
          %dma_start3A_353 = arith.constant 0 : i32
          %dma_start3A_354 = arith.constant 0 : i32
          %dma_start3A_355 = tpu.memref_slice %arg2[%dma_start3A_353, %dma_start3A_354] : memref<40000x128xf32, #tpu.memory_space<hbm>> -> memref<40000x128xf32, #tpu.memory_space<hbm>>
          tpu.enqueue_indirect_dma source(%dma_start3A_355 : memref<40000x128xf32, #tpu.memory_space<hbm>>) target(%dma_start3A_350 : memref<16x128xf32, #tpu.memory_space<vmem>>) offsets(%dma_start3A_352 : memref<16xi32, #tpu.memory_space<vmem>>) semaphore(%arg38 : memref<!tpu.dma_semaphore, #tpu.memory_space<semaphore_mem>>)
          %dma_start3A_356 = arith.constant 16 : i32
          %dma_start3A_357 = arith.constant 0 : i32
          %dma_start3A_358 = tpu.memref_slice %arg29[%dma_start3A_356, %dma_start3A_357] : memref<48x128xf32, #tpu.memory_space<vmem>> -> memref<16x128xf32, #tpu.memory_space<vmem>>
          %dma_start3A_359 = arith.constant 16 : i32
          %dma_start3A_360 = tpu.memref_slice %arg27[%dma_start3A_359] : memref<48xi32, #tpu.memory_space<vmem>> -> memref<16xi32, #tpu.memory_space<vmem>>
          %dma_start3A_361 = arith.constant 0 : i32
          %dma_start3A_362 = arith.constant 0 : i32
          %dma_start3A_363 = tpu.memref_slice %arg33[%dma_start3A_361, %dma_start3A_362] : memref<2056x128xf32, #tpu.memory_space<vmem_shared>> -> memref<2056x128xf32, #tpu.memory_space<vmem_shared>>
          tpu.enqueue_indirect_dma source(%dma_start3A_363 : memref<2056x128xf32, #tpu.memory_space<vmem_shared>>) target(%dma_start3A_358 : memref<16x128xf32, #tpu.memory_space<vmem>>) offsets(%dma_start3A_360 : memref<16xi32, #tpu.memory_space<vmem>>) semaphore(%arg39 : memref<!tpu.dma_semaphore, #tpu.memory_space<semaphore_mem>>)
          %dma_start3A_364 = arith.constant 32 : i32
          %dma_start3A_365 = arith.constant 0 : i32
          %dma_start3A_366 = tpu.memref_slice %arg28[%dma_start3A_364, %dma_start3A_365] : memref<48x128xf32, #tpu.memory_space<vmem>> -> memref<16x128xf32, #tpu.memory_space<vmem>>
          %dma_start3A_367 = arith.constant 32 : i32
          %dma_start3A_368 = tpu.memref_slice %arg25[%dma_start3A_367] : memref<48xi32, #tpu.memory_space<vmem>> -> memref<16xi32, #tpu.memory_space<vmem>>
          %dma_start3A_369 = arith.constant 0 : i32
          %dma_start3A_370 = arith.constant 0 : i32
          %dma_start3A_371 = tpu.memref_slice %arg2[%dma_start3A_369, %dma_start3A_370] : memref<40000x128xf32, #tpu.memory_space<hbm>> -> memref<40000x128xf32, #tpu.memory_space<hbm>>
          tpu.enqueue_indirect_dma source(%dma_start3A_371 : memref<40000x128xf32, #tpu.memory_space<hbm>>) target(%dma_start3A_366 : memref<16x128xf32, #tpu.memory_space<vmem>>) offsets(%dma_start3A_368 : memref<16xi32, #tpu.memory_space<vmem>>) semaphore(%arg38 : memref<!tpu.dma_semaphore, #tpu.memory_space<semaphore_mem>>)
          %dma_start3A_372 = arith.constant 32 : i32
          %dma_start3A_373 = arith.constant 0 : i32
          %dma_start3A_374 = tpu.memref_slice %arg29[%dma_start3A_372, %dma_start3A_373] : memref<48x128xf32, #tpu.memory_space<vmem>> -> memref<16x128xf32, #tpu.memory_space<vmem>>
          %dma_start3A_375 = arith.constant 32 : i32
          %dma_start3A_376 = tpu.memref_slice %arg27[%dma_start3A_375] : memref<48xi32, #tpu.memory_space<vmem>> -> memref<16xi32, #tpu.memory_space<vmem>>
          %dma_start3A_377 = arith.constant 0 : i32
          %dma_start3A_378 = arith.constant 0 : i32
          %dma_start3A_379 = tpu.memref_slice %arg33[%dma_start3A_377, %dma_start3A_378] : memref<2056x128xf32, #tpu.memory_space<vmem_shared>> -> memref<2056x128xf32, #tpu.memory_space<vmem_shared>>
          tpu.enqueue_indirect_dma source(%dma_start3A_379 : memref<2056x128xf32, #tpu.memory_space<vmem_shared>>) target(%dma_start3A_374 : memref<16x128xf32, #tpu.memory_space<vmem>>) offsets(%dma_start3A_376 : memref<16xi32, #tpu.memory_space<vmem>>) semaphore(%arg39 : memref<!tpu.dma_semaphore, #tpu.memory_space<semaphore_mem>>)
        } else {
        }
        %lt3A_305 = arith.cmpi slt, %mul3A_298, %select_n3A : i32
        %convert_element_type3A_306 = arith.extui %lt3A_305 : i1 to i32
        %cond3A_307 = arith.constant 0 : i32
        %cond3A_308 = arith.cmpi ne, %convert_element_type3A_306, %cond3A_307 : i32
        scf.if %cond3A_308 {
          %dma_wait3A_319 = arith.constant 0 : i32
          %dma_wait3A_320 = arith.constant 0 : i32
          %dma_wait3A_321 = tpu.memref_slice %arg17[%dma_wait3A_319, %dma_wait3A_320] : memref<48x128xf32, #tpu.memory_space<vmem>> -> memref<16x128xf32, #tpu.memory_space<vmem>>
          %dma_wait3A_322 = arith.constant 0 : i32
          %dma_wait3A_323 = arith.constant 0 : i32
          %dma_wait3A_324 = tpu.memref_slice %arg2[%dma_wait3A_322, %dma_wait3A_323] : memref<40000x128xf32, #tpu.memory_space<hbm>> -> memref<16x128xf32, #tpu.memory_space<hbm>>
          %dma_wait3A_325 = arith.constant 0 : i32
          %dma_wait3A_326 = arith.constant 0 : i32
          %dma_wait3A_327 = tpu.memref_slice %arg17[%dma_wait3A_325, %dma_wait3A_326] : memref<48x128xf32, #tpu.memory_space<vmem>> -> memref<16x128xf32, #tpu.memory_space<vmem>>
          %dma_wait3A_328 = arith.constant 0 : i32
          %dma_wait3A_329 = arith.constant 0 : i32
          %dma_wait3A_330 = tpu.memref_slice %arg2[%dma_wait3A_328, %dma_wait3A_329] : memref<40000x128xf32, #tpu.memory_space<hbm>> -> memref<16x128xf32, #tpu.memory_space<hbm>>
          tpu.wait_dma2 semaphore(%arg36 : memref<!tpu.dma_semaphore, #tpu.memory_space<semaphore_mem>>) src(%dma_wait3A_330 : memref<16x128xf32, #tpu.memory_space<hbm>>) dst(%dma_wait3A_327 : memref<16x128xf32, #tpu.memory_space<vmem>>)
          %dma_wait3A_331 = arith.constant 0 : i32
          %dma_wait3A_332 = arith.constant 0 : i32
          %dma_wait3A_333 = tpu.memref_slice %arg18[%dma_wait3A_331, %dma_wait3A_332] : memref<48x128xf32, #tpu.memory_space<vmem>> -> memref<16x128xf32, #tpu.memory_space<vmem>>
          %dma_wait3A_334 = arith.constant 0 : i32
          %dma_wait3A_335 = arith.constant 0 : i32
          %dma_wait3A_336 = tpu.memref_slice %arg2[%dma_wait3A_334, %dma_wait3A_335] : memref<40000x128xf32, #tpu.memory_space<hbm>> -> memref<16x128xf32, #tpu.memory_space<hbm>>
          %dma_wait3A_337 = arith.constant 0 : i32
          %dma_wait3A_338 = arith.constant 0 : i32
          %dma_wait3A_339 = tpu.memref_slice %arg18[%dma_wait3A_337, %dma_wait3A_338] : memref<48x128xf32, #tpu.memory_space<vmem>> -> memref<16x128xf32, #tpu.memory_space<vmem>>
          %dma_wait3A_340 = arith.constant 0 : i32
          %dma_wait3A_341 = arith.constant 0 : i32
          %dma_wait3A_342 = tpu.memref_slice %arg2[%dma_wait3A_340, %dma_wait3A_341] : memref<40000x128xf32, #tpu.memory_space<hbm>> -> memref<16x128xf32, #tpu.memory_space<hbm>>
          tpu.wait_dma2 semaphore(%arg37 : memref<!tpu.dma_semaphore, #tpu.memory_space<semaphore_mem>>) src(%dma_wait3A_342 : memref<16x128xf32, #tpu.memory_space<hbm>>) dst(%dma_wait3A_339 : memref<16x128xf32, #tpu.memory_space<vmem>>)
          %dma_wait3A_343 = arith.constant 16 : i32
          %dma_wait3A_344 = arith.constant 0 : i32
          %dma_wait3A_345 = tpu.memref_slice %arg17[%dma_wait3A_343, %dma_wait3A_344] : memref<48x128xf32, #tpu.memory_space<vmem>> -> memref<16x128xf32, #tpu.memory_space<vmem>>
          %dma_wait3A_346 = arith.constant 0 : i32
          %dma_wait3A_347 = arith.constant 0 : i32
          %dma_wait3A_348 = tpu.memref_slice %arg2[%dma_wait3A_346, %dma_wait3A_347] : memref<40000x128xf32, #tpu.memory_space<hbm>> -> memref<16x128xf32, #tpu.memory_space<hbm>>
          %dma_wait3A_349 = arith.constant 16 : i32
          %dma_wait3A_350 = arith.constant 0 : i32
          %dma_wait3A_351 = tpu.memref_slice %arg17[%dma_wait3A_349, %dma_wait3A_350] : memref<48x128xf32, #tpu.memory_space<vmem>> -> memref<16x128xf32, #tpu.memory_space<vmem>>
          %dma_wait3A_352 = arith.constant 0 : i32
          %dma_wait3A_353 = arith.constant 0 : i32
          %dma_wait3A_354 = tpu.memref_slice %arg2[%dma_wait3A_352, %dma_wait3A_353] : memref<40000x128xf32, #tpu.memory_space<hbm>> -> memref<16x128xf32, #tpu.memory_space<hbm>>
          tpu.wait_dma2 semaphore(%arg36 : memref<!tpu.dma_semaphore, #tpu.memory_space<semaphore_mem>>) src(%dma_wait3A_354 : memref<16x128xf32, #tpu.memory_space<hbm>>) dst(%dma_wait3A_351 : memref<16x128xf32, #tpu.memory_space<vmem>>)
          %dma_wait3A_355 = arith.constant 16 : i32
          %dma_wait3A_356 = arith.constant 0 : i32
          %dma_wait3A_357 = tpu.memref_slice %arg18[%dma_wait3A_355, %dma_wait3A_356] : memref<48x128xf32, #tpu.memory_space<vmem>> -> memref<16x128xf32, #tpu.memory_space<vmem>>
          %dma_wait3A_358 = arith.constant 0 : i32
          %dma_wait3A_359 = arith.constant 0 : i32
          %dma_wait3A_360 = tpu.memref_slice %arg2[%dma_wait3A_358, %dma_wait3A_359] : memref<40000x128xf32, #tpu.memory_space<hbm>> -> memref<16x128xf32, #tpu.memory_space<hbm>>
          %dma_wait3A_361 = arith.constant 16 : i32
          %dma_wait3A_362 = arith.constant 0 : i32
          %dma_wait3A_363 = tpu.memref_slice %arg18[%dma_wait3A_361, %dma_wait3A_362] : memref<48x128xf32, #tpu.memory_space<vmem>> -> memref<16x128xf32, #tpu.memory_space<vmem>>
          %dma_wait3A_364 = arith.constant 0 : i32
          %dma_wait3A_365 = arith.constant 0 : i32
          %dma_wait3A_366 = tpu.memref_slice %arg2[%dma_wait3A_364, %dma_wait3A_365] : memref<40000x128xf32, #tpu.memory_space<hbm>> -> memref<16x128xf32, #tpu.memory_space<hbm>>
          tpu.wait_dma2 semaphore(%arg37 : memref<!tpu.dma_semaphore, #tpu.memory_space<semaphore_mem>>) src(%dma_wait3A_366 : memref<16x128xf32, #tpu.memory_space<hbm>>) dst(%dma_wait3A_363 : memref<16x128xf32, #tpu.memory_space<vmem>>)
          %dma_wait3A_367 = arith.constant 32 : i32
          %dma_wait3A_368 = arith.constant 0 : i32
          %dma_wait3A_369 = tpu.memref_slice %arg17[%dma_wait3A_367, %dma_wait3A_368] : memref<48x128xf32, #tpu.memory_space<vmem>> -> memref<16x128xf32, #tpu.memory_space<vmem>>
          %dma_wait3A_370 = arith.constant 0 : i32
          %dma_wait3A_371 = arith.constant 0 : i32
          %dma_wait3A_372 = tpu.memref_slice %arg2[%dma_wait3A_370, %dma_wait3A_371] : memref<40000x128xf32, #tpu.memory_space<hbm>> -> memref<16x128xf32, #tpu.memory_space<hbm>>
          %dma_wait3A_373 = arith.constant 32 : i32
          %dma_wait3A_374 = arith.constant 0 : i32
          %dma_wait3A_375 = tpu.memref_slice %arg17[%dma_wait3A_373, %dma_wait3A_374] : memref<48x128xf32, #tpu.memory_space<vmem>> -> memref<16x128xf32, #tpu.memory_space<vmem>>
          %dma_wait3A_376 = arith.constant 0 : i32
          %dma_wait3A_377 = arith.constant 0 : i32
          %dma_wait3A_378 = tpu.memref_slice %arg2[%dma_wait3A_376, %dma_wait3A_377] : memref<40000x128xf32, #tpu.memory_space<hbm>> -> memref<16x128xf32, #tpu.memory_space<hbm>>
          tpu.wait_dma2 semaphore(%arg36 : memref<!tpu.dma_semaphore, #tpu.memory_space<semaphore_mem>>) src(%dma_wait3A_378 : memref<16x128xf32, #tpu.memory_space<hbm>>) dst(%dma_wait3A_375 : memref<16x128xf32, #tpu.memory_space<vmem>>)
          %dma_wait3A_379 = arith.constant 32 : i32
          %dma_wait3A_380 = arith.constant 0 : i32
          %dma_wait3A_381 = tpu.memref_slice %arg18[%dma_wait3A_379, %dma_wait3A_380] : memref<48x128xf32, #tpu.memory_space<vmem>> -> memref<16x128xf32, #tpu.memory_space<vmem>>
          %dma_wait3A_382 = arith.constant 0 : i32
          %dma_wait3A_383 = arith.constant 0 : i32
          %dma_wait3A_384 = tpu.memref_slice %arg2[%dma_wait3A_382, %dma_wait3A_383] : memref<40000x128xf32, #tpu.memory_space<hbm>> -> memref<16x128xf32, #tpu.memory_space<hbm>>
          %dma_wait3A_385 = arith.constant 32 : i32
          %dma_wait3A_386 = arith.constant 0 : i32
          %dma_wait3A_387 = tpu.memref_slice %arg18[%dma_wait3A_385, %dma_wait3A_386] : memref<48x128xf32, #tpu.memory_space<vmem>> -> memref<16x128xf32, #tpu.memory_space<vmem>>
          %dma_wait3A_388 = arith.constant 0 : i32
          %dma_wait3A_389 = arith.constant 0 : i32
          %dma_wait3A_390 = tpu.memref_slice %arg2[%dma_wait3A_388, %dma_wait3A_389] : memref<40000x128xf32, #tpu.memory_space<hbm>> -> memref<16x128xf32, #tpu.memory_space<hbm>>
          tpu.wait_dma2 semaphore(%arg37 : memref<!tpu.dma_semaphore, #tpu.memory_space<semaphore_mem>>) src(%dma_wait3A_390 : memref<16x128xf32, #tpu.memory_space<hbm>>) dst(%dma_wait3A_387 : memref<16x128xf32, #tpu.memory_space<vmem>>)
          %scan3A_391 = arith.constant 0 : i32
          %scan3A_392 = arith.constant 0 : i32
          %scan3A_393 = arith.constant 48 : i32
          %scan3A_394 = arith.addi %scan3A_392, %scan3A_393 : i32
          %scan3A_395 = arith.constant 1 : i32
          scf.for %scan3A_400 = %scan3A_392 to %scan3A_394 step %scan3A_395  : i32 {
            %add3A_401 = arith.constant 0 : i32
            %add3A_402 = arith.addi %scan3A_400, %add3A_401 : i32
            %broadcast_in_dim3A_403 = vector.broadcast %add3A_402 : i32 to vector<16xi32>
            %add3A_404 = arith.constant 0 : i32
            %add3A_405 = vector.broadcast %add3A_404 : i32 to vector<16xi32>
            %add3A_406 = arith.addi %add3A_405, %iota3A : vector<16xi32>
            %gather3A = tpu.vector_load_idx %arg17[%broadcast_in_dim3A_403, %add3A_406] : memref<48x128xf32, #tpu.memory_space<vmem>>[vector<16xi32>, vector<16xi32>], vector<16xf32>,
            %add3A_407 = arith.constant 16 : i32
            %add3A_408 = vector.broadcast %add3A_407 : i32 to vector<16xi32>
            %add3A_409 = arith.addi %add3A_408, %iota3A : vector<16xi32>
            %gather3A_410 = tpu.vector_load_idx %arg17[%broadcast_in_dim3A_403, %add3A_409] : memref<48x128xf32, #tpu.memory_space<vmem>>[vector<16xi32>, vector<16xi32>], vector<16xf32>,
            %add3A_411 = arith.constant 32 : i32
            %add3A_412 = vector.broadcast %add3A_411 : i32 to vector<16xi32>
            %add3A_413 = arith.addi %add3A_412, %iota3A : vector<16xi32>
            %gather3A_414 = tpu.vector_load_idx %arg17[%broadcast_in_dim3A_403, %add3A_413] : memref<48x128xf32, #tpu.memory_space<vmem>>[vector<16xi32>, vector<16xi32>], vector<16xf32>,
            %add3A_415 = arith.constant 48 : i32
            %add3A_416 = vector.broadcast %add3A_415 : i32 to vector<16xi32>
            %add3A_417 = arith.addi %add3A_416, %iota3A : vector<16xi32>
            %gather3A_418 = tpu.vector_load_idx %arg17[%broadcast_in_dim3A_403, %add3A_417] : memref<48x128xf32, #tpu.memory_space<vmem>>[vector<16xi32>, vector<16xi32>], vector<16xf32>,
            %add3A_419 = arith.constant 64 : i32
            %add3A_420 = vector.broadcast %add3A_419 : i32 to vector<16xi32>
            %add3A_421 = arith.addi %add3A_420, %iota3A : vector<16xi32>
            %gather3A_422 = tpu.vector_load_idx %arg17[%broadcast_in_dim3A_403, %add3A_421] : memref<48x128xf32, #tpu.memory_space<vmem>>[vector<16xi32>, vector<16xi32>], vector<16xf32>,
            %add3A_423 = arith.constant 80 : i32
            %add3A_424 = vector.broadcast %add3A_423 : i32 to vector<16xi32>
            %add3A_425 = arith.addi %add3A_424, %iota3A : vector<16xi32>
            %gather3A_426 = tpu.vector_load_idx %arg17[%broadcast_in_dim3A_403, %add3A_425] : memref<48x128xf32, #tpu.memory_space<vmem>>[vector<16xi32>, vector<16xi32>], vector<16xf32>,
            %add3A_427 = arith.constant 96 : i32
            %add3A_428 = vector.broadcast %add3A_427 : i32 to vector<16xi32>
            %add3A_429 = arith.addi %add3A_428, %iota3A : vector<16xi32>
            %gather3A_430 = tpu.vector_load_idx %arg17[%broadcast_in_dim3A_403, %add3A_429] : memref<48x128xf32, #tpu.memory_space<vmem>>[vector<16xi32>, vector<16xi32>], vector<16xf32>,
            %add3A_431 = arith.constant 112 : i32
            %add3A_432 = vector.broadcast %add3A_431 : i32 to vector<16xi32>
            %add3A_433 = arith.addi %add3A_432, %iota3A : vector<16xi32>
            %gather3A_434 = tpu.vector_load_idx %arg17[%broadcast_in_dim3A_403, %add3A_433] : memref<48x128xf32, #tpu.memory_space<vmem>>[vector<16xi32>, vector<16xi32>], vector<16xf32>,
            %add3A_435 = arith.constant 0 : i32
            %add3A_436 = vector.broadcast %add3A_435 : i32 to vector<16xi32>
            %add3A_437 = arith.addi %add3A_436, %iota3A : vector<16xi32>
            %gather3A_438 = tpu.vector_load_idx %arg18[%broadcast_in_dim3A_403, %add3A_437] : memref<48x128xf32, #tpu.memory_space<vmem>>[vector<16xi32>, vector<16xi32>], vector<16xf32>,
            %add3A_439 = arith.constant 16 : i32
            %add3A_440 = vector.broadcast %add3A_439 : i32 to vector<16xi32>
            %add3A_441 = arith.addi %add3A_440, %iota3A : vector<16xi32>
            %gather3A_442 = tpu.vector_load_idx %arg18[%broadcast_in_dim3A_403, %add3A_441] : memref<48x128xf32, #tpu.memory_space<vmem>>[vector<16xi32>, vector<16xi32>], vector<16xf32>,
            %add3A_443 = arith.constant 32 : i32
            %add3A_444 = vector.broadcast %add3A_443 : i32 to vector<16xi32>
            %add3A_445 = arith.addi %add3A_444, %iota3A : vector<16xi32>
            %gather3A_446 = tpu.vector_load_idx %arg18[%broadcast_in_dim3A_403, %add3A_445] : memref<48x128xf32, #tpu.memory_space<vmem>>[vector<16xi32>, vector<16xi32>], vector<16xf32>,
            %add3A_447 = arith.constant 48 : i32
            %add3A_448 = vector.broadcast %add3A_447 : i32 to vector<16xi32>
            %add3A_449 = arith.addi %add3A_448, %iota3A : vector<16xi32>
            %gather3A_450 = tpu.vector_load_idx %arg18[%broadcast_in_dim3A_403, %add3A_449] : memref<48x128xf32, #tpu.memory_space<vmem>>[vector<16xi32>, vector<16xi32>], vector<16xf32>,
            %add3A_451 = arith.constant 64 : i32
            %add3A_452 = vector.broadcast %add3A_451 : i32 to vector<16xi32>
            %add3A_453 = arith.addi %add3A_452, %iota3A : vector<16xi32>
            %gather3A_454 = tpu.vector_load_idx %arg18[%broadcast_in_dim3A_403, %add3A_453] : memref<48x128xf32, #tpu.memory_space<vmem>>[vector<16xi32>, vector<16xi32>], vector<16xf32>,
            %add3A_455 = arith.constant 80 : i32
            %add3A_456 = vector.broadcast %add3A_455 : i32 to vector<16xi32>
            %add3A_457 = arith.addi %add3A_456, %iota3A : vector<16xi32>
            %gather3A_458 = tpu.vector_load_idx %arg18[%broadcast_in_dim3A_403, %add3A_457] : memref<48x128xf32, #tpu.memory_space<vmem>>[vector<16xi32>, vector<16xi32>], vector<16xf32>,
            %add3A_459 = arith.constant 96 : i32
            %add3A_460 = vector.broadcast %add3A_459 : i32 to vector<16xi32>
            %add3A_461 = arith.addi %add3A_460, %iota3A : vector<16xi32>
            %gather3A_462 = tpu.vector_load_idx %arg18[%broadcast_in_dim3A_403, %add3A_461] : memref<48x128xf32, #tpu.memory_space<vmem>>[vector<16xi32>, vector<16xi32>], vector<16xf32>,
            %add3A_463 = arith.constant 112 : i32
            %add3A_464 = vector.broadcast %add3A_463 : i32 to vector<16xi32>
            %add3A_465 = arith.addi %add3A_464, %iota3A : vector<16xi32>
            %gather3A_466 = tpu.vector_load_idx %arg18[%broadcast_in_dim3A_403, %add3A_465] : memref<48x128xf32, #tpu.memory_space<vmem>>[vector<16xi32>, vector<16xi32>], vector<16xf32>,
            %broadcast_in_dim3A_467 = arith.constant 0.000000e+00 : f32
            %broadcast_in_dim3A_468 = vector.broadcast %broadcast_in_dim3A_467 : f32 to vector<16xf32>
            %mul3A_469 = arith.mulf %gather3A, %gather3A_438 : vector<16xf32>
            %mul3A_470 = arith.mulf %gather3A_410, %gather3A_442 : vector<16xf32>
            %add3A_471 = arith.addf %mul3A_469, %mul3A_470 : vector<16xf32>
            %reduce_sum3A = arith.constant true
            %reduce_sum3A_472 = vector.broadcast %reduce_sum3A : i1 to vector<16xi1>
            %reduce_sum3A_473 = tpu.scan <sum>, %add3A_471 masked %reduce_sum3A_472 : vector<16xf32>, vector<16xi1> -> vector<16xf32>
            %reduce_sum3A_474 = vector.extract %reduce_sum3A_473[15] : f32 from vector<16xf32>
            %mul3A_475 = arith.constant 2.000000e-01 : f32
            %mul3A_476 = arith.mulf %reduce_sum3A_474, %mul3A_475 : f32
            %max3A = arith.maximumf %reduce_sum3A_474, %mul3A_476 : f32
            %broadcast_in_dim3A_477 = vector.broadcast %max3A : f32 to vector<16xf32>
            %exp3A = math.exp %broadcast_in_dim3A_477 : vector<16xf32>
            %add3A_478 = arith.constant 0 : i32
            %add3A_479 = vector.broadcast %add3A_478 : i32 to vector<16xi32>
            %add3A_480 = arith.addi %add3A_479, %iota3A : vector<16xi32>
            %mul3A_481 = arith.mulf %gather3A, %exp3A : vector<16xf32>
            tpu.vector_store_idx %arg19[%broadcast_in_dim3A_403, %add3A_480], %mul3A_481 : memref<48x144xf32, #tpu.memory_space<vmem>>[vector<16xi32>, vector<16xi32>], vector<16xf32>,
            %add3A_482 = arith.constant 16 : i32
            %add3A_483 = vector.broadcast %add3A_482 : i32 to vector<16xi32>
            %add3A_484 = arith.addi %add3A_483, %iota3A : vector<16xi32>
            %mul3A_485 = arith.mulf %gather3A_410, %exp3A : vector<16xf32>
            tpu.vector_store_idx %arg19[%broadcast_in_dim3A_403, %add3A_484], %mul3A_485 : memref<48x144xf32, #tpu.memory_space<vmem>>[vector<16xi32>, vector<16xi32>], vector<16xf32>,
            %mul3A_486 = arith.mulf %exp3A, %convert_element_type3A_3 : vector<16xf32>
            %add3A_487 = arith.addf %broadcast_in_dim3A_468, %mul3A_486 : vector<16xf32>
            %mul3A_488 = arith.mulf %gather3A_414, %gather3A_446 : vector<16xf32>
            %mul3A_489 = arith.mulf %gather3A_418, %gather3A_450 : vector<16xf32>
            %add3A_490 = arith.addf %mul3A_488, %mul3A_489 : vector<16xf32>
            %reduce_sum3A_491 = arith.constant true
            %reduce_sum3A_492 = vector.broadcast %reduce_sum3A_491 : i1 to vector<16xi1>
            %reduce_sum3A_493 = tpu.scan <sum>, %add3A_490 masked %reduce_sum3A_492 : vector<16xf32>, vector<16xi1> -> vector<16xf32>
            %reduce_sum3A_494 = vector.extract %reduce_sum3A_493[15] : f32 from vector<16xf32>
            %mul3A_495 = arith.constant 2.000000e-01 : f32
            %mul3A_496 = arith.mulf %reduce_sum3A_494, %mul3A_495 : f32
            %max3A_497 = arith.maximumf %reduce_sum3A_494, %mul3A_496 : f32
            %broadcast_in_dim3A_498 = vector.broadcast %max3A_497 : f32 to vector<16xf32>
            %exp3A_499 = math.exp %broadcast_in_dim3A_498 : vector<16xf32>
            %add3A_500 = arith.constant 32 : i32
            %add3A_501 = vector.broadcast %add3A_500 : i32 to vector<16xi32>
            %add3A_502 = arith.addi %add3A_501, %iota3A : vector<16xi32>
            %mul3A_503 = arith.mulf %gather3A_414, %exp3A_499 : vector<16xf32>
            tpu.vector_store_idx %arg19[%broadcast_in_dim3A_403, %add3A_502], %mul3A_503 : memref<48x144xf32, #tpu.memory_space<vmem>>[vector<16xi32>, vector<16xi32>], vector<16xf32>,
            %add3A_504 = arith.constant 48 : i32
            %add3A_505 = vector.broadcast %add3A_504 : i32 to vector<16xi32>
            %add3A_506 = arith.addi %add3A_505, %iota3A : vector<16xi32>
            %mul3A_507 = arith.mulf %gather3A_418, %exp3A_499 : vector<16xf32>
            tpu.vector_store_idx %arg19[%broadcast_in_dim3A_403, %add3A_506], %mul3A_507 : memref<48x144xf32, #tpu.memory_space<vmem>>[vector<16xi32>, vector<16xi32>], vector<16xf32>,
            %mul3A_508 = arith.mulf %exp3A_499, %convert_element_type3A_8 : vector<16xf32>
            %add3A_509 = arith.addf %add3A_487, %mul3A_508 : vector<16xf32>
            %mul3A_510 = arith.mulf %gather3A_422, %gather3A_454 : vector<16xf32>
            %mul3A_511 = arith.mulf %gather3A_426, %gather3A_458 : vector<16xf32>
            %add3A_512 = arith.addf %mul3A_510, %mul3A_511 : vector<16xf32>
            %reduce_sum3A_513 = arith.constant true
            %reduce_sum3A_514 = vector.broadcast %reduce_sum3A_513 : i1 to vector<16xi1>
            %reduce_sum3A_515 = tpu.scan <sum>, %add3A_512 masked %reduce_sum3A_514 : vector<16xf32>, vector<16xi1> -> vector<16xf32>
            %reduce_sum3A_516 = vector.extract %reduce_sum3A_515[15] : f32 from vector<16xf32>
            %mul3A_517 = arith.constant 2.000000e-01 : f32
            %mul3A_518 = arith.mulf %reduce_sum3A_516, %mul3A_517 : f32
            %max3A_519 = arith.maximumf %reduce_sum3A_516, %mul3A_518 : f32
            %broadcast_in_dim3A_520 = vector.broadcast %max3A_519 : f32 to vector<16xf32>
            %exp3A_521 = math.exp %broadcast_in_dim3A_520 : vector<16xf32>
            %add3A_522 = arith.constant 64 : i32
            %add3A_523 = vector.broadcast %add3A_522 : i32 to vector<16xi32>
            %add3A_524 = arith.addi %add3A_523, %iota3A : vector<16xi32>
            %mul3A_525 = arith.mulf %gather3A_422, %exp3A_521 : vector<16xf32>
            tpu.vector_store_idx %arg19[%broadcast_in_dim3A_403, %add3A_524], %mul3A_525 : memref<48x144xf32, #tpu.memory_space<vmem>>[vector<16xi32>, vector<16xi32>], vector<16xf32>,
            %add3A_526 = arith.constant 80 : i32
            %add3A_527 = vector.broadcast %add3A_526 : i32 to vector<16xi32>
            %add3A_528 = arith.addi %add3A_527, %iota3A : vector<16xi32>
            %mul3A_529 = arith.mulf %gather3A_426, %exp3A_521 : vector<16xf32>
            tpu.vector_store_idx %arg19[%broadcast_in_dim3A_403, %add3A_528], %mul3A_529 : memref<48x144xf32, #tpu.memory_space<vmem>>[vector<16xi32>, vector<16xi32>], vector<16xf32>,
            %mul3A_530 = arith.mulf %exp3A_521, %convert_element_type3A_13 : vector<16xf32>
            %add3A_531 = arith.addf %add3A_509, %mul3A_530 : vector<16xf32>
            %mul3A_532 = arith.mulf %gather3A_430, %gather3A_462 : vector<16xf32>
            %mul3A_533 = arith.mulf %gather3A_434, %gather3A_466 : vector<16xf32>
            %add3A_534 = arith.addf %mul3A_532, %mul3A_533 : vector<16xf32>
            %reduce_sum3A_535 = arith.constant true
            %reduce_sum3A_536 = vector.broadcast %reduce_sum3A_535 : i1 to vector<16xi1>
            %reduce_sum3A_537 = tpu.scan <sum>, %add3A_534 masked %reduce_sum3A_536 : vector<16xf32>, vector<16xi1> -> vector<16xf32>
            %reduce_sum3A_538 = vector.extract %reduce_sum3A_537[15] : f32 from vector<16xf32>
            %mul3A_539 = arith.constant 2.000000e-01 : f32
            %mul3A_540 = arith.mulf %reduce_sum3A_538, %mul3A_539 : f32
            %max3A_541 = arith.maximumf %reduce_sum3A_538, %mul3A_540 : f32
            %broadcast_in_dim3A_542 = vector.broadcast %max3A_541 : f32 to vector<16xf32>
            %exp3A_543 = math.exp %broadcast_in_dim3A_542 : vector<16xf32>
            %add3A_544 = arith.constant 96 : i32
            %add3A_545 = vector.broadcast %add3A_544 : i32 to vector<16xi32>
            %add3A_546 = arith.addi %add3A_545, %iota3A : vector<16xi32>
            %mul3A_547 = arith.mulf %gather3A_430, %exp3A_543 : vector<16xf32>
            tpu.vector_store_idx %arg19[%broadcast_in_dim3A_403, %add3A_546], %mul3A_547 : memref<48x144xf32, #tpu.memory_space<vmem>>[vector<16xi32>, vector<16xi32>], vector<16xf32>,
            %add3A_548 = arith.constant 112 : i32
            %add3A_549 = vector.broadcast %add3A_548 : i32 to vector<16xi32>
            %add3A_550 = arith.addi %add3A_549, %iota3A : vector<16xi32>
            %mul3A_551 = arith.mulf %gather3A_434, %exp3A_543 : vector<16xf32>
            tpu.vector_store_idx %arg19[%broadcast_in_dim3A_403, %add3A_550], %mul3A_551 : memref<48x144xf32, #tpu.memory_space<vmem>>[vector<16xi32>, vector<16xi32>], vector<16xf32>,
            %mul3A_552 = arith.mulf %exp3A_543, %convert_element_type3A_18 : vector<16xf32>
            %add3A_553 = arith.addf %add3A_531, %mul3A_552 : vector<16xf32>
            %add3A_554 = arith.constant 128 : i32
            %add3A_555 = vector.broadcast %add3A_554 : i32 to vector<16xi32>
            %add3A_556 = arith.addi %add3A_555, %iota3A : vector<16xi32>
            tpu.vector_store_idx %arg19[%broadcast_in_dim3A_403, %add3A_556], %add3A_553 : memref<48x144xf32, #tpu.memory_space<vmem>>[vector<16xi32>, vector<16xi32>], vector<16xf32>,
          }
          %scan3A_396 = arith.constant 48 : i32
          %dma_start3A_397 = arith.constant 0 : i32
          %dma_start3A_398 = arith.constant 0 : i32
          %dma_start3A_399 = tpu.memref_slice %arg32[%dma_start3A_397, %dma_start3A_398] : memref<2056x144xf32, #tpu.memory_space<vmem_shared>> -> memref<2056x144xf32, #tpu.memory_space<vmem_shared>>
          tpu.enqueue_indirect_dma source(%arg19 : memref<48x144xf32, #tpu.memory_space<vmem>>) target(%dma_start3A_399 : memref<2056x144xf32, #tpu.memory_space<vmem_shared>>) offsets(%arg15 : memref<48xi32, #tpu.memory_space<vmem>>) semaphore(%arg40 : memref<!tpu.dma_semaphore, #tpu.memory_space<semaphore_mem>>) {add = true}
        } else {
        }
        %add3A_309 = arith.constant 1 : i32
        %add3A_310 = arith.addi %add3A_300, %add3A_309 : i32
        %lt3A_311 = arith.cmpi slt, %add3A_310, %select_n3A : i32
        %convert_element_type3A_312 = arith.extui %lt3A_311 : i1 to i32
        %cond3A_313 = arith.constant 0 : i32
        %cond3A_314 = arith.cmpi ne, %convert_element_type3A_312, %cond3A_313 : i32
        scf.if %cond3A_314 {
          %add3A_319 = arith.constant 1 : i32
          %add3A_320 = arith.addi %add3A_300, %add3A_319 : i32
          %ge3A_321 = arith.constant 2 : i32
          %ge3A_322 = arith.cmpi sge, %add3A_320, %ge3A_321 : i32
          %convert_element_type3A_323 = arith.extui %ge3A_322 : i1 to i32
          %cond3A_324 = arith.constant 0 : i32
          %cond3A_325 = arith.cmpi ne, %convert_element_type3A_323, %cond3A_324 : i32
          scf.if %cond3A_325 {
            tpu.wait_dma2 semaphore(%arg40 : memref<!tpu.dma_semaphore, #tpu.memory_space<semaphore_mem>>) src(%arg31 : memref<48x144xf32, #tpu.memory_space<hbm>>) dst(%arg19 : memref<48x144xf32, #tpu.memory_space<vmem>>)
          } else {
          }
          %mul3A_326 = arith.constant 48 : i32
          %mul3A_327 = arith.muli %add3A_320, %mul3A_326 : i32
          %scan3A_328 = arith.constant 0 : i32
          %scan3A_329 = arith.constant 0 : i32
          %scan3A_330 = arith.constant 3 : i32
          %scan3A_331 = arith.addi %scan3A_329, %scan3A_330 : i32
          %scan3A_332 = arith.constant 1 : i32
          scf.for %scan3A_382 = %scan3A_329 to %scan3A_331 step %scan3A_332  : i32 {
            %mul3A_383 = arith.constant 16 : i32
            %mul3A_384 = arith.muli %scan3A_382, %mul3A_383 : i32
            %add3A_385 = arith.addi %mul3A_327, %mul3A_384 : i32
            %add3A_386 = vector.broadcast %add3A_385 : i32 to vector<16xi32>
            %add3A_387 = arith.addi %add3A_386, %iota3A : vector<16xi32>
            %gather3A = tpu.vector_load_idx %arg22[%add3A_387] : memref<2016xi32, #tpu.memory_space<vmem>>[vector<16xi32>], vector<16xi32>,
            %gather3A_388 = tpu.vector_load_idx %arg8[%gather3A] : memref<10000xi32, #tpu.memory_space<vmem>>[vector<16xi32>], vector<16xi32>,
            %add3A_389 = vector.broadcast %mul3A_57 : i32 to vector<16xi32>
            %add3A_390 = arith.addi %gather3A_388, %add3A_389 : vector<16xi32>
            %mul3A_391 = arith.constant 16 : i32
            %mul3A_392 = arith.muli %scan3A_382, %mul3A_391 : i32
            %swap3A = arith.index_cast %mul3A_392 : i32 to index
            %swap3A_393 = tpu.vector_load %arg13[%swap3A] {strides = array<i32>} : memref<48xi32, #tpu.memory_space<vmem>>, vector<16xi32>,
            tpu.vector_store %arg13[%swap3A], %add3A_390 {strides = array<i32>} : memref<48xi32, #tpu.memory_space<vmem>>, vector<16xi32>,
            %gather3A_394 = tpu.vector_load_idx %arg24[%add3A_387] : memref<2016xi32, #tpu.memory_space<vmem>>[vector<16xi32>], vector<16xi32>,
            %mul3A_395 = arith.constant 16 : i32
            %mul3A_396 = arith.muli %scan3A_382, %mul3A_395 : i32
            %swap3A_397 = arith.index_cast %mul3A_396 : i32 to index
            %swap3A_398 = tpu.vector_load %arg15[%swap3A_397] {strides = array<i32>} : memref<48xi32, #tpu.memory_space<vmem>>, vector<16xi32>,
            tpu.vector_store %arg15[%swap3A_397], %gather3A_394 {strides = array<i32>} : memref<48xi32, #tpu.memory_space<vmem>>, vector<16xi32>,
          }
          %scan3A_333 = arith.constant 3 : i32
          %dma_start3A_334 = arith.constant 0 : i32
          %dma_start3A_335 = arith.constant 0 : i32
          %dma_start3A_336 = tpu.memref_slice %arg17[%dma_start3A_334, %dma_start3A_335] : memref<48x128xf32, #tpu.memory_space<vmem>> -> memref<16x128xf32, #tpu.memory_space<vmem>>
          %dma_start3A_337 = arith.constant 0 : i32
          %dma_start3A_338 = tpu.memref_slice %arg13[%dma_start3A_337] : memref<48xi32, #tpu.memory_space<vmem>> -> memref<16xi32, #tpu.memory_space<vmem>>
          %dma_start3A_339 = arith.constant 0 : i32
          %dma_start3A_340 = arith.constant 0 : i32
          %dma_start3A_341 = tpu.memref_slice %arg2[%dma_start3A_339, %dma_start3A_340] : memref<40000x128xf32, #tpu.memory_space<hbm>> -> memref<40000x128xf32, #tpu.memory_space<hbm>>
          tpu.enqueue_indirect_dma source(%dma_start3A_341 : memref<40000x128xf32, #tpu.memory_space<hbm>>) target(%dma_start3A_336 : memref<16x128xf32, #tpu.memory_space<vmem>>) offsets(%dma_start3A_338 : memref<16xi32, #tpu.memory_space<vmem>>) semaphore(%arg36 : memref<!tpu.dma_semaphore, #tpu.memory_space<semaphore_mem>>)
          %dma_start3A_342 = arith.constant 0 : i32
          %dma_start3A_343 = arith.constant 0 : i32
          %dma_start3A_344 = tpu.memref_slice %arg18[%dma_start3A_342, %dma_start3A_343] : memref<48x128xf32, #tpu.memory_space<vmem>> -> memref<16x128xf32, #tpu.memory_space<vmem>>
          %dma_start3A_345 = arith.constant 0 : i32
          %dma_start3A_346 = tpu.memref_slice %arg15[%dma_start3A_345] : memref<48xi32, #tpu.memory_space<vmem>> -> memref<16xi32, #tpu.memory_space<vmem>>
          %dma_start3A_347 = arith.constant 0 : i32
          %dma_start3A_348 = arith.constant 0 : i32
          %dma_start3A_349 = tpu.memref_slice %arg33[%dma_start3A_347, %dma_start3A_348] : memref<2056x128xf32, #tpu.memory_space<vmem_shared>> -> memref<2056x128xf32, #tpu.memory_space<vmem_shared>>
          tpu.enqueue_indirect_dma source(%dma_start3A_349 : memref<2056x128xf32, #tpu.memory_space<vmem_shared>>) target(%dma_start3A_344 : memref<16x128xf32, #tpu.memory_space<vmem>>) offsets(%dma_start3A_346 : memref<16xi32, #tpu.memory_space<vmem>>) semaphore(%arg37 : memref<!tpu.dma_semaphore, #tpu.memory_space<semaphore_mem>>)
          %dma_start3A_350 = arith.constant 16 : i32
          %dma_start3A_351 = arith.constant 0 : i32
          %dma_start3A_352 = tpu.memref_slice %arg17[%dma_start3A_350, %dma_start3A_351] : memref<48x128xf32, #tpu.memory_space<vmem>> -> memref<16x128xf32, #tpu.memory_space<vmem>>
          %dma_start3A_353 = arith.constant 16 : i32
          %dma_start3A_354 = tpu.memref_slice %arg13[%dma_start3A_353] : memref<48xi32, #tpu.memory_space<vmem>> -> memref<16xi32, #tpu.memory_space<vmem>>
          %dma_start3A_355 = arith.constant 0 : i32
          %dma_start3A_356 = arith.constant 0 : i32
          %dma_start3A_357 = tpu.memref_slice %arg2[%dma_start3A_355, %dma_start3A_356] : memref<40000x128xf32, #tpu.memory_space<hbm>> -> memref<40000x128xf32, #tpu.memory_space<hbm>>
          tpu.enqueue_indirect_dma source(%dma_start3A_357 : memref<40000x128xf32, #tpu.memory_space<hbm>>) target(%dma_start3A_352 : memref<16x128xf32, #tpu.memory_space<vmem>>) offsets(%dma_start3A_354 : memref<16xi32, #tpu.memory_space<vmem>>) semaphore(%arg36 : memref<!tpu.dma_semaphore, #tpu.memory_space<semaphore_mem>>)
          %dma_start3A_358 = arith.constant 16 : i32
          %dma_start3A_359 = arith.constant 0 : i32
          %dma_start3A_360 = tpu.memref_slice %arg18[%dma_start3A_358, %dma_start3A_359] : memref<48x128xf32, #tpu.memory_space<vmem>> -> memref<16x128xf32, #tpu.memory_space<vmem>>
          %dma_start3A_361 = arith.constant 16 : i32
          %dma_start3A_362 = tpu.memref_slice %arg15[%dma_start3A_361] : memref<48xi32, #tpu.memory_space<vmem>> -> memref<16xi32, #tpu.memory_space<vmem>>
          %dma_start3A_363 = arith.constant 0 : i32
          %dma_start3A_364 = arith.constant 0 : i32
          %dma_start3A_365 = tpu.memref_slice %arg33[%dma_start3A_363, %dma_start3A_364] : memref<2056x128xf32, #tpu.memory_space<vmem_shared>> -> memref<2056x128xf32, #tpu.memory_space<vmem_shared>>
          tpu.enqueue_indirect_dma source(%dma_start3A_365 : memref<2056x128xf32, #tpu.memory_space<vmem_shared>>) target(%dma_start3A_360 : memref<16x128xf32, #tpu.memory_space<vmem>>) offsets(%dma_start3A_362 : memref<16xi32, #tpu.memory_space<vmem>>) semaphore(%arg37 : memref<!tpu.dma_semaphore, #tpu.memory_space<semaphore_mem>>)
          %dma_start3A_366 = arith.constant 32 : i32
          %dma_start3A_367 = arith.constant 0 : i32
          %dma_start3A_368 = tpu.memref_slice %arg17[%dma_start3A_366, %dma_start3A_367] : memref<48x128xf32, #tpu.memory_space<vmem>> -> memref<16x128xf32, #tpu.memory_space<vmem>>
          %dma_start3A_369 = arith.constant 32 : i32
          %dma_start3A_370 = tpu.memref_slice %arg13[%dma_start3A_369] : memref<48xi32, #tpu.memory_space<vmem>> -> memref<16xi32, #tpu.memory_space<vmem>>
          %dma_start3A_371 = arith.constant 0 : i32
          %dma_start3A_372 = arith.constant 0 : i32
          %dma_start3A_373 = tpu.memref_slice %arg2[%dma_start3A_371, %dma_start3A_372] : memref<40000x128xf32, #tpu.memory_space<hbm>> -> memref<40000x128xf32, #tpu.memory_space<hbm>>
          tpu.enqueue_indirect_dma source(%dma_start3A_373 : memref<40000x128xf32, #tpu.memory_space<hbm>>) target(%dma_start3A_368 : memref<16x128xf32, #tpu.memory_space<vmem>>) offsets(%dma_start3A_370 : memref<16xi32, #tpu.memory_space<vmem>>) semaphore(%arg36 : memref<!tpu.dma_semaphore, #tpu.memory_space<semaphore_mem>>)
          %dma_start3A_374 = arith.constant 32 : i32
          %dma_start3A_375 = arith.constant 0 : i32
          %dma_start3A_376 = tpu.memref_slice %arg18[%dma_start3A_374, %dma_start3A_375] : memref<48x128xf32, #tpu.memory_space<vmem>> -> memref<16x128xf32, #tpu.memory_space<vmem>>
          %dma_start3A_377 = arith.constant 32 : i32
          %dma_start3A_378 = tpu.memref_slice %arg15[%dma_start3A_377] : memref<48xi32, #tpu.memory_space<vmem>> -> memref<16xi32, #tpu.memory_space<vmem>>
          %dma_start3A_379 = arith.constant 0 : i32
          %dma_start3A_380 = arith.constant 0 : i32
          %dma_start3A_381 = tpu.memref_slice %arg33[%dma_start3A_379, %dma_start3A_380] : memref<2056x128xf32, #tpu.memory_space<vmem_shared>> -> memref<2056x128xf32, #tpu.memory_space<vmem_shared>>
          tpu.enqueue_indirect_dma source(%dma_start3A_381 : memref<2056x128xf32, #tpu.memory_space<vmem_shared>>) target(%dma_start3A_376 : memref<16x128xf32, #tpu.memory_space<vmem>>) offsets(%dma_start3A_378 : memref<16xi32, #tpu.memory_space<vmem>>) semaphore(%arg37 : memref<!tpu.dma_semaphore, #tpu.memory_space<semaphore_mem>>)
        } else {
        }
        %lt3A_315 = arith.cmpi slt, %add3A_300, %select_n3A : i32
        %convert_element_type3A_316 = arith.extui %lt3A_315 : i1 to i32
        %cond3A_317 = arith.constant 0 : i32
        %cond3A_318 = arith.cmpi ne, %convert_element_type3A_316, %cond3A_317 : i32
        scf.if %cond3A_318 {
          %dma_wait3A_319 = arith.constant 0 : i32
          %dma_wait3A_320 = arith.constant 0 : i32
          %dma_wait3A_321 = tpu.memref_slice %arg28[%dma_wait3A_319, %dma_wait3A_320] : memref<48x128xf32, #tpu.memory_space<vmem>> -> memref<16x128xf32, #tpu.memory_space<vmem>>
          %dma_wait3A_322 = arith.constant 0 : i32
          %dma_wait3A_323 = arith.constant 0 : i32
          %dma_wait3A_324 = tpu.memref_slice %arg2[%dma_wait3A_322, %dma_wait3A_323] : memref<40000x128xf32, #tpu.memory_space<hbm>> -> memref<16x128xf32, #tpu.memory_space<hbm>>
          %dma_wait3A_325 = arith.constant 0 : i32
          %dma_wait3A_326 = arith.constant 0 : i32
          %dma_wait3A_327 = tpu.memref_slice %arg28[%dma_wait3A_325, %dma_wait3A_326] : memref<48x128xf32, #tpu.memory_space<vmem>> -> memref<16x128xf32, #tpu.memory_space<vmem>>
          %dma_wait3A_328 = arith.constant 0 : i32
          %dma_wait3A_329 = arith.constant 0 : i32
          %dma_wait3A_330 = tpu.memref_slice %arg2[%dma_wait3A_328, %dma_wait3A_329] : memref<40000x128xf32, #tpu.memory_space<hbm>> -> memref<16x128xf32, #tpu.memory_space<hbm>>
          tpu.wait_dma2 semaphore(%arg38 : memref<!tpu.dma_semaphore, #tpu.memory_space<semaphore_mem>>) src(%dma_wait3A_330 : memref<16x128xf32, #tpu.memory_space<hbm>>) dst(%dma_wait3A_327 : memref<16x128xf32, #tpu.memory_space<vmem>>)
          %dma_wait3A_331 = arith.constant 0 : i32
          %dma_wait3A_332 = arith.constant 0 : i32
          %dma_wait3A_333 = tpu.memref_slice %arg29[%dma_wait3A_331, %dma_wait3A_332] : memref<48x128xf32, #tpu.memory_space<vmem>> -> memref<16x128xf32, #tpu.memory_space<vmem>>
          %dma_wait3A_334 = arith.constant 0 : i32
          %dma_wait3A_335 = arith.constant 0 : i32
          %dma_wait3A_336 = tpu.memref_slice %arg2[%dma_wait3A_334, %dma_wait3A_335] : memref<40000x128xf32, #tpu.memory_space<hbm>> -> memref<16x128xf32, #tpu.memory_space<hbm>>
          %dma_wait3A_337 = arith.constant 0 : i32
          %dma_wait3A_338 = arith.constant 0 : i32
          %dma_wait3A_339 = tpu.memref_slice %arg29[%dma_wait3A_337, %dma_wait3A_338] : memref<48x128xf32, #tpu.memory_space<vmem>> -> memref<16x128xf32, #tpu.memory_space<vmem>>
          %dma_wait3A_340 = arith.constant 0 : i32
          %dma_wait3A_341 = arith.constant 0 : i32
          %dma_wait3A_342 = tpu.memref_slice %arg2[%dma_wait3A_340, %dma_wait3A_341] : memref<40000x128xf32, #tpu.memory_space<hbm>> -> memref<16x128xf32, #tpu.memory_space<hbm>>
          tpu.wait_dma2 semaphore(%arg39 : memref<!tpu.dma_semaphore, #tpu.memory_space<semaphore_mem>>) src(%dma_wait3A_342 : memref<16x128xf32, #tpu.memory_space<hbm>>) dst(%dma_wait3A_339 : memref<16x128xf32, #tpu.memory_space<vmem>>)
          %dma_wait3A_343 = arith.constant 16 : i32
          %dma_wait3A_344 = arith.constant 0 : i32
          %dma_wait3A_345 = tpu.memref_slice %arg28[%dma_wait3A_343, %dma_wait3A_344] : memref<48x128xf32, #tpu.memory_space<vmem>> -> memref<16x128xf32, #tpu.memory_space<vmem>>
          %dma_wait3A_346 = arith.constant 0 : i32
          %dma_wait3A_347 = arith.constant 0 : i32
          %dma_wait3A_348 = tpu.memref_slice %arg2[%dma_wait3A_346, %dma_wait3A_347] : memref<40000x128xf32, #tpu.memory_space<hbm>> -> memref<16x128xf32, #tpu.memory_space<hbm>>
          %dma_wait3A_349 = arith.constant 16 : i32
          %dma_wait3A_350 = arith.constant 0 : i32
          %dma_wait3A_351 = tpu.memref_slice %arg28[%dma_wait3A_349, %dma_wait3A_350] : memref<48x128xf32, #tpu.memory_space<vmem>> -> memref<16x128xf32, #tpu.memory_space<vmem>>
          %dma_wait3A_352 = arith.constant 0 : i32
          %dma_wait3A_353 = arith.constant 0 : i32
          %dma_wait3A_354 = tpu.memref_slice %arg2[%dma_wait3A_352, %dma_wait3A_353] : memref<40000x128xf32, #tpu.memory_space<hbm>> -> memref<16x128xf32, #tpu.memory_space<hbm>>
          tpu.wait_dma2 semaphore(%arg38 : memref<!tpu.dma_semaphore, #tpu.memory_space<semaphore_mem>>) src(%dma_wait3A_354 : memref<16x128xf32, #tpu.memory_space<hbm>>) dst(%dma_wait3A_351 : memref<16x128xf32, #tpu.memory_space<vmem>>)
          %dma_wait3A_355 = arith.constant 16 : i32
          %dma_wait3A_356 = arith.constant 0 : i32
          %dma_wait3A_357 = tpu.memref_slice %arg29[%dma_wait3A_355, %dma_wait3A_356] : memref<48x128xf32, #tpu.memory_space<vmem>> -> memref<16x128xf32, #tpu.memory_space<vmem>>
          %dma_wait3A_358 = arith.constant 0 : i32
          %dma_wait3A_359 = arith.constant 0 : i32
          %dma_wait3A_360 = tpu.memref_slice %arg2[%dma_wait3A_358, %dma_wait3A_359] : memref<40000x128xf32, #tpu.memory_space<hbm>> -> memref<16x128xf32, #tpu.memory_space<hbm>>
          %dma_wait3A_361 = arith.constant 16 : i32
          %dma_wait3A_362 = arith.constant 0 : i32
          %dma_wait3A_363 = tpu.memref_slice %arg29[%dma_wait3A_361, %dma_wait3A_362] : memref<48x128xf32, #tpu.memory_space<vmem>> -> memref<16x128xf32, #tpu.memory_space<vmem>>
          %dma_wait3A_364 = arith.constant 0 : i32
          %dma_wait3A_365 = arith.constant 0 : i32
          %dma_wait3A_366 = tpu.memref_slice %arg2[%dma_wait3A_364, %dma_wait3A_365] : memref<40000x128xf32, #tpu.memory_space<hbm>> -> memref<16x128xf32, #tpu.memory_space<hbm>>
          tpu.wait_dma2 semaphore(%arg39 : memref<!tpu.dma_semaphore, #tpu.memory_space<semaphore_mem>>) src(%dma_wait3A_366 : memref<16x128xf32, #tpu.memory_space<hbm>>) dst(%dma_wait3A_363 : memref<16x128xf32, #tpu.memory_space<vmem>>)
          %dma_wait3A_367 = arith.constant 32 : i32
          %dma_wait3A_368 = arith.constant 0 : i32
          %dma_wait3A_369 = tpu.memref_slice %arg28[%dma_wait3A_367, %dma_wait3A_368] : memref<48x128xf32, #tpu.memory_space<vmem>> -> memref<16x128xf32, #tpu.memory_space<vmem>>
          %dma_wait3A_370 = arith.constant 0 : i32
          %dma_wait3A_371 = arith.constant 0 : i32
          %dma_wait3A_372 = tpu.memref_slice %arg2[%dma_wait3A_370, %dma_wait3A_371] : memref<40000x128xf32, #tpu.memory_space<hbm>> -> memref<16x128xf32, #tpu.memory_space<hbm>>
          %dma_wait3A_373 = arith.constant 32 : i32
          %dma_wait3A_374 = arith.constant 0 : i32
          %dma_wait3A_375 = tpu.memref_slice %arg28[%dma_wait3A_373, %dma_wait3A_374] : memref<48x128xf32, #tpu.memory_space<vmem>> -> memref<16x128xf32, #tpu.memory_space<vmem>>
          %dma_wait3A_376 = arith.constant 0 : i32
          %dma_wait3A_377 = arith.constant 0 : i32
          %dma_wait3A_378 = tpu.memref_slice %arg2[%dma_wait3A_376, %dma_wait3A_377] : memref<40000x128xf32, #tpu.memory_space<hbm>> -> memref<16x128xf32, #tpu.memory_space<hbm>>
          tpu.wait_dma2 semaphore(%arg38 : memref<!tpu.dma_semaphore, #tpu.memory_space<semaphore_mem>>) src(%dma_wait3A_378 : memref<16x128xf32, #tpu.memory_space<hbm>>) dst(%dma_wait3A_375 : memref<16x128xf32, #tpu.memory_space<vmem>>)
          %dma_wait3A_379 = arith.constant 32 : i32
          %dma_wait3A_380 = arith.constant 0 : i32
          %dma_wait3A_381 = tpu.memref_slice %arg29[%dma_wait3A_379, %dma_wait3A_380] : memref<48x128xf32, #tpu.memory_space<vmem>> -> memref<16x128xf32, #tpu.memory_space<vmem>>
          %dma_wait3A_382 = arith.constant 0 : i32
          %dma_wait3A_383 = arith.constant 0 : i32
          %dma_wait3A_384 = tpu.memref_slice %arg2[%dma_wait3A_382, %dma_wait3A_383] : memref<40000x128xf32, #tpu.memory_space<hbm>> -> memref<16x128xf32, #tpu.memory_space<hbm>>
          %dma_wait3A_385 = arith.constant 32 : i32
          %dma_wait3A_386 = arith.constant 0 : i32
          %dma_wait3A_387 = tpu.memref_slice %arg29[%dma_wait3A_385, %dma_wait3A_386] : memref<48x128xf32, #tpu.memory_space<vmem>> -> memref<16x128xf32, #tpu.memory_space<vmem>>
          %dma_wait3A_388 = arith.constant 0 : i32
          %dma_wait3A_389 = arith.constant 0 : i32
          %dma_wait3A_390 = tpu.memref_slice %arg2[%dma_wait3A_388, %dma_wait3A_389] : memref<40000x128xf32, #tpu.memory_space<hbm>> -> memref<16x128xf32, #tpu.memory_space<hbm>>
          tpu.wait_dma2 semaphore(%arg39 : memref<!tpu.dma_semaphore, #tpu.memory_space<semaphore_mem>>) src(%dma_wait3A_390 : memref<16x128xf32, #tpu.memory_space<hbm>>) dst(%dma_wait3A_387 : memref<16x128xf32, #tpu.memory_space<vmem>>)
          %scan3A_391 = arith.constant 0 : i32
          %scan3A_392 = arith.constant 0 : i32
          %scan3A_393 = arith.constant 48 : i32
          %scan3A_394 = arith.addi %scan3A_392, %scan3A_393 : i32
          %scan3A_395 = arith.constant 1 : i32
          scf.for %scan3A_400 = %scan3A_392 to %scan3A_394 step %scan3A_395  : i32 {
            %add3A_401 = arith.constant 0 : i32
            %add3A_402 = arith.addi %scan3A_400, %add3A_401 : i32
            %broadcast_in_dim3A_403 = vector.broadcast %add3A_402 : i32 to vector<16xi32>
            %add3A_404 = arith.constant 0 : i32
            %add3A_405 = vector.broadcast %add3A_404 : i32 to vector<16xi32>
            %add3A_406 = arith.addi %add3A_405, %iota3A : vector<16xi32>
            %gather3A = tpu.vector_load_idx %arg28[%broadcast_in_dim3A_403, %add3A_406] : memref<48x128xf32, #tpu.memory_space<vmem>>[vector<16xi32>, vector<16xi32>], vector<16xf32>,
            %add3A_407 = arith.constant 16 : i32
            %add3A_408 = vector.broadcast %add3A_407 : i32 to vector<16xi32>
            %add3A_409 = arith.addi %add3A_408, %iota3A : vector<16xi32>
            %gather3A_410 = tpu.vector_load_idx %arg28[%broadcast_in_dim3A_403, %add3A_409] : memref<48x128xf32, #tpu.memory_space<vmem>>[vector<16xi32>, vector<16xi32>], vector<16xf32>,
            %add3A_411 = arith.constant 32 : i32
            %add3A_412 = vector.broadcast %add3A_411 : i32 to vector<16xi32>
            %add3A_413 = arith.addi %add3A_412, %iota3A : vector<16xi32>
            %gather3A_414 = tpu.vector_load_idx %arg28[%broadcast_in_dim3A_403, %add3A_413] : memref<48x128xf32, #tpu.memory_space<vmem>>[vector<16xi32>, vector<16xi32>], vector<16xf32>,
            %add3A_415 = arith.constant 48 : i32
            %add3A_416 = vector.broadcast %add3A_415 : i32 to vector<16xi32>
            %add3A_417 = arith.addi %add3A_416, %iota3A : vector<16xi32>
            %gather3A_418 = tpu.vector_load_idx %arg28[%broadcast_in_dim3A_403, %add3A_417] : memref<48x128xf32, #tpu.memory_space<vmem>>[vector<16xi32>, vector<16xi32>], vector<16xf32>,
            %add3A_419 = arith.constant 64 : i32
            %add3A_420 = vector.broadcast %add3A_419 : i32 to vector<16xi32>
            %add3A_421 = arith.addi %add3A_420, %iota3A : vector<16xi32>
            %gather3A_422 = tpu.vector_load_idx %arg28[%broadcast_in_dim3A_403, %add3A_421] : memref<48x128xf32, #tpu.memory_space<vmem>>[vector<16xi32>, vector<16xi32>], vector<16xf32>,
            %add3A_423 = arith.constant 80 : i32
            %add3A_424 = vector.broadcast %add3A_423 : i32 to vector<16xi32>
            %add3A_425 = arith.addi %add3A_424, %iota3A : vector<16xi32>
            %gather3A_426 = tpu.vector_load_idx %arg28[%broadcast_in_dim3A_403, %add3A_425] : memref<48x128xf32, #tpu.memory_space<vmem>>[vector<16xi32>, vector<16xi32>], vector<16xf32>,
            %add3A_427 = arith.constant 96 : i32
            %add3A_428 = vector.broadcast %add3A_427 : i32 to vector<16xi32>
            %add3A_429 = arith.addi %add3A_428, %iota3A : vector<16xi32>
            %gather3A_430 = tpu.vector_load_idx %arg28[%broadcast_in_dim3A_403, %add3A_429] : memref<48x128xf32, #tpu.memory_space<vmem>>[vector<16xi32>, vector<16xi32>], vector<16xf32>,
            %add3A_431 = arith.constant 112 : i32
            %add3A_432 = vector.broadcast %add3A_431 : i32 to vector<16xi32>
            %add3A_433 = arith.addi %add3A_432, %iota3A : vector<16xi32>
            %gather3A_434 = tpu.vector_load_idx %arg28[%broadcast_in_dim3A_403, %add3A_433] : memref<48x128xf32, #tpu.memory_space<vmem>>[vector<16xi32>, vector<16xi32>], vector<16xf32>,
            %add3A_435 = arith.constant 0 : i32
            %add3A_436 = vector.broadcast %add3A_435 : i32 to vector<16xi32>
            %add3A_437 = arith.addi %add3A_436, %iota3A : vector<16xi32>
            %gather3A_438 = tpu.vector_load_idx %arg29[%broadcast_in_dim3A_403, %add3A_437] : memref<48x128xf32, #tpu.memory_space<vmem>>[vector<16xi32>, vector<16xi32>], vector<16xf32>,
            %add3A_439 = arith.constant 16 : i32
            %add3A_440 = vector.broadcast %add3A_439 : i32 to vector<16xi32>
            %add3A_441 = arith.addi %add3A_440, %iota3A : vector<16xi32>
            %gather3A_442 = tpu.vector_load_idx %arg29[%broadcast_in_dim3A_403, %add3A_441] : memref<48x128xf32, #tpu.memory_space<vmem>>[vector<16xi32>, vector<16xi32>], vector<16xf32>,
            %add3A_443 = arith.constant 32 : i32
            %add3A_444 = vector.broadcast %add3A_443 : i32 to vector<16xi32>
            %add3A_445 = arith.addi %add3A_444, %iota3A : vector<16xi32>
            %gather3A_446 = tpu.vector_load_idx %arg29[%broadcast_in_dim3A_403, %add3A_445] : memref<48x128xf32, #tpu.memory_space<vmem>>[vector<16xi32>, vector<16xi32>], vector<16xf32>,
            %add3A_447 = arith.constant 48 : i32
            %add3A_448 = vector.broadcast %add3A_447 : i32 to vector<16xi32>
            %add3A_449 = arith.addi %add3A_448, %iota3A : vector<16xi32>
            %gather3A_450 = tpu.vector_load_idx %arg29[%broadcast_in_dim3A_403, %add3A_449] : memref<48x128xf32, #tpu.memory_space<vmem>>[vector<16xi32>, vector<16xi32>], vector<16xf32>,
            %add3A_451 = arith.constant 64 : i32
            %add3A_452 = vector.broadcast %add3A_451 : i32 to vector<16xi32>
            %add3A_453 = arith.addi %add3A_452, %iota3A : vector<16xi32>
            %gather3A_454 = tpu.vector_load_idx %arg29[%broadcast_in_dim3A_403, %add3A_453] : memref<48x128xf32, #tpu.memory_space<vmem>>[vector<16xi32>, vector<16xi32>], vector<16xf32>,
            %add3A_455 = arith.constant 80 : i32
            %add3A_456 = vector.broadcast %add3A_455 : i32 to vector<16xi32>
            %add3A_457 = arith.addi %add3A_456, %iota3A : vector<16xi32>
            %gather3A_458 = tpu.vector_load_idx %arg29[%broadcast_in_dim3A_403, %add3A_457] : memref<48x128xf32, #tpu.memory_space<vmem>>[vector<16xi32>, vector<16xi32>], vector<16xf32>,
            %add3A_459 = arith.constant 96 : i32
            %add3A_460 = vector.broadcast %add3A_459 : i32 to vector<16xi32>
            %add3A_461 = arith.addi %add3A_460, %iota3A : vector<16xi32>
            %gather3A_462 = tpu.vector_load_idx %arg29[%broadcast_in_dim3A_403, %add3A_461] : memref<48x128xf32, #tpu.memory_space<vmem>>[vector<16xi32>, vector<16xi32>], vector<16xf32>,
            %add3A_463 = arith.constant 112 : i32
            %add3A_464 = vector.broadcast %add3A_463 : i32 to vector<16xi32>
            %add3A_465 = arith.addi %add3A_464, %iota3A : vector<16xi32>
            %gather3A_466 = tpu.vector_load_idx %arg29[%broadcast_in_dim3A_403, %add3A_465] : memref<48x128xf32, #tpu.memory_space<vmem>>[vector<16xi32>, vector<16xi32>], vector<16xf32>,
            %broadcast_in_dim3A_467 = arith.constant 0.000000e+00 : f32
            %broadcast_in_dim3A_468 = vector.broadcast %broadcast_in_dim3A_467 : f32 to vector<16xf32>
            %mul3A_469 = arith.mulf %gather3A, %gather3A_438 : vector<16xf32>
            %mul3A_470 = arith.mulf %gather3A_410, %gather3A_442 : vector<16xf32>
            %add3A_471 = arith.addf %mul3A_469, %mul3A_470 : vector<16xf32>
            %reduce_sum3A = arith.constant true
            %reduce_sum3A_472 = vector.broadcast %reduce_sum3A : i1 to vector<16xi1>
            %reduce_sum3A_473 = tpu.scan <sum>, %add3A_471 masked %reduce_sum3A_472 : vector<16xf32>, vector<16xi1> -> vector<16xf32>
            %reduce_sum3A_474 = vector.extract %reduce_sum3A_473[15] : f32 from vector<16xf32>
            %mul3A_475 = arith.constant 2.000000e-01 : f32
            %mul3A_476 = arith.mulf %reduce_sum3A_474, %mul3A_475 : f32
            %max3A = arith.maximumf %reduce_sum3A_474, %mul3A_476 : f32
            %broadcast_in_dim3A_477 = vector.broadcast %max3A : f32 to vector<16xf32>
            %exp3A = math.exp %broadcast_in_dim3A_477 : vector<16xf32>
            %add3A_478 = arith.constant 0 : i32
            %add3A_479 = vector.broadcast %add3A_478 : i32 to vector<16xi32>
            %add3A_480 = arith.addi %add3A_479, %iota3A : vector<16xi32>
            %mul3A_481 = arith.mulf %gather3A, %exp3A : vector<16xf32>
            tpu.vector_store_idx %arg30[%broadcast_in_dim3A_403, %add3A_480], %mul3A_481 : memref<48x144xf32, #tpu.memory_space<vmem>>[vector<16xi32>, vector<16xi32>], vector<16xf32>,
            %add3A_482 = arith.constant 16 : i32
            %add3A_483 = vector.broadcast %add3A_482 : i32 to vector<16xi32>
            %add3A_484 = arith.addi %add3A_483, %iota3A : vector<16xi32>
            %mul3A_485 = arith.mulf %gather3A_410, %exp3A : vector<16xf32>
            tpu.vector_store_idx %arg30[%broadcast_in_dim3A_403, %add3A_484], %mul3A_485 : memref<48x144xf32, #tpu.memory_space<vmem>>[vector<16xi32>, vector<16xi32>], vector<16xf32>,
            %mul3A_486 = arith.mulf %exp3A, %convert_element_type3A_3 : vector<16xf32>
            %add3A_487 = arith.addf %broadcast_in_dim3A_468, %mul3A_486 : vector<16xf32>
            %mul3A_488 = arith.mulf %gather3A_414, %gather3A_446 : vector<16xf32>
            %mul3A_489 = arith.mulf %gather3A_418, %gather3A_450 : vector<16xf32>
            %add3A_490 = arith.addf %mul3A_488, %mul3A_489 : vector<16xf32>
            %reduce_sum3A_491 = arith.constant true
            %reduce_sum3A_492 = vector.broadcast %reduce_sum3A_491 : i1 to vector<16xi1>
            %reduce_sum3A_493 = tpu.scan <sum>, %add3A_490 masked %reduce_sum3A_492 : vector<16xf32>, vector<16xi1> -> vector<16xf32>
            %reduce_sum3A_494 = vector.extract %reduce_sum3A_493[15] : f32 from vector<16xf32>
            %mul3A_495 = arith.constant 2.000000e-01 : f32
            %mul3A_496 = arith.mulf %reduce_sum3A_494, %mul3A_495 : f32
            %max3A_497 = arith.maximumf %reduce_sum3A_494, %mul3A_496 : f32
            %broadcast_in_dim3A_498 = vector.broadcast %max3A_497 : f32 to vector<16xf32>
            %exp3A_499 = math.exp %broadcast_in_dim3A_498 : vector<16xf32>
            %add3A_500 = arith.constant 32 : i32
            %add3A_501 = vector.broadcast %add3A_500 : i32 to vector<16xi32>
            %add3A_502 = arith.addi %add3A_501, %iota3A : vector<16xi32>
            %mul3A_503 = arith.mulf %gather3A_414, %exp3A_499 : vector<16xf32>
            tpu.vector_store_idx %arg30[%broadcast_in_dim3A_403, %add3A_502], %mul3A_503 : memref<48x144xf32, #tpu.memory_space<vmem>>[vector<16xi32>, vector<16xi32>], vector<16xf32>,
            %add3A_504 = arith.constant 48 : i32
            %add3A_505 = vector.broadcast %add3A_504 : i32 to vector<16xi32>
            %add3A_506 = arith.addi %add3A_505, %iota3A : vector<16xi32>
            %mul3A_507 = arith.mulf %gather3A_418, %exp3A_499 : vector<16xf32>
            tpu.vector_store_idx %arg30[%broadcast_in_dim3A_403, %add3A_506], %mul3A_507 : memref<48x144xf32, #tpu.memory_space<vmem>>[vector<16xi32>, vector<16xi32>], vector<16xf32>,
            %mul3A_508 = arith.mulf %exp3A_499, %convert_element_type3A_8 : vector<16xf32>
            %add3A_509 = arith.addf %add3A_487, %mul3A_508 : vector<16xf32>
            %mul3A_510 = arith.mulf %gather3A_422, %gather3A_454 : vector<16xf32>
            %mul3A_511 = arith.mulf %gather3A_426, %gather3A_458 : vector<16xf32>
            %add3A_512 = arith.addf %mul3A_510, %mul3A_511 : vector<16xf32>
            %reduce_sum3A_513 = arith.constant true
            %reduce_sum3A_514 = vector.broadcast %reduce_sum3A_513 : i1 to vector<16xi1>
            %reduce_sum3A_515 = tpu.scan <sum>, %add3A_512 masked %reduce_sum3A_514 : vector<16xf32>, vector<16xi1> -> vector<16xf32>
            %reduce_sum3A_516 = vector.extract %reduce_sum3A_515[15] : f32 from vector<16xf32>
            %mul3A_517 = arith.constant 2.000000e-01 : f32
            %mul3A_518 = arith.mulf %reduce_sum3A_516, %mul3A_517 : f32
            %max3A_519 = arith.maximumf %reduce_sum3A_516, %mul3A_518 : f32
            %broadcast_in_dim3A_520 = vector.broadcast %max3A_519 : f32 to vector<16xf32>
            %exp3A_521 = math.exp %broadcast_in_dim3A_520 : vector<16xf32>
            %add3A_522 = arith.constant 64 : i32
            %add3A_523 = vector.broadcast %add3A_522 : i32 to vector<16xi32>
            %add3A_524 = arith.addi %add3A_523, %iota3A : vector<16xi32>
            %mul3A_525 = arith.mulf %gather3A_422, %exp3A_521 : vector<16xf32>
            tpu.vector_store_idx %arg30[%broadcast_in_dim3A_403, %add3A_524], %mul3A_525 : memref<48x144xf32, #tpu.memory_space<vmem>>[vector<16xi32>, vector<16xi32>], vector<16xf32>,
            %add3A_526 = arith.constant 80 : i32
            %add3A_527 = vector.broadcast %add3A_526 : i32 to vector<16xi32>
            %add3A_528 = arith.addi %add3A_527, %iota3A : vector<16xi32>
            %mul3A_529 = arith.mulf %gather3A_426, %exp3A_521 : vector<16xf32>
            tpu.vector_store_idx %arg30[%broadcast_in_dim3A_403, %add3A_528], %mul3A_529 : memref<48x144xf32, #tpu.memory_space<vmem>>[vector<16xi32>, vector<16xi32>], vector<16xf32>,
            %mul3A_530 = arith.mulf %exp3A_521, %convert_element_type3A_13 : vector<16xf32>
            %add3A_531 = arith.addf %add3A_509, %mul3A_530 : vector<16xf32>
            %mul3A_532 = arith.mulf %gather3A_430, %gather3A_462 : vector<16xf32>
            %mul3A_533 = arith.mulf %gather3A_434, %gather3A_466 : vector<16xf32>
            %add3A_534 = arith.addf %mul3A_532, %mul3A_533 : vector<16xf32>
            %reduce_sum3A_535 = arith.constant true
            %reduce_sum3A_536 = vector.broadcast %reduce_sum3A_535 : i1 to vector<16xi1>
            %reduce_sum3A_537 = tpu.scan <sum>, %add3A_534 masked %reduce_sum3A_536 : vector<16xf32>, vector<16xi1> -> vector<16xf32>
            %reduce_sum3A_538 = vector.extract %reduce_sum3A_537[15] : f32 from vector<16xf32>
            %mul3A_539 = arith.constant 2.000000e-01 : f32
            %mul3A_540 = arith.mulf %reduce_sum3A_538, %mul3A_539 : f32
            %max3A_541 = arith.maximumf %reduce_sum3A_538, %mul3A_540 : f32
            %broadcast_in_dim3A_542 = vector.broadcast %max3A_541 : f32 to vector<16xf32>
            %exp3A_543 = math.exp %broadcast_in_dim3A_542 : vector<16xf32>
            %add3A_544 = arith.constant 96 : i32
            %add3A_545 = vector.broadcast %add3A_544 : i32 to vector<16xi32>
            %add3A_546 = arith.addi %add3A_545, %iota3A : vector<16xi32>
            %mul3A_547 = arith.mulf %gather3A_430, %exp3A_543 : vector<16xf32>
            tpu.vector_store_idx %arg30[%broadcast_in_dim3A_403, %add3A_546], %mul3A_547 : memref<48x144xf32, #tpu.memory_space<vmem>>[vector<16xi32>, vector<16xi32>], vector<16xf32>,
            %add3A_548 = arith.constant 112 : i32
            %add3A_549 = vector.broadcast %add3A_548 : i32 to vector<16xi32>
            %add3A_550 = arith.addi %add3A_549, %iota3A : vector<16xi32>
            %mul3A_551 = arith.mulf %gather3A_434, %exp3A_543 : vector<16xf32>
            tpu.vector_store_idx %arg30[%broadcast_in_dim3A_403, %add3A_550], %mul3A_551 : memref<48x144xf32, #tpu.memory_space<vmem>>[vector<16xi32>, vector<16xi32>], vector<16xf32>,
            %mul3A_552 = arith.mulf %exp3A_543, %convert_element_type3A_18 : vector<16xf32>
            %add3A_553 = arith.addf %add3A_531, %mul3A_552 : vector<16xf32>
            %add3A_554 = arith.constant 128 : i32
            %add3A_555 = vector.broadcast %add3A_554 : i32 to vector<16xi32>
            %add3A_556 = arith.addi %add3A_555, %iota3A : vector<16xi32>
            tpu.vector_store_idx %arg30[%broadcast_in_dim3A_403, %add3A_556], %add3A_553 : memref<48x144xf32, #tpu.memory_space<vmem>>[vector<16xi32>, vector<16xi32>], vector<16xf32>,
          }
          %scan3A_396 = arith.constant 48 : i32
          %dma_start3A_397 = arith.constant 0 : i32
          %dma_start3A_398 = arith.constant 0 : i32
          %dma_start3A_399 = tpu.memref_slice %arg32[%dma_start3A_397, %dma_start3A_398] : memref<2056x144xf32, #tpu.memory_space<vmem_shared>> -> memref<2056x144xf32, #tpu.memory_space<vmem_shared>>
          tpu.enqueue_indirect_dma source(%arg30 : memref<48x144xf32, #tpu.memory_space<vmem>>) target(%dma_start3A_399 : memref<2056x144xf32, #tpu.memory_space<vmem_shared>>) offsets(%arg27 : memref<48xi32, #tpu.memory_space<vmem>>) semaphore(%arg41 : memref<!tpu.dma_semaphore, #tpu.memory_space<semaphore_mem>>) {add = true}
        } else {
        }
      }
      %while3A_240 = arith.constant 1 : i32
      scf.for %while3A_296 = %while3A_238 to %while3A_234 step %while3A_240  : i32 {
        %mul3A_297 = arith.constant 2 : i32
        %mul3A_298 = arith.muli %mul3A_297, %while3A_296 : i32
        %add3A_299 = arith.constant 1 : i32
        %add3A_300 = arith.addi %mul3A_298, %add3A_299 : i32
        %lt3A_301 = arith.cmpi slt, %add3A_300, %select_n3A : i32
        %convert_element_type3A_302 = arith.extui %lt3A_301 : i1 to i32
        %cond3A_303 = arith.constant 0 : i32
        %cond3A_304 = arith.cmpi ne, %convert_element_type3A_302, %cond3A_303 : i32
        scf.if %cond3A_304 {
          %ge3A_319 = arith.constant 2 : i32
          %ge3A_320 = arith.cmpi sge, %add3A_300, %ge3A_319 : i32
          %convert_element_type3A_321 = arith.extui %ge3A_320 : i1 to i32
          %cond3A_322 = arith.constant 0 : i32
          %cond3A_323 = arith.cmpi ne, %convert_element_type3A_321, %cond3A_322 : i32
          scf.if %cond3A_323 {
            tpu.wait_dma2 semaphore(%arg41 : memref<!tpu.dma_semaphore, #tpu.memory_space<semaphore_mem>>) src(%arg31 : memref<48x144xf32, #tpu.memory_space<hbm>>) dst(%arg30 : memref<48x144xf32, #tpu.memory_space<vmem>>)
          } else {
          }
          %mul3A_324 = arith.constant 48 : i32
          %mul3A_325 = arith.muli %add3A_300, %mul3A_324 : i32
          %scan3A_326 = arith.constant 0 : i32
          %scan3A_327 = arith.constant 0 : i32
          %scan3A_328 = arith.constant 3 : i32
          %scan3A_329 = arith.addi %scan3A_327, %scan3A_328 : i32
          %scan3A_330 = arith.constant 1 : i32
          scf.for %scan3A_380 = %scan3A_327 to %scan3A_329 step %scan3A_330  : i32 {
            %mul3A_381 = arith.constant 16 : i32
            %mul3A_382 = arith.muli %scan3A_380, %mul3A_381 : i32
            %add3A_383 = arith.addi %mul3A_325, %mul3A_382 : i32
            %add3A_384 = vector.broadcast %add3A_383 : i32 to vector<16xi32>
            %add3A_385 = arith.addi %add3A_384, %iota3A : vector<16xi32>
            %gather3A = tpu.vector_load_idx %arg22[%add3A_385] : memref<2016xi32, #tpu.memory_space<vmem>>[vector<16xi32>], vector<16xi32>,
            %gather3A_386 = tpu.vector_load_idx %arg8[%gather3A] : memref<10000xi32, #tpu.memory_space<vmem>>[vector<16xi32>], vector<16xi32>,
            %add3A_387 = vector.broadcast %mul3A_57 : i32 to vector<16xi32>
            %add3A_388 = arith.addi %gather3A_386, %add3A_387 : vector<16xi32>
            %mul3A_389 = arith.constant 16 : i32
            %mul3A_390 = arith.muli %scan3A_380, %mul3A_389 : i32
            %swap3A = arith.index_cast %mul3A_390 : i32 to index
            %swap3A_391 = tpu.vector_load %arg25[%swap3A] {strides = array<i32>} : memref<48xi32, #tpu.memory_space<vmem>>, vector<16xi32>,
            tpu.vector_store %arg25[%swap3A], %add3A_388 {strides = array<i32>} : memref<48xi32, #tpu.memory_space<vmem>>, vector<16xi32>,
            %gather3A_392 = tpu.vector_load_idx %arg24[%add3A_385] : memref<2016xi32, #tpu.memory_space<vmem>>[vector<16xi32>], vector<16xi32>,
            %mul3A_393 = arith.constant 16 : i32
            %mul3A_394 = arith.muli %scan3A_380, %mul3A_393 : i32
            %swap3A_395 = arith.index_cast %mul3A_394 : i32 to index
            %swap3A_396 = tpu.vector_load %arg27[%swap3A_395] {strides = array<i32>} : memref<48xi32, #tpu.memory_space<vmem>>, vector<16xi32>,
            tpu.vector_store %arg27[%swap3A_395], %gather3A_392 {strides = array<i32>} : memref<48xi32, #tpu.memory_space<vmem>>, vector<16xi32>,
          }
          %scan3A_331 = arith.constant 3 : i32
          %dma_start3A_332 = arith.constant 0 : i32
          %dma_start3A_333 = arith.constant 0 : i32
          %dma_start3A_334 = tpu.memref_slice %arg28[%dma_start3A_332, %dma_start3A_333] : memref<48x128xf32, #tpu.memory_space<vmem>> -> memref<16x128xf32, #tpu.memory_space<vmem>>
          %dma_start3A_335 = arith.constant 0 : i32
          %dma_start3A_336 = tpu.memref_slice %arg25[%dma_start3A_335] : memref<48xi32, #tpu.memory_space<vmem>> -> memref<16xi32, #tpu.memory_space<vmem>>
          %dma_start3A_337 = arith.constant 0 : i32
          %dma_start3A_338 = arith.constant 0 : i32
          %dma_start3A_339 = tpu.memref_slice %arg2[%dma_start3A_337, %dma_start3A_338] : memref<40000x128xf32, #tpu.memory_space<hbm>> -> memref<40000x128xf32, #tpu.memory_space<hbm>>
          tpu.enqueue_indirect_dma source(%dma_start3A_339 : memref<40000x128xf32, #tpu.memory_space<hbm>>) target(%dma_start3A_334 : memref<16x128xf32, #tpu.memory_space<vmem>>) offsets(%dma_start3A_336 : memref<16xi32, #tpu.memory_space<vmem>>) semaphore(%arg38 : memref<!tpu.dma_semaphore, #tpu.memory_space<semaphore_mem>>)
          %dma_start3A_340 = arith.constant 0 : i32
          %dma_start3A_341 = arith.constant 0 : i32
          %dma_start3A_342 = tpu.memref_slice %arg29[%dma_start3A_340, %dma_start3A_341] : memref<48x128xf32, #tpu.memory_space<vmem>> -> memref<16x128xf32, #tpu.memory_space<vmem>>
          %dma_start3A_343 = arith.constant 0 : i32
          %dma_start3A_344 = tpu.memref_slice %arg27[%dma_start3A_343] : memref<48xi32, #tpu.memory_space<vmem>> -> memref<16xi32, #tpu.memory_space<vmem>>
          %dma_start3A_345 = arith.constant 0 : i32
          %dma_start3A_346 = arith.constant 0 : i32
          %dma_start3A_347 = tpu.memref_slice %arg33[%dma_start3A_345, %dma_start3A_346] : memref<2056x128xf32, #tpu.memory_space<vmem_shared>> -> memref<2056x128xf32, #tpu.memory_space<vmem_shared>>
          tpu.enqueue_indirect_dma source(%dma_start3A_347 : memref<2056x128xf32, #tpu.memory_space<vmem_shared>>) target(%dma_start3A_342 : memref<16x128xf32, #tpu.memory_space<vmem>>) offsets(%dma_start3A_344 : memref<16xi32, #tpu.memory_space<vmem>>) semaphore(%arg39 : memref<!tpu.dma_semaphore, #tpu.memory_space<semaphore_mem>>)
          %dma_start3A_348 = arith.constant 16 : i32
          %dma_start3A_349 = arith.constant 0 : i32
          %dma_start3A_350 = tpu.memref_slice %arg28[%dma_start3A_348, %dma_start3A_349] : memref<48x128xf32, #tpu.memory_space<vmem>> -> memref<16x128xf32, #tpu.memory_space<vmem>>
          %dma_start3A_351 = arith.constant 16 : i32
          %dma_start3A_352 = tpu.memref_slice %arg25[%dma_start3A_351] : memref<48xi32, #tpu.memory_space<vmem>> -> memref<16xi32, #tpu.memory_space<vmem>>
          %dma_start3A_353 = arith.constant 0 : i32
          %dma_start3A_354 = arith.constant 0 : i32
          %dma_start3A_355 = tpu.memref_slice %arg2[%dma_start3A_353, %dma_start3A_354] : memref<40000x128xf32, #tpu.memory_space<hbm>> -> memref<40000x128xf32, #tpu.memory_space<hbm>>
          tpu.enqueue_indirect_dma source(%dma_start3A_355 : memref<40000x128xf32, #tpu.memory_space<hbm>>) target(%dma_start3A_350 : memref<16x128xf32, #tpu.memory_space<vmem>>) offsets(%dma_start3A_352 : memref<16xi32, #tpu.memory_space<vmem>>) semaphore(%arg38 : memref<!tpu.dma_semaphore, #tpu.memory_space<semaphore_mem>>)
          %dma_start3A_356 = arith.constant 16 : i32
          %dma_start3A_357 = arith.constant 0 : i32
          %dma_start3A_358 = tpu.memref_slice %arg29[%dma_start3A_356, %dma_start3A_357] : memref<48x128xf32, #tpu.memory_space<vmem>> -> memref<16x128xf32, #tpu.memory_space<vmem>>
          %dma_start3A_359 = arith.constant 16 : i32
          %dma_start3A_360 = tpu.memref_slice %arg27[%dma_start3A_359] : memref<48xi32, #tpu.memory_space<vmem>> -> memref<16xi32, #tpu.memory_space<vmem>>
          %dma_start3A_361 = arith.constant 0 : i32
          %dma_start3A_362 = arith.constant 0 : i32
          %dma_start3A_363 = tpu.memref_slice %arg33[%dma_start3A_361, %dma_start3A_362] : memref<2056x128xf32, #tpu.memory_space<vmem_shared>> -> memref<2056x128xf32, #tpu.memory_space<vmem_shared>>
          tpu.enqueue_indirect_dma source(%dma_start3A_363 : memref<2056x128xf32, #tpu.memory_space<vmem_shared>>) target(%dma_start3A_358 : memref<16x128xf32, #tpu.memory_space<vmem>>) offsets(%dma_start3A_360 : memref<16xi32, #tpu.memory_space<vmem>>) semaphore(%arg39 : memref<!tpu.dma_semaphore, #tpu.memory_space<semaphore_mem>>)
          %dma_start3A_364 = arith.constant 32 : i32
          %dma_start3A_365 = arith.constant 0 : i32
          %dma_start3A_366 = tpu.memref_slice %arg28[%dma_start3A_364, %dma_start3A_365] : memref<48x128xf32, #tpu.memory_space<vmem>> -> memref<16x128xf32, #tpu.memory_space<vmem>>
          %dma_start3A_367 = arith.constant 32 : i32
          %dma_start3A_368 = tpu.memref_slice %arg25[%dma_start3A_367] : memref<48xi32, #tpu.memory_space<vmem>> -> memref<16xi32, #tpu.memory_space<vmem>>
          %dma_start3A_369 = arith.constant 0 : i32
          %dma_start3A_370 = arith.constant 0 : i32
          %dma_start3A_371 = tpu.memref_slice %arg2[%dma_start3A_369, %dma_start3A_370] : memref<40000x128xf32, #tpu.memory_space<hbm>> -> memref<40000x128xf32, #tpu.memory_space<hbm>>
          tpu.enqueue_indirect_dma source(%dma_start3A_371 : memref<40000x128xf32, #tpu.memory_space<hbm>>) target(%dma_start3A_366 : memref<16x128xf32, #tpu.memory_space<vmem>>) offsets(%dma_start3A_368 : memref<16xi32, #tpu.memory_space<vmem>>) semaphore(%arg38 : memref<!tpu.dma_semaphore, #tpu.memory_space<semaphore_mem>>)
          %dma_start3A_372 = arith.constant 32 : i32
          %dma_start3A_373 = arith.constant 0 : i32
          %dma_start3A_374 = tpu.memref_slice %arg29[%dma_start3A_372, %dma_start3A_373] : memref<48x128xf32, #tpu.memory_space<vmem>> -> memref<16x128xf32, #tpu.memory_space<vmem>>
          %dma_start3A_375 = arith.constant 32 : i32
          %dma_start3A_376 = tpu.memref_slice %arg27[%dma_start3A_375] : memref<48xi32, #tpu.memory_space<vmem>> -> memref<16xi32, #tpu.memory_space<vmem>>
          %dma_start3A_377 = arith.constant 0 : i32
          %dma_start3A_378 = arith.constant 0 : i32
          %dma_start3A_379 = tpu.memref_slice %arg33[%dma_start3A_377, %dma_start3A_378] : memref<2056x128xf32, #tpu.memory_space<vmem_shared>> -> memref<2056x128xf32, #tpu.memory_space<vmem_shared>>
          tpu.enqueue_indirect_dma source(%dma_start3A_379 : memref<2056x128xf32, #tpu.memory_space<vmem_shared>>) target(%dma_start3A_374 : memref<16x128xf32, #tpu.memory_space<vmem>>) offsets(%dma_start3A_376 : memref<16xi32, #tpu.memory_space<vmem>>) semaphore(%arg39 : memref<!tpu.dma_semaphore, #tpu.memory_space<semaphore_mem>>)
        } else {
        }
        %lt3A_305 = arith.cmpi slt, %mul3A_298, %select_n3A : i32
        %convert_element_type3A_306 = arith.extui %lt3A_305 : i1 to i32
        %cond3A_307 = arith.constant 0 : i32
        %cond3A_308 = arith.cmpi ne, %convert_element_type3A_306, %cond3A_307 : i32
        scf.if %cond3A_308 {
          %dma_wait3A_319 = arith.constant 0 : i32
          %dma_wait3A_320 = arith.constant 0 : i32
          %dma_wait3A_321 = tpu.memref_slice %arg17[%dma_wait3A_319, %dma_wait3A_320] : memref<48x128xf32, #tpu.memory_space<vmem>> -> memref<16x128xf32, #tpu.memory_space<vmem>>
          %dma_wait3A_322 = arith.constant 0 : i32
          %dma_wait3A_323 = arith.constant 0 : i32
          %dma_wait3A_324 = tpu.memref_slice %arg2[%dma_wait3A_322, %dma_wait3A_323] : memref<40000x128xf32, #tpu.memory_space<hbm>> -> memref<16x128xf32, #tpu.memory_space<hbm>>
          %dma_wait3A_325 = arith.constant 0 : i32
          %dma_wait3A_326 = arith.constant 0 : i32
          %dma_wait3A_327 = tpu.memref_slice %arg17[%dma_wait3A_325, %dma_wait3A_326] : memref<48x128xf32, #tpu.memory_space<vmem>> -> memref<16x128xf32, #tpu.memory_space<vmem>>
          %dma_wait3A_328 = arith.constant 0 : i32
          %dma_wait3A_329 = arith.constant 0 : i32
          %dma_wait3A_330 = tpu.memref_slice %arg2[%dma_wait3A_328, %dma_wait3A_329] : memref<40000x128xf32, #tpu.memory_space<hbm>> -> memref<16x128xf32, #tpu.memory_space<hbm>>
          tpu.wait_dma2 semaphore(%arg36 : memref<!tpu.dma_semaphore, #tpu.memory_space<semaphore_mem>>) src(%dma_wait3A_330 : memref<16x128xf32, #tpu.memory_space<hbm>>) dst(%dma_wait3A_327 : memref<16x128xf32, #tpu.memory_space<vmem>>)
          %dma_wait3A_331 = arith.constant 0 : i32
          %dma_wait3A_332 = arith.constant 0 : i32
          %dma_wait3A_333 = tpu.memref_slice %arg18[%dma_wait3A_331, %dma_wait3A_332] : memref<48x128xf32, #tpu.memory_space<vmem>> -> memref<16x128xf32, #tpu.memory_space<vmem>>
          %dma_wait3A_334 = arith.constant 0 : i32
          %dma_wait3A_335 = arith.constant 0 : i32
          %dma_wait3A_336 = tpu.memref_slice %arg2[%dma_wait3A_334, %dma_wait3A_335] : memref<40000x128xf32, #tpu.memory_space<hbm>> -> memref<16x128xf32, #tpu.memory_space<hbm>>
          %dma_wait3A_337 = arith.constant 0 : i32
          %dma_wait3A_338 = arith.constant 0 : i32
          %dma_wait3A_339 = tpu.memref_slice %arg18[%dma_wait3A_337, %dma_wait3A_338] : memref<48x128xf32, #tpu.memory_space<vmem>> -> memref<16x128xf32, #tpu.memory_space<vmem>>
          %dma_wait3A_340 = arith.constant 0 : i32
          %dma_wait3A_341 = arith.constant 0 : i32
          %dma_wait3A_342 = tpu.memref_slice %arg2[%dma_wait3A_340, %dma_wait3A_341] : memref<40000x128xf32, #tpu.memory_space<hbm>> -> memref<16x128xf32, #tpu.memory_space<hbm>>
          tpu.wait_dma2 semaphore(%arg37 : memref<!tpu.dma_semaphore, #tpu.memory_space<semaphore_mem>>) src(%dma_wait3A_342 : memref<16x128xf32, #tpu.memory_space<hbm>>) dst(%dma_wait3A_339 : memref<16x128xf32, #tpu.memory_space<vmem>>)
          %dma_wait3A_343 = arith.constant 16 : i32
          %dma_wait3A_344 = arith.constant 0 : i32
          %dma_wait3A_345 = tpu.memref_slice %arg17[%dma_wait3A_343, %dma_wait3A_344] : memref<48x128xf32, #tpu.memory_space<vmem>> -> memref<16x128xf32, #tpu.memory_space<vmem>>
          %dma_wait3A_346 = arith.constant 0 : i32
          %dma_wait3A_347 = arith.constant 0 : i32
          %dma_wait3A_348 = tpu.memref_slice %arg2[%dma_wait3A_346, %dma_wait3A_347] : memref<40000x128xf32, #tpu.memory_space<hbm>> -> memref<16x128xf32, #tpu.memory_space<hbm>>
          %dma_wait3A_349 = arith.constant 16 : i32
          %dma_wait3A_350 = arith.constant 0 : i32
          %dma_wait3A_351 = tpu.memref_slice %arg17[%dma_wait3A_349, %dma_wait3A_350] : memref<48x128xf32, #tpu.memory_space<vmem>> -> memref<16x128xf32, #tpu.memory_space<vmem>>
          %dma_wait3A_352 = arith.constant 0 : i32
          %dma_wait3A_353 = arith.constant 0 : i32
          %dma_wait3A_354 = tpu.memref_slice %arg2[%dma_wait3A_352, %dma_wait3A_353] : memref<40000x128xf32, #tpu.memory_space<hbm>> -> memref<16x128xf32, #tpu.memory_space<hbm>>
          tpu.wait_dma2 semaphore(%arg36 : memref<!tpu.dma_semaphore, #tpu.memory_space<semaphore_mem>>) src(%dma_wait3A_354 : memref<16x128xf32, #tpu.memory_space<hbm>>) dst(%dma_wait3A_351 : memref<16x128xf32, #tpu.memory_space<vmem>>)
          %dma_wait3A_355 = arith.constant 16 : i32
          %dma_wait3A_356 = arith.constant 0 : i32
          %dma_wait3A_357 = tpu.memref_slice %arg18[%dma_wait3A_355, %dma_wait3A_356] : memref<48x128xf32, #tpu.memory_space<vmem>> -> memref<16x128xf32, #tpu.memory_space<vmem>>
          %dma_wait3A_358 = arith.constant 0 : i32
          %dma_wait3A_359 = arith.constant 0 : i32
          %dma_wait3A_360 = tpu.memref_slice %arg2[%dma_wait3A_358, %dma_wait3A_359] : memref<40000x128xf32, #tpu.memory_space<hbm>> -> memref<16x128xf32, #tpu.memory_space<hbm>>
          %dma_wait3A_361 = arith.constant 16 : i32
          %dma_wait3A_362 = arith.constant 0 : i32
          %dma_wait3A_363 = tpu.memref_slice %arg18[%dma_wait3A_361, %dma_wait3A_362] : memref<48x128xf32, #tpu.memory_space<vmem>> -> memref<16x128xf32, #tpu.memory_space<vmem>>
          %dma_wait3A_364 = arith.constant 0 : i32
          %dma_wait3A_365 = arith.constant 0 : i32
          %dma_wait3A_366 = tpu.memref_slice %arg2[%dma_wait3A_364, %dma_wait3A_365] : memref<40000x128xf32, #tpu.memory_space<hbm>> -> memref<16x128xf32, #tpu.memory_space<hbm>>
          tpu.wait_dma2 semaphore(%arg37 : memref<!tpu.dma_semaphore, #tpu.memory_space<semaphore_mem>>) src(%dma_wait3A_366 : memref<16x128xf32, #tpu.memory_space<hbm>>) dst(%dma_wait3A_363 : memref<16x128xf32, #tpu.memory_space<vmem>>)
          %dma_wait3A_367 = arith.constant 32 : i32
          %dma_wait3A_368 = arith.constant 0 : i32
          %dma_wait3A_369 = tpu.memref_slice %arg17[%dma_wait3A_367, %dma_wait3A_368] : memref<48x128xf32, #tpu.memory_space<vmem>> -> memref<16x128xf32, #tpu.memory_space<vmem>>
          %dma_wait3A_370 = arith.constant 0 : i32
          %dma_wait3A_371 = arith.constant 0 : i32
          %dma_wait3A_372 = tpu.memref_slice %arg2[%dma_wait3A_370, %dma_wait3A_371] : memref<40000x128xf32, #tpu.memory_space<hbm>> -> memref<16x128xf32, #tpu.memory_space<hbm>>
          %dma_wait3A_373 = arith.constant 32 : i32
          %dma_wait3A_374 = arith.constant 0 : i32
          %dma_wait3A_375 = tpu.memref_slice %arg17[%dma_wait3A_373, %dma_wait3A_374] : memref<48x128xf32, #tpu.memory_space<vmem>> -> memref<16x128xf32, #tpu.memory_space<vmem>>
          %dma_wait3A_376 = arith.constant 0 : i32
          %dma_wait3A_377 = arith.constant 0 : i32
          %dma_wait3A_378 = tpu.memref_slice %arg2[%dma_wait3A_376, %dma_wait3A_377] : memref<40000x128xf32, #tpu.memory_space<hbm>> -> memref<16x128xf32, #tpu.memory_space<hbm>>
          tpu.wait_dma2 semaphore(%arg36 : memref<!tpu.dma_semaphore, #tpu.memory_space<semaphore_mem>>) src(%dma_wait3A_378 : memref<16x128xf32, #tpu.memory_space<hbm>>) dst(%dma_wait3A_375 : memref<16x128xf32, #tpu.memory_space<vmem>>)
          %dma_wait3A_379 = arith.constant 32 : i32
          %dma_wait3A_380 = arith.constant 0 : i32
          %dma_wait3A_381 = tpu.memref_slice %arg18[%dma_wait3A_379, %dma_wait3A_380] : memref<48x128xf32, #tpu.memory_space<vmem>> -> memref<16x128xf32, #tpu.memory_space<vmem>>
          %dma_wait3A_382 = arith.constant 0 : i32
          %dma_wait3A_383 = arith.constant 0 : i32
          %dma_wait3A_384 = tpu.memref_slice %arg2[%dma_wait3A_382, %dma_wait3A_383] : memref<40000x128xf32, #tpu.memory_space<hbm>> -> memref<16x128xf32, #tpu.memory_space<hbm>>
          %dma_wait3A_385 = arith.constant 32 : i32
          %dma_wait3A_386 = arith.constant 0 : i32
          %dma_wait3A_387 = tpu.memref_slice %arg18[%dma_wait3A_385, %dma_wait3A_386] : memref<48x128xf32, #tpu.memory_space<vmem>> -> memref<16x128xf32, #tpu.memory_space<vmem>>
          %dma_wait3A_388 = arith.constant 0 : i32
          %dma_wait3A_389 = arith.constant 0 : i32
          %dma_wait3A_390 = tpu.memref_slice %arg2[%dma_wait3A_388, %dma_wait3A_389] : memref<40000x128xf32, #tpu.memory_space<hbm>> -> memref<16x128xf32, #tpu.memory_space<hbm>>
          tpu.wait_dma2 semaphore(%arg37 : memref<!tpu.dma_semaphore, #tpu.memory_space<semaphore_mem>>) src(%dma_wait3A_390 : memref<16x128xf32, #tpu.memory_space<hbm>>) dst(%dma_wait3A_387 : memref<16x128xf32, #tpu.memory_space<vmem>>)
          %scan3A_391 = arith.constant 0 : i32
          %scan3A_392 = arith.constant 0 : i32
          %scan3A_393 = arith.constant 48 : i32
          %scan3A_394 = arith.addi %scan3A_392, %scan3A_393 : i32
          %scan3A_395 = arith.constant 1 : i32
          scf.for %scan3A_400 = %scan3A_392 to %scan3A_394 step %scan3A_395  : i32 {
            %add3A_401 = arith.constant 0 : i32
            %add3A_402 = arith.addi %scan3A_400, %add3A_401 : i32
            %broadcast_in_dim3A_403 = vector.broadcast %add3A_402 : i32 to vector<16xi32>
            %add3A_404 = arith.constant 0 : i32
            %add3A_405 = vector.broadcast %add3A_404 : i32 to vector<16xi32>
            %add3A_406 = arith.addi %add3A_405, %iota3A : vector<16xi32>
            %gather3A = tpu.vector_load_idx %arg17[%broadcast_in_dim3A_403, %add3A_406] : memref<48x128xf32, #tpu.memory_space<vmem>>[vector<16xi32>, vector<16xi32>], vector<16xf32>,
            %add3A_407 = arith.constant 16 : i32
            %add3A_408 = vector.broadcast %add3A_407 : i32 to vector<16xi32>
            %add3A_409 = arith.addi %add3A_408, %iota3A : vector<16xi32>
            %gather3A_410 = tpu.vector_load_idx %arg17[%broadcast_in_dim3A_403, %add3A_409] : memref<48x128xf32, #tpu.memory_space<vmem>>[vector<16xi32>, vector<16xi32>], vector<16xf32>,
            %add3A_411 = arith.constant 32 : i32
            %add3A_412 = vector.broadcast %add3A_411 : i32 to vector<16xi32>
            %add3A_413 = arith.addi %add3A_412, %iota3A : vector<16xi32>
            %gather3A_414 = tpu.vector_load_idx %arg17[%broadcast_in_dim3A_403, %add3A_413] : memref<48x128xf32, #tpu.memory_space<vmem>>[vector<16xi32>, vector<16xi32>], vector<16xf32>,
            %add3A_415 = arith.constant 48 : i32
            %add3A_416 = vector.broadcast %add3A_415 : i32 to vector<16xi32>
            %add3A_417 = arith.addi %add3A_416, %iota3A : vector<16xi32>
            %gather3A_418 = tpu.vector_load_idx %arg17[%broadcast_in_dim3A_403, %add3A_417] : memref<48x128xf32, #tpu.memory_space<vmem>>[vector<16xi32>, vector<16xi32>], vector<16xf32>,
            %add3A_419 = arith.constant 64 : i32
            %add3A_420 = vector.broadcast %add3A_419 : i32 to vector<16xi32>
            %add3A_421 = arith.addi %add3A_420, %iota3A : vector<16xi32>
            %gather3A_422 = tpu.vector_load_idx %arg17[%broadcast_in_dim3A_403, %add3A_421] : memref<48x128xf32, #tpu.memory_space<vmem>>[vector<16xi32>, vector<16xi32>], vector<16xf32>,
            %add3A_423 = arith.constant 80 : i32
            %add3A_424 = vector.broadcast %add3A_423 : i32 to vector<16xi32>
            %add3A_425 = arith.addi %add3A_424, %iota3A : vector<16xi32>
            %gather3A_426 = tpu.vector_load_idx %arg17[%broadcast_in_dim3A_403, %add3A_425] : memref<48x128xf32, #tpu.memory_space<vmem>>[vector<16xi32>, vector<16xi32>], vector<16xf32>,
            %add3A_427 = arith.constant 96 : i32
            %add3A_428 = vector.broadcast %add3A_427 : i32 to vector<16xi32>
            %add3A_429 = arith.addi %add3A_428, %iota3A : vector<16xi32>
            %gather3A_430 = tpu.vector_load_idx %arg17[%broadcast_in_dim3A_403, %add3A_429] : memref<48x128xf32, #tpu.memory_space<vmem>>[vector<16xi32>, vector<16xi32>], vector<16xf32>,
            %add3A_431 = arith.constant 112 : i32
            %add3A_432 = vector.broadcast %add3A_431 : i32 to vector<16xi32>
            %add3A_433 = arith.addi %add3A_432, %iota3A : vector<16xi32>
            %gather3A_434 = tpu.vector_load_idx %arg17[%broadcast_in_dim3A_403, %add3A_433] : memref<48x128xf32, #tpu.memory_space<vmem>>[vector<16xi32>, vector<16xi32>], vector<16xf32>,
            %add3A_435 = arith.constant 0 : i32
            %add3A_436 = vector.broadcast %add3A_435 : i32 to vector<16xi32>
            %add3A_437 = arith.addi %add3A_436, %iota3A : vector<16xi32>
            %gather3A_438 = tpu.vector_load_idx %arg18[%broadcast_in_dim3A_403, %add3A_437] : memref<48x128xf32, #tpu.memory_space<vmem>>[vector<16xi32>, vector<16xi32>], vector<16xf32>,
            %add3A_439 = arith.constant 16 : i32
            %add3A_440 = vector.broadcast %add3A_439 : i32 to vector<16xi32>
            %add3A_441 = arith.addi %add3A_440, %iota3A : vector<16xi32>
            %gather3A_442 = tpu.vector_load_idx %arg18[%broadcast_in_dim3A_403, %add3A_441] : memref<48x128xf32, #tpu.memory_space<vmem>>[vector<16xi32>, vector<16xi32>], vector<16xf32>,
            %add3A_443 = arith.constant 32 : i32
            %add3A_444 = vector.broadcast %add3A_443 : i32 to vector<16xi32>
            %add3A_445 = arith.addi %add3A_444, %iota3A : vector<16xi32>
            %gather3A_446 = tpu.vector_load_idx %arg18[%broadcast_in_dim3A_403, %add3A_445] : memref<48x128xf32, #tpu.memory_space<vmem>>[vector<16xi32>, vector<16xi32>], vector<16xf32>,
            %add3A_447 = arith.constant 48 : i32
            %add3A_448 = vector.broadcast %add3A_447 : i32 to vector<16xi32>
            %add3A_449 = arith.addi %add3A_448, %iota3A : vector<16xi32>
            %gather3A_450 = tpu.vector_load_idx %arg18[%broadcast_in_dim3A_403, %add3A_449] : memref<48x128xf32, #tpu.memory_space<vmem>>[vector<16xi32>, vector<16xi32>], vector<16xf32>,
            %add3A_451 = arith.constant 64 : i32
            %add3A_452 = vector.broadcast %add3A_451 : i32 to vector<16xi32>
            %add3A_453 = arith.addi %add3A_452, %iota3A : vector<16xi32>
            %gather3A_454 = tpu.vector_load_idx %arg18[%broadcast_in_dim3A_403, %add3A_453] : memref<48x128xf32, #tpu.memory_space<vmem>>[vector<16xi32>, vector<16xi32>], vector<16xf32>,
            %add3A_455 = arith.constant 80 : i32
            %add3A_456 = vector.broadcast %add3A_455 : i32 to vector<16xi32>
            %add3A_457 = arith.addi %add3A_456, %iota3A : vector<16xi32>
            %gather3A_458 = tpu.vector_load_idx %arg18[%broadcast_in_dim3A_403, %add3A_457] : memref<48x128xf32, #tpu.memory_space<vmem>>[vector<16xi32>, vector<16xi32>], vector<16xf32>,
            %add3A_459 = arith.constant 96 : i32
            %add3A_460 = vector.broadcast %add3A_459 : i32 to vector<16xi32>
            %add3A_461 = arith.addi %add3A_460, %iota3A : vector<16xi32>
            %gather3A_462 = tpu.vector_load_idx %arg18[%broadcast_in_dim3A_403, %add3A_461] : memref<48x128xf32, #tpu.memory_space<vmem>>[vector<16xi32>, vector<16xi32>], vector<16xf32>,
            %add3A_463 = arith.constant 112 : i32
            %add3A_464 = vector.broadcast %add3A_463 : i32 to vector<16xi32>
            %add3A_465 = arith.addi %add3A_464, %iota3A : vector<16xi32>
            %gather3A_466 = tpu.vector_load_idx %arg18[%broadcast_in_dim3A_403, %add3A_465] : memref<48x128xf32, #tpu.memory_space<vmem>>[vector<16xi32>, vector<16xi32>], vector<16xf32>,
            %broadcast_in_dim3A_467 = arith.constant 0.000000e+00 : f32
            %broadcast_in_dim3A_468 = vector.broadcast %broadcast_in_dim3A_467 : f32 to vector<16xf32>
            %mul3A_469 = arith.mulf %gather3A, %gather3A_438 : vector<16xf32>
            %mul3A_470 = arith.mulf %gather3A_410, %gather3A_442 : vector<16xf32>
            %add3A_471 = arith.addf %mul3A_469, %mul3A_470 : vector<16xf32>
            %reduce_sum3A = arith.constant true
            %reduce_sum3A_472 = vector.broadcast %reduce_sum3A : i1 to vector<16xi1>
            %reduce_sum3A_473 = tpu.scan <sum>, %add3A_471 masked %reduce_sum3A_472 : vector<16xf32>, vector<16xi1> -> vector<16xf32>
            %reduce_sum3A_474 = vector.extract %reduce_sum3A_473[15] : f32 from vector<16xf32>
            %mul3A_475 = arith.constant 2.000000e-01 : f32
            %mul3A_476 = arith.mulf %reduce_sum3A_474, %mul3A_475 : f32
            %max3A = arith.maximumf %reduce_sum3A_474, %mul3A_476 : f32
            %broadcast_in_dim3A_477 = vector.broadcast %max3A : f32 to vector<16xf32>
            %exp3A = math.exp %broadcast_in_dim3A_477 : vector<16xf32>
            %add3A_478 = arith.constant 0 : i32
            %add3A_479 = vector.broadcast %add3A_478 : i32 to vector<16xi32>
            %add3A_480 = arith.addi %add3A_479, %iota3A : vector<16xi32>
            %mul3A_481 = arith.mulf %gather3A, %exp3A : vector<16xf32>
            tpu.vector_store_idx %arg19[%broadcast_in_dim3A_403, %add3A_480], %mul3A_481 : memref<48x144xf32, #tpu.memory_space<vmem>>[vector<16xi32>, vector<16xi32>], vector<16xf32>,
            %add3A_482 = arith.constant 16 : i32
            %add3A_483 = vector.broadcast %add3A_482 : i32 to vector<16xi32>
            %add3A_484 = arith.addi %add3A_483, %iota3A : vector<16xi32>
            %mul3A_485 = arith.mulf %gather3A_410, %exp3A : vector<16xf32>
            tpu.vector_store_idx %arg19[%broadcast_in_dim3A_403, %add3A_484], %mul3A_485 : memref<48x144xf32, #tpu.memory_space<vmem>>[vector<16xi32>, vector<16xi32>], vector<16xf32>,
            %mul3A_486 = arith.mulf %exp3A, %convert_element_type3A_3 : vector<16xf32>
            %add3A_487 = arith.addf %broadcast_in_dim3A_468, %mul3A_486 : vector<16xf32>
            %mul3A_488 = arith.mulf %gather3A_414, %gather3A_446 : vector<16xf32>
            %mul3A_489 = arith.mulf %gather3A_418, %gather3A_450 : vector<16xf32>
            %add3A_490 = arith.addf %mul3A_488, %mul3A_489 : vector<16xf32>
            %reduce_sum3A_491 = arith.constant true
            %reduce_sum3A_492 = vector.broadcast %reduce_sum3A_491 : i1 to vector<16xi1>
            %reduce_sum3A_493 = tpu.scan <sum>, %add3A_490 masked %reduce_sum3A_492 : vector<16xf32>, vector<16xi1> -> vector<16xf32>
            %reduce_sum3A_494 = vector.extract %reduce_sum3A_493[15] : f32 from vector<16xf32>
            %mul3A_495 = arith.constant 2.000000e-01 : f32
            %mul3A_496 = arith.mulf %reduce_sum3A_494, %mul3A_495 : f32
            %max3A_497 = arith.maximumf %reduce_sum3A_494, %mul3A_496 : f32
            %broadcast_in_dim3A_498 = vector.broadcast %max3A_497 : f32 to vector<16xf32>
            %exp3A_499 = math.exp %broadcast_in_dim3A_498 : vector<16xf32>
            %add3A_500 = arith.constant 32 : i32
            %add3A_501 = vector.broadcast %add3A_500 : i32 to vector<16xi32>
            %add3A_502 = arith.addi %add3A_501, %iota3A : vector<16xi32>
            %mul3A_503 = arith.mulf %gather3A_414, %exp3A_499 : vector<16xf32>
            tpu.vector_store_idx %arg19[%broadcast_in_dim3A_403, %add3A_502], %mul3A_503 : memref<48x144xf32, #tpu.memory_space<vmem>>[vector<16xi32>, vector<16xi32>], vector<16xf32>,
            %add3A_504 = arith.constant 48 : i32
            %add3A_505 = vector.broadcast %add3A_504 : i32 to vector<16xi32>
            %add3A_506 = arith.addi %add3A_505, %iota3A : vector<16xi32>
            %mul3A_507 = arith.mulf %gather3A_418, %exp3A_499 : vector<16xf32>
            tpu.vector_store_idx %arg19[%broadcast_in_dim3A_403, %add3A_506], %mul3A_507 : memref<48x144xf32, #tpu.memory_space<vmem>>[vector<16xi32>, vector<16xi32>], vector<16xf32>,
            %mul3A_508 = arith.mulf %exp3A_499, %convert_element_type3A_8 : vector<16xf32>
            %add3A_509 = arith.addf %add3A_487, %mul3A_508 : vector<16xf32>
            %mul3A_510 = arith.mulf %gather3A_422, %gather3A_454 : vector<16xf32>
            %mul3A_511 = arith.mulf %gather3A_426, %gather3A_458 : vector<16xf32>
            %add3A_512 = arith.addf %mul3A_510, %mul3A_511 : vector<16xf32>
            %reduce_sum3A_513 = arith.constant true
            %reduce_sum3A_514 = vector.broadcast %reduce_sum3A_513 : i1 to vector<16xi1>
            %reduce_sum3A_515 = tpu.scan <sum>, %add3A_512 masked %reduce_sum3A_514 : vector<16xf32>, vector<16xi1> -> vector<16xf32>
            %reduce_sum3A_516 = vector.extract %reduce_sum3A_515[15] : f32 from vector<16xf32>
            %mul3A_517 = arith.constant 2.000000e-01 : f32
            %mul3A_518 = arith.mulf %reduce_sum3A_516, %mul3A_517 : f32
            %max3A_519 = arith.maximumf %reduce_sum3A_516, %mul3A_518 : f32
            %broadcast_in_dim3A_520 = vector.broadcast %max3A_519 : f32 to vector<16xf32>
            %exp3A_521 = math.exp %broadcast_in_dim3A_520 : vector<16xf32>
            %add3A_522 = arith.constant 64 : i32
            %add3A_523 = vector.broadcast %add3A_522 : i32 to vector<16xi32>
            %add3A_524 = arith.addi %add3A_523, %iota3A : vector<16xi32>
            %mul3A_525 = arith.mulf %gather3A_422, %exp3A_521 : vector<16xf32>
            tpu.vector_store_idx %arg19[%broadcast_in_dim3A_403, %add3A_524], %mul3A_525 : memref<48x144xf32, #tpu.memory_space<vmem>>[vector<16xi32>, vector<16xi32>], vector<16xf32>,
            %add3A_526 = arith.constant 80 : i32
            %add3A_527 = vector.broadcast %add3A_526 : i32 to vector<16xi32>
            %add3A_528 = arith.addi %add3A_527, %iota3A : vector<16xi32>
            %mul3A_529 = arith.mulf %gather3A_426, %exp3A_521 : vector<16xf32>
            tpu.vector_store_idx %arg19[%broadcast_in_dim3A_403, %add3A_528], %mul3A_529 : memref<48x144xf32, #tpu.memory_space<vmem>>[vector<16xi32>, vector<16xi32>], vector<16xf32>,
            %mul3A_530 = arith.mulf %exp3A_521, %convert_element_type3A_13 : vector<16xf32>
            %add3A_531 = arith.addf %add3A_509, %mul3A_530 : vector<16xf32>
            %mul3A_532 = arith.mulf %gather3A_430, %gather3A_462 : vector<16xf32>
            %mul3A_533 = arith.mulf %gather3A_434, %gather3A_466 : vector<16xf32>
            %add3A_534 = arith.addf %mul3A_532, %mul3A_533 : vector<16xf32>
            %reduce_sum3A_535 = arith.constant true
            %reduce_sum3A_536 = vector.broadcast %reduce_sum3A_535 : i1 to vector<16xi1>
            %reduce_sum3A_537 = tpu.scan <sum>, %add3A_534 masked %reduce_sum3A_536 : vector<16xf32>, vector<16xi1> -> vector<16xf32>
            %reduce_sum3A_538 = vector.extract %reduce_sum3A_537[15] : f32 from vector<16xf32>
            %mul3A_539 = arith.constant 2.000000e-01 : f32
            %mul3A_540 = arith.mulf %reduce_sum3A_538, %mul3A_539 : f32
            %max3A_541 = arith.maximumf %reduce_sum3A_538, %mul3A_540 : f32
            %broadcast_in_dim3A_542 = vector.broadcast %max3A_541 : f32 to vector<16xf32>
            %exp3A_543 = math.exp %broadcast_in_dim3A_542 : vector<16xf32>
            %add3A_544 = arith.constant 96 : i32
            %add3A_545 = vector.broadcast %add3A_544 : i32 to vector<16xi32>
            %add3A_546 = arith.addi %add3A_545, %iota3A : vector<16xi32>
            %mul3A_547 = arith.mulf %gather3A_430, %exp3A_543 : vector<16xf32>
            tpu.vector_store_idx %arg19[%broadcast_in_dim3A_403, %add3A_546], %mul3A_547 : memref<48x144xf32, #tpu.memory_space<vmem>>[vector<16xi32>, vector<16xi32>], vector<16xf32>,
            %add3A_548 = arith.constant 112 : i32
            %add3A_549 = vector.broadcast %add3A_548 : i32 to vector<16xi32>
            %add3A_550 = arith.addi %add3A_549, %iota3A : vector<16xi32>
            %mul3A_551 = arith.mulf %gather3A_434, %exp3A_543 : vector<16xf32>
            tpu.vector_store_idx %arg19[%broadcast_in_dim3A_403, %add3A_550], %mul3A_551 : memref<48x144xf32, #tpu.memory_space<vmem>>[vector<16xi32>, vector<16xi32>], vector<16xf32>,
            %mul3A_552 = arith.mulf %exp3A_543, %convert_element_type3A_18 : vector<16xf32>
            %add3A_553 = arith.addf %add3A_531, %mul3A_552 : vector<16xf32>
            %add3A_554 = arith.constant 128 : i32
            %add3A_555 = vector.broadcast %add3A_554 : i32 to vector<16xi32>
            %add3A_556 = arith.addi %add3A_555, %iota3A : vector<16xi32>
            tpu.vector_store_idx %arg19[%broadcast_in_dim3A_403, %add3A_556], %add3A_553 : memref<48x144xf32, #tpu.memory_space<vmem>>[vector<16xi32>, vector<16xi32>], vector<16xf32>,
          }
          %scan3A_396 = arith.constant 48 : i32
          %dma_start3A_397 = arith.constant 0 : i32
          %dma_start3A_398 = arith.constant 0 : i32
          %dma_start3A_399 = tpu.memref_slice %arg32[%dma_start3A_397, %dma_start3A_398] : memref<2056x144xf32, #tpu.memory_space<vmem_shared>> -> memref<2056x144xf32, #tpu.memory_space<vmem_shared>>
          tpu.enqueue_indirect_dma source(%arg19 : memref<48x144xf32, #tpu.memory_space<vmem>>) target(%dma_start3A_399 : memref<2056x144xf32, #tpu.memory_space<vmem_shared>>) offsets(%arg15 : memref<48xi32, #tpu.memory_space<vmem>>) semaphore(%arg40 : memref<!tpu.dma_semaphore, #tpu.memory_space<semaphore_mem>>) {add = true}
        } else {
        }
        %add3A_309 = arith.constant 1 : i32
        %add3A_310 = arith.addi %add3A_300, %add3A_309 : i32
        %lt3A_311 = arith.cmpi slt, %add3A_310, %select_n3A : i32
        %convert_element_type3A_312 = arith.extui %lt3A_311 : i1 to i32
        %cond3A_313 = arith.constant 0 : i32
        %cond3A_314 = arith.cmpi ne, %convert_element_type3A_312, %cond3A_313 : i32
        scf.if %cond3A_314 {
          %add3A_319 = arith.constant 1 : i32
          %add3A_320 = arith.addi %add3A_300, %add3A_319 : i32
          %ge3A_321 = arith.constant 2 : i32
          %ge3A_322 = arith.cmpi sge, %add3A_320, %ge3A_321 : i32
          %convert_element_type3A_323 = arith.extui %ge3A_322 : i1 to i32
          %cond3A_324 = arith.constant 0 : i32
          %cond3A_325 = arith.cmpi ne, %convert_element_type3A_323, %cond3A_324 : i32
          scf.if %cond3A_325 {
            tpu.wait_dma2 semaphore(%arg40 : memref<!tpu.dma_semaphore, #tpu.memory_space<semaphore_mem>>) src(%arg31 : memref<48x144xf32, #tpu.memory_space<hbm>>) dst(%arg19 : memref<48x144xf32, #tpu.memory_space<vmem>>)
          } else {
          }
          %mul3A_326 = arith.constant 48 : i32
          %mul3A_327 = arith.muli %add3A_320, %mul3A_326 : i32
          %scan3A_328 = arith.constant 0 : i32
          %scan3A_329 = arith.constant 0 : i32
          %scan3A_330 = arith.constant 3 : i32
          %scan3A_331 = arith.addi %scan3A_329, %scan3A_330 : i32
          %scan3A_332 = arith.constant 1 : i32
          scf.for %scan3A_382 = %scan3A_329 to %scan3A_331 step %scan3A_332  : i32 {
            %mul3A_383 = arith.constant 16 : i32
            %mul3A_384 = arith.muli %scan3A_382, %mul3A_383 : i32
            %add3A_385 = arith.addi %mul3A_327, %mul3A_384 : i32
            %add3A_386 = vector.broadcast %add3A_385 : i32 to vector<16xi32>
            %add3A_387 = arith.addi %add3A_386, %iota3A : vector<16xi32>
            %gather3A = tpu.vector_load_idx %arg22[%add3A_387] : memref<2016xi32, #tpu.memory_space<vmem>>[vector<16xi32>], vector<16xi32>,
            %gather3A_388 = tpu.vector_load_idx %arg8[%gather3A] : memref<10000xi32, #tpu.memory_space<vmem>>[vector<16xi32>], vector<16xi32>,
            %add3A_389 = vector.broadcast %mul3A_57 : i32 to vector<16xi32>
            %add3A_390 = arith.addi %gather3A_388, %add3A_389 : vector<16xi32>
            %mul3A_391 = arith.constant 16 : i32
            %mul3A_392 = arith.muli %scan3A_382, %mul3A_391 : i32
            %swap3A = arith.index_cast %mul3A_392 : i32 to index
            %swap3A_393 = tpu.vector_load %arg13[%swap3A] {strides = array<i32>} : memref<48xi32, #tpu.memory_space<vmem>>, vector<16xi32>,
            tpu.vector_store %arg13[%swap3A], %add3A_390 {strides = array<i32>} : memref<48xi32, #tpu.memory_space<vmem>>, vector<16xi32>,
            %gather3A_394 = tpu.vector_load_idx %arg24[%add3A_387] : memref<2016xi32, #tpu.memory_space<vmem>>[vector<16xi32>], vector<16xi32>,
            %mul3A_395 = arith.constant 16 : i32
            %mul3A_396 = arith.muli %scan3A_382, %mul3A_395 : i32
            %swap3A_397 = arith.index_cast %mul3A_396 : i32 to index
            %swap3A_398 = tpu.vector_load %arg15[%swap3A_397] {strides = array<i32>} : memref<48xi32, #tpu.memory_space<vmem>>, vector<16xi32>,
            tpu.vector_store %arg15[%swap3A_397], %gather3A_394 {strides = array<i32>} : memref<48xi32, #tpu.memory_space<vmem>>, vector<16xi32>,
          }
          %scan3A_333 = arith.constant 3 : i32
          %dma_start3A_334 = arith.constant 0 : i32
          %dma_start3A_335 = arith.constant 0 : i32
          %dma_start3A_336 = tpu.memref_slice %arg17[%dma_start3A_334, %dma_start3A_335] : memref<48x128xf32, #tpu.memory_space<vmem>> -> memref<16x128xf32, #tpu.memory_space<vmem>>
          %dma_start3A_337 = arith.constant 0 : i32
          %dma_start3A_338 = tpu.memref_slice %arg13[%dma_start3A_337] : memref<48xi32, #tpu.memory_space<vmem>> -> memref<16xi32, #tpu.memory_space<vmem>>
          %dma_start3A_339 = arith.constant 0 : i32
          %dma_start3A_340 = arith.constant 0 : i32
          %dma_start3A_341 = tpu.memref_slice %arg2[%dma_start3A_339, %dma_start3A_340] : memref<40000x128xf32, #tpu.memory_space<hbm>> -> memref<40000x128xf32, #tpu.memory_space<hbm>>
          tpu.enqueue_indirect_dma source(%dma_start3A_341 : memref<40000x128xf32, #tpu.memory_space<hbm>>) target(%dma_start3A_336 : memref<16x128xf32, #tpu.memory_space<vmem>>) offsets(%dma_start3A_338 : memref<16xi32, #tpu.memory_space<vmem>>) semaphore(%arg36 : memref<!tpu.dma_semaphore, #tpu.memory_space<semaphore_mem>>)
          %dma_start3A_342 = arith.constant 0 : i32
          %dma_start3A_343 = arith.constant 0 : i32
          %dma_start3A_344 = tpu.memref_slice %arg18[%dma_start3A_342, %dma_start3A_343] : memref<48x128xf32, #tpu.memory_space<vmem>> -> memref<16x128xf32, #tpu.memory_space<vmem>>
          %dma_start3A_345 = arith.constant 0 : i32
          %dma_start3A_346 = tpu.memref_slice %arg15[%dma_start3A_345] : memref<48xi32, #tpu.memory_space<vmem>> -> memref<16xi32, #tpu.memory_space<vmem>>
          %dma_start3A_347 = arith.constant 0 : i32
          %dma_start3A_348 = arith.constant 0 : i32
          %dma_start3A_349 = tpu.memref_slice %arg33[%dma_start3A_347, %dma_start3A_348] : memref<2056x128xf32, #tpu.memory_space<vmem_shared>> -> memref<2056x128xf32, #tpu.memory_space<vmem_shared>>
          tpu.enqueue_indirect_dma source(%dma_start3A_349 : memref<2056x128xf32, #tpu.memory_space<vmem_shared>>) target(%dma_start3A_344 : memref<16x128xf32, #tpu.memory_space<vmem>>) offsets(%dma_start3A_346 : memref<16xi32, #tpu.memory_space<vmem>>) semaphore(%arg37 : memref<!tpu.dma_semaphore, #tpu.memory_space<semaphore_mem>>)
          %dma_start3A_350 = arith.constant 16 : i32
          %dma_start3A_351 = arith.constant 0 : i32
          %dma_start3A_352 = tpu.memref_slice %arg17[%dma_start3A_350, %dma_start3A_351] : memref<48x128xf32, #tpu.memory_space<vmem>> -> memref<16x128xf32, #tpu.memory_space<vmem>>
          %dma_start3A_353 = arith.constant 16 : i32
          %dma_start3A_354 = tpu.memref_slice %arg13[%dma_start3A_353] : memref<48xi32, #tpu.memory_space<vmem>> -> memref<16xi32, #tpu.memory_space<vmem>>
          %dma_start3A_355 = arith.constant 0 : i32
          %dma_start3A_356 = arith.constant 0 : i32
          %dma_start3A_357 = tpu.memref_slice %arg2[%dma_start3A_355, %dma_start3A_356] : memref<40000x128xf32, #tpu.memory_space<hbm>> -> memref<40000x128xf32, #tpu.memory_space<hbm>>
          tpu.enqueue_indirect_dma source(%dma_start3A_357 : memref<40000x128xf32, #tpu.memory_space<hbm>>) target(%dma_start3A_352 : memref<16x128xf32, #tpu.memory_space<vmem>>) offsets(%dma_start3A_354 : memref<16xi32, #tpu.memory_space<vmem>>) semaphore(%arg36 : memref<!tpu.dma_semaphore, #tpu.memory_space<semaphore_mem>>)
          %dma_start3A_358 = arith.constant 16 : i32
          %dma_start3A_359 = arith.constant 0 : i32
          %dma_start3A_360 = tpu.memref_slice %arg18[%dma_start3A_358, %dma_start3A_359] : memref<48x128xf32, #tpu.memory_space<vmem>> -> memref<16x128xf32, #tpu.memory_space<vmem>>
          %dma_start3A_361 = arith.constant 16 : i32
          %dma_start3A_362 = tpu.memref_slice %arg15[%dma_start3A_361] : memref<48xi32, #tpu.memory_space<vmem>> -> memref<16xi32, #tpu.memory_space<vmem>>
          %dma_start3A_363 = arith.constant 0 : i32
          %dma_start3A_364 = arith.constant 0 : i32
          %dma_start3A_365 = tpu.memref_slice %arg33[%dma_start3A_363, %dma_start3A_364] : memref<2056x128xf32, #tpu.memory_space<vmem_shared>> -> memref<2056x128xf32, #tpu.memory_space<vmem_shared>>
          tpu.enqueue_indirect_dma source(%dma_start3A_365 : memref<2056x128xf32, #tpu.memory_space<vmem_shared>>) target(%dma_start3A_360 : memref<16x128xf32, #tpu.memory_space<vmem>>) offsets(%dma_start3A_362 : memref<16xi32, #tpu.memory_space<vmem>>) semaphore(%arg37 : memref<!tpu.dma_semaphore, #tpu.memory_space<semaphore_mem>>)
          %dma_start3A_366 = arith.constant 32 : i32
          %dma_start3A_367 = arith.constant 0 : i32
          %dma_start3A_368 = tpu.memref_slice %arg17[%dma_start3A_366, %dma_start3A_367] : memref<48x128xf32, #tpu.memory_space<vmem>> -> memref<16x128xf32, #tpu.memory_space<vmem>>
          %dma_start3A_369 = arith.constant 32 : i32
          %dma_start3A_370 = tpu.memref_slice %arg13[%dma_start3A_369] : memref<48xi32, #tpu.memory_space<vmem>> -> memref<16xi32, #tpu.memory_space<vmem>>
          %dma_start3A_371 = arith.constant 0 : i32
          %dma_start3A_372 = arith.constant 0 : i32
          %dma_start3A_373 = tpu.memref_slice %arg2[%dma_start3A_371, %dma_start3A_372] : memref<40000x128xf32, #tpu.memory_space<hbm>> -> memref<40000x128xf32, #tpu.memory_space<hbm>>
          tpu.enqueue_indirect_dma source(%dma_start3A_373 : memref<40000x128xf32, #tpu.memory_space<hbm>>) target(%dma_start3A_368 : memref<16x128xf32, #tpu.memory_space<vmem>>) offsets(%dma_start3A_370 : memref<16xi32, #tpu.memory_space<vmem>>) semaphore(%arg36 : memref<!tpu.dma_semaphore, #tpu.memory_space<semaphore_mem>>)
          %dma_start3A_374 = arith.constant 32 : i32
          %dma_start3A_375 = arith.constant 0 : i32
          %dma_start3A_376 = tpu.memref_slice %arg18[%dma_start3A_374, %dma_start3A_375] : memref<48x128xf32, #tpu.memory_space<vmem>> -> memref<16x128xf32, #tpu.memory_space<vmem>>
          %dma_start3A_377 = arith.constant 32 : i32
          %dma_start3A_378 = tpu.memref_slice %arg15[%dma_start3A_377] : memref<48xi32, #tpu.memory_space<vmem>> -> memref<16xi32, #tpu.memory_space<vmem>>
          %dma_start3A_379 = arith.constant 0 : i32
          %dma_start3A_380 = arith.constant 0 : i32
          %dma_start3A_381 = tpu.memref_slice %arg33[%dma_start3A_379, %dma_start3A_380] : memref<2056x128xf32, #tpu.memory_space<vmem_shared>> -> memref<2056x128xf32, #tpu.memory_space<vmem_shared>>
          tpu.enqueue_indirect_dma source(%dma_start3A_381 : memref<2056x128xf32, #tpu.memory_space<vmem_shared>>) target(%dma_start3A_376 : memref<16x128xf32, #tpu.memory_space<vmem>>) offsets(%dma_start3A_378 : memref<16xi32, #tpu.memory_space<vmem>>) semaphore(%arg37 : memref<!tpu.dma_semaphore, #tpu.memory_space<semaphore_mem>>)
        } else {
        }
        %lt3A_315 = arith.cmpi slt, %add3A_300, %select_n3A : i32
        %convert_element_type3A_316 = arith.extui %lt3A_315 : i1 to i32
        %cond3A_317 = arith.constant 0 : i32
        %cond3A_318 = arith.cmpi ne, %convert_element_type3A_316, %cond3A_317 : i32
        scf.if %cond3A_318 {
          %dma_wait3A_319 = arith.constant 0 : i32
          %dma_wait3A_320 = arith.constant 0 : i32
          %dma_wait3A_321 = tpu.memref_slice %arg28[%dma_wait3A_319, %dma_wait3A_320] : memref<48x128xf32, #tpu.memory_space<vmem>> -> memref<16x128xf32, #tpu.memory_space<vmem>>
          %dma_wait3A_322 = arith.constant 0 : i32
          %dma_wait3A_323 = arith.constant 0 : i32
          %dma_wait3A_324 = tpu.memref_slice %arg2[%dma_wait3A_322, %dma_wait3A_323] : memref<40000x128xf32, #tpu.memory_space<hbm>> -> memref<16x128xf32, #tpu.memory_space<hbm>>
          %dma_wait3A_325 = arith.constant 0 : i32
          %dma_wait3A_326 = arith.constant 0 : i32
          %dma_wait3A_327 = tpu.memref_slice %arg28[%dma_wait3A_325, %dma_wait3A_326] : memref<48x128xf32, #tpu.memory_space<vmem>> -> memref<16x128xf32, #tpu.memory_space<vmem>>
          %dma_wait3A_328 = arith.constant 0 : i32
          %dma_wait3A_329 = arith.constant 0 : i32
          %dma_wait3A_330 = tpu.memref_slice %arg2[%dma_wait3A_328, %dma_wait3A_329] : memref<40000x128xf32, #tpu.memory_space<hbm>> -> memref<16x128xf32, #tpu.memory_space<hbm>>
          tpu.wait_dma2 semaphore(%arg38 : memref<!tpu.dma_semaphore, #tpu.memory_space<semaphore_mem>>) src(%dma_wait3A_330 : memref<16x128xf32, #tpu.memory_space<hbm>>) dst(%dma_wait3A_327 : memref<16x128xf32, #tpu.memory_space<vmem>>)
          %dma_wait3A_331 = arith.constant 0 : i32
          %dma_wait3A_332 = arith.constant 0 : i32
          %dma_wait3A_333 = tpu.memref_slice %arg29[%dma_wait3A_331, %dma_wait3A_332] : memref<48x128xf32, #tpu.memory_space<vmem>> -> memref<16x128xf32, #tpu.memory_space<vmem>>
          %dma_wait3A_334 = arith.constant 0 : i32
          %dma_wait3A_335 = arith.constant 0 : i32
          %dma_wait3A_336 = tpu.memref_slice %arg2[%dma_wait3A_334, %dma_wait3A_335] : memref<40000x128xf32, #tpu.memory_space<hbm>> -> memref<16x128xf32, #tpu.memory_space<hbm>>
          %dma_wait3A_337 = arith.constant 0 : i32
          %dma_wait3A_338 = arith.constant 0 : i32
          %dma_wait3A_339 = tpu.memref_slice %arg29[%dma_wait3A_337, %dma_wait3A_338] : memref<48x128xf32, #tpu.memory_space<vmem>> -> memref<16x128xf32, #tpu.memory_space<vmem>>
          %dma_wait3A_340 = arith.constant 0 : i32
          %dma_wait3A_341 = arith.constant 0 : i32
          %dma_wait3A_342 = tpu.memref_slice %arg2[%dma_wait3A_340, %dma_wait3A_341] : memref<40000x128xf32, #tpu.memory_space<hbm>> -> memref<16x128xf32, #tpu.memory_space<hbm>>
          tpu.wait_dma2 semaphore(%arg39 : memref<!tpu.dma_semaphore, #tpu.memory_space<semaphore_mem>>) src(%dma_wait3A_342 : memref<16x128xf32, #tpu.memory_space<hbm>>) dst(%dma_wait3A_339 : memref<16x128xf32, #tpu.memory_space<vmem>>)
          %dma_wait3A_343 = arith.constant 16 : i32
          %dma_wait3A_344 = arith.constant 0 : i32
          %dma_wait3A_345 = tpu.memref_slice %arg28[%dma_wait3A_343, %dma_wait3A_344] : memref<48x128xf32, #tpu.memory_space<vmem>> -> memref<16x128xf32, #tpu.memory_space<vmem>>
          %dma_wait3A_346 = arith.constant 0 : i32
          %dma_wait3A_347 = arith.constant 0 : i32
          %dma_wait3A_348 = tpu.memref_slice %arg2[%dma_wait3A_346, %dma_wait3A_347] : memref<40000x128xf32, #tpu.memory_space<hbm>> -> memref<16x128xf32, #tpu.memory_space<hbm>>
          %dma_wait3A_349 = arith.constant 16 : i32
          %dma_wait3A_350 = arith.constant 0 : i32
          %dma_wait3A_351 = tpu.memref_slice %arg28[%dma_wait3A_349, %dma_wait3A_350] : memref<48x128xf32, #tpu.memory_space<vmem>> -> memref<16x128xf32, #tpu.memory_space<vmem>>
          %dma_wait3A_352 = arith.constant 0 : i32
          %dma_wait3A_353 = arith.constant 0 : i32
          %dma_wait3A_354 = tpu.memref_slice %arg2[%dma_wait3A_352, %dma_wait3A_353] : memref<40000x128xf32, #tpu.memory_space<hbm>> -> memref<16x128xf32, #tpu.memory_space<hbm>>
          tpu.wait_dma2 semaphore(%arg38 : memref<!tpu.dma_semaphore, #tpu.memory_space<semaphore_mem>>) src(%dma_wait3A_354 : memref<16x128xf32, #tpu.memory_space<hbm>>) dst(%dma_wait3A_351 : memref<16x128xf32, #tpu.memory_space<vmem>>)
          %dma_wait3A_355 = arith.constant 16 : i32
          %dma_wait3A_356 = arith.constant 0 : i32
          %dma_wait3A_357 = tpu.memref_slice %arg29[%dma_wait3A_355, %dma_wait3A_356] : memref<48x128xf32, #tpu.memory_space<vmem>> -> memref<16x128xf32, #tpu.memory_space<vmem>>
          %dma_wait3A_358 = arith.constant 0 : i32
          %dma_wait3A_359 = arith.constant 0 : i32
          %dma_wait3A_360 = tpu.memref_slice %arg2[%dma_wait3A_358, %dma_wait3A_359] : memref<40000x128xf32, #tpu.memory_space<hbm>> -> memref<16x128xf32, #tpu.memory_space<hbm>>
          %dma_wait3A_361 = arith.constant 16 : i32
          %dma_wait3A_362 = arith.constant 0 : i32
          %dma_wait3A_363 = tpu.memref_slice %arg29[%dma_wait3A_361, %dma_wait3A_362] : memref<48x128xf32, #tpu.memory_space<vmem>> -> memref<16x128xf32, #tpu.memory_space<vmem>>
          %dma_wait3A_364 = arith.constant 0 : i32
          %dma_wait3A_365 = arith.constant 0 : i32
          %dma_wait3A_366 = tpu.memref_slice %arg2[%dma_wait3A_364, %dma_wait3A_365] : memref<40000x128xf32, #tpu.memory_space<hbm>> -> memref<16x128xf32, #tpu.memory_space<hbm>>
          tpu.wait_dma2 semaphore(%arg39 : memref<!tpu.dma_semaphore, #tpu.memory_space<semaphore_mem>>) src(%dma_wait3A_366 : memref<16x128xf32, #tpu.memory_space<hbm>>) dst(%dma_wait3A_363 : memref<16x128xf32, #tpu.memory_space<vmem>>)
          %dma_wait3A_367 = arith.constant 32 : i32
          %dma_wait3A_368 = arith.constant 0 : i32
          %dma_wait3A_369 = tpu.memref_slice %arg28[%dma_wait3A_367, %dma_wait3A_368] : memref<48x128xf32, #tpu.memory_space<vmem>> -> memref<16x128xf32, #tpu.memory_space<vmem>>
          %dma_wait3A_370 = arith.constant 0 : i32
          %dma_wait3A_371 = arith.constant 0 : i32
          %dma_wait3A_372 = tpu.memref_slice %arg2[%dma_wait3A_370, %dma_wait3A_371] : memref<40000x128xf32, #tpu.memory_space<hbm>> -> memref<16x128xf32, #tpu.memory_space<hbm>>
          %dma_wait3A_373 = arith.constant 32 : i32
          %dma_wait3A_374 = arith.constant 0 : i32
          %dma_wait3A_375 = tpu.memref_slice %arg28[%dma_wait3A_373, %dma_wait3A_374] : memref<48x128xf32, #tpu.memory_space<vmem>> -> memref<16x128xf32, #tpu.memory_space<vmem>>
          %dma_wait3A_376 = arith.constant 0 : i32
          %dma_wait3A_377 = arith.constant 0 : i32
          %dma_wait3A_378 = tpu.memref_slice %arg2[%dma_wait3A_376, %dma_wait3A_377] : memref<40000x128xf32, #tpu.memory_space<hbm>> -> memref<16x128xf32, #tpu.memory_space<hbm>>
          tpu.wait_dma2 semaphore(%arg38 : memref<!tpu.dma_semaphore, #tpu.memory_space<semaphore_mem>>) src(%dma_wait3A_378 : memref<16x128xf32, #tpu.memory_space<hbm>>) dst(%dma_wait3A_375 : memref<16x128xf32, #tpu.memory_space<vmem>>)
          %dma_wait3A_379 = arith.constant 32 : i32
          %dma_wait3A_380 = arith.constant 0 : i32
          %dma_wait3A_381 = tpu.memref_slice %arg29[%dma_wait3A_379, %dma_wait3A_380] : memref<48x128xf32, #tpu.memory_space<vmem>> -> memref<16x128xf32, #tpu.memory_space<vmem>>
          %dma_wait3A_382 = arith.constant 0 : i32
          %dma_wait3A_383 = arith.constant 0 : i32
          %dma_wait3A_384 = tpu.memref_slice %arg2[%dma_wait3A_382, %dma_wait3A_383] : memref<40000x128xf32, #tpu.memory_space<hbm>> -> memref<16x128xf32, #tpu.memory_space<hbm>>
          %dma_wait3A_385 = arith.constant 32 : i32
          %dma_wait3A_386 = arith.constant 0 : i32
          %dma_wait3A_387 = tpu.memref_slice %arg29[%dma_wait3A_385, %dma_wait3A_386] : memref<48x128xf32, #tpu.memory_space<vmem>> -> memref<16x128xf32, #tpu.memory_space<vmem>>
          %dma_wait3A_388 = arith.constant 0 : i32
          %dma_wait3A_389 = arith.constant 0 : i32
          %dma_wait3A_390 = tpu.memref_slice %arg2[%dma_wait3A_388, %dma_wait3A_389] : memref<40000x128xf32, #tpu.memory_space<hbm>> -> memref<16x128xf32, #tpu.memory_space<hbm>>
          tpu.wait_dma2 semaphore(%arg39 : memref<!tpu.dma_semaphore, #tpu.memory_space<semaphore_mem>>) src(%dma_wait3A_390 : memref<16x128xf32, #tpu.memory_space<hbm>>) dst(%dma_wait3A_387 : memref<16x128xf32, #tpu.memory_space<vmem>>)
          %scan3A_391 = arith.constant 0 : i32
          %scan3A_392 = arith.constant 0 : i32
          %scan3A_393 = arith.constant 48 : i32
          %scan3A_394 = arith.addi %scan3A_392, %scan3A_393 : i32
          %scan3A_395 = arith.constant 1 : i32
          scf.for %scan3A_400 = %scan3A_392 to %scan3A_394 step %scan3A_395  : i32 {
            %add3A_401 = arith.constant 0 : i32
            %add3A_402 = arith.addi %scan3A_400, %add3A_401 : i32
            %broadcast_in_dim3A_403 = vector.broadcast %add3A_402 : i32 to vector<16xi32>
            %add3A_404 = arith.constant 0 : i32
            %add3A_405 = vector.broadcast %add3A_404 : i32 to vector<16xi32>
            %add3A_406 = arith.addi %add3A_405, %iota3A : vector<16xi32>
            %gather3A = tpu.vector_load_idx %arg28[%broadcast_in_dim3A_403, %add3A_406] : memref<48x128xf32, #tpu.memory_space<vmem>>[vector<16xi32>, vector<16xi32>], vector<16xf32>,
            %add3A_407 = arith.constant 16 : i32
            %add3A_408 = vector.broadcast %add3A_407 : i32 to vector<16xi32>
            %add3A_409 = arith.addi %add3A_408, %iota3A : vector<16xi32>
            %gather3A_410 = tpu.vector_load_idx %arg28[%broadcast_in_dim3A_403, %add3A_409] : memref<48x128xf32, #tpu.memory_space<vmem>>[vector<16xi32>, vector<16xi32>], vector<16xf32>,
            %add3A_411 = arith.constant 32 : i32
            %add3A_412 = vector.broadcast %add3A_411 : i32 to vector<16xi32>
            %add3A_413 = arith.addi %add3A_412, %iota3A : vector<16xi32>
            %gather3A_414 = tpu.vector_load_idx %arg28[%broadcast_in_dim3A_403, %add3A_413] : memref<48x128xf32, #tpu.memory_space<vmem>>[vector<16xi32>, vector<16xi32>], vector<16xf32>,
            %add3A_415 = arith.constant 48 : i32
            %add3A_416 = vector.broadcast %add3A_415 : i32 to vector<16xi32>
            %add3A_417 = arith.addi %add3A_416, %iota3A : vector<16xi32>
            %gather3A_418 = tpu.vector_load_idx %arg28[%broadcast_in_dim3A_403, %add3A_417] : memref<48x128xf32, #tpu.memory_space<vmem>>[vector<16xi32>, vector<16xi32>], vector<16xf32>,
            %add3A_419 = arith.constant 64 : i32
            %add3A_420 = vector.broadcast %add3A_419 : i32 to vector<16xi32>
            %add3A_421 = arith.addi %add3A_420, %iota3A : vector<16xi32>
            %gather3A_422 = tpu.vector_load_idx %arg28[%broadcast_in_dim3A_403, %add3A_421] : memref<48x128xf32, #tpu.memory_space<vmem>>[vector<16xi32>, vector<16xi32>], vector<16xf32>,
            %add3A_423 = arith.constant 80 : i32
            %add3A_424 = vector.broadcast %add3A_423 : i32 to vector<16xi32>
            %add3A_425 = arith.addi %add3A_424, %iota3A : vector<16xi32>
            %gather3A_426 = tpu.vector_load_idx %arg28[%broadcast_in_dim3A_403, %add3A_425] : memref<48x128xf32, #tpu.memory_space<vmem>>[vector<16xi32>, vector<16xi32>], vector<16xf32>,
            %add3A_427 = arith.constant 96 : i32
            %add3A_428 = vector.broadcast %add3A_427 : i32 to vector<16xi32>
            %add3A_429 = arith.addi %add3A_428, %iota3A : vector<16xi32>
            %gather3A_430 = tpu.vector_load_idx %arg28[%broadcast_in_dim3A_403, %add3A_429] : memref<48x128xf32, #tpu.memory_space<vmem>>[vector<16xi32>, vector<16xi32>], vector<16xf32>,
            %add3A_431 = arith.constant 112 : i32
            %add3A_432 = vector.broadcast %add3A_431 : i32 to vector<16xi32>
            %add3A_433 = arith.addi %add3A_432, %iota3A : vector<16xi32>
            %gather3A_434 = tpu.vector_load_idx %arg28[%broadcast_in_dim3A_403, %add3A_433] : memref<48x128xf32, #tpu.memory_space<vmem>>[vector<16xi32>, vector<16xi32>], vector<16xf32>,
            %add3A_435 = arith.constant 0 : i32
            %add3A_436 = vector.broadcast %add3A_435 : i32 to vector<16xi32>
            %add3A_437 = arith.addi %add3A_436, %iota3A : vector<16xi32>
            %gather3A_438 = tpu.vector_load_idx %arg29[%broadcast_in_dim3A_403, %add3A_437] : memref<48x128xf32, #tpu.memory_space<vmem>>[vector<16xi32>, vector<16xi32>], vector<16xf32>,
            %add3A_439 = arith.constant 16 : i32
            %add3A_440 = vector.broadcast %add3A_439 : i32 to vector<16xi32>
            %add3A_441 = arith.addi %add3A_440, %iota3A : vector<16xi32>
            %gather3A_442 = tpu.vector_load_idx %arg29[%broadcast_in_dim3A_403, %add3A_441] : memref<48x128xf32, #tpu.memory_space<vmem>>[vector<16xi32>, vector<16xi32>], vector<16xf32>,
            %add3A_443 = arith.constant 32 : i32
            %add3A_444 = vector.broadcast %add3A_443 : i32 to vector<16xi32>
            %add3A_445 = arith.addi %add3A_444, %iota3A : vector<16xi32>
            %gather3A_446 = tpu.vector_load_idx %arg29[%broadcast_in_dim3A_403, %add3A_445] : memref<48x128xf32, #tpu.memory_space<vmem>>[vector<16xi32>, vector<16xi32>], vector<16xf32>,
            %add3A_447 = arith.constant 48 : i32
            %add3A_448 = vector.broadcast %add3A_447 : i32 to vector<16xi32>
            %add3A_449 = arith.addi %add3A_448, %iota3A : vector<16xi32>
            %gather3A_450 = tpu.vector_load_idx %arg29[%broadcast_in_dim3A_403, %add3A_449] : memref<48x128xf32, #tpu.memory_space<vmem>>[vector<16xi32>, vector<16xi32>], vector<16xf32>,
            %add3A_451 = arith.constant 64 : i32
            %add3A_452 = vector.broadcast %add3A_451 : i32 to vector<16xi32>
            %add3A_453 = arith.addi %add3A_452, %iota3A : vector<16xi32>
            %gather3A_454 = tpu.vector_load_idx %arg29[%broadcast_in_dim3A_403, %add3A_453] : memref<48x128xf32, #tpu.memory_space<vmem>>[vector<16xi32>, vector<16xi32>], vector<16xf32>,
            %add3A_455 = arith.constant 80 : i32
            %add3A_456 = vector.broadcast %add3A_455 : i32 to vector<16xi32>
            %add3A_457 = arith.addi %add3A_456, %iota3A : vector<16xi32>
            %gather3A_458 = tpu.vector_load_idx %arg29[%broadcast_in_dim3A_403, %add3A_457] : memref<48x128xf32, #tpu.memory_space<vmem>>[vector<16xi32>, vector<16xi32>], vector<16xf32>,
            %add3A_459 = arith.constant 96 : i32
            %add3A_460 = vector.broadcast %add3A_459 : i32 to vector<16xi32>
            %add3A_461 = arith.addi %add3A_460, %iota3A : vector<16xi32>
            %gather3A_462 = tpu.vector_load_idx %arg29[%broadcast_in_dim3A_403, %add3A_461] : memref<48x128xf32, #tpu.memory_space<vmem>>[vector<16xi32>, vector<16xi32>], vector<16xf32>,
            %add3A_463 = arith.constant 112 : i32
            %add3A_464 = vector.broadcast %add3A_463 : i32 to vector<16xi32>
            %add3A_465 = arith.addi %add3A_464, %iota3A : vector<16xi32>
            %gather3A_466 = tpu.vector_load_idx %arg29[%broadcast_in_dim3A_403, %add3A_465] : memref<48x128xf32, #tpu.memory_space<vmem>>[vector<16xi32>, vector<16xi32>], vector<16xf32>,
            %broadcast_in_dim3A_467 = arith.constant 0.000000e+00 : f32
            %broadcast_in_dim3A_468 = vector.broadcast %broadcast_in_dim3A_467 : f32 to vector<16xf32>
            %mul3A_469 = arith.mulf %gather3A, %gather3A_438 : vector<16xf32>
            %mul3A_470 = arith.mulf %gather3A_410, %gather3A_442 : vector<16xf32>
            %add3A_471 = arith.addf %mul3A_469, %mul3A_470 : vector<16xf32>
            %reduce_sum3A = arith.constant true
            %reduce_sum3A_472 = vector.broadcast %reduce_sum3A : i1 to vector<16xi1>
            %reduce_sum3A_473 = tpu.scan <sum>, %add3A_471 masked %reduce_sum3A_472 : vector<16xf32>, vector<16xi1> -> vector<16xf32>
            %reduce_sum3A_474 = vector.extract %reduce_sum3A_473[15] : f32 from vector<16xf32>
            %mul3A_475 = arith.constant 2.000000e-01 : f32
            %mul3A_476 = arith.mulf %reduce_sum3A_474, %mul3A_475 : f32
            %max3A = arith.maximumf %reduce_sum3A_474, %mul3A_476 : f32
            %broadcast_in_dim3A_477 = vector.broadcast %max3A : f32 to vector<16xf32>
            %exp3A = math.exp %broadcast_in_dim3A_477 : vector<16xf32>
            %add3A_478 = arith.constant 0 : i32
            %add3A_479 = vector.broadcast %add3A_478 : i32 to vector<16xi32>
            %add3A_480 = arith.addi %add3A_479, %iota3A : vector<16xi32>
            %mul3A_481 = arith.mulf %gather3A, %exp3A : vector<16xf32>
            tpu.vector_store_idx %arg30[%broadcast_in_dim3A_403, %add3A_480], %mul3A_481 : memref<48x144xf32, #tpu.memory_space<vmem>>[vector<16xi32>, vector<16xi32>], vector<16xf32>,
            %add3A_482 = arith.constant 16 : i32
            %add3A_483 = vector.broadcast %add3A_482 : i32 to vector<16xi32>
            %add3A_484 = arith.addi %add3A_483, %iota3A : vector<16xi32>
            %mul3A_485 = arith.mulf %gather3A_410, %exp3A : vector<16xf32>
            tpu.vector_store_idx %arg30[%broadcast_in_dim3A_403, %add3A_484], %mul3A_485 : memref<48x144xf32, #tpu.memory_space<vmem>>[vector<16xi32>, vector<16xi32>], vector<16xf32>,
            %mul3A_486 = arith.mulf %exp3A, %convert_element_type3A_3 : vector<16xf32>
            %add3A_487 = arith.addf %broadcast_in_dim3A_468, %mul3A_486 : vector<16xf32>
            %mul3A_488 = arith.mulf %gather3A_414, %gather3A_446 : vector<16xf32>
            %mul3A_489 = arith.mulf %gather3A_418, %gather3A_450 : vector<16xf32>
            %add3A_490 = arith.addf %mul3A_488, %mul3A_489 : vector<16xf32>
            %reduce_sum3A_491 = arith.constant true
            %reduce_sum3A_492 = vector.broadcast %reduce_sum3A_491 : i1 to vector<16xi1>
            %reduce_sum3A_493 = tpu.scan <sum>, %add3A_490 masked %reduce_sum3A_492 : vector<16xf32>, vector<16xi1> -> vector<16xf32>
            %reduce_sum3A_494 = vector.extract %reduce_sum3A_493[15] : f32 from vector<16xf32>
            %mul3A_495 = arith.constant 2.000000e-01 : f32
            %mul3A_496 = arith.mulf %reduce_sum3A_494, %mul3A_495 : f32
            %max3A_497 = arith.maximumf %reduce_sum3A_494, %mul3A_496 : f32
            %broadcast_in_dim3A_498 = vector.broadcast %max3A_497 : f32 to vector<16xf32>
            %exp3A_499 = math.exp %broadcast_in_dim3A_498 : vector<16xf32>
            %add3A_500 = arith.constant 32 : i32
            %add3A_501 = vector.broadcast %add3A_500 : i32 to vector<16xi32>
            %add3A_502 = arith.addi %add3A_501, %iota3A : vector<16xi32>
            %mul3A_503 = arith.mulf %gather3A_414, %exp3A_499 : vector<16xf32>
            tpu.vector_store_idx %arg30[%broadcast_in_dim3A_403, %add3A_502], %mul3A_503 : memref<48x144xf32, #tpu.memory_space<vmem>>[vector<16xi32>, vector<16xi32>], vector<16xf32>,
            %add3A_504 = arith.constant 48 : i32
            %add3A_505 = vector.broadcast %add3A_504 : i32 to vector<16xi32>
            %add3A_506 = arith.addi %add3A_505, %iota3A : vector<16xi32>
            %mul3A_507 = arith.mulf %gather3A_418, %exp3A_499 : vector<16xf32>
            tpu.vector_store_idx %arg30[%broadcast_in_dim3A_403, %add3A_506], %mul3A_507 : memref<48x144xf32, #tpu.memory_space<vmem>>[vector<16xi32>, vector<16xi32>], vector<16xf32>,
            %mul3A_508 = arith.mulf %exp3A_499, %convert_element_type3A_8 : vector<16xf32>
            %add3A_509 = arith.addf %add3A_487, %mul3A_508 : vector<16xf32>
            %mul3A_510 = arith.mulf %gather3A_422, %gather3A_454 : vector<16xf32>
            %mul3A_511 = arith.mulf %gather3A_426, %gather3A_458 : vector<16xf32>
            %add3A_512 = arith.addf %mul3A_510, %mul3A_511 : vector<16xf32>
            %reduce_sum3A_513 = arith.constant true
            %reduce_sum3A_514 = vector.broadcast %reduce_sum3A_513 : i1 to vector<16xi1>
            %reduce_sum3A_515 = tpu.scan <sum>, %add3A_512 masked %reduce_sum3A_514 : vector<16xf32>, vector<16xi1> -> vector<16xf32>
            %reduce_sum3A_516 = vector.extract %reduce_sum3A_515[15] : f32 from vector<16xf32>
            %mul3A_517 = arith.constant 2.000000e-01 : f32
            %mul3A_518 = arith.mulf %reduce_sum3A_516, %mul3A_517 : f32
            %max3A_519 = arith.maximumf %reduce_sum3A_516, %mul3A_518 : f32
            %broadcast_in_dim3A_520 = vector.broadcast %max3A_519 : f32 to vector<16xf32>
            %exp3A_521 = math.exp %broadcast_in_dim3A_520 : vector<16xf32>
            %add3A_522 = arith.constant 64 : i32
            %add3A_523 = vector.broadcast %add3A_522 : i32 to vector<16xi32>
            %add3A_524 = arith.addi %add3A_523, %iota3A : vector<16xi32>
            %mul3A_525 = arith.mulf %gather3A_422, %exp3A_521 : vector<16xf32>
            tpu.vector_store_idx %arg30[%broadcast_in_dim3A_403, %add3A_524], %mul3A_525 : memref<48x144xf32, #tpu.memory_space<vmem>>[vector<16xi32>, vector<16xi32>], vector<16xf32>,
            %add3A_526 = arith.constant 80 : i32
            %add3A_527 = vector.broadcast %add3A_526 : i32 to vector<16xi32>
            %add3A_528 = arith.addi %add3A_527, %iota3A : vector<16xi32>
            %mul3A_529 = arith.mulf %gather3A_426, %exp3A_521 : vector<16xf32>
            tpu.vector_store_idx %arg30[%broadcast_in_dim3A_403, %add3A_528], %mul3A_529 : memref<48x144xf32, #tpu.memory_space<vmem>>[vector<16xi32>, vector<16xi32>], vector<16xf32>,
            %mul3A_530 = arith.mulf %exp3A_521, %convert_element_type3A_13 : vector<16xf32>
            %add3A_531 = arith.addf %add3A_509, %mul3A_530 : vector<16xf32>
            %mul3A_532 = arith.mulf %gather3A_430, %gather3A_462 : vector<16xf32>
            %mul3A_533 = arith.mulf %gather3A_434, %gather3A_466 : vector<16xf32>
            %add3A_534 = arith.addf %mul3A_532, %mul3A_533 : vector<16xf32>
            %reduce_sum3A_535 = arith.constant true
            %reduce_sum3A_536 = vector.broadcast %reduce_sum3A_535 : i1 to vector<16xi1>
            %reduce_sum3A_537 = tpu.scan <sum>, %add3A_534 masked %reduce_sum3A_536 : vector<16xf32>, vector<16xi1> -> vector<16xf32>
            %reduce_sum3A_538 = vector.extract %reduce_sum3A_537[15] : f32 from vector<16xf32>
            %mul3A_539 = arith.constant 2.000000e-01 : f32
            %mul3A_540 = arith.mulf %reduce_sum3A_538, %mul3A_539 : f32
            %max3A_541 = arith.maximumf %reduce_sum3A_538, %mul3A_540 : f32
            %broadcast_in_dim3A_542 = vector.broadcast %max3A_541 : f32 to vector<16xf32>
            %exp3A_543 = math.exp %broadcast_in_dim3A_542 : vector<16xf32>
            %add3A_544 = arith.constant 96 : i32
            %add3A_545 = vector.broadcast %add3A_544 : i32 to vector<16xi32>
            %add3A_546 = arith.addi %add3A_545, %iota3A : vector<16xi32>
            %mul3A_547 = arith.mulf %gather3A_430, %exp3A_543 : vector<16xf32>
            tpu.vector_store_idx %arg30[%broadcast_in_dim3A_403, %add3A_546], %mul3A_547 : memref<48x144xf32, #tpu.memory_space<vmem>>[vector<16xi32>, vector<16xi32>], vector<16xf32>,
            %add3A_548 = arith.constant 112 : i32
            %add3A_549 = vector.broadcast %add3A_548 : i32 to vector<16xi32>
            %add3A_550 = arith.addi %add3A_549, %iota3A : vector<16xi32>
            %mul3A_551 = arith.mulf %gather3A_434, %exp3A_543 : vector<16xf32>
            tpu.vector_store_idx %arg30[%broadcast_in_dim3A_403, %add3A_550], %mul3A_551 : memref<48x144xf32, #tpu.memory_space<vmem>>[vector<16xi32>, vector<16xi32>], vector<16xf32>,
            %mul3A_552 = arith.mulf %exp3A_543, %convert_element_type3A_18 : vector<16xf32>
            %add3A_553 = arith.addf %add3A_531, %mul3A_552 : vector<16xf32>
            %add3A_554 = arith.constant 128 : i32
            %add3A_555 = vector.broadcast %add3A_554 : i32 to vector<16xi32>
            %add3A_556 = arith.addi %add3A_555, %iota3A : vector<16xi32>
            tpu.vector_store_idx %arg30[%broadcast_in_dim3A_403, %add3A_556], %add3A_553 : memref<48x144xf32, #tpu.memory_space<vmem>>[vector<16xi32>, vector<16xi32>], vector<16xf32>,
          }
          %scan3A_396 = arith.constant 48 : i32
          %dma_start3A_397 = arith.constant 0 : i32
          %dma_start3A_398 = arith.constant 0 : i32
          %dma_start3A_399 = tpu.memref_slice %arg32[%dma_start3A_397, %dma_start3A_398] : memref<2056x144xf32, #tpu.memory_space<vmem_shared>> -> memref<2056x144xf32, #tpu.memory_space<vmem_shared>>
          tpu.enqueue_indirect_dma source(%arg30 : memref<48x144xf32, #tpu.memory_space<vmem>>) target(%dma_start3A_399 : memref<2056x144xf32, #tpu.memory_space<vmem_shared>>) offsets(%arg27 : memref<48xi32, #tpu.memory_space<vmem>>) semaphore(%arg41 : memref<!tpu.dma_semaphore, #tpu.memory_space<semaphore_mem>>) {add = true}
        } else {
        }
      }
      %ge3A = arith.constant 1 : i32
      %ge3A_241 = arith.cmpi sge, %select_n3A, %ge3A : i32
      %sub3A_242 = arith.constant 1 : i32
      %sub3A_243 = arith.subi %select_n3A, %sub3A_242 : i32
      %jit3A_244 = arith.constant 2 : i32
      %eq3A_245 = arith.constant 0 : i32
      %eq3A_246 = arith.cmpi eq, %jit3A_244, %eq3A_245 : i32
      %jit3A_247 = arith.constant 1 : i32
      %select_n3A_248 = arith.select %eq3A_246, %jit3A_247, %jit3A_244 : i32
      %rem3A_249 = arith.remsi %sub3A_243, %select_n3A_248 : i32
      %ne3A_250 = arith.constant 0 : i32
      %ne3A_251 = arith.cmpi ne, %rem3A_249, %ne3A_250 : i32
      %lt3A = arith.constant 0 : i32
      %lt3A_252 = arith.cmpi slt, %rem3A_249, %lt3A : i32
      %lt3A_253 = arith.constant 0 : i32
      %lt3A_254 = arith.cmpi slt, %select_n3A_248, %lt3A_253 : i32
      %ne3A_255 = arith.xori %lt3A_252, %lt3A_254 : i1
      %and3A_256 = arith.andi %ne3A_255, %ne3A_251 : i1
      %add3A_257 = arith.addi %rem3A_249, %select_n3A_248 : i32
      %select_n3A_258 = arith.select %and3A_256, %add3A_257, %rem3A_249 : i32
      %eq3A_259 = arith.constant 0 : i32
      %eq3A_260 = arith.cmpi eq, %select_n3A_258, %eq3A_259 : i32
      %and3A_261 = arith.andi %ge3A_241, %eq3A_260 : i1
      %ge3A_262 = arith.constant 2 : i32
      %ge3A_263 = arith.cmpi sge, %select_n3A, %ge3A_262 : i32
      %or3A = arith.ori %and3A_261, %ge3A_263 : i1
      %convert_element_type3A_264 = arith.extui %or3A : i1 to i32
      %cond3A_265 = arith.constant 0 : i32
      %cond3A_266 = arith.cmpi ne, %convert_element_type3A_264, %cond3A_265 : i32
      scf.if %cond3A_266 {
        tpu.wait_dma2 semaphore(%arg40 : memref<!tpu.dma_semaphore, #tpu.memory_space<semaphore_mem>>) src(%arg31 : memref<48x144xf32, #tpu.memory_space<hbm>>) dst(%arg19 : memref<48x144xf32, #tpu.memory_space<vmem>>)
      } else {
      }
      %ge3A_267 = arith.constant 2 : i32
      %ge3A_268 = arith.cmpi sge, %select_n3A, %ge3A_267 : i32
      %ge3A_269 = arith.constant 1 : i32
      %ge3A_270 = arith.cmpi sge, %select_n3A, %ge3A_269 : i32
      %sub3A_271 = arith.constant 1 : i32
      %sub3A_272 = arith.subi %select_n3A, %sub3A_271 : i32
      %jit3A_273 = arith.constant 2 : i32
      %eq3A_274 = arith.constant 0 : i32
      %eq3A_275 = arith.cmpi eq, %jit3A_273, %eq3A_274 : i32
      %jit3A_276 = arith.constant 1 : i32
      %select_n3A_277 = arith.select %eq3A_275, %jit3A_276, %jit3A_273 : i32
      %rem3A_278 = arith.remsi %sub3A_272, %select_n3A_277 : i32
      %ne3A_279 = arith.constant 0 : i32
      %ne3A_280 = arith.cmpi ne, %rem3A_278, %ne3A_279 : i32
      %lt3A_281 = arith.constant 0 : i32
      %lt3A_282 = arith.cmpi slt, %rem3A_278, %lt3A_281 : i32
      %lt3A_283 = arith.constant 0 : i32
      %lt3A_284 = arith.cmpi slt, %select_n3A_277, %lt3A_283 : i32
      %ne3A_285 = arith.xori %lt3A_282, %lt3A_284 : i1
      %and3A_286 = arith.andi %ne3A_285, %ne3A_280 : i1
      %add3A_287 = arith.addi %rem3A_278, %select_n3A_277 : i32
      %select_n3A_288 = arith.select %and3A_286, %add3A_287, %rem3A_278 : i32
      %eq3A_289 = arith.constant 1 : i32
      %eq3A_290 = arith.cmpi eq, %select_n3A_288, %eq3A_289 : i32
      %and3A_291 = arith.andi %ge3A_270, %eq3A_290 : i1
      %or3A_292 = arith.ori %ge3A_268, %and3A_291 : i1
      %convert_element_type3A_293 = arith.extui %or3A_292 : i1 to i32
      %cond3A_294 = arith.constant 0 : i32
      %cond3A_295 = arith.cmpi ne, %convert_element_type3A_293, %cond3A_294 : i32
      scf.if %cond3A_295 {
        tpu.wait_dma2 semaphore(%arg41 : memref<!tpu.dma_semaphore, #tpu.memory_space<semaphore_mem>>) src(%arg31 : memref<48x144xf32, #tpu.memory_space<hbm>>) dst(%arg30 : memref<48x144xf32, #tpu.memory_space<vmem>>)
      } else {
      }
    }
    %scan3A_73 = arith.constant 10 : i32
    %barrier3A_74 = arith.constant 0 : index
    tpu.barrier barrier_id(%barrier3A_74)
    %scan3A_75 = arith.constant 0 : i32
    %scan3A_76 = arith.constant 0 : i32
    %scan3A_77 = arith.constant 2 : i32
    %scan3A_78 = arith.addi %scan3A_76, %scan3A_77 : i32
    %scan3A_79 = arith.constant 1 : i32
    scf.for %scan3A_157 = %scan3A_76 to %scan3A_78 step %scan3A_79  : i32 {
      %add3A_158 = arith.constant 0 : i32
      %add3A_159 = arith.addi %mul3A_49, %add3A_158 : i32
      %mul3A_160 = arith.constant 16 : i32
      %mul3A_161 = arith.muli %scan3A_157, %mul3A_160 : i32
      %add3A_162 = arith.addi %add3A_159, %mul3A_161 : i32
      %get3A = arith.index_cast %add3A_162 : i32 to index
      %get3A_163 = tpu.vector_load %arg10[%get3A] {strides = array<i32>} : memref<2048xi32, #tpu.memory_space<vmem>>, vector<16xi32>,
      %gather3A = tpu.vector_load_idx %arg9[%get3A_163] : memref<10000xi32, #tpu.memory_space<vmem>>[vector<16xi32>], vector<16xi32>,
      %mul3A_164 = arith.constant 16 : i32
      %mul3A_165 = arith.muli %scan3A_157, %mul3A_164 : i32
      %swap3A = arith.index_cast %mul3A_165 : i32 to index
      %swap3A_166 = tpu.vector_load %arg16[%swap3A] {strides = array<i32>} : memref<32xi32, #tpu.memory_space<vmem>>, vector<16xi32>,
      tpu.vector_store %arg16[%swap3A], %gather3A {strides = array<i32>} : memref<32xi32, #tpu.memory_space<vmem>>, vector<16xi32>,
    }
    %scan3A_80 = arith.constant 2 : i32
    %dma_start3A = arith.constant 0 : i32
    %dma_start3A_81 = arith.constant 0 : i32
    %dma_start3A_82 = tpu.memref_slice %arg32[%dma_start3A, %dma_start3A_81] : memref<2056x144xf32, #tpu.memory_space<vmem_shared>> -> memref<2056x144xf32, #tpu.memory_space<vmem_shared>>
    tpu.enqueue_indirect_dma source(%dma_start3A_82 : memref<2056x144xf32, #tpu.memory_space<vmem_shared>>) target(%arg20 : memref<32x144xf32, #tpu.memory_space<vmem>>) offsets(%arg16 : memref<32xi32, #tpu.memory_space<vmem>>) semaphore(%arg34 : memref<!tpu.dma_semaphore, #tpu.memory_space<semaphore_mem>>)
    %dma_wait3A = arith.constant 0 : i32
    %dma_wait3A_83 = arith.constant 0 : i32
    %dma_wait3A_84 = tpu.memref_slice %arg32[%dma_wait3A, %dma_wait3A_83] : memref<2056x144xf32, #tpu.memory_space<vmem_shared>> -> memref<2056x144xf32, #tpu.memory_space<vmem_shared>>
    tpu.wait_indirect_dma semaphore(%arg34 : memref<!tpu.dma_semaphore, #tpu.memory_space<semaphore_mem>>) src(%dma_wait3A_84 : memref<2056x144xf32, #tpu.memory_space<vmem_shared>>) dst(%arg20 : memref<32x144xf32, #tpu.memory_space<vmem>>)
    %scan3A_85 = arith.constant 0 : i32
    %scan3A_86 = arith.constant 0 : i32
    %scan3A_87 = arith.constant 32 : i32
    %scan3A_88 = arith.addi %scan3A_86, %scan3A_87 : i32
    %scan3A_89 = arith.constant 1 : i32
    scf.for %scan3A_157 = %scan3A_86 to %scan3A_88 step %scan3A_89  : i32 {
      %broadcast_in_dim3A_158 = vector.broadcast %scan3A_157 : i32 to vector<16xi32>
      %broadcast_in_dim3A_159 = arith.constant 128 : i32
      %broadcast_in_dim3A_160 = vector.broadcast %broadcast_in_dim3A_159 : i32 to vector<16xi32>
      %gather3A = tpu.vector_load_idx %arg20[%broadcast_in_dim3A_158, %broadcast_in_dim3A_160] : memref<32x144xf32, #tpu.memory_space<vmem>>[vector<16xi32>, vector<16xi32>], vector<16xf32>,
      %add3A_161 = arith.constant 9.99999971E-10 : f32
      %add3A_162 = vector.broadcast %add3A_161 : f32 to vector<16xf32>
      %add3A_163 = arith.addf %gather3A, %add3A_162 : vector<16xf32>
      %add3A_164 = arith.constant 0 : i32
      %add3A_165 = vector.broadcast %add3A_164 : i32 to vector<16xi32>
      %add3A_166 = arith.addi %add3A_165, %iota3A : vector<16xi32>
      %gather3A_167 = tpu.vector_load_idx %arg20[%broadcast_in_dim3A_158, %add3A_166] : memref<32x144xf32, #tpu.memory_space<vmem>>[vector<16xi32>, vector<16xi32>], vector<16xf32>,
      %div3A = arith.divf %gather3A_167, %add3A_163 : vector<16xf32>
      %add3A_168 = arith.constant 0 : i32
      %add3A_169 = vector.broadcast %add3A_168 : i32 to vector<16xi32>
      %add3A_170 = arith.addi %add3A_169, %iota3A : vector<16xi32>
      tpu.vector_store_idx %arg21[%broadcast_in_dim3A_158, %add3A_170], %div3A : memref<32x128xf32, #tpu.memory_space<vmem>>[vector<16xi32>, vector<16xi32>], vector<16xf32>,
      %add3A_171 = arith.constant 16 : i32
      %add3A_172 = vector.broadcast %add3A_171 : i32 to vector<16xi32>
      %add3A_173 = arith.addi %add3A_172, %iota3A : vector<16xi32>
      %gather3A_174 = tpu.vector_load_idx %arg20[%broadcast_in_dim3A_158, %add3A_173] : memref<32x144xf32, #tpu.memory_space<vmem>>[vector<16xi32>, vector<16xi32>], vector<16xf32>,
      %div3A_175 = arith.divf %gather3A_174, %add3A_163 : vector<16xf32>
      %add3A_176 = arith.constant 16 : i32
      %add3A_177 = vector.broadcast %add3A_176 : i32 to vector<16xi32>
      %add3A_178 = arith.addi %add3A_177, %iota3A : vector<16xi32>
      tpu.vector_store_idx %arg21[%broadcast_in_dim3A_158, %add3A_178], %div3A_175 : memref<32x128xf32, #tpu.memory_space<vmem>>[vector<16xi32>, vector<16xi32>], vector<16xf32>,
      %broadcast_in_dim3A_179 = arith.constant 129 : i32
      %broadcast_in_dim3A_180 = vector.broadcast %broadcast_in_dim3A_179 : i32 to vector<16xi32>
      %gather3A_181 = tpu.vector_load_idx %arg20[%broadcast_in_dim3A_158, %broadcast_in_dim3A_180] : memref<32x144xf32, #tpu.memory_space<vmem>>[vector<16xi32>, vector<16xi32>], vector<16xf32>,
      %add3A_182 = arith.constant 9.99999971E-10 : f32
      %add3A_183 = vector.broadcast %add3A_182 : f32 to vector<16xf32>
      %add3A_184 = arith.addf %gather3A_181, %add3A_183 : vector<16xf32>
      %add3A_185 = arith.constant 32 : i32
      %add3A_186 = vector.broadcast %add3A_185 : i32 to vector<16xi32>
      %add3A_187 = arith.addi %add3A_186, %iota3A : vector<16xi32>
      %gather3A_188 = tpu.vector_load_idx %arg20[%broadcast_in_dim3A_158, %add3A_187] : memref<32x144xf32, #tpu.memory_space<vmem>>[vector<16xi32>, vector<16xi32>], vector<16xf32>,
      %div3A_189 = arith.divf %gather3A_188, %add3A_184 : vector<16xf32>
      %add3A_190 = arith.constant 32 : i32
      %add3A_191 = vector.broadcast %add3A_190 : i32 to vector<16xi32>
      %add3A_192 = arith.addi %add3A_191, %iota3A : vector<16xi32>
      tpu.vector_store_idx %arg21[%broadcast_in_dim3A_158, %add3A_192], %div3A_189 : memref<32x128xf32, #tpu.memory_space<vmem>>[vector<16xi32>, vector<16xi32>], vector<16xf32>,
      %add3A_193 = arith.constant 48 : i32
      %add3A_194 = vector.broadcast %add3A_193 : i32 to vector<16xi32>
      %add3A_195 = arith.addi %add3A_194, %iota3A : vector<16xi32>
      %gather3A_196 = tpu.vector_load_idx %arg20[%broadcast_in_dim3A_158, %add3A_195] : memref<32x144xf32, #tpu.memory_space<vmem>>[vector<16xi32>, vector<16xi32>], vector<16xf32>,
      %div3A_197 = arith.divf %gather3A_196, %add3A_184 : vector<16xf32>
      %add3A_198 = arith.constant 48 : i32
      %add3A_199 = vector.broadcast %add3A_198 : i32 to vector<16xi32>
      %add3A_200 = arith.addi %add3A_199, %iota3A : vector<16xi32>
      tpu.vector_store_idx %arg21[%broadcast_in_dim3A_158, %add3A_200], %div3A_197 : memref<32x128xf32, #tpu.memory_space<vmem>>[vector<16xi32>, vector<16xi32>], vector<16xf32>,
      %broadcast_in_dim3A_201 = arith.constant 130 : i32
      %broadcast_in_dim3A_202 = vector.broadcast %broadcast_in_dim3A_201 : i32 to vector<16xi32>
      %gather3A_203 = tpu.vector_load_idx %arg20[%broadcast_in_dim3A_158, %broadcast_in_dim3A_202] : memref<32x144xf32, #tpu.memory_space<vmem>>[vector<16xi32>, vector<16xi32>], vector<16xf32>,
      %add3A_204 = arith.constant 9.99999971E-10 : f32
      %add3A_205 = vector.broadcast %add3A_204 : f32 to vector<16xf32>
      %add3A_206 = arith.addf %gather3A_203, %add3A_205 : vector<16xf32>
      %add3A_207 = arith.constant 64 : i32
      %add3A_208 = vector.broadcast %add3A_207 : i32 to vector<16xi32>
      %add3A_209 = arith.addi %add3A_208, %iota3A : vector<16xi32>
      %gather3A_210 = tpu.vector_load_idx %arg20[%broadcast_in_dim3A_158, %add3A_209] : memref<32x144xf32, #tpu.memory_space<vmem>>[vector<16xi32>, vector<16xi32>], vector<16xf32>,
      %div3A_211 = arith.divf %gather3A_210, %add3A_206 : vector<16xf32>
      %add3A_212 = arith.constant 64 : i32
      %add3A_213 = vector.broadcast %add3A_212 : i32 to vector<16xi32>
      %add3A_214 = arith.addi %add3A_213, %iota3A : vector<16xi32>
      tpu.vector_store_idx %arg21[%broadcast_in_dim3A_158, %add3A_214], %div3A_211 : memref<32x128xf32, #tpu.memory_space<vmem>>[vector<16xi32>, vector<16xi32>], vector<16xf32>,
      %add3A_215 = arith.constant 80 : i32
      %add3A_216 = vector.broadcast %add3A_215 : i32 to vector<16xi32>
      %add3A_217 = arith.addi %add3A_216, %iota3A : vector<16xi32>
      %gather3A_218 = tpu.vector_load_idx %arg20[%broadcast_in_dim3A_158, %add3A_217] : memref<32x144xf32, #tpu.memory_space<vmem>>[vector<16xi32>, vector<16xi32>], vector<16xf32>,
      %div3A_219 = arith.divf %gather3A_218, %add3A_206 : vector<16xf32>
      %add3A_220 = arith.constant 80 : i32
      %add3A_221 = vector.broadcast %add3A_220 : i32 to vector<16xi32>
      %add3A_222 = arith.addi %add3A_221, %iota3A : vector<16xi32>
      tpu.vector_store_idx %arg21[%broadcast_in_dim3A_158, %add3A_222], %div3A_219 : memref<32x128xf32, #tpu.memory_space<vmem>>[vector<16xi32>, vector<16xi32>], vector<16xf32>,
      %broadcast_in_dim3A_223 = arith.constant 131 : i32
      %broadcast_in_dim3A_224 = vector.broadcast %broadcast_in_dim3A_223 : i32 to vector<16xi32>
      %gather3A_225 = tpu.vector_load_idx %arg20[%broadcast_in_dim3A_158, %broadcast_in_dim3A_224] : memref<32x144xf32, #tpu.memory_space<vmem>>[vector<16xi32>, vector<16xi32>], vector<16xf32>,
      %add3A_226 = arith.constant 9.99999971E-10 : f32
      %add3A_227 = vector.broadcast %add3A_226 : f32 to vector<16xf32>
      %add3A_228 = arith.addf %gather3A_225, %add3A_227 : vector<16xf32>
      %add3A_229 = arith.constant 96 : i32
      %add3A_230 = vector.broadcast %add3A_229 : i32 to vector<16xi32>
      %add3A_231 = arith.addi %add3A_230, %iota3A : vector<16xi32>
      %gather3A_232 = tpu.vector_load_idx %arg20[%broadcast_in_dim3A_158, %add3A_231] : memref<32x144xf32, #tpu.memory_space<vmem>>[vector<16xi32>, vector<16xi32>], vector<16xf32>,
      %div3A_233 = arith.divf %gather3A_232, %add3A_228 : vector<16xf32>
      %add3A_234 = arith.constant 96 : i32
      %add3A_235 = vector.broadcast %add3A_234 : i32 to vector<16xi32>
      %add3A_236 = arith.addi %add3A_235, %iota3A : vector<16xi32>
      tpu.vector_store_idx %arg21[%broadcast_in_dim3A_158, %add3A_236], %div3A_233 : memref<32x128xf32, #tpu.memory_space<vmem>>[vector<16xi32>, vector<16xi32>], vector<16xf32>,
      %add3A_237 = arith.constant 112 : i32
      %add3A_238 = vector.broadcast %add3A_237 : i32 to vector<16xi32>
      %add3A_239 = arith.addi %add3A_238, %iota3A : vector<16xi32>
      %gather3A_240 = tpu.vector_load_idx %arg20[%broadcast_in_dim3A_158, %add3A_239] : memref<32x144xf32, #tpu.memory_space<vmem>>[vector<16xi32>, vector<16xi32>], vector<16xf32>,
      %div3A_241 = arith.divf %gather3A_240, %add3A_228 : vector<16xf32>
      %add3A_242 = arith.constant 112 : i32
      %add3A_243 = vector.broadcast %add3A_242 : i32 to vector<16xi32>
      %add3A_244 = arith.addi %add3A_243, %iota3A : vector<16xi32>
      tpu.vector_store_idx %arg21[%broadcast_in_dim3A_158, %add3A_244], %div3A_241 : memref<32x128xf32, #tpu.memory_space<vmem>>[vector<16xi32>, vector<16xi32>], vector<16xf32>,
    }
    %scan3A_90 = arith.constant 32 : i32
    %add3A_91 = arith.constant 0 : i32
    %add3A_92 = arith.addi %mul3A_49, %add3A_91 : i32
    %multiple_of3A_93 = tpu.assume_multiple %add3A_92, 8 : i32
    "tpu.region"() ({
      %run_scoped3A = tpu.sem_alloc : memref<!tpu.dma_semaphore, #tpu.memory_space<semaphore_mem>>
      %dma_start3A_157 = arith.constant 0 : i32
      %dma_start3A_158 = tpu.memref_slice %arg7[%arg0, %multiple_of3A_93, %dma_start3A_157] : memref<2x2048x128xf32, #tpu.memory_space<hbm>> -> memref<1x32x128xf32, #tpu.memory_space<hbm>>
      %dma_start3A_159 = tpu.memref_squeeze %dma_start3A_158 : memref<1x32x128xf32, #tpu.memory_space<hbm>> -> memref<32x128xf32, #tpu.memory_space<hbm>>
      %dma_start3A_160 = arith.constant 0 : i32
      %dma_start3A_161 = tpu.memref_slice %arg7[%arg0, %multiple_of3A_93, %dma_start3A_160] : memref<2x2048x128xf32, #tpu.memory_space<hbm>> -> memref<1x32x128xf32, #tpu.memory_space<hbm>>
      %dma_start3A_162 = tpu.memref_squeeze %dma_start3A_161 : memref<1x32x128xf32, #tpu.memory_space<hbm>> -> memref<32x128xf32, #tpu.memory_space<hbm>>
      tpu.enqueue_dma source(%arg21 : memref<32x128xf32, #tpu.memory_space<vmem>>) target(%dma_start3A_162 : memref<32x128xf32, #tpu.memory_space<hbm>>) target_semaphore(%run_scoped3A : memref<!tpu.dma_semaphore, #tpu.memory_space<semaphore_mem>>)
      %dma_wait3A_163 = arith.constant 0 : i32
      %dma_wait3A_164 = tpu.memref_slice %arg7[%arg0, %multiple_of3A_93, %dma_wait3A_163] : memref<2x2048x128xf32, #tpu.memory_space<hbm>> -> memref<1x32x128xf32, #tpu.memory_space<hbm>>
      %dma_wait3A_165 = tpu.memref_squeeze %dma_wait3A_164 : memref<1x32x128xf32, #tpu.memory_space<hbm>> -> memref<32x128xf32, #tpu.memory_space<hbm>>
      %dma_wait3A_166 = arith.constant 0 : i32
      %dma_wait3A_167 = tpu.memref_slice %arg7[%arg0, %multiple_of3A_93, %dma_wait3A_166] : memref<2x2048x128xf32, #tpu.memory_space<hbm>> -> memref<1x32x128xf32, #tpu.memory_space<hbm>>
      %dma_wait3A_168 = tpu.memref_squeeze %dma_wait3A_167 : memref<1x32x128xf32, #tpu.memory_space<hbm>> -> memref<32x128xf32, #tpu.memory_space<hbm>>
      tpu.wait_dma2 semaphore(%run_scoped3A : memref<!tpu.dma_semaphore, #tpu.memory_space<semaphore_mem>>) src(%arg21 : memref<32x128xf32, #tpu.memory_space<vmem>>) dst(%dma_wait3A_168 : memref<32x128xf32, #tpu.memory_space<hbm>>)
      tpu.yield
    }) : () -> ()
    %scan3A_94 = arith.constant 0 : i32
    %scan3A_95 = arith.constant 0 : i32
    %scan3A_96 = arith.constant 2 : i32
    %scan3A_97 = arith.addi %scan3A_95, %scan3A_96 : i32
    %scan3A_98 = arith.constant 1 : i32
    scf.for %scan3A_157 = %scan3A_95 to %scan3A_97 step %scan3A_98  : i32 {
      %add3A_158 = arith.constant 32 : i32
      %add3A_159 = arith.addi %mul3A_49, %add3A_158 : i32
      %mul3A_160 = arith.constant 16 : i32
      %mul3A_161 = arith.muli %scan3A_157, %mul3A_160 : i32
      %add3A_162 = arith.addi %add3A_159, %mul3A_161 : i32
      %get3A = arith.index_cast %add3A_162 : i32 to index
      %get3A_163 = tpu.vector_load %arg10[%get3A] {strides = array<i32>} : memref<2048xi32, #tpu.memory_space<vmem>>, vector<16xi32>,
      %gather3A = tpu.vector_load_idx %arg9[%get3A_163] : memref<10000xi32, #tpu.memory_space<vmem>>[vector<16xi32>], vector<16xi32>,
      %mul3A_164 = arith.constant 16 : i32
      %mul3A_165 = arith.muli %scan3A_157, %mul3A_164 : i32
      %swap3A = arith.index_cast %mul3A_165 : i32 to index
      %swap3A_166 = tpu.vector_load %arg16[%swap3A] {strides = array<i32>} : memref<32xi32, #tpu.memory_space<vmem>>, vector<16xi32>,
      tpu.vector_store %arg16[%swap3A], %gather3A {strides = array<i32>} : memref<32xi32, #tpu.memory_space<vmem>>, vector<16xi32>,
    }
    %scan3A_99 = arith.constant 2 : i32
    %dma_start3A_100 = arith.constant 0 : i32
    %dma_start3A_101 = arith.constant 0 : i32
    %dma_start3A_102 = tpu.memref_slice %arg32[%dma_start3A_100, %dma_start3A_101] : memref<2056x144xf32, #tpu.memory_space<vmem_shared>> -> memref<2056x144xf32, #tpu.memory_space<vmem_shared>>
    tpu.enqueue_indirect_dma source(%dma_start3A_102 : memref<2056x144xf32, #tpu.memory_space<vmem_shared>>) target(%arg20 : memref<32x144xf32, #tpu.memory_space<vmem>>) offsets(%arg16 : memref<32xi32, #tpu.memory_space<vmem>>) semaphore(%arg34 : memref<!tpu.dma_semaphore, #tpu.memory_space<semaphore_mem>>)
    %dma_wait3A_103 = arith.constant 0 : i32
    %dma_wait3A_104 = arith.constant 0 : i32
    %dma_wait3A_105 = tpu.memref_slice %arg32[%dma_wait3A_103, %dma_wait3A_104] : memref<2056x144xf32, #tpu.memory_space<vmem_shared>> -> memref<2056x144xf32, #tpu.memory_space<vmem_shared>>
    tpu.wait_indirect_dma semaphore(%arg34 : memref<!tpu.dma_semaphore, #tpu.memory_space<semaphore_mem>>) src(%dma_wait3A_105 : memref<2056x144xf32, #tpu.memory_space<vmem_shared>>) dst(%arg20 : memref<32x144xf32, #tpu.memory_space<vmem>>)
    %scan3A_106 = arith.constant 0 : i32
    %scan3A_107 = arith.constant 0 : i32
    %scan3A_108 = arith.constant 32 : i32
    %scan3A_109 = arith.addi %scan3A_107, %scan3A_108 : i32
    %scan3A_110 = arith.constant 1 : i32
    scf.for %scan3A_157 = %scan3A_107 to %scan3A_109 step %scan3A_110  : i32 {
      %broadcast_in_dim3A_158 = vector.broadcast %scan3A_157 : i32 to vector<16xi32>
      %broadcast_in_dim3A_159 = arith.constant 128 : i32
      %broadcast_in_dim3A_160 = vector.broadcast %broadcast_in_dim3A_159 : i32 to vector<16xi32>
      %gather3A = tpu.vector_load_idx %arg20[%broadcast_in_dim3A_158, %broadcast_in_dim3A_160] : memref<32x144xf32, #tpu.memory_space<vmem>>[vector<16xi32>, vector<16xi32>], vector<16xf32>,
      %add3A_161 = arith.constant 9.99999971E-10 : f32
      %add3A_162 = vector.broadcast %add3A_161 : f32 to vector<16xf32>
      %add3A_163 = arith.addf %gather3A, %add3A_162 : vector<16xf32>
      %add3A_164 = arith.constant 0 : i32
      %add3A_165 = vector.broadcast %add3A_164 : i32 to vector<16xi32>
      %add3A_166 = arith.addi %add3A_165, %iota3A : vector<16xi32>
      %gather3A_167 = tpu.vector_load_idx %arg20[%broadcast_in_dim3A_158, %add3A_166] : memref<32x144xf32, #tpu.memory_space<vmem>>[vector<16xi32>, vector<16xi32>], vector<16xf32>,
      %div3A = arith.divf %gather3A_167, %add3A_163 : vector<16xf32>
      %add3A_168 = arith.constant 0 : i32
      %add3A_169 = vector.broadcast %add3A_168 : i32 to vector<16xi32>
      %add3A_170 = arith.addi %add3A_169, %iota3A : vector<16xi32>
      tpu.vector_store_idx %arg21[%broadcast_in_dim3A_158, %add3A_170], %div3A : memref<32x128xf32, #tpu.memory_space<vmem>>[vector<16xi32>, vector<16xi32>], vector<16xf32>,
      %add3A_171 = arith.constant 16 : i32
      %add3A_172 = vector.broadcast %add3A_171 : i32 to vector<16xi32>
      %add3A_173 = arith.addi %add3A_172, %iota3A : vector<16xi32>
      %gather3A_174 = tpu.vector_load_idx %arg20[%broadcast_in_dim3A_158, %add3A_173] : memref<32x144xf32, #tpu.memory_space<vmem>>[vector<16xi32>, vector<16xi32>], vector<16xf32>,
      %div3A_175 = arith.divf %gather3A_174, %add3A_163 : vector<16xf32>
      %add3A_176 = arith.constant 16 : i32
      %add3A_177 = vector.broadcast %add3A_176 : i32 to vector<16xi32>
      %add3A_178 = arith.addi %add3A_177, %iota3A : vector<16xi32>
      tpu.vector_store_idx %arg21[%broadcast_in_dim3A_158, %add3A_178], %div3A_175 : memref<32x128xf32, #tpu.memory_space<vmem>>[vector<16xi32>, vector<16xi32>], vector<16xf32>,
      %broadcast_in_dim3A_179 = arith.constant 129 : i32
      %broadcast_in_dim3A_180 = vector.broadcast %broadcast_in_dim3A_179 : i32 to vector<16xi32>
      %gather3A_181 = tpu.vector_load_idx %arg20[%broadcast_in_dim3A_158, %broadcast_in_dim3A_180] : memref<32x144xf32, #tpu.memory_space<vmem>>[vector<16xi32>, vector<16xi32>], vector<16xf32>,
      %add3A_182 = arith.constant 9.99999971E-10 : f32
      %add3A_183 = vector.broadcast %add3A_182 : f32 to vector<16xf32>
      %add3A_184 = arith.addf %gather3A_181, %add3A_183 : vector<16xf32>
      %add3A_185 = arith.constant 32 : i32
      %add3A_186 = vector.broadcast %add3A_185 : i32 to vector<16xi32>
      %add3A_187 = arith.addi %add3A_186, %iota3A : vector<16xi32>
      %gather3A_188 = tpu.vector_load_idx %arg20[%broadcast_in_dim3A_158, %add3A_187] : memref<32x144xf32, #tpu.memory_space<vmem>>[vector<16xi32>, vector<16xi32>], vector<16xf32>,
      %div3A_189 = arith.divf %gather3A_188, %add3A_184 : vector<16xf32>
      %add3A_190 = arith.constant 32 : i32
      %add3A_191 = vector.broadcast %add3A_190 : i32 to vector<16xi32>
      %add3A_192 = arith.addi %add3A_191, %iota3A : vector<16xi32>
      tpu.vector_store_idx %arg21[%broadcast_in_dim3A_158, %add3A_192], %div3A_189 : memref<32x128xf32, #tpu.memory_space<vmem>>[vector<16xi32>, vector<16xi32>], vector<16xf32>,
      %add3A_193 = arith.constant 48 : i32
      %add3A_194 = vector.broadcast %add3A_193 : i32 to vector<16xi32>
      %add3A_195 = arith.addi %add3A_194, %iota3A : vector<16xi32>
      %gather3A_196 = tpu.vector_load_idx %arg20[%broadcast_in_dim3A_158, %add3A_195] : memref<32x144xf32, #tpu.memory_space<vmem>>[vector<16xi32>, vector<16xi32>], vector<16xf32>,
      %div3A_197 = arith.divf %gather3A_196, %add3A_184 : vector<16xf32>
      %add3A_198 = arith.constant 48 : i32
      %add3A_199 = vector.broadcast %add3A_198 : i32 to vector<16xi32>
      %add3A_200 = arith.addi %add3A_199, %iota3A : vector<16xi32>
      tpu.vector_store_idx %arg21[%broadcast_in_dim3A_158, %add3A_200], %div3A_197 : memref<32x128xf32, #tpu.memory_space<vmem>>[vector<16xi32>, vector<16xi32>], vector<16xf32>,
      %broadcast_in_dim3A_201 = arith.constant 130 : i32
      %broadcast_in_dim3A_202 = vector.broadcast %broadcast_in_dim3A_201 : i32 to vector<16xi32>
      %gather3A_203 = tpu.vector_load_idx %arg20[%broadcast_in_dim3A_158, %broadcast_in_dim3A_202] : memref<32x144xf32, #tpu.memory_space<vmem>>[vector<16xi32>, vector<16xi32>], vector<16xf32>,
      %add3A_204 = arith.constant 9.99999971E-10 : f32
      %add3A_205 = vector.broadcast %add3A_204 : f32 to vector<16xf32>
      %add3A_206 = arith.addf %gather3A_203, %add3A_205 : vector<16xf32>
      %add3A_207 = arith.constant 64 : i32
      %add3A_208 = vector.broadcast %add3A_207 : i32 to vector<16xi32>
      %add3A_209 = arith.addi %add3A_208, %iota3A : vector<16xi32>
      %gather3A_210 = tpu.vector_load_idx %arg20[%broadcast_in_dim3A_158, %add3A_209] : memref<32x144xf32, #tpu.memory_space<vmem>>[vector<16xi32>, vector<16xi32>], vector<16xf32>,
      %div3A_211 = arith.divf %gather3A_210, %add3A_206 : vector<16xf32>
      %add3A_212 = arith.constant 64 : i32
      %add3A_213 = vector.broadcast %add3A_212 : i32 to vector<16xi32>
      %add3A_214 = arith.addi %add3A_213, %iota3A : vector<16xi32>
      tpu.vector_store_idx %arg21[%broadcast_in_dim3A_158, %add3A_214], %div3A_211 : memref<32x128xf32, #tpu.memory_space<vmem>>[vector<16xi32>, vector<16xi32>], vector<16xf32>,
      %add3A_215 = arith.constant 80 : i32
      %add3A_216 = vector.broadcast %add3A_215 : i32 to vector<16xi32>
      %add3A_217 = arith.addi %add3A_216, %iota3A : vector<16xi32>
      %gather3A_218 = tpu.vector_load_idx %arg20[%broadcast_in_dim3A_158, %add3A_217] : memref<32x144xf32, #tpu.memory_space<vmem>>[vector<16xi32>, vector<16xi32>], vector<16xf32>,
      %div3A_219 = arith.divf %gather3A_218, %add3A_206 : vector<16xf32>
      %add3A_220 = arith.constant 80 : i32
      %add3A_221 = vector.broadcast %add3A_220 : i32 to vector<16xi32>
      %add3A_222 = arith.addi %add3A_221, %iota3A : vector<16xi32>
      tpu.vector_store_idx %arg21[%broadcast_in_dim3A_158, %add3A_222], %div3A_219 : memref<32x128xf32, #tpu.memory_space<vmem>>[vector<16xi32>, vector<16xi32>], vector<16xf32>,
      %broadcast_in_dim3A_223 = arith.constant 131 : i32
      %broadcast_in_dim3A_224 = vector.broadcast %broadcast_in_dim3A_223 : i32 to vector<16xi32>
      %gather3A_225 = tpu.vector_load_idx %arg20[%broadcast_in_dim3A_158, %broadcast_in_dim3A_224] : memref<32x144xf32, #tpu.memory_space<vmem>>[vector<16xi32>, vector<16xi32>], vector<16xf32>,
      %add3A_226 = arith.constant 9.99999971E-10 : f32
      %add3A_227 = vector.broadcast %add3A_226 : f32 to vector<16xf32>
      %add3A_228 = arith.addf %gather3A_225, %add3A_227 : vector<16xf32>
      %add3A_229 = arith.constant 96 : i32
      %add3A_230 = vector.broadcast %add3A_229 : i32 to vector<16xi32>
      %add3A_231 = arith.addi %add3A_230, %iota3A : vector<16xi32>
      %gather3A_232 = tpu.vector_load_idx %arg20[%broadcast_in_dim3A_158, %add3A_231] : memref<32x144xf32, #tpu.memory_space<vmem>>[vector<16xi32>, vector<16xi32>], vector<16xf32>,
      %div3A_233 = arith.divf %gather3A_232, %add3A_228 : vector<16xf32>
      %add3A_234 = arith.constant 96 : i32
      %add3A_235 = vector.broadcast %add3A_234 : i32 to vector<16xi32>
      %add3A_236 = arith.addi %add3A_235, %iota3A : vector<16xi32>
      tpu.vector_store_idx %arg21[%broadcast_in_dim3A_158, %add3A_236], %div3A_233 : memref<32x128xf32, #tpu.memory_space<vmem>>[vector<16xi32>, vector<16xi32>], vector<16xf32>,
      %add3A_237 = arith.constant 112 : i32
      %add3A_238 = vector.broadcast %add3A_237 : i32 to vector<16xi32>
      %add3A_239 = arith.addi %add3A_238, %iota3A : vector<16xi32>
      %gather3A_240 = tpu.vector_load_idx %arg20[%broadcast_in_dim3A_158, %add3A_239] : memref<32x144xf32, #tpu.memory_space<vmem>>[vector<16xi32>, vector<16xi32>], vector<16xf32>,
      %div3A_241 = arith.divf %gather3A_240, %add3A_228 : vector<16xf32>
      %add3A_242 = arith.constant 112 : i32
      %add3A_243 = vector.broadcast %add3A_242 : i32 to vector<16xi32>
      %add3A_244 = arith.addi %add3A_243, %iota3A : vector<16xi32>
      tpu.vector_store_idx %arg21[%broadcast_in_dim3A_158, %add3A_244], %div3A_241 : memref<32x128xf32, #tpu.memory_space<vmem>>[vector<16xi32>, vector<16xi32>], vector<16xf32>,
    }
    %scan3A_111 = arith.constant 32 : i32
    %add3A_112 = arith.constant 32 : i32
    %add3A_113 = arith.addi %mul3A_49, %add3A_112 : i32
    %multiple_of3A_114 = tpu.assume_multiple %add3A_113, 8 : i32
    "tpu.region"() ({
      %run_scoped3A = tpu.sem_alloc : memref<!tpu.dma_semaphore, #tpu.memory_space<semaphore_mem>>
      %dma_start3A_157 = arith.constant 0 : i32
      %dma_start3A_158 = tpu.memref_slice %arg7[%arg0, %multiple_of3A_114, %dma_start3A_157] : memref<2x2048x128xf32, #tpu.memory_space<hbm>> -> memref<1x32x128xf32, #tpu.memory_space<hbm>>
      %dma_start3A_159 = tpu.memref_squeeze %dma_start3A_158 : memref<1x32x128xf32, #tpu.memory_space<hbm>> -> memref<32x128xf32, #tpu.memory_space<hbm>>
      %dma_start3A_160 = arith.constant 0 : i32
      %dma_start3A_161 = tpu.memref_slice %arg7[%arg0, %multiple_of3A_114, %dma_start3A_160] : memref<2x2048x128xf32, #tpu.memory_space<hbm>> -> memref<1x32x128xf32, #tpu.memory_space<hbm>>
      %dma_start3A_162 = tpu.memref_squeeze %dma_start3A_161 : memref<1x32x128xf32, #tpu.memory_space<hbm>> -> memref<32x128xf32, #tpu.memory_space<hbm>>
      tpu.enqueue_dma source(%arg21 : memref<32x128xf32, #tpu.memory_space<vmem>>) target(%dma_start3A_162 : memref<32x128xf32, #tpu.memory_space<hbm>>) target_semaphore(%run_scoped3A : memref<!tpu.dma_semaphore, #tpu.memory_space<semaphore_mem>>)
      %dma_wait3A_163 = arith.constant 0 : i32
      %dma_wait3A_164 = tpu.memref_slice %arg7[%arg0, %multiple_of3A_114, %dma_wait3A_163] : memref<2x2048x128xf32, #tpu.memory_space<hbm>> -> memref<1x32x128xf32, #tpu.memory_space<hbm>>
      %dma_wait3A_165 = tpu.memref_squeeze %dma_wait3A_164 : memref<1x32x128xf32, #tpu.memory_space<hbm>> -> memref<32x128xf32, #tpu.memory_space<hbm>>
      %dma_wait3A_166 = arith.constant 0 : i32
      %dma_wait3A_167 = tpu.memref_slice %arg7[%arg0, %multiple_of3A_114, %dma_wait3A_166] : memref<2x2048x128xf32, #tpu.memory_space<hbm>> -> memref<1x32x128xf32, #tpu.memory_space<hbm>>
      %dma_wait3A_168 = tpu.memref_squeeze %dma_wait3A_167 : memref<1x32x128xf32, #tpu.memory_space<hbm>> -> memref<32x128xf32, #tpu.memory_space<hbm>>
      tpu.wait_dma2 semaphore(%run_scoped3A : memref<!tpu.dma_semaphore, #tpu.memory_space<semaphore_mem>>) src(%arg21 : memref<32x128xf32, #tpu.memory_space<vmem>>) dst(%dma_wait3A_168 : memref<32x128xf32, #tpu.memory_space<hbm>>)
      tpu.yield
    }) : () -> ()
    %scan3A_115 = arith.constant 0 : i32
    %scan3A_116 = arith.constant 0 : i32
    %scan3A_117 = arith.constant 2 : i32
    %scan3A_118 = arith.addi %scan3A_116, %scan3A_117 : i32
    %scan3A_119 = arith.constant 1 : i32
    scf.for %scan3A_157 = %scan3A_116 to %scan3A_118 step %scan3A_119  : i32 {
      %add3A_158 = arith.constant 64 : i32
      %add3A_159 = arith.addi %mul3A_49, %add3A_158 : i32
      %mul3A_160 = arith.constant 16 : i32
      %mul3A_161 = arith.muli %scan3A_157, %mul3A_160 : i32
      %add3A_162 = arith.addi %add3A_159, %mul3A_161 : i32
      %get3A = arith.index_cast %add3A_162 : i32 to index
      %get3A_163 = tpu.vector_load %arg10[%get3A] {strides = array<i32>} : memref<2048xi32, #tpu.memory_space<vmem>>, vector<16xi32>,
      %gather3A = tpu.vector_load_idx %arg9[%get3A_163] : memref<10000xi32, #tpu.memory_space<vmem>>[vector<16xi32>], vector<16xi32>,
      %mul3A_164 = arith.constant 16 : i32
      %mul3A_165 = arith.muli %scan3A_157, %mul3A_164 : i32
      %swap3A = arith.index_cast %mul3A_165 : i32 to index
      %swap3A_166 = tpu.vector_load %arg16[%swap3A] {strides = array<i32>} : memref<32xi32, #tpu.memory_space<vmem>>, vector<16xi32>,
      tpu.vector_store %arg16[%swap3A], %gather3A {strides = array<i32>} : memref<32xi32, #tpu.memory_space<vmem>>, vector<16xi32>,
    }
    %scan3A_120 = arith.constant 2 : i32
    %dma_start3A_121 = arith.constant 0 : i32
    %dma_start3A_122 = arith.constant 0 : i32
    %dma_start3A_123 = tpu.memref_slice %arg32[%dma_start3A_121, %dma_start3A_122] : memref<2056x144xf32, #tpu.memory_space<vmem_shared>> -> memref<2056x144xf32, #tpu.memory_space<vmem_shared>>
    tpu.enqueue_indirect_dma source(%dma_start3A_123 : memref<2056x144xf32, #tpu.memory_space<vmem_shared>>) target(%arg20 : memref<32x144xf32, #tpu.memory_space<vmem>>) offsets(%arg16 : memref<32xi32, #tpu.memory_space<vmem>>) semaphore(%arg34 : memref<!tpu.dma_semaphore, #tpu.memory_space<semaphore_mem>>)
    %dma_wait3A_124 = arith.constant 0 : i32
    %dma_wait3A_125 = arith.constant 0 : i32
    %dma_wait3A_126 = tpu.memref_slice %arg32[%dma_wait3A_124, %dma_wait3A_125] : memref<2056x144xf32, #tpu.memory_space<vmem_shared>> -> memref<2056x144xf32, #tpu.memory_space<vmem_shared>>
    tpu.wait_indirect_dma semaphore(%arg34 : memref<!tpu.dma_semaphore, #tpu.memory_space<semaphore_mem>>) src(%dma_wait3A_126 : memref<2056x144xf32, #tpu.memory_space<vmem_shared>>) dst(%arg20 : memref<32x144xf32, #tpu.memory_space<vmem>>)
    %scan3A_127 = arith.constant 0 : i32
    %scan3A_128 = arith.constant 0 : i32
    %scan3A_129 = arith.constant 32 : i32
    %scan3A_130 = arith.addi %scan3A_128, %scan3A_129 : i32
    %scan3A_131 = arith.constant 1 : i32
    scf.for %scan3A_157 = %scan3A_128 to %scan3A_130 step %scan3A_131  : i32 {
      %broadcast_in_dim3A_158 = vector.broadcast %scan3A_157 : i32 to vector<16xi32>
      %broadcast_in_dim3A_159 = arith.constant 128 : i32
      %broadcast_in_dim3A_160 = vector.broadcast %broadcast_in_dim3A_159 : i32 to vector<16xi32>
      %gather3A = tpu.vector_load_idx %arg20[%broadcast_in_dim3A_158, %broadcast_in_dim3A_160] : memref<32x144xf32, #tpu.memory_space<vmem>>[vector<16xi32>, vector<16xi32>], vector<16xf32>,
      %add3A_161 = arith.constant 9.99999971E-10 : f32
      %add3A_162 = vector.broadcast %add3A_161 : f32 to vector<16xf32>
      %add3A_163 = arith.addf %gather3A, %add3A_162 : vector<16xf32>
      %add3A_164 = arith.constant 0 : i32
      %add3A_165 = vector.broadcast %add3A_164 : i32 to vector<16xi32>
      %add3A_166 = arith.addi %add3A_165, %iota3A : vector<16xi32>
      %gather3A_167 = tpu.vector_load_idx %arg20[%broadcast_in_dim3A_158, %add3A_166] : memref<32x144xf32, #tpu.memory_space<vmem>>[vector<16xi32>, vector<16xi32>], vector<16xf32>,
      %div3A = arith.divf %gather3A_167, %add3A_163 : vector<16xf32>
      %add3A_168 = arith.constant 0 : i32
      %add3A_169 = vector.broadcast %add3A_168 : i32 to vector<16xi32>
      %add3A_170 = arith.addi %add3A_169, %iota3A : vector<16xi32>
      tpu.vector_store_idx %arg21[%broadcast_in_dim3A_158, %add3A_170], %div3A : memref<32x128xf32, #tpu.memory_space<vmem>>[vector<16xi32>, vector<16xi32>], vector<16xf32>,
      %add3A_171 = arith.constant 16 : i32
      %add3A_172 = vector.broadcast %add3A_171 : i32 to vector<16xi32>
      %add3A_173 = arith.addi %add3A_172, %iota3A : vector<16xi32>
      %gather3A_174 = tpu.vector_load_idx %arg20[%broadcast_in_dim3A_158, %add3A_173] : memref<32x144xf32, #tpu.memory_space<vmem>>[vector<16xi32>, vector<16xi32>], vector<16xf32>,
      %div3A_175 = arith.divf %gather3A_174, %add3A_163 : vector<16xf32>
      %add3A_176 = arith.constant 16 : i32
      %add3A_177 = vector.broadcast %add3A_176 : i32 to vector<16xi32>
      %add3A_178 = arith.addi %add3A_177, %iota3A : vector<16xi32>
      tpu.vector_store_idx %arg21[%broadcast_in_dim3A_158, %add3A_178], %div3A_175 : memref<32x128xf32, #tpu.memory_space<vmem>>[vector<16xi32>, vector<16xi32>], vector<16xf32>,
      %broadcast_in_dim3A_179 = arith.constant 129 : i32
      %broadcast_in_dim3A_180 = vector.broadcast %broadcast_in_dim3A_179 : i32 to vector<16xi32>
      %gather3A_181 = tpu.vector_load_idx %arg20[%broadcast_in_dim3A_158, %broadcast_in_dim3A_180] : memref<32x144xf32, #tpu.memory_space<vmem>>[vector<16xi32>, vector<16xi32>], vector<16xf32>,
      %add3A_182 = arith.constant 9.99999971E-10 : f32
      %add3A_183 = vector.broadcast %add3A_182 : f32 to vector<16xf32>
      %add3A_184 = arith.addf %gather3A_181, %add3A_183 : vector<16xf32>
      %add3A_185 = arith.constant 32 : i32
      %add3A_186 = vector.broadcast %add3A_185 : i32 to vector<16xi32>
      %add3A_187 = arith.addi %add3A_186, %iota3A : vector<16xi32>
      %gather3A_188 = tpu.vector_load_idx %arg20[%broadcast_in_dim3A_158, %add3A_187] : memref<32x144xf32, #tpu.memory_space<vmem>>[vector<16xi32>, vector<16xi32>], vector<16xf32>,
      %div3A_189 = arith.divf %gather3A_188, %add3A_184 : vector<16xf32>
      %add3A_190 = arith.constant 32 : i32
      %add3A_191 = vector.broadcast %add3A_190 : i32 to vector<16xi32>
      %add3A_192 = arith.addi %add3A_191, %iota3A : vector<16xi32>
      tpu.vector_store_idx %arg21[%broadcast_in_dim3A_158, %add3A_192], %div3A_189 : memref<32x128xf32, #tpu.memory_space<vmem>>[vector<16xi32>, vector<16xi32>], vector<16xf32>,
      %add3A_193 = arith.constant 48 : i32
      %add3A_194 = vector.broadcast %add3A_193 : i32 to vector<16xi32>
      %add3A_195 = arith.addi %add3A_194, %iota3A : vector<16xi32>
      %gather3A_196 = tpu.vector_load_idx %arg20[%broadcast_in_dim3A_158, %add3A_195] : memref<32x144xf32, #tpu.memory_space<vmem>>[vector<16xi32>, vector<16xi32>], vector<16xf32>,
      %div3A_197 = arith.divf %gather3A_196, %add3A_184 : vector<16xf32>
      %add3A_198 = arith.constant 48 : i32
      %add3A_199 = vector.broadcast %add3A_198 : i32 to vector<16xi32>
      %add3A_200 = arith.addi %add3A_199, %iota3A : vector<16xi32>
      tpu.vector_store_idx %arg21[%broadcast_in_dim3A_158, %add3A_200], %div3A_197 : memref<32x128xf32, #tpu.memory_space<vmem>>[vector<16xi32>, vector<16xi32>], vector<16xf32>,
      %broadcast_in_dim3A_201 = arith.constant 130 : i32
      %broadcast_in_dim3A_202 = vector.broadcast %broadcast_in_dim3A_201 : i32 to vector<16xi32>
      %gather3A_203 = tpu.vector_load_idx %arg20[%broadcast_in_dim3A_158, %broadcast_in_dim3A_202] : memref<32x144xf32, #tpu.memory_space<vmem>>[vector<16xi32>, vector<16xi32>], vector<16xf32>,
      %add3A_204 = arith.constant 9.99999971E-10 : f32
      %add3A_205 = vector.broadcast %add3A_204 : f32 to vector<16xf32>
      %add3A_206 = arith.addf %gather3A_203, %add3A_205 : vector<16xf32>
      %add3A_207 = arith.constant 64 : i32
      %add3A_208 = vector.broadcast %add3A_207 : i32 to vector<16xi32>
      %add3A_209 = arith.addi %add3A_208, %iota3A : vector<16xi32>
      %gather3A_210 = tpu.vector_load_idx %arg20[%broadcast_in_dim3A_158, %add3A_209] : memref<32x144xf32, #tpu.memory_space<vmem>>[vector<16xi32>, vector<16xi32>], vector<16xf32>,
      %div3A_211 = arith.divf %gather3A_210, %add3A_206 : vector<16xf32>
      %add3A_212 = arith.constant 64 : i32
      %add3A_213 = vector.broadcast %add3A_212 : i32 to vector<16xi32>
      %add3A_214 = arith.addi %add3A_213, %iota3A : vector<16xi32>
      tpu.vector_store_idx %arg21[%broadcast_in_dim3A_158, %add3A_214], %div3A_211 : memref<32x128xf32, #tpu.memory_space<vmem>>[vector<16xi32>, vector<16xi32>], vector<16xf32>,
      %add3A_215 = arith.constant 80 : i32
      %add3A_216 = vector.broadcast %add3A_215 : i32 to vector<16xi32>
      %add3A_217 = arith.addi %add3A_216, %iota3A : vector<16xi32>
      %gather3A_218 = tpu.vector_load_idx %arg20[%broadcast_in_dim3A_158, %add3A_217] : memref<32x144xf32, #tpu.memory_space<vmem>>[vector<16xi32>, vector<16xi32>], vector<16xf32>,
      %div3A_219 = arith.divf %gather3A_218, %add3A_206 : vector<16xf32>
      %add3A_220 = arith.constant 80 : i32
      %add3A_221 = vector.broadcast %add3A_220 : i32 to vector<16xi32>
      %add3A_222 = arith.addi %add3A_221, %iota3A : vector<16xi32>
      tpu.vector_store_idx %arg21[%broadcast_in_dim3A_158, %add3A_222], %div3A_219 : memref<32x128xf32, #tpu.memory_space<vmem>>[vector<16xi32>, vector<16xi32>], vector<16xf32>,
      %broadcast_in_dim3A_223 = arith.constant 131 : i32
      %broadcast_in_dim3A_224 = vector.broadcast %broadcast_in_dim3A_223 : i32 to vector<16xi32>
      %gather3A_225 = tpu.vector_load_idx %arg20[%broadcast_in_dim3A_158, %broadcast_in_dim3A_224] : memref<32x144xf32, #tpu.memory_space<vmem>>[vector<16xi32>, vector<16xi32>], vector<16xf32>,
      %add3A_226 = arith.constant 9.99999971E-10 : f32
      %add3A_227 = vector.broadcast %add3A_226 : f32 to vector<16xf32>
      %add3A_228 = arith.addf %gather3A_225, %add3A_227 : vector<16xf32>
      %add3A_229 = arith.constant 96 : i32
      %add3A_230 = vector.broadcast %add3A_229 : i32 to vector<16xi32>
      %add3A_231 = arith.addi %add3A_230, %iota3A : vector<16xi32>
      %gather3A_232 = tpu.vector_load_idx %arg20[%broadcast_in_dim3A_158, %add3A_231] : memref<32x144xf32, #tpu.memory_space<vmem>>[vector<16xi32>, vector<16xi32>], vector<16xf32>,
      %div3A_233 = arith.divf %gather3A_232, %add3A_228 : vector<16xf32>
      %add3A_234 = arith.constant 96 : i32
      %add3A_235 = vector.broadcast %add3A_234 : i32 to vector<16xi32>
      %add3A_236 = arith.addi %add3A_235, %iota3A : vector<16xi32>
      tpu.vector_store_idx %arg21[%broadcast_in_dim3A_158, %add3A_236], %div3A_233 : memref<32x128xf32, #tpu.memory_space<vmem>>[vector<16xi32>, vector<16xi32>], vector<16xf32>,
      %add3A_237 = arith.constant 112 : i32
      %add3A_238 = vector.broadcast %add3A_237 : i32 to vector<16xi32>
      %add3A_239 = arith.addi %add3A_238, %iota3A : vector<16xi32>
      %gather3A_240 = tpu.vector_load_idx %arg20[%broadcast_in_dim3A_158, %add3A_239] : memref<32x144xf32, #tpu.memory_space<vmem>>[vector<16xi32>, vector<16xi32>], vector<16xf32>,
      %div3A_241 = arith.divf %gather3A_240, %add3A_228 : vector<16xf32>
      %add3A_242 = arith.constant 112 : i32
      %add3A_243 = vector.broadcast %add3A_242 : i32 to vector<16xi32>
      %add3A_244 = arith.addi %add3A_243, %iota3A : vector<16xi32>
      tpu.vector_store_idx %arg21[%broadcast_in_dim3A_158, %add3A_244], %div3A_241 : memref<32x128xf32, #tpu.memory_space<vmem>>[vector<16xi32>, vector<16xi32>], vector<16xf32>,
    }
    %scan3A_132 = arith.constant 32 : i32
    %add3A_133 = arith.constant 64 : i32
    %add3A_134 = arith.addi %mul3A_49, %add3A_133 : i32
    %multiple_of3A_135 = tpu.assume_multiple %add3A_134, 8 : i32
    "tpu.region"() ({
      %run_scoped3A = tpu.sem_alloc : memref<!tpu.dma_semaphore, #tpu.memory_space<semaphore_mem>>
      %dma_start3A_157 = arith.constant 0 : i32
      %dma_start3A_158 = tpu.memref_slice %arg7[%arg0, %multiple_of3A_135, %dma_start3A_157] : memref<2x2048x128xf32, #tpu.memory_space<hbm>> -> memref<1x32x128xf32, #tpu.memory_space<hbm>>
      %dma_start3A_159 = tpu.memref_squeeze %dma_start3A_158 : memref<1x32x128xf32, #tpu.memory_space<hbm>> -> memref<32x128xf32, #tpu.memory_space<hbm>>
      %dma_start3A_160 = arith.constant 0 : i32
      %dma_start3A_161 = tpu.memref_slice %arg7[%arg0, %multiple_of3A_135, %dma_start3A_160] : memref<2x2048x128xf32, #tpu.memory_space<hbm>> -> memref<1x32x128xf32, #tpu.memory_space<hbm>>
      %dma_start3A_162 = tpu.memref_squeeze %dma_start3A_161 : memref<1x32x128xf32, #tpu.memory_space<hbm>> -> memref<32x128xf32, #tpu.memory_space<hbm>>
      tpu.enqueue_dma source(%arg21 : memref<32x128xf32, #tpu.memory_space<vmem>>) target(%dma_start3A_162 : memref<32x128xf32, #tpu.memory_space<hbm>>) target_semaphore(%run_scoped3A : memref<!tpu.dma_semaphore, #tpu.memory_space<semaphore_mem>>)
      %dma_wait3A_163 = arith.constant 0 : i32
      %dma_wait3A_164 = tpu.memref_slice %arg7[%arg0, %multiple_of3A_135, %dma_wait3A_163] : memref<2x2048x128xf32, #tpu.memory_space<hbm>> -> memref<1x32x128xf32, #tpu.memory_space<hbm>>
      %dma_wait3A_165 = tpu.memref_squeeze %dma_wait3A_164 : memref<1x32x128xf32, #tpu.memory_space<hbm>> -> memref<32x128xf32, #tpu.memory_space<hbm>>
      %dma_wait3A_166 = arith.constant 0 : i32
      %dma_wait3A_167 = tpu.memref_slice %arg7[%arg0, %multiple_of3A_135, %dma_wait3A_166] : memref<2x2048x128xf32, #tpu.memory_space<hbm>> -> memref<1x32x128xf32, #tpu.memory_space<hbm>>
      %dma_wait3A_168 = tpu.memref_squeeze %dma_wait3A_167 : memref<1x32x128xf32, #tpu.memory_space<hbm>> -> memref<32x128xf32, #tpu.memory_space<hbm>>
      tpu.wait_dma2 semaphore(%run_scoped3A : memref<!tpu.dma_semaphore, #tpu.memory_space<semaphore_mem>>) src(%arg21 : memref<32x128xf32, #tpu.memory_space<vmem>>) dst(%dma_wait3A_168 : memref<32x128xf32, #tpu.memory_space<hbm>>)
      tpu.yield
    }) : () -> ()
    %scan3A_136 = arith.constant 0 : i32
    %scan3A_137 = arith.constant 0 : i32
    %scan3A_138 = arith.constant 2 : i32
    %scan3A_139 = arith.addi %scan3A_137, %scan3A_138 : i32
    %scan3A_140 = arith.constant 1 : i32
    scf.for %scan3A_157 = %scan3A_137 to %scan3A_139 step %scan3A_140  : i32 {
      %add3A_158 = arith.constant 96 : i32
      %add3A_159 = arith.addi %mul3A_49, %add3A_158 : i32
      %mul3A_160 = arith.constant 16 : i32
      %mul3A_161 = arith.muli %scan3A_157, %mul3A_160 : i32
      %add3A_162 = arith.addi %add3A_159, %mul3A_161 : i32
      %get3A = arith.index_cast %add3A_162 : i32 to index
      %get3A_163 = tpu.vector_load %arg10[%get3A] {strides = array<i32>} : memref<2048xi32, #tpu.memory_space<vmem>>, vector<16xi32>,
      %gather3A = tpu.vector_load_idx %arg9[%get3A_163] : memref<10000xi32, #tpu.memory_space<vmem>>[vector<16xi32>], vector<16xi32>,
      %mul3A_164 = arith.constant 16 : i32
      %mul3A_165 = arith.muli %scan3A_157, %mul3A_164 : i32
      %swap3A = arith.index_cast %mul3A_165 : i32 to index
      %swap3A_166 = tpu.vector_load %arg16[%swap3A] {strides = array<i32>} : memref<32xi32, #tpu.memory_space<vmem>>, vector<16xi32>,
      tpu.vector_store %arg16[%swap3A], %gather3A {strides = array<i32>} : memref<32xi32, #tpu.memory_space<vmem>>, vector<16xi32>,
    }
    %scan3A_141 = arith.constant 2 : i32
    %dma_start3A_142 = arith.constant 0 : i32
    %dma_start3A_143 = arith.constant 0 : i32
    %dma_start3A_144 = tpu.memref_slice %arg32[%dma_start3A_142, %dma_start3A_143] : memref<2056x144xf32, #tpu.memory_space<vmem_shared>> -> memref<2056x144xf32, #tpu.memory_space<vmem_shared>>
    tpu.enqueue_indirect_dma source(%dma_start3A_144 : memref<2056x144xf32, #tpu.memory_space<vmem_shared>>) target(%arg20 : memref<32x144xf32, #tpu.memory_space<vmem>>) offsets(%arg16 : memref<32xi32, #tpu.memory_space<vmem>>) semaphore(%arg34 : memref<!tpu.dma_semaphore, #tpu.memory_space<semaphore_mem>>)
    %dma_wait3A_145 = arith.constant 0 : i32
    %dma_wait3A_146 = arith.constant 0 : i32
    %dma_wait3A_147 = tpu.memref_slice %arg32[%dma_wait3A_145, %dma_wait3A_146] : memref<2056x144xf32, #tpu.memory_space<vmem_shared>> -> memref<2056x144xf32, #tpu.memory_space<vmem_shared>>
    tpu.wait_indirect_dma semaphore(%arg34 : memref<!tpu.dma_semaphore, #tpu.memory_space<semaphore_mem>>) src(%dma_wait3A_147 : memref<2056x144xf32, #tpu.memory_space<vmem_shared>>) dst(%arg20 : memref<32x144xf32, #tpu.memory_space<vmem>>)
    %scan3A_148 = arith.constant 0 : i32
    %scan3A_149 = arith.constant 0 : i32
    %scan3A_150 = arith.constant 32 : i32
    %scan3A_151 = arith.addi %scan3A_149, %scan3A_150 : i32
    %scan3A_152 = arith.constant 1 : i32
    scf.for %scan3A_157 = %scan3A_149 to %scan3A_151 step %scan3A_152  : i32 {
      %broadcast_in_dim3A_158 = vector.broadcast %scan3A_157 : i32 to vector<16xi32>
      %broadcast_in_dim3A_159 = arith.constant 128 : i32
      %broadcast_in_dim3A_160 = vector.broadcast %broadcast_in_dim3A_159 : i32 to vector<16xi32>
      %gather3A = tpu.vector_load_idx %arg20[%broadcast_in_dim3A_158, %broadcast_in_dim3A_160] : memref<32x144xf32, #tpu.memory_space<vmem>>[vector<16xi32>, vector<16xi32>], vector<16xf32>,
      %add3A_161 = arith.constant 9.99999971E-10 : f32
      %add3A_162 = vector.broadcast %add3A_161 : f32 to vector<16xf32>
      %add3A_163 = arith.addf %gather3A, %add3A_162 : vector<16xf32>
      %add3A_164 = arith.constant 0 : i32
      %add3A_165 = vector.broadcast %add3A_164 : i32 to vector<16xi32>
      %add3A_166 = arith.addi %add3A_165, %iota3A : vector<16xi32>
      %gather3A_167 = tpu.vector_load_idx %arg20[%broadcast_in_dim3A_158, %add3A_166] : memref<32x144xf32, #tpu.memory_space<vmem>>[vector<16xi32>, vector<16xi32>], vector<16xf32>,
      %div3A = arith.divf %gather3A_167, %add3A_163 : vector<16xf32>
      %add3A_168 = arith.constant 0 : i32
      %add3A_169 = vector.broadcast %add3A_168 : i32 to vector<16xi32>
      %add3A_170 = arith.addi %add3A_169, %iota3A : vector<16xi32>
      tpu.vector_store_idx %arg21[%broadcast_in_dim3A_158, %add3A_170], %div3A : memref<32x128xf32, #tpu.memory_space<vmem>>[vector<16xi32>, vector<16xi32>], vector<16xf32>,
      %add3A_171 = arith.constant 16 : i32
      %add3A_172 = vector.broadcast %add3A_171 : i32 to vector<16xi32>
      %add3A_173 = arith.addi %add3A_172, %iota3A : vector<16xi32>
      %gather3A_174 = tpu.vector_load_idx %arg20[%broadcast_in_dim3A_158, %add3A_173] : memref<32x144xf32, #tpu.memory_space<vmem>>[vector<16xi32>, vector<16xi32>], vector<16xf32>,
      %div3A_175 = arith.divf %gather3A_174, %add3A_163 : vector<16xf32>
      %add3A_176 = arith.constant 16 : i32
      %add3A_177 = vector.broadcast %add3A_176 : i32 to vector<16xi32>
      %add3A_178 = arith.addi %add3A_177, %iota3A : vector<16xi32>
      tpu.vector_store_idx %arg21[%broadcast_in_dim3A_158, %add3A_178], %div3A_175 : memref<32x128xf32, #tpu.memory_space<vmem>>[vector<16xi32>, vector<16xi32>], vector<16xf32>,
      %broadcast_in_dim3A_179 = arith.constant 129 : i32
      %broadcast_in_dim3A_180 = vector.broadcast %broadcast_in_dim3A_179 : i32 to vector<16xi32>
      %gather3A_181 = tpu.vector_load_idx %arg20[%broadcast_in_dim3A_158, %broadcast_in_dim3A_180] : memref<32x144xf32, #tpu.memory_space<vmem>>[vector<16xi32>, vector<16xi32>], vector<16xf32>,
      %add3A_182 = arith.constant 9.99999971E-10 : f32
      %add3A_183 = vector.broadcast %add3A_182 : f32 to vector<16xf32>
      %add3A_184 = arith.addf %gather3A_181, %add3A_183 : vector<16xf32>
      %add3A_185 = arith.constant 32 : i32
      %add3A_186 = vector.broadcast %add3A_185 : i32 to vector<16xi32>
      %add3A_187 = arith.addi %add3A_186, %iota3A : vector<16xi32>
      %gather3A_188 = tpu.vector_load_idx %arg20[%broadcast_in_dim3A_158, %add3A_187] : memref<32x144xf32, #tpu.memory_space<vmem>>[vector<16xi32>, vector<16xi32>], vector<16xf32>,
      %div3A_189 = arith.divf %gather3A_188, %add3A_184 : vector<16xf32>
      %add3A_190 = arith.constant 32 : i32
      %add3A_191 = vector.broadcast %add3A_190 : i32 to vector<16xi32>
      %add3A_192 = arith.addi %add3A_191, %iota3A : vector<16xi32>
      tpu.vector_store_idx %arg21[%broadcast_in_dim3A_158, %add3A_192], %div3A_189 : memref<32x128xf32, #tpu.memory_space<vmem>>[vector<16xi32>, vector<16xi32>], vector<16xf32>,
      %add3A_193 = arith.constant 48 : i32
      %add3A_194 = vector.broadcast %add3A_193 : i32 to vector<16xi32>
      %add3A_195 = arith.addi %add3A_194, %iota3A : vector<16xi32>
      %gather3A_196 = tpu.vector_load_idx %arg20[%broadcast_in_dim3A_158, %add3A_195] : memref<32x144xf32, #tpu.memory_space<vmem>>[vector<16xi32>, vector<16xi32>], vector<16xf32>,
      %div3A_197 = arith.divf %gather3A_196, %add3A_184 : vector<16xf32>
      %add3A_198 = arith.constant 48 : i32
      %add3A_199 = vector.broadcast %add3A_198 : i32 to vector<16xi32>
      %add3A_200 = arith.addi %add3A_199, %iota3A : vector<16xi32>
      tpu.vector_store_idx %arg21[%broadcast_in_dim3A_158, %add3A_200], %div3A_197 : memref<32x128xf32, #tpu.memory_space<vmem>>[vector<16xi32>, vector<16xi32>], vector<16xf32>,
      %broadcast_in_dim3A_201 = arith.constant 130 : i32
      %broadcast_in_dim3A_202 = vector.broadcast %broadcast_in_dim3A_201 : i32 to vector<16xi32>
      %gather3A_203 = tpu.vector_load_idx %arg20[%broadcast_in_dim3A_158, %broadcast_in_dim3A_202] : memref<32x144xf32, #tpu.memory_space<vmem>>[vector<16xi32>, vector<16xi32>], vector<16xf32>,
      %add3A_204 = arith.constant 9.99999971E-10 : f32
      %add3A_205 = vector.broadcast %add3A_204 : f32 to vector<16xf32>
      %add3A_206 = arith.addf %gather3A_203, %add3A_205 : vector<16xf32>
      %add3A_207 = arith.constant 64 : i32
      %add3A_208 = vector.broadcast %add3A_207 : i32 to vector<16xi32>
      %add3A_209 = arith.addi %add3A_208, %iota3A : vector<16xi32>
      %gather3A_210 = tpu.vector_load_idx %arg20[%broadcast_in_dim3A_158, %add3A_209] : memref<32x144xf32, #tpu.memory_space<vmem>>[vector<16xi32>, vector<16xi32>], vector<16xf32>,
      %div3A_211 = arith.divf %gather3A_210, %add3A_206 : vector<16xf32>
      %add3A_212 = arith.constant 64 : i32
      %add3A_213 = vector.broadcast %add3A_212 : i32 to vector<16xi32>
      %add3A_214 = arith.addi %add3A_213, %iota3A : vector<16xi32>
      tpu.vector_store_idx %arg21[%broadcast_in_dim3A_158, %add3A_214], %div3A_211 : memref<32x128xf32, #tpu.memory_space<vmem>>[vector<16xi32>, vector<16xi32>], vector<16xf32>,
      %add3A_215 = arith.constant 80 : i32
      %add3A_216 = vector.broadcast %add3A_215 : i32 to vector<16xi32>
      %add3A_217 = arith.addi %add3A_216, %iota3A : vector<16xi32>
      %gather3A_218 = tpu.vector_load_idx %arg20[%broadcast_in_dim3A_158, %add3A_217] : memref<32x144xf32, #tpu.memory_space<vmem>>[vector<16xi32>, vector<16xi32>], vector<16xf32>,
      %div3A_219 = arith.divf %gather3A_218, %add3A_206 : vector<16xf32>
      %add3A_220 = arith.constant 80 : i32
      %add3A_221 = vector.broadcast %add3A_220 : i32 to vector<16xi32>
      %add3A_222 = arith.addi %add3A_221, %iota3A : vector<16xi32>
      tpu.vector_store_idx %arg21[%broadcast_in_dim3A_158, %add3A_222], %div3A_219 : memref<32x128xf32, #tpu.memory_space<vmem>>[vector<16xi32>, vector<16xi32>], vector<16xf32>,
      %broadcast_in_dim3A_223 = arith.constant 131 : i32
      %broadcast_in_dim3A_224 = vector.broadcast %broadcast_in_dim3A_223 : i32 to vector<16xi32>
      %gather3A_225 = tpu.vector_load_idx %arg20[%broadcast_in_dim3A_158, %broadcast_in_dim3A_224] : memref<32x144xf32, #tpu.memory_space<vmem>>[vector<16xi32>, vector<16xi32>], vector<16xf32>,
      %add3A_226 = arith.constant 9.99999971E-10 : f32
      %add3A_227 = vector.broadcast %add3A_226 : f32 to vector<16xf32>
      %add3A_228 = arith.addf %gather3A_225, %add3A_227 : vector<16xf32>
      %add3A_229 = arith.constant 96 : i32
      %add3A_230 = vector.broadcast %add3A_229 : i32 to vector<16xi32>
      %add3A_231 = arith.addi %add3A_230, %iota3A : vector<16xi32>
      %gather3A_232 = tpu.vector_load_idx %arg20[%broadcast_in_dim3A_158, %add3A_231] : memref<32x144xf32, #tpu.memory_space<vmem>>[vector<16xi32>, vector<16xi32>], vector<16xf32>,
      %div3A_233 = arith.divf %gather3A_232, %add3A_228 : vector<16xf32>
      %add3A_234 = arith.constant 96 : i32
      %add3A_235 = vector.broadcast %add3A_234 : i32 to vector<16xi32>
      %add3A_236 = arith.addi %add3A_235, %iota3A : vector<16xi32>
      tpu.vector_store_idx %arg21[%broadcast_in_dim3A_158, %add3A_236], %div3A_233 : memref<32x128xf32, #tpu.memory_space<vmem>>[vector<16xi32>, vector<16xi32>], vector<16xf32>,
      %add3A_237 = arith.constant 112 : i32
      %add3A_238 = vector.broadcast %add3A_237 : i32 to vector<16xi32>
      %add3A_239 = arith.addi %add3A_238, %iota3A : vector<16xi32>
      %gather3A_240 = tpu.vector_load_idx %arg20[%broadcast_in_dim3A_158, %add3A_239] : memref<32x144xf32, #tpu.memory_space<vmem>>[vector<16xi32>, vector<16xi32>], vector<16xf32>,
      %div3A_241 = arith.divf %gather3A_240, %add3A_228 : vector<16xf32>
      %add3A_242 = arith.constant 112 : i32
      %add3A_243 = vector.broadcast %add3A_242 : i32 to vector<16xi32>
      %add3A_244 = arith.addi %add3A_243, %iota3A : vector<16xi32>
      tpu.vector_store_idx %arg21[%broadcast_in_dim3A_158, %add3A_244], %div3A_241 : memref<32x128xf32, #tpu.memory_space<vmem>>[vector<16xi32>, vector<16xi32>], vector<16xf32>,
    }
    %scan3A_153 = arith.constant 32 : i32
    %add3A_154 = arith.constant 96 : i32
    %add3A_155 = arith.addi %mul3A_49, %add3A_154 : i32
    %multiple_of3A_156 = tpu.assume_multiple %add3A_155, 8 : i32
    "tpu.region"() ({
      %run_scoped3A = tpu.sem_alloc : memref<!tpu.dma_semaphore, #tpu.memory_space<semaphore_mem>>
      %dma_start3A_157 = arith.constant 0 : i32
      %dma_start3A_158 = tpu.memref_slice %arg7[%arg0, %multiple_of3A_156, %dma_start3A_157] : memref<2x2048x128xf32, #tpu.memory_space<hbm>> -> memref<1x32x128xf32, #tpu.memory_space<hbm>>
      %dma_start3A_159 = tpu.memref_squeeze %dma_start3A_158 : memref<1x32x128xf32, #tpu.memory_space<hbm>> -> memref<32x128xf32, #tpu.memory_space<hbm>>
      %dma_start3A_160 = arith.constant 0 : i32
      %dma_start3A_161 = tpu.memref_slice %arg7[%arg0, %multiple_of3A_156, %dma_start3A_160] : memref<2x2048x128xf32, #tpu.memory_space<hbm>> -> memref<1x32x128xf32, #tpu.memory_space<hbm>>
      %dma_start3A_162 = tpu.memref_squeeze %dma_start3A_161 : memref<1x32x128xf32, #tpu.memory_space<hbm>> -> memref<32x128xf32, #tpu.memory_space<hbm>>
      tpu.enqueue_dma source(%arg21 : memref<32x128xf32, #tpu.memory_space<vmem>>) target(%dma_start3A_162 : memref<32x128xf32, #tpu.memory_space<hbm>>) target_semaphore(%run_scoped3A : memref<!tpu.dma_semaphore, #tpu.memory_space<semaphore_mem>>)
      %dma_wait3A_163 = arith.constant 0 : i32
      %dma_wait3A_164 = tpu.memref_slice %arg7[%arg0, %multiple_of3A_156, %dma_wait3A_163] : memref<2x2048x128xf32, #tpu.memory_space<hbm>> -> memref<1x32x128xf32, #tpu.memory_space<hbm>>
      %dma_wait3A_165 = tpu.memref_squeeze %dma_wait3A_164 : memref<1x32x128xf32, #tpu.memory_space<hbm>> -> memref<32x128xf32, #tpu.memory_space<hbm>>
      %dma_wait3A_166 = arith.constant 0 : i32
      %dma_wait3A_167 = tpu.memref_slice %arg7[%arg0, %multiple_of3A_156, %dma_wait3A_166] : memref<2x2048x128xf32, #tpu.memory_space<hbm>> -> memref<1x32x128xf32, #tpu.memory_space<hbm>>
      %dma_wait3A_168 = tpu.memref_squeeze %dma_wait3A_167 : memref<1x32x128xf32, #tpu.memory_space<hbm>> -> memref<32x128xf32, #tpu.memory_space<hbm>>
      tpu.wait_dma2 semaphore(%run_scoped3A : memref<!tpu.dma_semaphore, #tpu.memory_space<semaphore_mem>>) src(%arg21 : memref<32x128xf32, #tpu.memory_space<vmem>>) dst(%dma_wait3A_168 : memref<32x128xf32, #tpu.memory_space<hbm>>)
      tpu.yield
    }) : () -> ()
    return
  }
}

module attributes {stable_mosaic.version = 14 : i64} {
  func.func @_prep_body(%arg0: i32, %arg1: i32, %arg2: memref<10000x128xf32, #tpu.memory_space<vmem>>, %arg3: memref<1x128x128xf32, #tpu.memory_space<vmem>>, %arg4: memref<1x1x128xf32, #tpu.memory_space<vmem>>, %arg5: memref<1x128x128xf32, #tpu.memory_space<vmem>>, %arg6: memref<1x1x128xf32, #tpu.memory_space<vmem>>, %arg7: memref<1x10000x128xf32, #tpu.memory_space<vmem>>) attributes {dimension_semantics = [#tpu.dimension_semantics<arbitrary>, #tpu.dimension_semantics<arbitrary>], iteration_bounds = array<i64: 2, 2>, scalar_prefetch = 0 : i64, scratch_operands = 0 : i64, tpu.core_type = #tpu.core_type<tc>, window_params = [{transform_indices = @transform_0, window_bounds = array<i64: 10000, 128>}, {transform_indices = @transform_1, window_bounds = array<i64: 1, 128, 128>}, {transform_indices = @transform_2, window_bounds = array<i64: 1, 1, 128>}, {transform_indices = @transform_3, window_bounds = array<i64: 1, 128, 128>}, {transform_indices = @transform_4, window_bounds = array<i64: 1, 1, 128>}, {transform_indices = @transform_5, window_bounds = array<i64: 1, 10000, 128>}]} {
    %get3A = arith.constant 0 : index
    %get3A_0 = arith.constant 0 : index
    %get3A_1 = vector.load %arg2[%get3A, %get3A_0] : memref<10000x128xf32, #tpu.memory_space<vmem>>, vector<10000x128xf32>
    %get3A_2 = arith.constant 0 : index
    %get3A_3 = arith.constant 0 : index
    %get3A_4 = arith.constant 0 : index
    %get3A_5 = vector.load %arg3[%get3A_2, %get3A_3, %get3A_4] : memref<1x128x128xf32, #tpu.memory_space<vmem>>, vector<1x128x128xf32>
    %get3A_6 = vector.shape_cast %get3A_5 : vector<1x128x128xf32> to vector<128x128xf32>
    %dot_general3A = arith.constant dense<0.000000e+00> : vector<10000x128xf32>
    %dot_general3A_7 = tpu.matmul %get3A_1, %get3A_6, %dot_general3A {dimension_numbers = #tpu.dot_dimension_numbers<[1], [0], [0], [1], [0, 0, 1, 1], [], []>, transpose_lhs_hint = false} : vector<10000x128xf32>, vector<128x128xf32>, vector<10000x128xf32> -> vector<10000x128xf32>
    %get3A_8 = arith.constant 0 : index
    %get3A_9 = arith.constant 0 : index
    %get3A_10 = arith.constant 0 : index
    %get3A_11 = vector.load %arg4[%get3A_8, %get3A_9, %get3A_10] : memref<1x1x128xf32, #tpu.memory_space<vmem>>, vector<1x1x128xf32>
    %get3A_12 = vector.shape_cast %get3A_11 : vector<1x1x128xf32> to vector<1x128xf32>
    %add3A = vector.broadcast %get3A_12 : vector<1x128xf32> to vector<10000x128xf32>
    %add3A_13 = arith.addf %dot_general3A_7, %add3A : vector<10000x128xf32>
    %get3A_14 = arith.constant 0 : index
    %get3A_15 = arith.constant 0 : index
    %get3A_16 = arith.constant 0 : index
    %get3A_17 = vector.load %arg5[%get3A_14, %get3A_15, %get3A_16] : memref<1x128x128xf32, #tpu.memory_space<vmem>>, vector<1x128x128xf32>
    %get3A_18 = vector.shape_cast %get3A_17 : vector<1x128x128xf32> to vector<128x128xf32>
    %dot_general3A_19 = arith.constant dense<0.000000e+00> : vector<10000x128xf32>
    %dot_general3A_20 = tpu.matmul %add3A_13, %get3A_18, %dot_general3A_19 {dimension_numbers = #tpu.dot_dimension_numbers<[1], [0], [0], [1], [0, 0, 1, 1], [], []>, transpose_lhs_hint = false} : vector<10000x128xf32>, vector<128x128xf32>, vector<10000x128xf32> -> vector<10000x128xf32>
    %get3A_21 = arith.constant 0 : index
    %get3A_22 = arith.constant 0 : index
    %get3A_23 = arith.constant 0 : index
    %get3A_24 = vector.load %arg6[%get3A_21, %get3A_22, %get3A_23] : memref<1x1x128xf32, #tpu.memory_space<vmem>>, vector<1x1x128xf32>
    %get3A_25 = vector.shape_cast %get3A_24 : vector<1x1x128xf32> to vector<1x128xf32>
    %add3A_26 = vector.broadcast %get3A_25 : vector<1x128xf32> to vector<10000x128xf32>
    %add3A_27 = arith.addf %dot_general3A_20, %add3A_26 : vector<10000x128xf32>
    %tanh3A = math.tanh %add3A_27 : vector<10000x128xf32>
    %swap3A = arith.constant 0 : index
    %swap3A_28 = arith.constant 0 : index
    %swap3A_29 = arith.constant 0 : index
    %swap3A_30 = vector.load %arg7[%swap3A, %swap3A_28, %swap3A_29] : memref<1x10000x128xf32, #tpu.memory_space<vmem>>, vector<1x10000x128xf32>
    %swap3A_31 = vector.shape_cast %swap3A_30 : vector<1x10000x128xf32> to vector<10000x128xf32>
    %swap3A_32 = vector.shape_cast %tanh3A : vector<10000x128xf32> to vector<1x10000x128xf32>
    tpu.vector_store %arg7[%swap3A, %swap3A_28, %swap3A_29], %swap3A_32 {strides = array<i32>} : memref<1x10000x128xf32, #tpu.memory_space<vmem>>, vector<1x10000x128xf32>,
    return
  }
  func.func @transform_0(%arg0: i32, %arg1: i32) -> (i32, i32) {
    %c0_i32 = arith.constant 0 : i32
    %c0_i32_0 = arith.constant 0 : i32
    return %arg0, %c0_i32 : i32, i32
  }
  func.func @transform_1(%arg0: i32, %arg1: i32) -> (i32, i32, i32) {
    %c0_i32 = arith.constant 0 : i32
    %c0_i32_0 = arith.constant 0 : i32
    %c0_i32_1 = arith.constant 0 : i32
    return %arg0, %c0_i32, %c0_i32_0 : i32, i32, i32
  }
  func.func @transform_2(%arg0: i32, %arg1: i32) -> (i32, i32, i32) {
    %c0_i32 = arith.constant 0 : i32
    %c0_i32_0 = arith.constant 0 : i32
    %c0_i32_1 = arith.constant 0 : i32
    return %arg0, %c0_i32, %c0_i32_0 : i32, i32, i32
  }
  func.func @transform_3(%arg0: i32, %arg1: i32) -> (i32, i32, i32) {
    %c0_i32 = arith.constant 0 : i32
    %c0_i32_0 = arith.constant 0 : i32
    %c0_i32_1 = arith.constant 0 : i32
    return %arg1, %c0_i32, %c0_i32_0 : i32, i32, i32
  }
  func.func @transform_4(%arg0: i32, %arg1: i32) -> (i32, i32, i32) {
    %c0_i32 = arith.constant 0 : i32
    %c0_i32_0 = arith.constant 0 : i32
    %c0_i32_1 = arith.constant 0 : i32
    return %arg1, %c0_i32, %c0_i32_0 : i32, i32, i32
  }
  func.func @transform_5(%arg0: i32, %arg1: i32) -> (i32, i32, i32) {
    %c0_i32 = arith.constant 0 : i32
    %c0_i32_0 = arith.constant 0 : i32
    return %arg1, %arg0, %c0_i32 : i32, i32, i32
  }
}

module attributes {stable_mosaic.version = 14 : i64} {
  func.func @_out_body(%arg0: i32, %arg1: memref<1x2048x128xf32, #tpu.memory_space<vmem>>, %arg2: memref<1x128x64xf32, #tpu.memory_space<vmem>>, %arg3: memref<1x1x64xf32, #tpu.memory_space<vmem>>, %arg4: memref<1x2048x64xf32, #tpu.memory_space<vmem>>) attributes {dimension_semantics = [#tpu.dimension_semantics<arbitrary>], iteration_bounds = array<i64: 2>, scalar_prefetch = 0 : i64, scratch_operands = 0 : i64, tpu.core_type = #tpu.core_type<tc>, window_params = [{transform_indices = @transform_0, window_bounds = array<i64: 1, 2048, 128>}, {transform_indices = @transform_1, window_bounds = array<i64: 1, 128, 64>}, {transform_indices = @transform_2, window_bounds = array<i64: 1, 1, 64>}, {transform_indices = @transform_3, window_bounds = array<i64: 1, 2048, 64>}]} {
    %get3A = arith.constant 0 : index
    %get3A_0 = arith.constant 0 : index
    %get3A_1 = arith.constant 0 : index
    %get3A_2 = vector.load %arg1[%get3A, %get3A_0, %get3A_1] : memref<1x2048x128xf32, #tpu.memory_space<vmem>>, vector<1x2048x128xf32>
    %get3A_3 = vector.shape_cast %get3A_2 : vector<1x2048x128xf32> to vector<2048x128xf32>
    %get3A_4 = arith.constant 0 : index
    %get3A_5 = arith.constant 0 : index
    %get3A_6 = arith.constant 0 : index
    %get3A_7 = vector.load %arg2[%get3A_4, %get3A_5, %get3A_6] : memref<1x128x64xf32, #tpu.memory_space<vmem>>, vector<1x128x64xf32>
    %get3A_8 = vector.shape_cast %get3A_7 : vector<1x128x64xf32> to vector<128x64xf32>
    %dot_general3A = arith.constant dense<0.000000e+00> : vector<2048x64xf32>
    %dot_general3A_9 = tpu.matmul %get3A_3, %get3A_8, %dot_general3A {dimension_numbers = #tpu.dot_dimension_numbers<[1], [0], [0], [1], [0, 0, 1, 1], [], []>, transpose_lhs_hint = false} : vector<2048x128xf32>, vector<128x64xf32>, vector<2048x64xf32> -> vector<2048x64xf32>
    %get3A_10 = arith.constant 0 : index
    %get3A_11 = arith.constant 0 : index
    %get3A_12 = arith.constant 0 : index
    %get3A_13 = vector.load %arg3[%get3A_10, %get3A_11, %get3A_12] : memref<1x1x64xf32, #tpu.memory_space<vmem>>, vector<1x1x64xf32>
    %get3A_14 = vector.shape_cast %get3A_13 : vector<1x1x64xf32> to vector<1x64xf32>
    %add3A = vector.broadcast %get3A_14 : vector<1x64xf32> to vector<2048x64xf32>
    %add3A_15 = arith.addf %dot_general3A_9, %add3A : vector<2048x64xf32>
    %swap3A = arith.constant 0 : index
    %swap3A_16 = arith.constant 0 : index
    %swap3A_17 = arith.constant 0 : index
    %swap3A_18 = vector.load %arg4[%swap3A, %swap3A_16, %swap3A_17] : memref<1x2048x64xf32, #tpu.memory_space<vmem>>, vector<1x2048x64xf32>
    %swap3A_19 = vector.shape_cast %swap3A_18 : vector<1x2048x64xf32> to vector<2048x64xf32>
    %swap3A_20 = vector.shape_cast %add3A_15 : vector<2048x64xf32> to vector<1x2048x64xf32>
    tpu.vector_store %arg4[%swap3A, %swap3A_16, %swap3A_17], %swap3A_20 {strides = array<i32>} : memref<1x2048x64xf32, #tpu.memory_space<vmem>>, vector<1x2048x64xf32>,
    return
  }
  func.func @transform_0(%arg0: i32) -> (i32, i32, i32) {
    %c0_i32 = arith.constant 0 : i32
    %c0_i32_0 = arith.constant 0 : i32
    %c0_i32_1 = arith.constant 0 : i32
    return %arg0, %c0_i32, %c0_i32_0 : i32, i32, i32
  }
  func.func @transform_1(%arg0: i32) -> (i32, i32, i32) {
    %c0_i32 = arith.constant 0 : i32
    %c0_i32_0 = arith.constant 0 : i32
    %c0_i32_1 = arith.constant 0 : i32
    return %arg0, %c0_i32, %c0_i32_0 : i32, i32, i32
  }
  func.func @transform_2(%arg0: i32) -> (i32, i32, i32) {
    %c0_i32 = arith.constant 0 : i32
    %c0_i32_0 = arith.constant 0 : i32
    %c0_i32_1 = arith.constant 0 : i32
    return %arg0, %c0_i32, %c0_i32_0 : i32, i32, i32
  }
  func.func @transform_3(%arg0: i32) -> (i32, i32, i32) {
    %c0_i32 = arith.constant 0 : i32
    %c0_i32_0 = arith.constant 0 : i32
    %c0_i32_1 = arith.constant 0 : i32
    return %arg0, %c0_i32, %c0_i32_0 : i32, i32, i32
  }
}

</mosaic_0001>

<sc_bundles>
// kernel: kernel.5.cloned.1.call-start
scs
__scs_entry_jumppad:
0x0: {  	(pc) =	sbr.rel $0x88, $3  }
0x1: {  	(tag) =	ssettag $0x0;
	lr =	simm.s32 $0x1  }
0x2: {  	[smem:$0x3F8F] =	sst lr;
	_ =	strace $0xD0000000  }
0x3: {  	_ = 	snop  }
0x4: {  	_ = 	snop  }
0x5: {  	_ = 	snop  }
0x6: {  	_ = 	snop  }
0x7: {  	_ = 	snop  }
__scs_overlays_trampoline_lowered:
0x8: {  	[smem:$0x3F9E] =	sst s0  }
0x9: {  	[smem:$0x3F9F] =	sst s1  }
0xa: {  	[smem:$0x3FA0] =	sst s2  }
0xb: {  	[smem:$0x3FA1] =	sst s3  }
0xc: {  	[smem:$0x3FA2] =	sst s4  }
0xd: {  	[smem:$0x3FA3] =	sst s5  }
0xe: {  	[smem:$0x3FA4] =	sst s6  }
0xf: {  	[smem:$0x3FA5] =	sst s7  }
0x10: {  	[smem:$0x3FA6] =	sst s8  }
0x11: {  	[smem:$0x3FA7] =	sst s9;
	s0 =	simm.s32 @!p0 $0x0  }
0x12: {  	s1 =	sld [smem:$0x3F8D];
	s0 =	simm.s32 @p0 $0x1  }
0x13: {  	[smem:$0x3FA8] =	sst s0;
	s0 =	simm.s32 @!p1 $0x0  }
0x14: {  	s2 =	sld [smem:$0x3F8C];
	s0 =	simm.s32 @p1 $0x1  }
0x15: {  	[smem:$0x3FA9] =	sst s0;
	s0 =	simm.s32 @!p2 $0x0  }
0x16: {  	s3 =	sld [smem:$0x3FDB];
	s0 =	simm.s32 @p2 $0x1  }
0x17: {  	s4 =	simm.s32 $0x1BF5;
	[smem:$0x3FAB] =	sst s0  }
0x18: {  	s0 =	sld [smem:$0x3F8E];
	_ =	swait.ge [sflag:s4], $0x0  }
0x19: {  	s7 =	sld [smem:$0x3F8F]  }
0x1a: {  	s8 =	sadd.s32 $0xFFFFE003, lr  }
0x1b: {  	s9 =	sadd.s32 $0xFFFFFEF7, lr;
	s5 =	simm.s32 $0xFFFFFFFF;
	p2 =	slt.u32 s8, $0xFFFFF086  }
0x1c: {  	p1 =	slt.u32 s9, $0xF7A;
	s5 =	simm.s32 @!p2 $0x0  }
0x1d: {  	s5 =	simm.s32 @p1 $0x1;
	p0 =	seq.s32 s7, s2  }
0x1e: {  	s7 =	smul.u32 @!p0 $0xF7A, s2;
	p2 =	seq.s32 @!p0 s5, $0x0  }
0x1f: {  	s9 =	smul.u32 $0xF7A, s1;
	s8 =	simm.s32 @!p0 $0x1BF5;
	p2 =	por !p2, p0  }
0x20: {  	[sflag:s8] =	ssyncset.s32 @!p0 $0xFFFFF086;
	s6 =	sadd.s32 @!p0 s3, s7;
	s7 =	simm.s32 @!p0 $0x108  }
0x21: {  	s3 =	sadd.s32 s3, s9;
	s6 =	sadd.s32 @!p0 $0x88, s6;
	s7 =	simm.s32 @p2 $0x1082  }
0x22: {  	[simem:s7], [sflag:s8] =	dma.local @!p0 [hbm:s6], $0xF7A  }
0x23: {  	s9 =	sor.u32 $0xD0000000, s2;
	s6 =	simm.s32 $0x108;
	_ =	swait.ge @!p0 [sflag:s8], $0x0  }
0x24: {  	s3 =	sadd.s32 $0x88, s3;
	s6 =	simm.s32 @!p1 $0x1082;
	[sflag:s4] =	ssyncset.s32 $0xFFFFF086  }
0x25: {  	[simem:s6], [sflag:s4] =	dma.local [hbm:s3], $0xF7A  }
0x26: {  	[smem:$0x3F8F] =	sst s1;
	(tag) =	ssettag s2;
	_ =	strace s9  }
0x27: {  	s1 =	sld [smem:$0x3F9F]  }
0x28: {  	s2 =	sld [smem:$0x3FA0]  }
0x29: {  	s4 =	sld [smem:$0x3FA2]  }
0x2a: {  	p0 =	seq.s32 s5, $0x0;
	s5 =	sld [smem:$0x3FA3]  }
0x2b: {  	s6 =	sld [smem:$0x3FA4]  }
0x2c: {  	s7 =	sld [smem:$0x3FA5]  }
0x2d: {  	s3 =	simm.s32 $0x108;
	s8 =	sld [smem:$0x3FA6]  }
0x2e: {  	s3 =	simm.s32 @!p0 $0x1082;
	s9 =	sld [smem:$0x3FA7]  }
0x2f: {  	lr =	sadd.s32 s0, s3;
	s0 =	sld [smem:$0x3F9E]  }
0x30: {  	s3 =	sld [smem:$0x3FA1]  }
0x31: {  	[smem:$0x3FAA] =	sst s10  }
0x32: {  	s10 =	sld [smem:$0x3FA8];
	_ =	sdelay $0x3  }
0x33: {  	p0 =	seq.s32 s10, $0x1;
	s10 =	sld [smem:$0x3FAA];
	_ =	sdelay $0x3  }
0x34: {  	[smem:$0x3FAA] =	sst s10  }
0x35: {  	s10 =	sld [smem:$0x3FA9];
	_ =	sdelay $0x3  }
0x36: {  	p1 =	seq.s32 s10, $0x1;
	s10 =	sld [smem:$0x3FAA];
	_ =	sdelay $0x3  }
0x37: {  	[smem:$0x3FAA] =	sst s10  }
0x38: {  	s10 =	sld [smem:$0x3FAB]  }
0x39: {  	_ = 	snop;
	(pc) =	sbr.ind lr, $3  }
0x3a: {  	_ = 	snop  }
0x3b: {  	_ = 	snop  }
0x3c: {  	p2 =	seq.s32 s10, $0x1;
	s10 =	sld [smem:$0x3FAA]  }
0x3d: {  	_ =	shalt  }
0x3e: {  	_ =	shalt  }
0x3f: {  	_ =	shalt  }
0x40: {  	_ =	shalt  }
0x41: {  	_ =	shalt  }
0x42: {  	_ =	shalt  }
0x43: {  	_ =	shalt  }
0x44: {  	_ =	shalt  }
0x45: {  	_ =	shalt  }
0x46: {  	_ =	shalt  }
0x47: {  	_ =	shalt  }
0x48: {  	_ =	shalt  }
0x49: {  	_ =	shalt  }
0x4a: {  	_ =	shalt  }
0x4b: {  	_ =	shalt  }
0x4c: {  	_ =	shalt  }
0x4d: {  	_ =	shalt  }
0x4e: {  	_ =	shalt  }
0x4f: {  	_ =	shalt  }
0x50: {  	_ =	shalt  }
0x51: {  	_ =	shalt  }
0x52: {  	_ =	shalt  }
0x53: {  	_ =	shalt  }
0x54: {  	_ =	shalt  }
0x55: {  	_ =	shalt  }
0x56: {  	_ =	shalt  }
0x57: {  	_ =	shalt  }
0x58: {  	_ =	shalt  }
0x59: {  	_ =	shalt  }
0x5a: {  	_ =	shalt  }
0x5b: {  	_ =	shalt  }
0x5c: {  	_ =	shalt  }
0x5d: {  	_ =	shalt  }
0x5e: {  	_ =	shalt  }
0x5f: {  	_ =	shalt  }
0x60: {  	_ =	shalt  }
0x61: {  	_ =	shalt  }
0x62: {  	_ =	shalt  }
0x63: {  	_ =	shalt  }
0x64: {  	_ =	shalt  }
0x65: {  	_ =	shalt  }
0x66: {  	_ =	shalt  }
0x67: {  	_ =	shalt  }
0x68: {  	_ =	shalt  }
0x69: {  	_ =	shalt  }
0x6a: {  	_ =	shalt  }
0x6b: {  	_ =	shalt  }
0x6c: {  	_ =	shalt  }
0x6d: {  	_ =	shalt  }
0x6e: {  	_ =	shalt  }
0x6f: {  	_ =	shalt  }
0x70: {  	_ =	shalt  }
0x71: {  	_ =	shalt  }
0x72: {  	_ =	shalt  }
0x73: {  	_ =	shalt  }
0x74: {  	_ =	shalt  }
0x75: {  	_ =	shalt  }
0x76: {  	_ =	shalt  }
0x77: {  	_ =	shalt  }
0x78: {  	_ =	shalt  }
0x79: {  	_ =	shalt  }
0x7a: {  	_ =	shalt  }
0x7b: {  	_ =	shalt  }
0x7c: {  	_ =	shalt  }
0x7d: {  	_ =	shalt  }
0x7e: {  	_ =	shalt  }
0x7f: {  	_ =	shalt  }
0x80: {  	_ =	shalt  }
0x81: {  	_ =	shalt  }
0x82: {  	_ =	shalt  }
0x83: {  	_ =	shalt  }
0x84: {  	_ =	shalt  }
0x85: {  	_ =	shalt  }
0x86: {  	_ =	shalt  }
0x87: {  	_ =	shalt  }
.Lfunc_end0:
.L_simem_size_0:
called_computation_lowered:
.L_overlay_start_0:
0x88: {  	s2 =	sld [smem:$0x3FD9]  }
0x89: {  	s3 =	sld [smem:$0x3FFE];
	_ =	sdelay $0x1  }
0x8a: {  	s1 =	srdreg.scid  }
0x8b: {  	s0 =	sand.u32 $0x1, s1  }
0x8c: {  	s14 =	sshll.u32 s0, $0xA;
	s2 =	sadd.s32 s3, s2  }
0x8d: {  	s2 =	sadd.s32 s2, s14  }
0x8e: {  	[smem:$0x3FB6] =	sst s2  }
0x8f: {  	_ = 	snop  }
0x90: {  	s2 =	sld [smem:$0x3FD0];
	_ =	sdelay $0x2  }
0x91: {  	s15 =	simm.s32 $0xA;
	s4 =	simm.s32 $0x10  }
0x92: {  	[smem:s4], [sflag:s15] =	dma.local [hbm:s2], $0x1  }
0x93: {  	_ =	swait.eq [sflag:s15], $0x1  }
0x94: {  	[sflag:s15] =	ssyncset.done $0x0  }
0x95: {  	s16 =	sld [smem:$0x10];
	[sflag:s15] =	ssyncadd.s32 $0xFFFFFFFF  }
0x96: {  	s17 =	sld [smem:$0x11];
	(tm) =	ssettm $0x1  }
0x97: {  	s18 =	sld [smem:$0x3FFB];
	_ =	sdelay $0x3  }
0x98: {  	_ =	strace s18  }
0x99: {  	s4 =	sld [smem:$0x3FFC];
	_ =	sdelay $0x3  }
0x9a: {  	_ =	strace s4  }
0x9b: {  	s4 =	sld [smem:$0x3FFD];
	_ =	sdelay $0x3  }
0x9c: {  	_ =	strace s4  }
0x9d: {  	_ =	strace $0x8FFFFFFF  }
0x9e: {  	s19 =	sld [smem:$0x3FDB];
	_ =	sdelay $0x1  }
0x9f: {  	s5 =	simm.s32 $_scs_section_size  }
0xa0: {  	s6 =	simm.s32 $_size__tile_overlayer_lowered;
	s7 =	simm.s32 $_tile_overlayer_lowered  }
0xa1: {  	s22 =	simm.s32 $0x1BFF;
	s21 =	sshll.u32 s7, $0x1;
	s4 =	sadd.s32 s5, s19  }
0xa2: {  	s8 =	simm.s32 $0x0;
	s20 =	sshll.u32 s6, $0x1;
	s6 =	sadd.s32 s21, s4  }
0xa3: {  	[timem:s8], [sflag:s22] =	dma.local [hbm:s6], s20  }
0xa4: {  	_ =	swait.ge [sflag:s22], s20  }
0xa5: {  	s5 =	ssub.s32 $0x0, s20;
	[sflag:s22] =	ssyncset.done $0x0  }
0xa6: {  	[sflag:s22] =	ssyncadd.s32 s5;
	_ =	sdelay $0x1  }
0xa7: {  	s23 =	simm.s32 $0x1B8B  }
0xa8: {  	_ =	swait.ge [sflag:s23], $0x1  }
0xa9: {  	[sflag:s23] =	ssyncset.done $0x0  }
0xaa: {  	s25 =	simm.s32 $0x1B8E;
	s24 =	sld [smem:$0x3FFE];
	[sflag:s23] =	ssyncadd.s32 $0xFFFFFFFF  }
0xab: {  	s26 =	simm.s32 $execute0_lowered;
	[smem:$0x3FD2] =	sst s25  }
0xac: {  	s6 =	sshll.u32 s26, $0x1;
	_ =	strace $0x80000046;
	[dreg:$0x1] =	wrdreg $0xFFFFFFFF  }
0xad: {  	s28 =	simm.s32 $_size_execute0_lowered;
	s4 =	sadd.s32 s4, s6;
	[dreg:$0x0] =	wrdreg $0x0  }
0xae: {  	s6 =	sshll.u32 s28, $0x1;
	[dreg:$0x2] =	wrdreg s4  }
0xaf: {  	[dreg:$0x3] =	wrdreg s6  }
0xb0: {  	[dreg:$0x4] =	wrdreg $0xC0  }
0xb1: {  	_ =	task [dreg:s8], $0x5FFFF  }
0xb2: {  	[dreg:$0x1] =	wrdreg $0xFFFFFFFF  }
0xb3: {  	[dreg:$0x0] =	wrdreg $0x60  }
0xb4: {  	[dreg:$0x2] =	wrdreg s24  }
0xb5: {  	[dreg:$0x3] =	wrdreg s17  }
0xb6: {  	[dreg:$0x4] =	wrdreg s16  }
0xb7: {  	[dreg:$0x5] =	wrdreg $0x136400  }
0xb8: {  	[dreg:$0x6] =	wrdreg $0x17E880  }
0xb9: {  	[dreg:$0x7] =	wrdreg $0x9  }
0xba: {  	_ =	task.clear_ibuf [dreg:s8], $0x8FFFF;
	_ =	strace $0x90000046  }
0xbb: {  	s29 =	simm.s32 $0x9;
	_ =	strace $0x80000048  }
0xbc: {  	_ =	swait.ge [sflag:s29], $0x1  }
0xbd: {  	[sflag:s29] =	ssyncadd.s32 $0xFFFFFFFF  }
0xbe: {  	_ =	strace $0x90000048  }
0xbf: {  	_ =	sfence  }
0xc0: {  	s30 =	sld [smem:$0x0];
	_ =	sdelay $0x2  }
0xc1: {  	s31 =	sshll.u32 s1, $0xD;
	s1 =	sshrl.u32 s1, $0x2  }
0xc2: {  	s3 =	sand.u32 $0x4000, s31;
	s1 =	sadd.s32 s1, s30  }
0xc3: {  	s0 =	sor.u32 s3, s0;
	s1 =	sshll.u32 s1, $0x11  }
0xc4: {  	s0 =	sor.u32 s1, s0  }
0xc5: {  	s0 =	sadd.s32 $0x8F2B, s0  }
0xc6: {  	[sflag:s0] =	ssyncadd.remote.s32 $0x1  }
0xc7: {  	_ =	sfence.sel $0xFFFF  }
0xc8: {  	[dreg:$0x0] =	wrdreg $0xFFFFFFFF;
	(pc) =	sbr.abs _section_cstart, $3  }
0xc9: {  	[dreg:$0x1] =	wrdreg $0xFFFFFFFF  }
0xca: {  	_ =	task.clear_ibuf [dreg:s8], $0x2FFFF;
	_ =	strace $0x9FFFFFFF  }
0xcb: {  	(tm) =	ssettm $0x7FFFFFFF  }
tec
execute0_lowered:
.L_overlay_start_1:
0x0: {  	(tag) =	ssettag $0x1  }
0x1: {  	s0 =	rddreg [dreg:$0x0]  }
0x2: {  	s3 =	rddreg [dreg:$0x1]  }
0x3: {  	s4 =	rddreg [dreg:$0x2]  }
0x4: {  	s1 =	rddreg [dreg:$0x3]  }
0x5: {  	s2 =	rddreg [dreg:$0x4];
	s5 =	simm.s32 $0x0;
	s6 =	srdreg.scid  }
0x6: {  	s11 =	stileid.u32;
	s29 =	simm.s32 $0xEB40;
	s30 =	simm.s32 $0x10340  }
0x7: {  	s31 =	simm.s32 $0x11B40;
	[smem:$0x7FF] =	sst s5;
	s5 =	sadd.s32 $0x28A00, s0  }
0x8: {  	s7 =	sadd.s32 $0x1600, s0;
	s6 =	sand.u32 $0x1, s6;
	s19 =	smul.u32 $0x4E20, s11  }
0x9: {  	s13 =	sadd.s32 $0x15000, s0;
	s8 =	sshll.u32 s11, $0xB;
	s20 =	smul.u32 $0x6C00, s11  }
0xa: {  	s21 =	sor.u32 $0x20, s11;
	_ =	strace $0x80000047;
	s9 =	smul.u32 $0x4E2, s6  }
0xb: {  	[dreg:$0x6] =	wrdreg s7;
	s14 =	sshll.u32 s6, $0xF;
	s10 =	smul.u32 $0x4E20, s6  }
0xc: {  	s15 =	ssub.s32 $0x2, s6;
	s17 =	sshll.u32 s6, $0x8;
	s6 =	smul.u32 $0x4E200, s6  }
0xd: {  	[dreg:$0x7] =	wrdreg s13;
	s23 =	smul.u32 $0x6C00, s21;
	p0 =	slt.u32 s21, $0x2A  }
0xe: {  	s7 =	sor.u32 s8, s14;
	s16 =	sshrl.u32 s15, $0x1;
	s18 =	sadd.s32 s4, s17  }
0xf: {  	s28 =	sshrl.u32 s20, $0x2;
	s3 =	sadd.s32 s3, s9;
	[dreg:$0x9] =	wrdreg s18  }
0x10: {  	s0 =	sadd.s32 s7, s0;
	s4 =	sadd.s32 s28, s1;
	[dreg:$0x8] =	wrdreg s3  }
0x11: {  	s7 =	ssub.s32 s15, s16;
	s16 =	sshll.u32 s11, $0x7;
	[dreg:$0x11] =	wrdreg s4  }
0x12: {  	p1 =	sne.s32 @!p0 s11, $0xA;
	s3 =	sadd.s32 s19, s6;
	[dreg:$0xa] =	wrdreg s16  }
0x13: {  	s8 =	simm.s32 $0x3;
	s22 =	sadd.s32 $0xC4E00, s0;
	[dreg:$0xb] =	wrdreg s3  }
0x14: {  	p1 =	por p1, p0;
	s24 =	sadd.s32 $0xC5000, s0;
	[dreg:$0xc] =	wrdreg s22  }
0x15: {  	v0 =	vmov s10;
	s10 =	simm.s32 $0xB140;
	s25 =	sadd.s32 $0xC5200, s0;
	[dreg:$0xd] =	wrdreg s24  }
0x16: {  	s0 =	sadd.s32 $0xC5400, s0;
	s26 =	smax.u32 s7, $0x1;
	[dreg:$0xe] =	wrdreg s25  }
0x17: {  	s6 =	sor.u32 $0x10, s16;
	s7 =	sshll.u32 s11, $0xE;
	[dreg:$0xf] =	wrdreg s0  }
0x18: {  	s9 =	sor.u32 $0x20, s16;
	s14 =	sor.u32 $0x30, s16;
	[dreg:$0x10] =	wrdreg s26  }
0x19: {  	s15 =	sor.u32 $0x40, s16;
	s20 =	sor.u32 $0x50, s16;
	[dreg:$0x13] =	wrdreg s6  }
0x1a: {  	s21 =	sor.u32 $0x60, s16;
	s28 =	sadd.s32 $0x1B000, s4;
	[dreg:$0x14] =	wrdreg s9  }
0x1b: {  	s4 =	simm.s32 $0xDB20;
	s3 =	sshrl.u32 s23, $0x2;
	[dreg:$0x17] =	wrdreg s14  }
0x1c: {  	s0 =	sadd.s32 s7, s2;
	s13 =	sshll.u32 s9, $0x7;
	[dreg:$0x18] =	wrdreg s15  }
0x1d: {  	s17 =	sshll.u32 s14, $0x7;
	s18 =	sshll.u32 s15, $0x7;
	[dreg:$0x1c] =	wrdreg s20  }
0x1e: {  	s22 =	sor.u32 $0x70, s16;
	[dreg:$0x1d] =	wrdreg s21;
	s23 =	sshll.u32 s21, $0x7  }
0x1f: {  	s26 =	sadd.s32 $0x46E00, s1;
	[smem:$0x7FD] =	sst s28;
	s14 =	simm.s32 $0x9  }
0x20: {  	s15 =	simm.s32 $0x2710;
	s21 =	simm.s32 $0x6640;
	[dreg:$0x15] =	wrdreg s0  }
0x21: {  	s9 =	simm.s32 $0x4;
	s7 =	simm.s32 $0x0;
	[dreg:$0x1e] =	wrdreg s22  }
0x22: {  	s3 =	sadd.s32 s3, s1;
	s0 =	sadd.s32 s13, s2;
	[smem:$0x7FC] =	sst s26  }
0x23: {  	s19 =	sadd.s32 s18, s2;
	s24 =	sshll.u32 s22, $0x7;
	[dreg:$0x12] =	wrdreg s3  }
0x24: {  	s13 =	simm.s32 $0xEB10;
	s3 =	sshll.u32 s6, $0x7;
	[dreg:$0x19] =	wrdreg s0  }
0x25: {  	v1 =	vlaneseq.u32;
	v2 =	vimm.f32 $0.0e+00;
	s0 =	sadd.s32 s17, s2;
	[dreg:$0x1b] =	wrdreg s19;
	s25 =	sadd.s32 s24, s2  }
0x26: {  	v3 =	vimm.s32 $0x800;
	v4 =	vimm.s32 $0x0;
	vm0 =	vcmask $0x300;
	s17 =	simm.s32 $0x7E40;
	s19 =	simm.s32 $0x30;
	s24 =	simm.s32 $0x6  }
0x27: {  	vm13 =	vcmask $0x704;
	vm14 =	vcmask $0xB08;
	vm15 =	vcmask $0xF0C;
	s12 =	sadd.s32 s3, s2;
	[dreg:$0x1a] =	wrdreg s0;
	s0 =	sshll.u32 s20, $0x7  }
0x28: {  	v5 =	vor.u32 $0x10, v1;
	v6 =	vor.u32 $0x20, v1;
	v7 =	vor.u32 $0x30, v1;
	[smem:$0x7FB] =	sst s25;
	s3 =	simm.s32 $0xE300;
	s20 =	simm.s32 $0x65F0  }
0x29: {  	v8 =	vor.u32 $0x40, v1;
	v9 =	vsel vm0, $0x3F800000, v2;
	v10 =	vor.u32 $0x50, v1;
	s25 =	simm.s32 $0xC340;
	[dreg:$0x16] =	wrdreg s12;
	s0 =	sadd.s32 s0, s2  }
0x2a: {  	v11 =	vsel vm13, $0x3F800000, v2;
	v12 =	vor.u32 $0x60, v1;
	v13 =	vsel vm14, $0x3F800000, v2;
	s12 =	simm.s32 $0x9640;
	[dreg:$0x1f] =	wrdreg s0;
	s0 =	sadd.s32 s23, s2  }
0x2b: {  	v14 =	vor.u32 $0x70, v1;
	v15 =	vsel vm15, $0x3F800000, v2;
	v16 =	vor.u32 $0x80, v1;
	s23 =	simm.s32 $0x5;
	[smem:$0x7FA] =	sst s0;
	s0 =	simm.s32 $0xD340  }
.LBB2_1:
0x2c: {  	[smem:$0x7F9] =	sst s7;
	s6 =	simm.s32 $0x0  }
.LBB2_2:
0x2d: {  	v17 =	vmov s6  }
0x2e: {  	v17 =	vmul.u32 $0x90, v17;
	_ =	sdelay $0x1  }
0x2f: {  	v17 =	vbroadcast v17, $0x0;
	_ =	sdelay $0x1  }
0x30: {  	s11 =	simm.s32 $0x0;
	v17 =	vor.u32 v1, v17  }
0x31: {  	s7 =	simm.s32 $0x10;
	v18 =	vadd.s32 s11, v17  }
.LBB2_3:
0x32: {  	p2 =	sne.s32 s7, $0x80  }
.Ltmp0:
0x33: {  	_ = 	snop;
	(pc) =	sbr.rel @p2 .LBB2_3-.Ltmp0, $3  }
0x34: {  	_ =	sdelay $0x1  }
0x35: {  	[tilespmem:v18+s12+$0x0] =	vst.idx.msk $0xffff, v2;
	s11 =	smov.u32 s7;
	s7 =	sadd.s32 $0x10, s7  }
0x36: {  	v18 =	vadd.s32 s11, v17  }
0x37: {  	s6 =	sadd.s32 $0x1, s6  }
0x38: {  	p2 =	sne.s32 s6, $0x30  }
.Ltmp1:
0x39: {  	_ = 	snop;
	(pc) =	sbr.rel @p2 .LBB2_2-.Ltmp1, $2  }
0x3a: {  	_ =	sdelay $0x2  }
0x3b: {  	[tilespmem:v18+s12+$0x0] =	vst.idx.msk $0xffff, v2  }
0x3c: {  	s6 =	rddreg [dreg:$0x11];
	s7 =	simm.s32 $0xA  }
0x3d: {  	[spmem:s6] =	stream.linear.scatter [tilespmem:s12], [sflag:$0xA], $0x1B00, $0x38;
	[tilespmem:$0x1BEC8] =	vst v63  }
0x3e: {  	_ =	swait.ge [sflag:s7], $0x1B00  }
0x3f: {  	s22 =	sld [smem:$0x7FD]  }
0x40: {  	[sflag:s7] =	ssyncset.done $0x0  }
0x41: {  	[sflag:s7] =	ssyncadd.s32 $0xFFFFE500  }
0x42: {  	[spmem:s22] =	stream.linear.scatter [tilespmem:s12], [sflag:$0xA], $0x1B00, $0x38;
	[tilespmem:$0x1BEC8] =	vst v63  }
0x43: {  	_ =	swait.ge [sflag:s7], $0x1B00  }
0x44: {  	[sflag:s7] =	ssyncset.done $0x0  }
0x45: {  	s6 =	simm.s32 @p0 $0x9640;
	[sflag:s7] =	ssyncadd.s32 $0xFFFFE500;
	s7 =	rddreg [dreg:$0x12]  }
0x46: {  	[spmem:s7] =	stream.linear.scatter @p0 [tilespmem:s6], [sflag:$0xA], $0x1B00, $0x38;
	[tilespmem:$0x1BEC8] =	vst v63  }
0x47: {  	s6 =	simm.s32 @p0 $0xA  }
0x48: {  	_ =	swait.ge @p0 [sflag:s6], $0x1B00  }
0x49: {  	s7 =	sld [smem:$0x7FC]  }
0x4a: {  	[sflag:s6] =	ssyncset.done @p0 $0x0  }
0x4b: {  	[sflag:s6] =	ssyncadd.s32 @p0 $0xFFFFE500;
	s6 =	simm.s32 @!p1 $0x9640  }
0x4c: {  	[spmem:s7] =	stream.linear.scatter @!p1 [tilespmem:s6], [sflag:$0x9], $0x1680, $0x38;
	[tilespmem:$0x1BEC8] =	vst v63  }
0x4d: {  	s6 =	simm.s32 @!p1 $0x9  }
0x4e: {  	_ =	swait.ge @!p1 [sflag:s6], $0x1680  }
0x4f: {  	[sflag:s6] =	ssyncset.done @!p1 $0x0  }
0x50: {  	s26 =	rddreg [dreg:$0x8];
	[sflag:s6] =	ssyncadd.s32 @!p1 $0xFFFFE980;
	s6 =	simm.s32 $0x0  }
0x51: {  	[tilespmem:s6], [sflag:$0x9] =	stream.linear.gather [hbm4b:s26+s6], $0x2710, $0x38;
	[tilespmem:$0x1BEC8] =	vst v63  }
0x52: {  	_ =	swait.ge [sflag:s14], $0x2710  }
0x53: {  	[sflag:s14] =	ssyncset.done $0x0  }
0x54: {  	s11 =	simm.s32 $0x4E20;
	s28 =	rddreg [dreg:$0x9];
	[sflag:s14] =	ssyncadd.s32 $0xFFFFD8F0  }
0x55: {  	[tilespmem:s11], [sflag:$0x9] =	stream.linear.gather [hbm4b:s28+s6], $0x800, $0x38;
	[tilespmem:$0x1BEC8] =	vst v63  }
0x56: {  	_ =	swait.ge [sflag:s14], $0x800  }
0x57: {  	[sflag:s14] =	ssyncset.done $0x0  }
0x58: {  	s7 =	simm.s32 $0x0;
	[sflag:s14] =	ssyncadd.s32 $0xFFFFF800  }
.LBB2_6:
0x59: {  	p2 =	sne.s32 s7, $0x9C00  }
.Ltmp2:
0x5a: {  	_ = 	snop;
	(pc) =	sbr.rel @p2 .LBB2_6-.Ltmp2, $3  }
0x5b: {  	_ =	sdelay $0x1  }
0x5c: {  	s11 =	sshra.s32 s7, $0x2  }
0x5d: {  	s7 =	sadd.s32 $0x40, s7;
	[tilespmem:s11+$0x2710] =	vst v3  }
0x5e: {  	s7 =	simm.s32 $0x4E20  }
0x5f: {  	s14 =	simm.s32 $0x10;
	v17 =	vld [tilespmem:s7+$0x0]  }
.LBB2_8:
0x60: {  	p2 =	sne.s32 s14, $0x7F0;
	_ =	sdelay $0x3  }
.Ltmp3:
0x61: {  	(pc) =	sbr.rel @p2 .LBB2_8-.Ltmp3, $4  }
0x62: {  	_ = 	snop  }
0x63: {  	v18 =	vor.u32 s6, v1;
	s6 =	smov.u32 s14  }
0x64: {  	s7 =	sadd.s32 $0x10, s7;
	[tilespmem:v17+s15+$0x0] =	vst.idx.msk $0xffff, v18  }
0x65: {  	s14 =	sadd.s32 $0x10, s14;
	v17 =	vld [tilespmem:s7+$0x0]  }
0x66: {  	_ =	sdelay $0x6  }
0x67: {  	v18 =	vor.u32 s6, v1  }
0x68: {  	[tilespmem:v17+s15+$0x0] =	vst.idx.msk $0xffff, v18  }
0x69: {  	v17 =	vld [tilespmem:s16+$0x4E20];
	_ =	sdelay $0x6  }
0x6a: {  	s26 =	simm.s32 $0x0  }
0x6b: {  	v17 =	vld.idx.msk [tilespmem:v17+s26+$0x0], $0xffff;
	_ =	sdelay $0x4  }
0x6c: {  	v17 =	vadd.s32 v0, v17  }
0x6d: {  	s11 =	simm.s32 $0x10;
	s14 =	simm.s32 $0x65C0;
	s16 =	simm.s32 $0x1;
	[tilespmem:$0x65C0] =	vst v17  }
0x6e: {  	[tilespmem:s21], [sflag:$0x1] =	stream.indirect.gather [hbm4b:s5+s11], $0x80, s14, s11, $0xb8;
	[tilespmem:$0x1BEC8] =	vst v63  }
0x6f: {  	_ =	swait.ge [sflag:s16], $0x800  }
0x70: {  	[sflag:s16] =	ssyncset.done $0x0  }
0x71: {  	s7 =	simm.s32 $0x9;
	s18 =	rddreg [dreg:$0x15];
	[sflag:s16] =	ssyncadd.s32 $0xFFFFF800  }
0x72: {  	[spmem:s18] =	stream.linear.scatter [tilespmem:s21], [sflag:$0x9], $0x800, $0x38;
	[tilespmem:$0x1BEC8] =	vst v63  }
0x73: {  	_ =	swait.ge [sflag:s7], $0x800  }
0x74: {  	[sflag:s7] =	ssyncset.done $0x0  }
0x75: {  	s22 =	rddreg [dreg:$0x13];
	[sflag:s7] =	ssyncadd.s32 $0xFFFFF800  }
0x76: {  	v17 =	vld [tilespmem:s22+$0x4E20];
	_ =	sdelay $0x7  }
0x77: {  	v17 =	vld.idx.msk [tilespmem:v17+s26+$0x0], $0xffff;
	_ =	sdelay $0x4  }
0x78: {  	v17 =	vadd.s32 v0, v17  }
0x79: {  	[tilespmem:$0x65C0] =	vst v17  }
0x7a: {  	[tilespmem:s21], [sflag:$0x1] =	stream.indirect.gather [hbm4b:s5+s11], $0x80, s14, s11, $0xb8;
	[tilespmem:$0x1BEC8] =	vst v63  }
0x7b: {  	_ =	swait.ge [sflag:s16], $0x800  }
0x7c: {  	[sflag:s16] =	ssyncset.done $0x0  }
0x7d: {  	s28 =	rddreg [dreg:$0x16];
	[sflag:s16] =	ssyncadd.s32 $0xFFFFF800  }
0x7e: {  	[spmem:s28] =	stream.linear.scatter [tilespmem:s21], [sflag:$0x9], $0x800, $0x38;
	[tilespmem:$0x1BEC8] =	vst v63  }
0x7f: {  	_ =	swait.ge [sflag:s7], $0x800  }
0x80: {  	[sflag:s7] =	ssyncset.done $0x0  }
0x81: {  	s18 =	rddreg [dreg:$0x14];
	[sflag:s7] =	ssyncadd.s32 $0xFFFFF800  }
0x82: {  	v17 =	vld [tilespmem:s18+$0x4E20];
	_ =	sdelay $0x7  }
0x83: {  	v17 =	vld.idx.msk [tilespmem:v17+s26+$0x0], $0xffff;
	_ =	sdelay $0x4  }
0x84: {  	v17 =	vadd.s32 v0, v17  }
0x85: {  	[tilespmem:$0x65C0] =	vst v17  }
0x86: {  	[tilespmem:s21], [sflag:$0x1] =	stream.indirect.gather [hbm4b:s5+s11], $0x80, s14, s11, $0xb8;
	[tilespmem:$0x1BEC8] =	vst v63  }
0x87: {  	_ =	swait.ge [sflag:s16], $0x800  }
0x88: {  	[sflag:s16] =	ssyncset.done $0x0  }
0x89: {  	s22 =	rddreg [dreg:$0x19];
	[sflag:s16] =	ssyncadd.s32 $0xFFFFF800  }
0x8a: {  	[spmem:s22] =	stream.linear.scatter [tilespmem:s21], [sflag:$0x9], $0x800, $0x38;
	[tilespmem:$0x1BEC8] =	vst v63  }
0x8b: {  	_ =	swait.ge [sflag:s7], $0x800  }
0x8c: {  	[sflag:s7] =	ssyncset.done $0x0  }
0x8d: {  	s28 =	rddreg [dreg:$0x17];
	[sflag:s7] =	ssyncadd.s32 $0xFFFFF800  }
0x8e: {  	v17 =	vld [tilespmem:s28+$0x4E20];
	_ =	sdelay $0x7  }
0x8f: {  	v17 =	vld.idx.msk [tilespmem:v17+s26+$0x0], $0xffff;
	_ =	sdelay $0x4  }
0x90: {  	v17 =	vadd.s32 v0, v17  }
0x91: {  	[tilespmem:$0x65C0] =	vst v17  }
0x92: {  	[tilespmem:s21], [sflag:$0x1] =	stream.indirect.gather [hbm4b:s5+s11], $0x80, s14, s11, $0xb8;
	[tilespmem:$0x1BEC8] =	vst v63  }
0x93: {  	_ =	swait.ge [sflag:s16], $0x800  }
0x94: {  	[sflag:s16] =	ssyncset.done $0x0  }
0x95: {  	s18 =	rddreg [dreg:$0x1a];
	[sflag:s16] =	ssyncadd.s32 $0xFFFFF800  }
0x96: {  	[spmem:s18] =	stream.linear.scatter [tilespmem:s21], [sflag:$0x9], $0x800, $0x38;
	[tilespmem:$0x1BEC8] =	vst v63  }
0x97: {  	_ =	swait.ge [sflag:s7], $0x800  }
0x98: {  	[sflag:s7] =	ssyncset.done $0x0  }
0x99: {  	s22 =	rddreg [dreg:$0x18];
	[sflag:s7] =	ssyncadd.s32 $0xFFFFF800  }
0x9a: {  	v17 =	vld [tilespmem:s22+$0x4E20];
	_ =	sdelay $0x7  }
0x9b: {  	v17 =	vld.idx.msk [tilespmem:v17+s26+$0x0], $0xffff;
	_ =	sdelay $0x4  }
0x9c: {  	v17 =	vadd.s32 v0, v17  }
0x9d: {  	[tilespmem:$0x65C0] =	vst v17  }
0x9e: {  	[tilespmem:s21], [sflag:$0x1] =	stream.indirect.gather [hbm4b:s5+s11], $0x80, s14, s11, $0xb8;
	[tilespmem:$0x1BEC8] =	vst v63  }
0x9f: {  	_ =	swait.ge [sflag:s16], $0x800  }
0xa0: {  	[sflag:s16] =	ssyncset.done $0x0  }
0xa1: {  	s28 =	rddreg [dreg:$0x1b];
	[sflag:s16] =	ssyncadd.s32 $0xFFFFF800  }
0xa2: {  	[spmem:s28] =	stream.linear.scatter [tilespmem:s21], [sflag:$0x9], $0x800, $0x38;
	[tilespmem:$0x1BEC8] =	vst v63  }
0xa3: {  	_ =	swait.ge [sflag:s7], $0x800  }
0xa4: {  	[sflag:s7] =	ssyncset.done $0x0  }
0xa5: {  	s18 =	rddreg [dreg:$0x1c];
	[sflag:s7] =	ssyncadd.s32 $0xFFFFF800  }
0xa6: {  	v17 =	vld [tilespmem:s18+$0x4E20];
	_ =	sdelay $0x7  }
0xa7: {  	v17 =	vld.idx.msk [tilespmem:v17+s26+$0x0], $0xffff;
	_ =	sdelay $0x4  }
0xa8: {  	v17 =	vadd.s32 v0, v17  }
0xa9: {  	[tilespmem:$0x65C0] =	vst v17  }
0xaa: {  	[tilespmem:s21], [sflag:$0x1] =	stream.indirect.gather [hbm4b:s5+s11], $0x80, s14, s11, $0xb8;
	[tilespmem:$0x1BEC8] =	vst v63  }
0xab: {  	_ =	swait.ge [sflag:s16], $0x800  }
0xac: {  	[sflag:s16] =	ssyncset.done $0x0  }
0xad: {  	s22 =	rddreg [dreg:$0x1f];
	[sflag:s16] =	ssyncadd.s32 $0xFFFFF800  }
0xae: {  	[spmem:s22] =	stream.linear.scatter [tilespmem:s21], [sflag:$0x9], $0x800, $0x38;
	[tilespmem:$0x1BEC8] =	vst v63  }
0xaf: {  	_ =	swait.ge [sflag:s7], $0x800  }
0xb0: {  	[sflag:s7] =	ssyncset.done $0x0  }
0xb1: {  	s28 =	rddreg [dreg:$0x1d];
	[sflag:s7] =	ssyncadd.s32 $0xFFFFF800  }
0xb2: {  	v17 =	vld [tilespmem:s28+$0x4E20];
	_ =	sdelay $0x7  }
0xb3: {  	v17 =	vld.idx.msk [tilespmem:v17+s26+$0x0], $0xffff;
	_ =	sdelay $0x4  }
0xb4: {  	v17 =	vadd.s32 v0, v17  }
0xb5: {  	[tilespmem:$0x65C0] =	vst v17  }
0xb6: {  	[tilespmem:s21], [sflag:$0x1] =	stream.indirect.gather [hbm4b:s5+s11], $0x80, s14, s11, $0xb8;
	[tilespmem:$0x1BEC8] =	vst v63  }
0xb7: {  	_ =	swait.ge [sflag:s16], $0x800  }
0xb8: {  	s18 =	sld [smem:$0x7FA]  }
0xb9: {  	[sflag:s16] =	ssyncset.done $0x0  }
0xba: {  	[sflag:s16] =	ssyncadd.s32 $0xFFFFF800  }
0xbb: {  	[spmem:s18] =	stream.linear.scatter [tilespmem:s21], [sflag:$0x9], $0x800, $0x38;
	[tilespmem:$0x1BEC8] =	vst v63  }
0xbc: {  	_ =	swait.ge [sflag:s7], $0x800  }
0xbd: {  	[sflag:s7] =	ssyncset.done $0x0  }
0xbe: {  	s22 =	rddreg [dreg:$0x1e];
	[sflag:s7] =	ssyncadd.s32 $0xFFFFF800  }
0xbf: {  	v17 =	vld [tilespmem:s22+$0x4E20];
	_ =	sdelay $0x7  }
0xc0: {  	v17 =	vld.idx.msk [tilespmem:v17+s26+$0x0], $0xffff;
	_ =	sdelay $0x4  }
0xc1: {  	v17 =	vadd.s32 v0, v17  }
0xc2: {  	[tilespmem:$0x65C0] =	vst v17  }
0xc3: {  	[tilespmem:s21], [sflag:$0x1] =	stream.indirect.gather [hbm4b:s5+s11], $0x80, s14, s11, $0xb8;
	[tilespmem:$0x1BEC8] =	vst v63  }
0xc4: {  	_ =	swait.ge [sflag:s16], $0x800  }
0xc5: {  	s28 =	sld [smem:$0x7FB]  }
0xc6: {  	[sflag:s16] =	ssyncset.done $0x0  }
0xc7: {  	[sflag:s16] =	ssyncadd.s32 $0xFFFFF800  }
0xc8: {  	[spmem:s28] =	stream.linear.scatter [tilespmem:s21], [sflag:$0x9], $0x800, $0x38;
	[tilespmem:$0x1BEC8] =	vst v63  }
0xc9: {  	_ =	swait.ge [sflag:s7], $0x800  }
0xca: {  	[sflag:s7] =	ssyncset.done $0x0  }
0xcb: {  	[sflag:s7] =	ssyncadd.s32 $0xFFFFF800  }
0xcc: {  	s6 =	simm.s32 $0x40;
	s7 =	simm.s32 $0x0;
	[bflag:$0x0] =	sbarrier.arrive $0xFFFF  }
.LBB2_10:
0xcd: {  	p2 =	sne.s32 s6, $0x1F40;
	[tilespmem:s7+$0xD340] =	vst v4;
	s11 =	smov.u32 s6;
	s6 =	sadd.s32 $0x40, s6  }
.Ltmp4:
0xce: {  	[tilespmem:s7+$0xDB20] =	vst v4;
	(pc) =	sbr.rel @p2 .LBB2_10-.Ltmp4, $2  }
0xcf: {  	_ =	sdelay $0x2  }
0xd0: {  	s7 =	sshra.s32 s11, $0x2  }
.Ltmp5:
0xd1: {  	(pc) =	sbr.rel .LBB2_12-.Ltmp5, $3  }
0xd2: {  	_ =	sdelay $0x1  }
0xd3: {  	[tilespmem:s7+$0xD340] =	vst v4  }
0xd4: {  	[tilespmem:s7+$0xDB20] =	vst v4  }
.LBB2_26:
0xd5: {  	s6 =	sand.u32 $0x1, s16  }
0xd6: {  	p2 =	sgt.s32 s16, $0x0;
	p3 =	seq.s32 s6, $0x1  }
0xd7: {  	p3 =	por !p2, !p3  }
0xd8: {  	p5 =	sgt.s32 s16, $0x1;
	p4 =	por !p3, !p3  }
0xd9: {  	p6 =	seq.s32 s6, $0x0;
	p4 =	por p5, p4  }
0xda: {  	p2 =	por !p2, !p6;
	s7 =	simm.s32 @p4 $0x7  }
0xdb: {  	p2 =	por !p2, !p2;
	_ =	swait.ge @p4 [sflag:s7], $0x1B00  }
0xdc: {  	p2 =	por p5, p2;
	[sflag:s7] =	ssyncset.done @p4 $0x0  }
0xdd: {  	s6 =	simm.s32 @p2 $0x8;
	[sflag:s7] =	ssyncadd.s32 @p4 $0xFFFFE500  }
0xde: {  	_ =	swait.ge @p2 [sflag:s6], $0x1B00  }
0xdf: {  	s26 =	sadd.s32 $0x1, s26;
	[sflag:s6] =	ssyncset.done @p2 $0x0  }
0xe0: {  	[sflag:s6] =	ssyncadd.s32 @p2 $0xFFFFE500;
	p2 =	sne.s32 s26, $0xA  }
.Ltmp6:
0xe1: {  	_ = 	snop;
	(pc) =	sbr.rel @!p2 .LBB2_27-.Ltmp6, $1  }
0xe2: {  	_ =	sdelay $0x3  }
.LBB2_12:
0xe3: {  	s6 =	simm.s32 $0x40;
	s7 =	simm.s32 $0x0  }
.LBB2_13:
0xe4: {  	p2 =	sne.s32 s6, $0x1F40;
	[tilespmem:s7+$0xE300] =	vst v3;
	s7 =	smov.u32 s6;
	s6 =	sadd.s32 $0x40, s6  }
.Ltmp7:
0xe5: {  	(pc) =	sbr.rel @p2 .LBB2_13-.Ltmp7, $2  }
0xe6: {  	_ =	sdelay $0x2  }
0xe7: {  	s7 =	sshra.s32 s7, $0x2  }
0xe8: {  	s6 =	smul.u32 $0x7D0, s26  }
0xe9: {  	s11 =	rddreg [dreg:$0xb]  }
0xea: {  	s6 =	sadd.s32 s6, s11  }
0xeb: {  	s22 =	rddreg [dreg:$0x6];
	s11 =	sshrl.u32 s6, $0x3  }
0xec: {  	[tilespmem:s7+$0xE300] =	vst v3;
	s14 =	simm.s32 $0x5620;
	s6 =	simm.s32 $0x0;
	s28 =	sadd.s32 s22, s11  }
0xed: {  	[tilespmem:s14], [sflag:$0x1] =	stream.linear.gather [hbm4b:s28+s6], $0x7D0, $0x38;
	[tilespmem:$0x1BEC8] =	vst v63  }
0xee: {  	s14 =	rddreg [dreg:$0x7]  }
0xef: {  	s16 =	simm.s32 $0x5DF0;
	s18 =	simm.s32 $0x1;
	s7 =	sadd.s32 s14, s11  }
0xf0: {  	[tilespmem:s16], [sflag:$0x2] =	stream.linear.gather [hbm4b:s7+s6], $0x7D0, $0x38;
	[tilespmem:$0x1BEC8] =	vst v63  }
0xf1: {  	_ =	swait.ge [sflag:s18], $0x7D0  }
0xf2: {  	[sflag:s18] =	ssyncset.done $0x0  }
0xf3: {  	s22 =	simm.s32 $0x2;
	[sflag:s18] =	ssyncadd.s32 $0xFFFFF830  }
0xf4: {  	_ =	swait.ge [sflag:s22], $0x7D0  }
0xf5: {  	[sflag:s22] =	ssyncset.done $0x0  }
0xf6: {  	s28 =	simm.s32 $0x0;
	[sflag:s22] =	ssyncadd.s32 $0xFFFFF830  }
0xf7: {  	v17 =	vld [tilespmem:s28+$0x5DF0];
	_ =	sdelay $0x7  }
0xf8: {  	v18 =	vld.idx.msk [tilespmem:v17+s15+$0x0], $0xffff;
	_ =	sdelay $0x4  }
0xf9: {  	vm0 =	vne.s32 v18, $0x800  }
0xfa: {  	v19 =	vsel vm0, $0x1, v4  }
0xfb: {  	(xrf0) =	vadd.scan.msk.s32 $0xffff, v19;
	_ =	sdelay $0x2  }
0xfc: {  	v19 =	vmov s6  }
0xfd: {  	v19 =	vadd.s32 $0xFFFFFFFF, v19  }
0xfe: {  	v19 =	vbroadcast v19, $0x0  }
0xff: {  	v20, _, _ =	vpop (xrf0)  }
0x100: {  	v21 =	vld [tilespmem:s28+$0x5620];
	v19 =	vadd.s32 v20, v19;
	v20 =	vxor.u32 $0x80000000, v20  }
0x101: {  	(xrf0) =	vmax.scan.msk.u32 $0xffff, v20;
	_ =	sdelay $0x3  }
0x102: {  	[tilespmem:v19+s0+$0x0] =	vst.idx.msk vm0, v21  }
0x103: {  	[tilespmem:v19+s4+$0x0] =	vst.idx.msk vm0, v17  }
0x104: {  	s14 =	simm.s32 $0x10;
	s7 =	simm.s32 $0x80;
	[tilespmem:v19+s3+$0x0] =	vst.idx.msk vm0, v18;
	v17, _, _ =	vpop (xrf0)  }
.LBB2_15:
0x105: {  	p2 =	sne.s32 s7, $0x1F00;
	v18 =	vld [tilespmem:s14+$0x5DF0];
	(v2sf) =	vpush v17, $0xF  }
0x106: {  	v17 =	vld [tilespmem:s14+$0x5620];
	_ =	sdelay $0x6  }
0x107: {  	v19 =	vld.idx.msk [tilespmem:v18+s15+$0x0], $0xffff;
	_ =	sdelay $0x5  }
0x108: {  	vm0 =	vne.s32 v19, $0x800  }
0x109: {  	v20 =	vsel vm0, $0x1, v4;
	s11 =	spop (v2sf)  }
0x10a: {  	(xrf0) =	vadd.scan.msk.s32 $0xffff, v20;
	s6 =	sadd.s32 s11, s6  }
0x10b: {  	s6 =	sadd.s32 $0x80000000, s6  }
0x10c: {  	v20 =	vmov s6  }
0x10d: {  	v20 =	vadd.s32 $0xFFFFFFFF, v20  }
0x10e: {  	v20 =	vbroadcast v20, $0x0;
	_ =	sdelay $0x1  }
0x10f: {  	v21, _, _ =	vpop (xrf0)  }
0x110: {  	v20 =	vadd.s32 v21, v20;
	v21 =	vxor.u32 $0x80000000, v21  }
0x111: {  	(xrf0) =	vmax.scan.msk.u32 $0xffff, v21;
	_ =	sdelay $0x1  }
.Ltmp8:
0x112: {  	(pc) =	sbr.rel @p2 .LBB2_15-.Ltmp8, $4  }
0x113: {  	_ = 	snop  }
0x114: {  	[tilespmem:v20+s0+$0x0] =	vst.idx.msk vm0, v17  }
0x115: {  	[tilespmem:v20+s4+$0x0] =	vst.idx.msk vm0, v18  }
0x116: {  	s14 =	sshra.s32 s7, $0x2;
	s7 =	sadd.s32 $0x40, s7;
	[tilespmem:v20+s3+$0x0] =	vst.idx.msk vm0, v19;
	v17, _, _ =	vpop (xrf0)  }
0x117: {  	v18 =	vld [tilespmem:s14+$0x5DF0];
	_ =	sdelay $0x7  }
0x118: {  	v19 =	vld.idx.msk [tilespmem:v18+s15+$0x0], $0xffff;
	_ =	sdelay $0x4  }
0x119: {  	vm0 =	vne.s32 v19, $0x800  }
0x11a: {  	v20 =	vsel vm0, $0x1, v4  }
0x11b: {  	(xrf0) =	vadd.scan.msk.s32 $0xffff, v20;
	_ =	sdelay $0x5  }
0x11c: {  	v20, _, _ =	vpop (xrf0)  }
0x11d: {  	v21 =	vxor.u32 $0x80000000, v20  }
0x11e: {  	(xrf0) =	vmax.scan.msk.u32 $0xffff, v21;
	_ =	sdelay $0x4  }
0x11f: {  	(v2sf) =	vpush v17, $0xF  }
0x120: {  	v17, _, _ =	vpop (xrf0)  }
0x121: {  	(v2sf) =	vpush v17, $0xF;
	_ =	sdelay $0xc  }
0x122: {  	s7 =	spop (v2sf)  }
0x123: {  	s6 =	sadd.s32 s7, s6  }
0x124: {  	s6 =	sadd.s32 $0x80000000, s6;
	s28 =	spop (v2sf)  }
0x125: {  	s7 =	sadd.s32 s28, s6  }
0x126: {  	s7 =	sadd.s32 $0x80000000, s7  }
0x127: {  	s11 =	sadd.s32 $0x2F, s7  }
0x128: {  	s16 =	smulhi.u32 $0x2AAAAAAB, s11;
	s18 =	sshra.s32 s11, $0x1F  }
0x129: {  	s18 =	smul.u32 $0x2AAAAAAB, s18;
	_ =	sdelay $0x1  }
0x12a: {  	s16 =	sadd.s32 s18, s16  }
0x12b: {  	s18 =	sshrl.u32 s16, $0x1F;
	s16 =	sshra.s32 s16, $0x3  }
0x12c: {  	s16 =	sadd.s32 s18, s16  }
0x12d: {  	s18 =	smul.u32 $0xFFFFFFD0, s16  }
0x12e: {  	v17 =	vmov s6;
	s7 =	ssub.s32 $0xFFFFFFD1, s7  }
0x12f: {  	v17 =	vadd.s32 $0xFFFFFFFF, v17;
	p2 =	slt.s32 s11, $0x1;
	p3 =	sne.s32 s18, s7  }
0x130: {  	v17 =	vbroadcast v17, $0x0;
	p2 =	por !p2, !p3  }
0x131: {  	s6 =	simm.s32 $0x1;
	p2 =	por !p2, !p2  }
0x132: {  	v63 =	vld [tilespmem:s14+$0x5620];
	v17 =	vadd.s32 v20, v17;
	s6 =	simm.s32 @!p2 $0x0  }
0x133: {  	s16 =	ssub.s32 s16, s6  }
0x134: {  	p2 =	slt.s32 s16, $0x1  }
0x135: {  	v20 =	vlaneseq.u32 @!p2;
	_ =	sdelay $0x1  }
0x136: {  	[tilespmem:v17+s0+$0x0] =	vst.idx.msk vm0, v63  }
0x137: {  	[tilespmem:v17+s4+$0x0] =	vst.idx.msk vm0, v18  }
0x138: {  	[tilespmem:v17+s3+$0x0] =	vst.idx.msk vm0, v19;
	s6 =	simm.s32 @!p2 $0xD340  }
0x139: {  	v17 =	vld.idx.msk @!p2 [tilespmem:v20+s6+$0x0], $0xffff;
	_ =	sdelay $0x6  }
0x13a: {  	s7 =	simm.s32 @!p2 $0x0  }
0x13b: {  	v17 =	vld.idx.msk @!p2 [tilespmem:v17+s7+$0x0], $0xffff;
	_ =	sdelay $0x4  }
0x13c: {  	v17 =	vadd.s32 @!p2 v0, v17  }
0x13d: {  	s11 =	simm.s32 @!p2 $0xE300;
	[tilespmem:$0x65C0] =	vst @!p2 v17  }
0x13e: {  	v17 =	vld.idx.msk @!p2 [tilespmem:v20+s11+$0x0], $0xffff  }
0x13f: {  	v18 =	vor.u32 @!p2 $0x10, v20;
	_ =	sdelay $0x3  }
0x140: {  	[tilespmem:$0x65F0] =	vst @!p2 v17  }
0x141: {  	v17 =	vld.idx.msk @!p2 [tilespmem:v18+s6+$0x0], $0xffff;
	_ =	sdelay $0x7  }
0x142: {  	v17 =	vld.idx.msk @!p2 [tilespmem:v17+s7+$0x0], $0xffff;
	_ =	sdelay $0x4  }
0x143: {  	v17 =	vadd.s32 @!p2 v0, v17  }
0x144: {  	[tilespmem:$0x65D0] =	vst @!p2 v17  }
0x145: {  	v17 =	vld.idx.msk @!p2 [tilespmem:v18+s11+$0x0], $0xffff  }
0x146: {  	v18 =	vor.u32 @!p2 $0x20, v20;
	_ =	sdelay $0x3  }
0x147: {  	[tilespmem:$0x6600] =	vst @!p2 v17  }
0x148: {  	v17 =	vld.idx.msk @!p2 [tilespmem:v18+s6+$0x0], $0xffff;
	_ =	sdelay $0x7  }
0x149: {  	v17 =	vld.idx.msk @!p2 [tilespmem:v17+s7+$0x0], $0xffff;
	_ =	sdelay $0x4  }
0x14a: {  	v17 =	vadd.s32 @!p2 v0, v17  }
0x14b: {  	[tilespmem:$0x65E0] =	vst @!p2 v17  }
0x14c: {  	v17 =	vld.idx.msk @!p2 [tilespmem:v18+s11+$0x0], $0xffff;
	_ =	sdelay $0x4  }
0x14d: {  	s6 =	simm.s32 @!p2 $0x10;
	s7 =	simm.s32 @!p2 $0x65C0;
	s11 =	simm.s32 @!p2 $0x6640;
	[tilespmem:$0x6610] =	vst @!p2 v17  }
0x14e: {  	[tilespmem:s11], [sflag:$0x3] =	stream.indirect.gather @!p2 [hbm4b:s5+s6], $0x80, s7, s6, $0xb8;
	[tilespmem:$0x1BEC8] =	vst v63  }
0x14f: {  	s7 =	simm.s32 @!p2 $0x65F0;
	s11 =	simm.s32 @!p2 $0x7E40  }
0x150: {  	[tilespmem:s11], [sflag:$0x4] =	stream.indirect.gather @!p2 [spmem:s2], $0x80, s7, s6, $0xb8;
	[tilespmem:$0x1BEC8] =	vst v63  }
0x151: {  	s18 =	sadd.s32 $0x1, s16;
	s7 =	simm.s32 @!p2 $0x65D0;
	s11 =	simm.s32 @!p2 $0x6E40  }
0x152: {  	[tilespmem:s11], [sflag:$0x3] =	stream.indirect.gather @!p2 [hbm4b:s5+s6], $0x80, s7, s6, $0xb8;
	[tilespmem:$0x1BEC8] =	vst v63  }
0x153: {  	p5 =	slt.s32 s16, $0x0;
	s7 =	simm.s32 @!p2 $0x6600;
	s11 =	simm.s32 @!p2 $0x8640  }
0x154: {  	[tilespmem:s11], [sflag:$0x4] =	stream.indirect.gather @!p2 [spmem:s2], $0x80, s7, s6, $0xb8;
	[tilespmem:$0x1BEC8] =	vst v63  }
0x155: {  	s22 =	sand.u32 $0x1, s18;
	s7 =	simm.s32 @!p2 $0x65E0;
	s11 =	simm.s32 @!p2 $0x7640  }
0x156: {  	[tilespmem:s11], [sflag:$0x3] =	stream.indirect.gather @!p2 [hbm4b:s5+s6], $0x80, s7, s6, $0xb8;
	[tilespmem:$0x1BEC8] =	vst v63  }
0x157: {  	p6 =	seq.s32 s22, $0x1;
	s7 =	simm.s32 @!p2 $0x6610;
	s11 =	simm.s32 @!p2 $0x8E40  }
0x158: {  	[tilespmem:s11], [sflag:$0x4] =	stream.indirect.gather @!p2 [spmem:s2], $0x80, s7, s6, $0xb8;
	[tilespmem:$0x1BEC8] =	vst v63  }
0x159: {  	s28 =	sshrl.u32 s18, $0x1F;
	p2 =	por !p5, !p6  }
0x15a: {  	s6 =	sadd.s32 s28, s18;
	s7 =	simm.s32 $0x1;
	p2 =	por !p2, !p2  }
0x15b: {  	s6 =	sshra.s32 s6, $0x1;
	s7 =	simm.s32 @!p2 $0x0  }
0x15c: {  	s18 =	ssub.s32 s6, s7  }
0x15d: {  	p2 =	slt.s32 s18, $0x1  }
.Ltmp9:
0x15e: {  	_ = 	snop;
	(pc) =	sbr.rel @!p2 .LBB2_17-.Ltmp9, $4  }
.Ltmp10:
0x15f: {  	_ = 	snop;
	(pc) =	sbr.rel @p2 .LBB2_26-.Ltmp10, $4  }
0x160: {  	_ = 	snop  }
0x161: {  	_ = 	snop  }
0x162: {  	s14 =	simm.s32 $0x0  }
0x163: {  	_ = 	snop  }
.LBB2_24:
0x164: {  	s6 =	spop (v2sf)  }
0x165: {  	s22 =	smul.f32 $2.000000030e-01, s6  }
0x166: {  	s7 =	smax.f32 s7, s11  }
0x167: {  	v26 =	vmov s7;
	s6 =	smax.f32 s6, s22  }
0x168: {  	s7 =	spop (v2sf);
	v26 =	vmul.f32 $1.442695020e+00, v26;
	v27 =	vmov s6  }
0x169: {  	s11 =	smul.f32 $2.000000030e-01, s7;
	v27 =	vmul.f32 $1.442695020e+00, v27  }
0x16a: {  	s22 =	spop (v2sf);
	v26 =	vbroadcast v26, $0x0  }
0x16b: {  	s6 =	smax.f32 s7, s11;
	s28 =	smul.f32 $2.000000030e-01, s22;
	v27 =	vbroadcast v27, $0x0  }
0x16c: {  	v51 =	vmov s6;
	(erf) = vpow2.f32 v26  }
0x16d: {  	v26 =	vmul.f32 $1.442695020e+00, v51;
	s6 =	smax.f32 s22, s28;
	(erf) = vpow2.f32 v27  }
0x16e: {  	v52 =	vmov s6  }
0x16f: {  	v26 =	vbroadcast v26, $0x0;
	v27 =	vmul.f32 $1.442695020e+00, v52;
	_ =	sdelay $0x1  }
0x170: {  	(erf) = vpow2.f32 v26;
	v53 =	vbroadcast v27, $0x0;
	_ =	sdelay $0x1  }
0x171: {  	(erf) = vpow2.f32 v53  }
0x172: {  	v54 =	vor.u32 v1, v18  }
0x173: {  	v28 =	vadd.s32 v5, v18;
	v55 =	vpop (erf)  }
0x174: {  	v29 =	vadd.s32 v6, v18;
	v30 =	vpop (erf)  }
0x175: {  	v31 =	vadd.s32 v7, v18;
	v56 =	vadd.s32 v8, v18;
	v25 =	vmul.f32 v30, v25  }
0x176: {  	v57 =	vadd.s32 v14, v18;
	v32 =	vmul.f32 v9, v30;
	v23 =	vmul.f32 v30, v23  }
0x177: {  	v59 =	vadd.s32 v10, v18;
	v24 =	vmul.f32 v55, v24;
	[tilespmem:v54+s31+$0x0] =	vst.idx.msk $0xffff, v25  }
0x178: {  	v58 =	vmul.f32 v11, v55;
	v17 =	vmul.f32 v55, v17;
	v60 =	vpop (erf);
	v32 =	vadd.f32 $0.0e+00, v32;
	[tilespmem:v28+s31+$0x0] =	vst.idx.msk $0xffff, v23  }
0x179: {  	v61 =	vadd.s32 v12, v18;
	v22 =	vmul.f32 v60, v22;
	[tilespmem:v29+s31+$0x0] =	vst.idx.msk $0xffff, v24  }
0x17a: {  	v62 =	vpop (erf);
	v27 =	vadd.f32 v58, v32;
	[tilespmem:v31+s31+$0x0] =	vst.idx.msk $0xffff, v17;
	v17 =	vmul.f32 v13, v60  }
0x17b: {  	v18 =	vadd.s32 v16, v18;
	v20 =	vmul.f32 v60, v20;
	v21 =	vmul.f32 v62, v21  }
0x17c: {  	v63 =	vmul.f32 v15, v62;
	[tilespmem:v56+s31+$0x0] =	vst.idx.msk $0xffff, v22;
	v17 =	vadd.f32 v17, v27  }
0x17d: {  	v19 =	vmul.f32 v62, v19;
	[tilespmem:v59+s31+$0x0] =	vst.idx.msk $0xffff, v20  }
0x17e: {  	[tilespmem:v61+s31+$0x0] =	vst.idx.msk $0xffff, v21;
	v17 =	vadd.f32 v63, v17  }
0x17f: {  	[tilespmem:v57+s31+$0x0] =	vst.idx.msk $0xffff, v19  }
0x180: {  	[tilespmem:v18+s31+$0x0] =	vst.idx.msk $0xffff, v17  }
0x181: {  	[spmem:s1] =	stream.indirect.scatter.add.f32 [tilespmem:s31], [sflag:$0x8], $0x90, s13, s19, $0xb8;
	[tilespmem:$0x1BEC8] =	vst v63  }
.LBB2_25:
0x182: {  	s14 =	sadd.s32 $0x1, s14  }
0x183: {  	p2 =	sne.s32 s14, s18  }
.Ltmp11:
0x184: {  	_ = 	snop;
	(pc) =	sbr.rel @!p2 .LBB2_26-.Ltmp11, $1  }
0x185: {  	_ =	sdelay $0x3  }
.LBB2_17:
0x186: {  	s6 =	sshllo.u32 s14, $0x1  }
0x187: {  	p2 =	sge.s32 s6, s16  }
0x188: {  	s6 =	smul.u32 @!p2 $0x30, s6  }
0x189: {  	p3 =	seq.s32 @!p2 s14, $0x0;
	v17 =	vlaneseq.u32 @!p2  }
0x18a: {  	p3 =	por p3, p2;
	v18 =	vor.u32 @!p2 s6, v17  }
0x18b: {  	s7 =	simm.s32 @!p3 $0x8  }
0x18c: {  	_ =	swait.ge @!p3 [sflag:s7], $0x1B00  }
0x18d: {  	[sflag:s7] =	ssyncset.done @!p3 $0x0  }
0x18e: {  	[sflag:s7] =	ssyncadd.s32 @!p3 $0xFFFFE500;
	s7 =	simm.s32 @!p2 $0xD340  }
0x18f: {  	v19 =	vld.idx.msk @!p2 [tilespmem:v18+s7+$0x0], $0xffff;
	_ =	sdelay $0x6  }
0x190: {  	s11 =	simm.s32 @!p2 $0x0  }
0x191: {  	v19 =	vld.idx.msk @!p2 [tilespmem:v19+s11+$0x0], $0xffff;
	_ =	sdelay $0x4  }
0x192: {  	v19 =	vadd.s32 @!p2 v0, v19  }
0x193: {  	s28 =	simm.s32 @!p2 $0xE300;
	[tilespmem:$0xEAE0] =	vst @!p2 v19  }
0x194: {  	s22 =	sadd.s32 @!p2 $0x10, s6;
	v18 =	vld.idx.msk @!p2 [tilespmem:v18+s28+$0x0], $0xffff  }
0x195: {  	v19 =	vor.u32 @!p2 s22, v17;
	_ =	sdelay $0x3  }
0x196: {  	[tilespmem:$0xEB10] =	vst @!p2 v18  }
0x197: {  	v18 =	vld.idx.msk @!p2 [tilespmem:v19+s7+$0x0], $0xffff;
	_ =	sdelay $0x7  }
0x198: {  	v18 =	vld.idx.msk @!p2 [tilespmem:v18+s11+$0x0], $0xffff;
	_ =	sdelay $0x4  }
0x199: {  	v18 =	vadd.s32 @!p2 v0, v18  }
0x19a: {  	[tilespmem:$0xEAF0] =	vst @!p2 v18  }
0x19b: {  	s6 =	sadd.s32 @!p2 $0x20, s6;
	v18 =	vld.idx.msk @!p2 [tilespmem:v19+s28+$0x0], $0xffff  }
0x19c: {  	v17 =	vor.u32 @!p2 s6, v17;
	_ =	sdelay $0x3  }
0x19d: {  	[tilespmem:$0xEB20] =	vst @!p2 v18  }
0x19e: {  	v18 =	vld.idx.msk @!p2 [tilespmem:v17+s7+$0x0], $0xffff;
	_ =	sdelay $0x7  }
0x19f: {  	v18 =	vld.idx.msk @!p2 [tilespmem:v18+s11+$0x0], $0xffff;
	_ =	sdelay $0x4  }
0x1a0: {  	v18 =	vadd.s32 @!p2 v0, v18  }
0x1a1: {  	[tilespmem:$0xEB00] =	vst @!p2 v18  }
0x1a2: {  	v17 =	vld.idx.msk @!p2 [tilespmem:v17+s28+$0x0], $0xffff;
	_ =	sdelay $0x4  }
0x1a3: {  	s6 =	simm.s32 @!p2 $0xEAE0;
	s7 =	simm.s32 @!p2 $0x10;
	s11 =	simm.s32 @!p2 $0xEB40;
	[tilespmem:$0xEB30] =	vst @!p2 v17  }
0x1a4: {  	[tilespmem:s11], [sflag:$0x5] =	stream.indirect.gather @!p2 [hbm4b:s5+s7], $0x80, s6, s7, $0xb8;
	[tilespmem:$0x1BEC8] =	vst v63  }
0x1a5: {  	s6 =	simm.s32 @!p2 $0xEB10;
	s11 =	simm.s32 @!p2 $0x10340  }
0x1a6: {  	[tilespmem:s11], [sflag:$0x6] =	stream.indirect.gather @!p2 [spmem:s2], $0x80, s6, s7, $0xb8;
	[tilespmem:$0x1BEC8] =	vst v63  }
0x1a7: {  	s6 =	simm.s32 @!p2 $0xEAF0;
	s11 =	simm.s32 @!p2 $0xF340  }
0x1a8: {  	[tilespmem:s11], [sflag:$0x5] =	stream.indirect.gather @!p2 [hbm4b:s5+s7], $0x80, s6, s7, $0xb8;
	[tilespmem:$0x1BEC8] =	vst v63  }
0x1a9: {  	s6 =	simm.s32 @!p2 $0xEB20;
	s11 =	simm.s32 @!p2 $0x10B40  }
0x1aa: {  	[tilespmem:s11], [sflag:$0x6] =	stream.indirect.gather @!p2 [spmem:s2], $0x80, s6, s7, $0xb8;
	[tilespmem:$0x1BEC8] =	vst v63  }
0x1ab: {  	s6 =	simm.s32 @!p2 $0xEB00;
	s11 =	simm.s32 @!p2 $0xFB40  }
0x1ac: {  	[tilespmem:s11], [sflag:$0x5] =	stream.indirect.gather @!p2 [hbm4b:s5+s7], $0x80, s6, s7, $0xb8;
	[tilespmem:$0x1BEC8] =	vst v63  }
0x1ad: {  	s6 =	sshll.u32 s14, $0x1  }
0x1ae: {  	p3 =	sge.s32 s6, s16  }
.Ltmp12:
0x1af: {  	_ = 	snop;
	(pc) =	sbr.rel @p3 .LBB2_21-.Ltmp12, $3  }
0x1b0: {  	_ =	sdelay $0x1  }
0x1b1: {  	s22 =	simm.s32 @!p2 $0x11340;
	s11 =	simm.s32 @!p2 $0xEB30  }
0x1b2: {  	[tilespmem:s22], [sflag:$0x6] =	stream.indirect.gather @!p2 [spmem:s2], $0x80, s11, s7, $0xb8;
	[tilespmem:$0x1BEC8] =	vst v63  }
0x1b3: {  	_ =	swait.ge [sflag:s8], $0x800  }
0x1b4: {  	[sflag:s8] =	ssyncset.done $0x0  }
0x1b5: {  	[sflag:s8] =	ssyncadd.s32 $0xFFFFF800  }
0x1b6: {  	_ =	swait.ge [sflag:s9], $0x800  }
0x1b7: {  	[sflag:s9] =	ssyncset.done $0x0  }
0x1b8: {  	[sflag:s9] =	ssyncadd.s32 $0xFFFFF800  }
0x1b9: {  	_ =	swait.ge [sflag:s8], $0x800  }
0x1ba: {  	[sflag:s8] =	ssyncset.done $0x0  }
0x1bb: {  	[sflag:s8] =	ssyncadd.s32 $0xFFFFF800  }
0x1bc: {  	_ =	swait.ge [sflag:s9], $0x800  }
0x1bd: {  	s7 =	simm.s32 $0x0;
	[sflag:s9] =	ssyncset.done $0x0  }
0x1be: {  	v18 =	vmov s7;
	[sflag:s9] =	ssyncadd.s32 $0xFFFFF800  }
0x1bf: {  	v19 =	vshll.u32 v18, $0x7;
	_ =	swait.ge [sflag:s8], $0x800  }
0x1c0: {  	v17 =	vor.u32 v7, v19;
	[sflag:s8] =	ssyncset.done $0x0  }
0x1c1: {  	[sflag:s8] =	ssyncadd.s32 $0xFFFFF800  }
0x1c2: {  	v20 =	vor.u32 v6, v19;
	_ =	swait.ge [sflag:s9], $0x800  }
0x1c3: {  	[sflag:s9] =	ssyncset.done $0x0  }
0x1c4: {  	[sflag:s9] =	ssyncadd.s32 $0xFFFFF800  }
0x1c5: {  	v21 =	vld.idx.msk [tilespmem:v17+s17+$0x0], $0xffff  }
0x1c6: {  	v17 =	vld.idx.msk [tilespmem:v17+s21+$0x0], $0xffff  }
0x1c7: {  	v24 =	vld.idx.msk [tilespmem:v20+s21+$0x0], $0xffff  }
0x1c8: {  	v20 =	vld.idx.msk [tilespmem:v20+s17+$0x0], $0xffff  }
0x1c9: {  	v22 =	vor.u32 v5, v19  }
0x1ca: {  	v25 =	vor.u32 v1, v19;
	_ =	sdelay $0x2  }
0x1cb: {  	v26 =	vor.u32 v12, v19;
	v20 =	vmul.f32 v20, v24;
	v21 =	vmul.f32 v21, v17  }
0x1cc: {  	v27 =	vor.u32 v10, v19;
	v28 =	vld.idx.msk [tilespmem:v22+s17+$0x0], $0xffff  }
0x1cd: {  	v29 =	vor.u32 v8, v19;
	v30 =	vld.idx.msk [tilespmem:v25+s17+$0x0], $0xffff;
	v20 =	vadd.f32 v21, v20  }
0x1ce: {  	v23 =	vld.idx.msk [tilespmem:v22+s21+$0x0], $0xffff  }
0x1cf: {  	v25 =	vld.idx.msk [tilespmem:v25+s21+$0x0], $0xffff;
	(xrf2) =	vadd.scan.msk.f32 $0xffff, v20  }
0x1d0: {  	v31 =	vld.idx.msk [tilespmem:v26+s17+$0x0], $0xffff  }
0x1d1: {  	v19 =	vor.u32 v14, v19;
	v32 =	vld.idx.msk [tilespmem:v27+s17+$0x0], $0xffff  }
0x1d2: {  	v33 =	vld.idx.msk [tilespmem:v29+s17+$0x0], $0xffff  }
0x1d3: {  	v22 =	vld.idx.msk [tilespmem:v29+s21+$0x0], $0xffff  }
0x1d4: {  	v20 =	vld.idx.msk [tilespmem:v27+s21+$0x0], $0xffff  }
0x1d5: {  	v59 =	vmul.f32 v30, v25;
	v21 =	vld.idx.msk [tilespmem:v26+s21+$0x0], $0xffff;
	v26 =	vmul.f32 v28, v23  }
0x1d6: {  	v27 =	vld.idx.msk [tilespmem:v19+s17+$0x0], $0xffff  }
0x1d7: {  	v19 =	vld.idx.msk [tilespmem:v19+s21+$0x0], $0xffff;
	v26 =	vadd.f32 v26, v59;
	_ =	sdelay $0x1  }
0x1d8: {  	v61 =	vmul.f32 v33, v22;
	v32 =	vmul.f32 v32, v20;
	v60, _, _ =	vpop (xrf2);
	(xrf2) =	vadd.scan.msk.f32 $0xffff, v26;
	_ =	sdelay $0x1  }
0x1d9: {  	v63 =	vadd.f32 v32, v61  }
0x1da: {  	v62 =	vmul.f32 v31, v21;
	v27 =	vmul.f32 v27, v19;
	(v2sf) =	vpush v60, $0xF  }
0x1db: {  	(xrf2) =	vadd.scan.msk.f32 $0xffff, v63  }
0x1dc: {  	v26 =	vadd.f32 v27, v62;
	_ =	sdelay $0x1  }
0x1dd: {  	(xrf2) =	vadd.scan.msk.f32 $0xffff, v26;
	_ =	sdelay $0x2  }
0x1de: {  	v26, _, _ =	vpop (xrf2)  }
0x1df: {  	(v2sf) =	vpush v26, $0xF;
	_ =	sdelay $0x2  }
0x1e0: {  	v26, _, _ =	vpop (xrf2)  }
0x1e1: {  	(v2sf) =	vpush v26, $0xF;
	_ =	sdelay $0x1  }
0x1e2: {  	v26, _, _ =	vpop (xrf2)  }
0x1e3: {  	s11 =	spop (v2sf);
	(v2sf) =	vpush v26, $0xF;
	_ =	sdelay $0x5  }
0x1e4: {  	s7 =	simm.s32 $0x1;
	v18 =	vmul.u32 $0x90, v18;
	s28 =	smul.f32 $2.000000030e-01, s11  }
.LBB2_19:
0x1e5: {  	_ = 	snop  }
0x1e6: {  	p3 =	sne.s32 s7, $0x2F;
	s11 =	smax.f32 s11, s28;
	s22 =	spop (v2sf)  }
0x1e7: {  	s28 =	smul.f32 $2.000000030e-01, s22;
	v26 =	vmov s11;
	s11 =	smov.u32 s7;
	s7 =	sadd.s32 $0x1, s7  }
0x1e8: {  	v26 =	vmul.f32 $1.442695020e+00, v26  }
0x1e9: {  	s22 =	smax.f32 s22, s28  }
0x1ea: {  	v27 =	vmov s22;
	v26 =	vbroadcast v26, $0x0;
	s22 =	spop (v2sf)  }
0x1eb: {  	v28 =	vmov s11;
	v27 =	vmul.f32 $1.442695020e+00, v27;
	s11 =	smul.f32 $2.000000030e-01, s22  }
0x1ec: {  	v29 =	vshll.u32 v28, $0x7;
	v28 =	vmul.u32 $0x90, v28;
	(erf) = vpow2.f32 v26  }
0x1ed: {  	v30 =	vor.u32 v5, v29;
	v26 =	vor.u32 v1, v29;
	v27 =	vbroadcast v27, $0x0;
	s11 =	smax.f32 s22, s11;
	s22 =	spop (v2sf)  }
0x1ee: {  	v31 =	vor.u32 v6, v29;
	v32 =	vor.u32 v7, v29;
	v33 =	vmov s11;
	s11 =	smul.f32 $2.000000030e-01, s22  }
0x1ef: {  	v34 =	vor.u32 v8, v29;
	v35 =	vor.u32 v10, v29;
	(erf) = vpow2.f32 v27  }
0x1f0: {  	v27 =	vor.u32 v12, v29;
	v33 =	vmul.f32 $1.442695020e+00, v33;
	s11 =	smax.f32 s22, s11  }
0x1f1: {  	v36 =	vmov s11  }
0x1f2: {  	v33 =	vbroadcast v33, $0x0;
	v36 =	vmul.f32 $1.442695020e+00, v36;
	_ =	sdelay $0x1  }
0x1f3: {  	v36 =	vbroadcast v36, $0x0;
	(erf) = vpow2.f32 v33  }
0x1f4: {  	v33 =	vor.u32 v1, v18;
	v37 =	vpop (erf)  }
0x1f5: {  	v29 =	vor.u32 v14, v29;
	v24 =	vmul.f32 v37, v24;
	(erf) = vpow2.f32 v36  }
0x1f6: {  	v36 =	vadd.s32 v5, v18  }
0x1f7: {  	v38 =	vadd.s32 v6, v18;
	v39 =	vpop (erf)  }
0x1f8: {  	v41 =	vadd.s32 v7, v18;
	v25 =	vmul.f32 v39, v25;
	v40 =	vmul.f32 v9, v39  }
0x1f9: {  	v23 =	vmul.f32 v39, v23;
	v39 =	vadd.s32 v14, v18  }
0x1fa: {  	v42 =	vmul.f32 v11, v37;
	[tilespmem:v33+s12+$0x0] =	vst.idx.msk $0xffff, v25;
	v25 =	vadd.f32 $0.0e+00, v40;
	v40 =	vadd.s32 v8, v18  }
0x1fb: {  	v17 =	vmul.f32 v37, v17;
	[tilespmem:v36+s12+$0x0] =	vst.idx.msk $0xffff, v23;
	v23 =	vadd.s32 v10, v18  }
0x1fc: {  	[tilespmem:v38+s12+$0x0] =	vst.idx.msk $0xffff, v24;
	v24 =	vadd.f32 v42, v25;
	v25 =	vadd.s32 v12, v18;
	v33 =	vpop (erf)  }
0x1fd: {  	[tilespmem:v41+s12+$0x0] =	vst.idx.msk $0xffff, v17;
	v17 =	vmul.f32 v33, v22;
	v22 =	vmul.f32 v13, v33  }
0x1fe: {  	v20 =	vmul.f32 v33, v20;
	v33 =	vadd.s32 v16, v18;
	v18 =	vmov v28;
	v36 =	vpop (erf)  }
0x1ff: {  	[tilespmem:v40+s12+$0x0] =	vst.idx.msk $0xffff, v17;
	v17 =	vadd.f32 v22, v24;
	v21 =	vmul.f32 v36, v21  }
0x200: {  	v19 =	vmul.f32 v36, v19;
	[tilespmem:v23+s12+$0x0] =	vst.idx.msk $0xffff, v20;
	v20 =	vmul.f32 v15, v36  }
0x201: {  	[tilespmem:v25+s12+$0x0] =	vst.idx.msk $0xffff, v21  }
0x202: {  	[tilespmem:v39+s12+$0x0] =	vst.idx.msk $0xffff, v19;
	v17 =	vadd.f32 v20, v17;
	_ =	sdelay $0x1  }
0x203: {  	[tilespmem:v33+s12+$0x0] =	vst.idx.msk $0xffff, v17;
	_ =	sdelay $0x1  }
0x204: {  	v19 =	vld.idx.msk [tilespmem:v32+s17+$0x0], $0xffff  }
0x205: {  	v17 =	vld.idx.msk [tilespmem:v32+s21+$0x0], $0xffff  }
0x206: {  	v21 =	vld.idx.msk [tilespmem:v30+s17+$0x0], $0xffff  }
0x207: {  	v28 =	vld.idx.msk [tilespmem:v26+s17+$0x0], $0xffff  }
0x208: {  	v24 =	vld.idx.msk [tilespmem:v31+s21+$0x0], $0xffff  }
0x209: {  	v22 =	vld.idx.msk [tilespmem:v31+s17+$0x0], $0xffff  }
0x20a: {  	v23 =	vld.idx.msk [tilespmem:v30+s21+$0x0], $0xffff  }
0x20b: {  	v25 =	vld.idx.msk [tilespmem:v26+s21+$0x0], $0xffff  }
0x20c: {  	v26 =	vld.idx.msk [tilespmem:v27+s17+$0x0], $0xffff  }
0x20d: {  	v30 =	vld.idx.msk [tilespmem:v35+s17+$0x0], $0xffff  }
0x20e: {  	v31 =	vld.idx.msk [tilespmem:v34+s17+$0x0], $0xffff  }
0x20f: {  	v19 =	vmul.f32 v19, v17;
	v32 =	vmul.f32 v22, v24;
	v20 =	vld.idx.msk [tilespmem:v35+s21+$0x0], $0xffff  }
0x210: {  	v33 =	vmul.f32 v21, v23;
	v22 =	vld.idx.msk [tilespmem:v34+s21+$0x0], $0xffff  }
0x211: {  	v28 =	vmul.f32 v28, v25;
	v32 =	vadd.f32 v19, v32;
	v34 =	vld.idx.msk [tilespmem:v29+s17+$0x0], $0xffff  }
0x212: {  	v19 =	vld.idx.msk [tilespmem:v29+s21+$0x0], $0xffff  }
0x213: {  	v21 =	vld.idx.msk [tilespmem:v27+s21+$0x0], $0xffff;
	v27 =	vadd.f32 v33, v28;
	(xrf2) =	vadd.scan.msk.f32 $0xffff, v32;
	_ =	sdelay $0x2  }
0x214: {  	v29 =	vmul.f32 v30, v20;
	v28 =	vmul.f32 v31, v22;
	(xrf2) =	vadd.scan.msk.f32 $0xffff, v27;
	_ =	sdelay $0x1  }
0x215: {  	v27 =	vadd.f32 v29, v28;
	v28 =	vmul.f32 v34, v19  }
0x216: {  	v26 =	vmul.f32 v26, v21  }
0x217: {  	(xrf2) =	vadd.scan.msk.f32 $0xffff, v27  }
0x218: {  	v26 =	vadd.f32 v28, v26;
	_ =	sdelay $0x1  }
0x219: {  	v27, _, _ =	vpop (xrf2);
	(xrf2) =	vadd.scan.msk.f32 $0xffff, v26  }
0x21a: {  	(v2sf) =	vpush v27, $0xF;
	_ =	sdelay $0x1  }
0x21b: {  	v26, _, _ =	vpop (xrf2)  }
0x21c: {  	(v2sf) =	vpush v26, $0xF;
	_ =	sdelay $0x2  }
0x21d: {  	v26, _, _ =	vpop (xrf2)  }
0x21e: {  	(v2sf) =	vpush v26, $0xF;
	_ =	sdelay $0x1  }
0x21f: {  	v26, _, _ =	vpop (xrf2)  }
0x220: {  	(v2sf) =	vpush v26, $0xF;
	_ =	sdelay $0x1  }
.Ltmp13:
0x221: {  	(pc) =	sbr.rel @p3 .LBB2_19-.Ltmp13, $3  }
0x222: {  	_ =	sdelay $0x1  }
0x223: {  	s11 =	spop (v2sf)  }
0x224: {  	s28 =	smul.f32 $2.000000030e-01, s11  }
0x225: {  	_ = 	snop  }
0x226: {  	s7 =	spop (v2sf)  }
0x227: {  	s22 =	smul.f32 $2.000000030e-01, s7  }
0x228: {  	s11 =	smax.f32 s11, s28  }
0x229: {  	v26 =	vmov s11;
	s7 =	smax.f32 s7, s22  }
0x22a: {  	v26 =	vmul.f32 $1.442695020e+00, v26;
	v27 =	vmov s7;
	s22 =	spop (v2sf)  }
0x22b: {  	v27 =	vmul.f32 $1.442695020e+00, v27;
	s28 =	smul.f32 $2.000000030e-01, s22  }
0x22c: {  	v26 =	vbroadcast v26, $0x0  }
0x22d: {  	v27 =	vbroadcast v27, $0x0;
	s7 =	smax.f32 s22, s28;
	s22 =	spop (v2sf)  }
0x22e: {  	(erf) = vpow2.f32 v26;
	v51 =	vmov s7;
	s28 =	smul.f32 $2.000000030e-01, s22  }
0x22f: {  	(erf) = vpow2.f32 v27;
	v26 =	vmul.f32 $1.442695020e+00, v51  }
0x230: {  	s7 =	smax.f32 s22, s28  }
0x231: {  	v52 =	vmov s7;
	v26 =	vbroadcast v26, $0x0  }
0x232: {  	v27 =	vmul.f32 $1.442695020e+00, v52  }
0x233: {  	(erf) = vpow2.f32 v26  }
0x234: {  	v53 =	vbroadcast v27, $0x0;
	_ =	sdelay $0x1  }
0x235: {  	v54 =	vor.u32 v1, v18;
	(erf) = vpow2.f32 v53  }
0x236: {  	v28 =	vadd.s32 v5, v18;
	v55 =	vpop (erf)  }
0x237: {  	v29 =	vadd.s32 v6, v18;
	v30 =	vpop (erf)  }
0x238: {  	v31 =	vadd.s32 v7, v18;
	v56 =	vadd.s32 v8, v18;
	v25 =	vmul.f32 v30, v25  }
0x239: {  	v57 =	vadd.s32 v14, v18;
	v32 =	vmul.f32 v9, v30;
	v23 =	vmul.f32 v30, v23  }
0x23a: {  	v59 =	vadd.s32 v10, v18;
	v24 =	vmul.f32 v55, v24;
	[tilespmem:v54+s12+$0x0] =	vst.idx.msk $0xffff, v25  }
0x23b: {  	v58 =	vmul.f32 v11, v55;
	v17 =	vmul.f32 v55, v17;
	v32 =	vadd.f32 $0.0e+00, v32;
	[tilespmem:v28+s12+$0x0] =	vst.idx.msk $0xffff, v23;
	v60 =	vpop (erf)  }
0x23c: {  	v61 =	vadd.s32 v12, v18;
	[tilespmem:v29+s12+$0x0] =	vst.idx.msk $0xffff, v24;
	v22 =	vmul.f32 v60, v22  }
0x23d: {  	v27 =	vadd.f32 v58, v32;
	[tilespmem:v31+s12+$0x0] =	vst.idx.msk $0xffff, v17;
	v17 =	vmul.f32 v13, v60  }
0x23e: {  	v18 =	vadd.s32 v16, v18;
	v20 =	vmul.f32 v60, v20;
	v62 =	vpop (erf);
	[tilespmem:v56+s12+$0x0] =	vst.idx.msk $0xffff, v22  }
0x23f: {  	v17 =	vadd.f32 v17, v27;
	v21 =	vmul.f32 v62, v21;
	v63 =	vmul.f32 v15, v62  }
0x240: {  	[tilespmem:v59+s12+$0x0] =	vst.idx.msk $0xffff, v20;
	v19 =	vmul.f32 v62, v19  }
0x241: {  	[tilespmem:v61+s12+$0x0] =	vst.idx.msk $0xffff, v21;
	v17 =	vadd.f32 v63, v17  }
0x242: {  	[tilespmem:v57+s12+$0x0] =	vst.idx.msk $0xffff, v19  }
0x243: {  	[tilespmem:v18+s12+$0x0] =	vst.idx.msk $0xffff, v17  }
0x244: {  	[spmem:s1] =	stream.indirect.scatter.add.f32 [tilespmem:s12], [sflag:$0x7], $0x90, s20, s19, $0xb8;
	[tilespmem:$0x1BEC8] =	vst v63  }
.LBB2_21:
0x245: {  	s6 =	sadd.s32 $0x2, s6  }
0x246: {  	p3 =	sge.s32 s6, s16  }
0x247: {  	s6 =	smul.u32 @!p3 $0x30, s6  }
0x248: {  	v17 =	vlaneseq.u32 @!p3  }
0x249: {  	v18 =	vor.u32 @!p3 s6, v17  }
0x24a: {  	s7 =	simm.s32 @!p3 $0x7  }
0x24b: {  	_ =	swait.ge @!p3 [sflag:s7], $0x1B00  }
0x24c: {  	[sflag:s7] =	ssyncset.done @!p3 $0x0  }
0x24d: {  	[sflag:s7] =	ssyncadd.s32 @!p3 $0xFFFFE500;
	s7 =	simm.s32 @!p3 $0xD340  }
0x24e: {  	v19 =	vld.idx.msk @!p3 [tilespmem:v18+s7+$0x0], $0xffff;
	_ =	sdelay $0x6  }
0x24f: {  	s11 =	simm.s32 @!p3 $0x0  }
0x250: {  	v19 =	vld.idx.msk @!p3 [tilespmem:v19+s11+$0x0], $0xffff;
	_ =	sdelay $0x4  }
0x251: {  	v19 =	vadd.s32 @!p3 v0, v19  }
0x252: {  	s22 =	simm.s32 @!p3 $0xE300;
	[tilespmem:$0x65C0] =	vst @!p3 v19  }
0x253: {  	s28 =	sor.u32 @!p3 $0x10, s6;
	v18 =	vld.idx.msk @!p3 [tilespmem:v18+s22+$0x0], $0xffff  }
0x254: {  	v19 =	vor.u32 @!p3 s28, v17;
	_ =	sdelay $0x3  }
0x255: {  	[tilespmem:$0x65F0] =	vst @!p3 v18  }
0x256: {  	v18 =	vld.idx.msk @!p3 [tilespmem:v19+s7+$0x0], $0xffff;
	_ =	sdelay $0x7  }
0x257: {  	v18 =	vld.idx.msk @!p3 [tilespmem:v18+s11+$0x0], $0xffff;
	_ =	sdelay $0x4  }
0x258: {  	v18 =	vadd.s32 @!p3 v0, v18  }
0x259: {  	[tilespmem:$0x65D0] =	vst @!p3 v18  }
0x25a: {  	s6 =	sadd.s32 @!p3 $0x20, s6;
	v18 =	vld.idx.msk @!p3 [tilespmem:v19+s22+$0x0], $0xffff  }
0x25b: {  	v17 =	vor.u32 @!p3 s6, v17;
	_ =	sdelay $0x3  }
0x25c: {  	[tilespmem:$0x6600] =	vst @!p3 v18  }
0x25d: {  	v18 =	vld.idx.msk @!p3 [tilespmem:v17+s7+$0x0], $0xffff;
	_ =	sdelay $0x7  }
0x25e: {  	v18 =	vld.idx.msk @!p3 [tilespmem:v18+s11+$0x0], $0xffff;
	_ =	sdelay $0x4  }
0x25f: {  	v18 =	vadd.s32 @!p3 v0, v18  }
0x260: {  	[tilespmem:$0x65E0] =	vst @!p3 v18  }
0x261: {  	v17 =	vld.idx.msk @!p3 [tilespmem:v17+s22+$0x0], $0xffff;
	_ =	sdelay $0x4  }
0x262: {  	s6 =	simm.s32 @!p3 $0x10;
	s7 =	simm.s32 @!p3 $0x65C0;
	s11 =	simm.s32 @!p3 $0x6640;
	[tilespmem:$0x6610] =	vst @!p3 v17  }
0x263: {  	[tilespmem:s11], [sflag:$0x3] =	stream.indirect.gather @!p3 [hbm4b:s5+s6], $0x80, s7, s6, $0xb8;
	[tilespmem:$0x1BEC8] =	vst v63  }
0x264: {  	s7 =	simm.s32 @!p3 $0x65F0;
	s11 =	simm.s32 @!p3 $0x7E40  }
0x265: {  	[tilespmem:s11], [sflag:$0x4] =	stream.indirect.gather @!p3 [spmem:s2], $0x80, s7, s6, $0xb8;
	[tilespmem:$0x1BEC8] =	vst v63  }
0x266: {  	s7 =	simm.s32 @!p3 $0x65D0;
	s11 =	simm.s32 @!p3 $0x6E40  }
0x267: {  	[tilespmem:s11], [sflag:$0x3] =	stream.indirect.gather @!p3 [hbm4b:s5+s6], $0x80, s7, s6, $0xb8;
	[tilespmem:$0x1BEC8] =	vst v63  }
0x268: {  	s7 =	simm.s32 @!p3 $0x6600;
	s11 =	simm.s32 @!p3 $0x8640  }
0x269: {  	[tilespmem:s11], [sflag:$0x4] =	stream.indirect.gather @!p3 [spmem:s2], $0x80, s7, s6, $0xb8;
	[tilespmem:$0x1BEC8] =	vst v63  }
.Ltmp14:
0x26a: {  	_ = 	snop;
	(pc) =	sbr.rel @p2 .LBB2_25-.Ltmp14, $4  }
0x26b: {  	s7 =	simm.s32 @!p3 $0x65E0;
	s11 =	simm.s32 @!p3 $0x7640  }
0x26c: {  	[tilespmem:s11], [sflag:$0x3] =	stream.indirect.gather @!p3 [hbm4b:s5+s6], $0x80, s7, s6, $0xb8;
	[tilespmem:$0x1BEC8] =	vst v63  }
0x26d: {  	s7 =	simm.s32 @!p3 $0x6610;
	s11 =	simm.s32 @!p3 $0x8E40  }
0x26e: {  	[tilespmem:s11], [sflag:$0x4] =	stream.indirect.gather @!p3 [spmem:s2], $0x80, s7, s6, $0xb8;
	[tilespmem:$0x1BEC8] =	vst v63  }
0x26f: {  	_ =	swait.ge [sflag:s23], $0x800  }
0x270: {  	[sflag:s23] =	ssyncset.done $0x0  }
0x271: {  	[sflag:s23] =	ssyncadd.s32 $0xFFFFF800  }
0x272: {  	_ =	swait.ge [sflag:s24], $0x800  }
0x273: {  	[sflag:s24] =	ssyncset.done $0x0  }
0x274: {  	[sflag:s24] =	ssyncadd.s32 $0xFFFFF800  }
0x275: {  	_ =	swait.ge [sflag:s23], $0x800  }
0x276: {  	[sflag:s23] =	ssyncset.done $0x0  }
0x277: {  	[sflag:s23] =	ssyncadd.s32 $0xFFFFF800  }
0x278: {  	_ =	swait.ge [sflag:s24], $0x800  }
0x279: {  	s6 =	simm.s32 $0x0;
	[sflag:s24] =	ssyncset.done $0x0  }
0x27a: {  	v18 =	vmov s6;
	[sflag:s24] =	ssyncadd.s32 $0xFFFFF800  }
0x27b: {  	v19 =	vshll.u32 v18, $0x7;
	_ =	swait.ge [sflag:s23], $0x800  }
0x27c: {  	v17 =	vor.u32 v7, v19;
	[sflag:s23] =	ssyncset.done $0x0  }
0x27d: {  	[sflag:s23] =	ssyncadd.s32 $0xFFFFF800  }
0x27e: {  	v20 =	vor.u32 v6, v19;
	_ =	swait.ge [sflag:s24], $0x800  }
0x27f: {  	[sflag:s24] =	ssyncset.done $0x0  }
0x280: {  	[sflag:s24] =	ssyncadd.s32 $0xFFFFF800  }
0x281: {  	v21 =	vld.idx.msk [tilespmem:v17+s30+$0x0], $0xffff  }
0x282: {  	v17 =	vld.idx.msk [tilespmem:v17+s29+$0x0], $0xffff  }
0x283: {  	v24 =	vld.idx.msk [tilespmem:v20+s29+$0x0], $0xffff  }
0x284: {  	v20 =	vld.idx.msk [tilespmem:v20+s30+$0x0], $0xffff  }
0x285: {  	v22 =	vor.u32 v5, v19  }
0x286: {  	v25 =	vor.u32 v1, v19;
	_ =	sdelay $0x2  }
0x287: {  	v26 =	vor.u32 v12, v19;
	v20 =	vmul.f32 v20, v24;
	v21 =	vmul.f32 v21, v17  }
0x288: {  	v27 =	vor.u32 v10, v19;
	v28 =	vld.idx.msk [tilespmem:v22+s30+$0x0], $0xffff  }
0x289: {  	v29 =	vor.u32 v8, v19;
	v30 =	vld.idx.msk [tilespmem:v25+s30+$0x0], $0xffff;
	v20 =	vadd.f32 v21, v20  }
0x28a: {  	v23 =	vld.idx.msk [tilespmem:v22+s29+$0x0], $0xffff  }
0x28b: {  	v25 =	vld.idx.msk [tilespmem:v25+s29+$0x0], $0xffff;
	(xrf2) =	vadd.scan.msk.f32 $0xffff, v20  }
0x28c: {  	v31 =	vld.idx.msk [tilespmem:v26+s30+$0x0], $0xffff  }
0x28d: {  	v19 =	vor.u32 v14, v19;
	v32 =	vld.idx.msk [tilespmem:v27+s30+$0x0], $0xffff  }
0x28e: {  	v33 =	vld.idx.msk [tilespmem:v29+s30+$0x0], $0xffff  }
0x28f: {  	v22 =	vld.idx.msk [tilespmem:v29+s29+$0x0], $0xffff  }
0x290: {  	v20 =	vld.idx.msk [tilespmem:v27+s29+$0x0], $0xffff  }
0x291: {  	v59 =	vmul.f32 v30, v25;
	v21 =	vld.idx.msk [tilespmem:v26+s29+$0x0], $0xffff;
	v26 =	vmul.f32 v28, v23  }
0x292: {  	v27 =	vld.idx.msk [tilespmem:v19+s30+$0x0], $0xffff  }
0x293: {  	v19 =	vld.idx.msk [tilespmem:v19+s29+$0x0], $0xffff;
	v26 =	vadd.f32 v26, v59;
	_ =	sdelay $0x1  }
0x294: {  	v61 =	vmul.f32 v33, v22;
	v32 =	vmul.f32 v32, v20;
	v60, _, _ =	vpop (xrf2);
	(xrf2) =	vadd.scan.msk.f32 $0xffff, v26;
	_ =	sdelay $0x1  }
0x295: {  	v63 =	vadd.f32 v32, v61  }
0x296: {  	v62 =	vmul.f32 v31, v21;
	v27 =	vmul.f32 v27, v19;
	(v2sf) =	vpush v60, $0xF  }
0x297: {  	(xrf2) =	vadd.scan.msk.f32 $0xffff, v63  }
0x298: {  	v26 =	vadd.f32 v27, v62;
	_ =	sdelay $0x1  }
0x299: {  	(xrf2) =	vadd.scan.msk.f32 $0xffff, v26;
	_ =	sdelay $0x2  }
0x29a: {  	v26, _, _ =	vpop (xrf2)  }
0x29b: {  	(v2sf) =	vpush v26, $0xF;
	_ =	sdelay $0x2  }
0x29c: {  	v26, _, _ =	vpop (xrf2)  }
0x29d: {  	(v2sf) =	vpush v26, $0xF;
	_ =	sdelay $0x1  }
0x29e: {  	v26, _, _ =	vpop (xrf2)  }
0x29f: {  	s7 =	spop (v2sf);
	(v2sf) =	vpush v26, $0xF;
	_ =	sdelay $0x5  }
0x2a0: {  	s11 =	smul.f32 $2.000000030e-01, s7  }
0x2a1: {  	s6 =	simm.s32 $0x1;
	v18 =	vmul.u32 $0x90, v18  }
.LBB2_23:
0x2a2: {  	p2 =	sne.s32 s6, $0x2F;
	s7 =	smax.f32 s7, s11;
	s11 =	spop (v2sf)  }
0x2a3: {  	s22 =	smul.f32 $2.000000030e-01, s11;
	v26 =	vmov s7;
	s7 =	smov.u32 s6;
	s6 =	sadd.s32 $0x1, s6  }
0x2a4: {  	v26 =	vmul.f32 $1.442695020e+00, v26  }
0x2a5: {  	s11 =	smax.f32 s11, s22  }
0x2a6: {  	v27 =	vmov s11;
	v26 =	vbroadcast v26, $0x0;
	s11 =	spop (v2sf)  }
0x2a7: {  	v28 =	vmov s7;
	v27 =	vmul.f32 $1.442695020e+00, v27;
	s7 =	smul.f32 $2.000000030e-01, s11  }
0x2a8: {  	v29 =	vshll.u32 v28, $0x7;
	v28 =	vmul.u32 $0x90, v28;
	(erf) = vpow2.f32 v26  }
0x2a9: {  	v30 =	vor.u32 v5, v29;
	v26 =	vor.u32 v1, v29;
	v27 =	vbroadcast v27, $0x0;
	s7 =	smax.f32 s11, s7;
	s11 =	spop (v2sf)  }
0x2aa: {  	v31 =	vor.u32 v6, v29;
	v32 =	vor.u32 v7, v29;
	v33 =	vmov s7;
	s7 =	smul.f32 $2.000000030e-01, s11  }
0x2ab: {  	v34 =	vor.u32 v8, v29;
	v35 =	vor.u32 v10, v29;
	(erf) = vpow2.f32 v27  }
0x2ac: {  	v27 =	vor.u32 v12, v29;
	v33 =	vmul.f32 $1.442695020e+00, v33;
	s7 =	smax.f32 s11, s7  }
0x2ad: {  	v36 =	vmov s7  }
0x2ae: {  	v33 =	vbroadcast v33, $0x0;
	v36 =	vmul.f32 $1.442695020e+00, v36;
	_ =	sdelay $0x1  }
0x2af: {  	v36 =	vbroadcast v36, $0x0;
	(erf) = vpow2.f32 v33  }
0x2b0: {  	v33 =	vor.u32 v1, v18;
	v37 =	vpop (erf)  }
0x2b1: {  	v29 =	vor.u32 v14, v29;
	v24 =	vmul.f32 v37, v24;
	(erf) = vpow2.f32 v36  }
0x2b2: {  	v36 =	vadd.s32 v5, v18  }
0x2b3: {  	v38 =	vadd.s32 v6, v18;
	v39 =	vpop (erf)  }
0x2b4: {  	v41 =	vadd.s32 v7, v18;
	v25 =	vmul.f32 v39, v25;
	v40 =	vmul.f32 v9, v39  }
0x2b5: {  	v23 =	vmul.f32 v39, v23;
	v39 =	vadd.s32 v14, v18  }
0x2b6: {  	v42 =	vmul.f32 v11, v37;
	[tilespmem:v33+s31+$0x0] =	vst.idx.msk $0xffff, v25;
	v25 =	vadd.f32 $0.0e+00, v40;
	v40 =	vadd.s32 v8, v18  }
0x2b7: {  	v17 =	vmul.f32 v37, v17;
	[tilespmem:v36+s31+$0x0] =	vst.idx.msk $0xffff, v23;
	v23 =	vadd.s32 v10, v18  }
0x2b8: {  	[tilespmem:v38+s31+$0x0] =	vst.idx.msk $0xffff, v24;
	v24 =	vadd.f32 v42, v25;
	v25 =	vadd.s32 v12, v18;
	v33 =	vpop (erf)  }
0x2b9: {  	[tilespmem:v41+s31+$0x0] =	vst.idx.msk $0xffff, v17;
	v17 =	vmul.f32 v33, v22;
	v22 =	vmul.f32 v13, v33  }
0x2ba: {  	v20 =	vmul.f32 v33, v20;
	v33 =	vadd.s32 v16, v18;
	v18 =	vmov v28;
	v36 =	vpop (erf)  }
0x2bb: {  	[tilespmem:v40+s31+$0x0] =	vst.idx.msk $0xffff, v17;
	v17 =	vadd.f32 v22, v24;
	v21 =	vmul.f32 v36, v21  }
0x2bc: {  	v19 =	vmul.f32 v36, v19;
	[tilespmem:v23+s31+$0x0] =	vst.idx.msk $0xffff, v20;
	v20 =	vmul.f32 v15, v36  }
0x2bd: {  	[tilespmem:v25+s31+$0x0] =	vst.idx.msk $0xffff, v21  }
0x2be: {  	[tilespmem:v39+s31+$0x0] =	vst.idx.msk $0xffff, v19;
	v17 =	vadd.f32 v20, v17;
	_ =	sdelay $0x1  }
0x2bf: {  	[tilespmem:v33+s31+$0x0] =	vst.idx.msk $0xffff, v17;
	_ =	sdelay $0x1  }
0x2c0: {  	v19 =	vld.idx.msk [tilespmem:v32+s30+$0x0], $0xffff  }
0x2c1: {  	v17 =	vld.idx.msk [tilespmem:v32+s29+$0x0], $0xffff  }
0x2c2: {  	v21 =	vld.idx.msk [tilespmem:v30+s30+$0x0], $0xffff  }
0x2c3: {  	v28 =	vld.idx.msk [tilespmem:v26+s30+$0x0], $0xffff  }
0x2c4: {  	v24 =	vld.idx.msk [tilespmem:v31+s29+$0x0], $0xffff  }
0x2c5: {  	v22 =	vld.idx.msk [tilespmem:v31+s30+$0x0], $0xffff  }
0x2c6: {  	v23 =	vld.idx.msk [tilespmem:v30+s29+$0x0], $0xffff  }
0x2c7: {  	v25 =	vld.idx.msk [tilespmem:v26+s29+$0x0], $0xffff  }
0x2c8: {  	v26 =	vld.idx.msk [tilespmem:v27+s30+$0x0], $0xffff  }
0x2c9: {  	v30 =	vld.idx.msk [tilespmem:v35+s30+$0x0], $0xffff  }
0x2ca: {  	v31 =	vld.idx.msk [tilespmem:v34+s30+$0x0], $0xffff  }
0x2cb: {  	v19 =	vmul.f32 v19, v17;
	v32 =	vmul.f32 v22, v24;
	v20 =	vld.idx.msk [tilespmem:v35+s29+$0x0], $0xffff  }
0x2cc: {  	v33 =	vmul.f32 v21, v23;
	v22 =	vld.idx.msk [tilespmem:v34+s29+$0x0], $0xffff  }
0x2cd: {  	v28 =	vmul.f32 v28, v25;
	v32 =	vadd.f32 v19, v32;
	v34 =	vld.idx.msk [tilespmem:v29+s30+$0x0], $0xffff  }
0x2ce: {  	v19 =	vld.idx.msk [tilespmem:v29+s29+$0x0], $0xffff  }
0x2cf: {  	v21 =	vld.idx.msk [tilespmem:v27+s29+$0x0], $0xffff;
	v27 =	vadd.f32 v33, v28;
	(xrf2) =	vadd.scan.msk.f32 $0xffff, v32;
	_ =	sdelay $0x2  }
0x2d0: {  	v29 =	vmul.f32 v30, v20;
	v28 =	vmul.f32 v31, v22;
	(xrf2) =	vadd.scan.msk.f32 $0xffff, v27;
	_ =	sdelay $0x1  }
0x2d1: {  	v27 =	vadd.f32 v29, v28;
	v28 =	vmul.f32 v34, v19  }
0x2d2: {  	v26 =	vmul.f32 v26, v21  }
0x2d3: {  	(xrf2) =	vadd.scan.msk.f32 $0xffff, v27  }
0x2d4: {  	v26 =	vadd.f32 v28, v26;
	_ =	sdelay $0x1  }
0x2d5: {  	v27, _, _ =	vpop (xrf2);
	(xrf2) =	vadd.scan.msk.f32 $0xffff, v26  }
0x2d6: {  	(v2sf) =	vpush v27, $0xF;
	_ =	sdelay $0x1  }
0x2d7: {  	v26, _, _ =	vpop (xrf2)  }
0x2d8: {  	(v2sf) =	vpush v26, $0xF;
	_ =	sdelay $0x2  }
0x2d9: {  	v26, _, _ =	vpop (xrf2)  }
0x2da: {  	(v2sf) =	vpush v26, $0xF;
	_ =	sdelay $0x1  }
0x2db: {  	v26, _, _ =	vpop (xrf2)  }
0x2dc: {  	(v2sf) =	vpush v26, $0xF;
	_ =	sdelay $0x1  }
.Ltmp15:
0x2dd: {  	(pc) =	sbr.rel @p2 .LBB2_23-.Ltmp15, $3  }
0x2de: {  	_ =	sdelay $0x1  }
0x2df: {  	s7 =	spop (v2sf)  }
0x2e0: {  	s11 =	smul.f32 $2.000000030e-01, s7  }
.Ltmp16:
0x2e1: {  	_ = 	snop;
	(pc) =	sbr.rel .LBB2_24-.Ltmp16, $1  }
0x2e2: {  	_ =	sdelay $0x3  }
.LBB2_27:
0x2e3: {  	[bflag:$0x0] =	sbarrier.arrive $0xFFFF  }
0x2e4: {  	s16 =	rddreg [dreg:$0xa]  }
0x2e5: {  	v17 =	vld [tilespmem:s16+$0x4E20];
	_ =	sdelay $0x7  }
0x2e6: {  	v17 =	vld.idx.msk [tilespmem:v17+s15+$0x0], $0xffff;
	_ =	sdelay $0x4  }
0x2e7: {  	[tilespmem:$0x6620] =	vst v17  }
0x2e8: {  	v17 =	vld [tilespmem:s16+$0x4E30];
	_ =	sdelay $0x7  }
0x2e9: {  	v17 =	vld.idx.msk [tilespmem:v17+s15+$0x0], $0xffff  }
0x2ea: {  	s6 =	simm.s32 $0x0  }
0x2eb: {  	v18 =	vmov s6  }
0x2ec: {  	v19 =	vmul.u32 $0x90, v18;
	_ =	sdelay $0x1  }
0x2ed: {  	s11 =	simm.s32 $0x20;
	s18 =	simm.s32 $0x6620;
	s26 =	simm.s32 $0x1;
	[tilespmem:$0x6630] =	vst v17;
	v17 =	vadd.s32 $0x80, v19  }
0x2ee: {  	[tilespmem:s10], [sflag:$0x1] =	stream.indirect.gather [spmem:s1], $0x90, s18, s11, $0xb8;
	[tilespmem:$0x1BEC8] =	vst v63  }
0x2ef: {  	_ =	swait.ge [sflag:s26], $0x1200  }
0x2f0: {  	[sflag:s26] =	ssyncset.done $0x0  }
0x2f1: {  	[sflag:s26] =	ssyncadd.s32 $0xFFFFEE00  }
0x2f2: {  	v17 =	vld.idx.msk [tilespmem:v17+s10+$0x0], $0xffff;
	_ =	sdelay $0x4  }
0x2f3: {  	v17 =	vadd.f32 $9.999999710e-10, v17;
	_ =	sdelay $0x1  }
0x2f4: {  	v20 =	vor.u32 v1, v19;
	(erf) = vrcp.f32 v17;
	_ =	sdelay $0x4  }
0x2f5: {  	v17 =	vld.idx.msk [tilespmem:v20+s10+$0x0], $0xffff  }
0x2f6: {  	v20 =	vshll.u32 v18, $0x7  }
0x2f7: {  	v18 =	vor.u32 v1, v20  }
0x2f8: {  	v21 =	vadd.s32 v5, v19  }
0x2f9: {  	v22 =	vpop (erf)  }
0x2fa: {  	v17 =	vmul.f32 v22, v17;
	_ =	sdelay $0x1  }
0x2fb: {  	[tilespmem:v18+s25+$0x0] =	vst.idx.msk $0xffff, v17  }
0x2fc: {  	v17 =	vld.idx.msk [tilespmem:v21+s10+$0x0], $0xffff;
	_ =	sdelay $0x1  }
0x2fd: {  	v18 =	vor.u32 v5, v20  }
0x2fe: {  	v21 =	vadd.s32 $0x81, v19;
	_ =	sdelay $0x1  }
0x2ff: {  	v17 =	vmul.f32 v17, v22;
	_ =	sdelay $0x1  }
0x300: {  	[tilespmem:v18+s25+$0x0] =	vst.idx.msk $0xffff, v17  }
0x301: {  	v17 =	vld.idx.msk [tilespmem:v21+s10+$0x0], $0xffff;
	_ =	sdelay $0x4  }
0x302: {  	v17 =	vadd.f32 $9.999999710e-10, v17;
	_ =	sdelay $0x1  }
0x303: {  	v18 =	vadd.s32 v6, v19;
	(erf) = vrcp.f32 v17;
	_ =	sdelay $0x4  }
0x304: {  	v17 =	vld.idx.msk [tilespmem:v18+s10+$0x0], $0xffff;
	_ =	sdelay $0x1  }
0x305: {  	v18 =	vor.u32 v6, v20  }
0x306: {  	v21 =	vadd.s32 v7, v19  }
0x307: {  	v22 =	vpop (erf)  }
0x308: {  	v17 =	vmul.f32 v22, v17;
	_ =	sdelay $0x1  }
0x309: {  	[tilespmem:v18+s25+$0x0] =	vst.idx.msk $0xffff, v17  }
0x30a: {  	v17 =	vld.idx.msk [tilespmem:v21+s10+$0x0], $0xffff;
	_ =	sdelay $0x1  }
0x30b: {  	v18 =	vor.u32 v7, v20  }
0x30c: {  	v21 =	vadd.s32 $0x82, v19;
	_ =	sdelay $0x1  }
0x30d: {  	v17 =	vmul.f32 v17, v22;
	_ =	sdelay $0x1  }
0x30e: {  	[tilespmem:v18+s25+$0x0] =	vst.idx.msk $0xffff, v17  }
0x30f: {  	v17 =	vld.idx.msk [tilespmem:v21+s10+$0x0], $0xffff;
	_ =	sdelay $0x4  }
0x310: {  	v17 =	vadd.f32 $9.999999710e-10, v17;
	_ =	sdelay $0x1  }
0x311: {  	v18 =	vadd.s32 v8, v19;
	(erf) = vrcp.f32 v17;
	_ =	sdelay $0x4  }
0x312: {  	v17 =	vld.idx.msk [tilespmem:v18+s10+$0x0], $0xffff;
	_ =	sdelay $0x1  }
0x313: {  	v18 =	vor.u32 v8, v20  }
0x314: {  	v21 =	vadd.s32 v10, v19  }
0x315: {  	v22 =	vpop (erf)  }
0x316: {  	v17 =	vmul.f32 v22, v17;
	_ =	sdelay $0x1  }
0x317: {  	[tilespmem:v18+s25+$0x0] =	vst.idx.msk $0xffff, v17  }
0x318: {  	v17 =	vld.idx.msk [tilespmem:v21+s10+$0x0], $0xffff;
	_ =	sdelay $0x1  }
0x319: {  	v18 =	vor.u32 v10, v20  }
0x31a: {  	v21 =	vadd.s32 $0x83, v19;
	_ =	sdelay $0x1  }
0x31b: {  	v17 =	vmul.f32 v17, v22;
	_ =	sdelay $0x1  }
0x31c: {  	[tilespmem:v18+s25+$0x0] =	vst.idx.msk $0xffff, v17  }
0x31d: {  	v17 =	vld.idx.msk [tilespmem:v21+s10+$0x0], $0xffff;
	_ =	sdelay $0x4  }
0x31e: {  	v17 =	vadd.f32 $9.999999710e-10, v17;
	_ =	sdelay $0x1  }
0x31f: {  	v18 =	vadd.s32 v12, v19;
	(erf) = vrcp.f32 v17;
	_ =	sdelay $0x4  }
0x320: {  	v17 =	vld.idx.msk [tilespmem:v18+s10+$0x0], $0xffff;
	_ =	sdelay $0x1  }
0x321: {  	v18 =	vor.u32 v12, v20  }
0x322: {  	v19 =	vadd.s32 v14, v19  }
0x323: {  	v22 =	vpop (erf)  }
0x324: {  	v17 =	vmul.f32 v22, v17;
	_ =	sdelay $0x1  }
0x325: {  	s28 =	simm.s32 $0x1;
	[tilespmem:v18+s25+$0x0] =	vst.idx.msk $0xffff, v17  }
0x326: {  	v17 =	vmov s28;
	v23 =	vld.idx.msk [tilespmem:v19+s10+$0x0], $0xffff  }
0x327: {  	v18 =	vmul.u32 $0x90, v17  }
0x328: {  	v20 =	vor.u32 v14, v20  }
0x329: {  	v21 =	vadd.s32 $0x80, v18;
	_ =	sdelay $0x1  }
0x32a: {  	s6 =	simm.s32 $0x2;
	v17 =	vshll.u32 v17, $0x7;
	v19 =	vor.u32 v1, v18;
	v22 =	vmul.f32 v23, v22  }
.LBB2_28:
0x32b: {  	_ = 	snop  }
0x32c: {  	p2 =	sne.s32 s6, $0x1F;
	s7 =	smov.u32 s6;
	s6 =	sadd.s32 $0x1, s6;
	[tilespmem:v20+s25+$0x0] =	vst.idx.msk $0xffff, v22  }
0x32d: {  	v20 =	vld.idx.msk [tilespmem:v21+s10+$0x0], $0xffff;
	_ =	sdelay $0x5  }
0x32e: {  	v20 =	vadd.f32 $9.999999710e-10, v20;
	_ =	sdelay $0x1  }
0x32f: {  	(erf) = vrcp.f32 v20;
	_ =	sdelay $0x3  }
0x330: {  	v19 =	vld.idx.msk [tilespmem:v19+s10+$0x0], $0xffff;
	_ =	sdelay $0x2  }
0x331: {  	v20 =	vor.u32 v1, v17  }
0x332: {  	v21 =	vadd.s32 v5, v18  }
0x333: {  	v22 =	vpop (erf)  }
0x334: {  	v19 =	vmul.f32 v22, v19;
	_ =	sdelay $0x1  }
0x335: {  	[tilespmem:v20+s25+$0x0] =	vst.idx.msk $0xffff, v19  }
0x336: {  	v19 =	vld.idx.msk [tilespmem:v21+s10+$0x0], $0xffff;
	_ =	sdelay $0x2  }
0x337: {  	v20 =	vor.u32 v5, v17  }
0x338: {  	v21 =	vadd.s32 $0x81, v18;
	_ =	sdelay $0x1  }
0x339: {  	v19 =	vmul.f32 v19, v22;
	_ =	sdelay $0x1  }
0x33a: {  	[tilespmem:v20+s25+$0x0] =	vst.idx.msk $0xffff, v19  }
0x33b: {  	v19 =	vld.idx.msk [tilespmem:v21+s10+$0x0], $0xffff;
	_ =	sdelay $0x5  }
0x33c: {  	v19 =	vadd.f32 $9.999999710e-10, v19  }
0x33d: {  	v20 =	vadd.s32 v6, v18  }
0x33e: {  	(erf) = vrcp.f32 v19;
	_ =	sdelay $0x3  }
0x33f: {  	v19 =	vld.idx.msk [tilespmem:v20+s10+$0x0], $0xffff;
	_ =	sdelay $0x2  }
0x340: {  	v20 =	vor.u32 v6, v17  }
0x341: {  	v21 =	vadd.s32 v7, v18  }
0x342: {  	v22 =	vpop (erf)  }
0x343: {  	v19 =	vmul.f32 v22, v19;
	_ =	sdelay $0x1  }
0x344: {  	[tilespmem:v20+s25+$0x0] =	vst.idx.msk $0xffff, v19  }
0x345: {  	v19 =	vld.idx.msk [tilespmem:v21+s10+$0x0], $0xffff;
	_ =	sdelay $0x2  }
0x346: {  	v20 =	vor.u32 v7, v17  }
0x347: {  	v21 =	vadd.s32 $0x82, v18;
	_ =	sdelay $0x1  }
0x348: {  	v19 =	vmul.f32 v19, v22;
	_ =	sdelay $0x1  }
0x349: {  	[tilespmem:v20+s25+$0x0] =	vst.idx.msk $0xffff, v19  }
0x34a: {  	v19 =	vld.idx.msk [tilespmem:v21+s10+$0x0], $0xffff;
	_ =	sdelay $0x5  }
0x34b: {  	v19 =	vadd.f32 $9.999999710e-10, v19  }
0x34c: {  	v20 =	vadd.s32 v8, v18  }
0x34d: {  	(erf) = vrcp.f32 v19;
	_ =	sdelay $0x3  }
0x34e: {  	v19 =	vld.idx.msk [tilespmem:v20+s10+$0x0], $0xffff;
	_ =	sdelay $0x2  }
0x34f: {  	v20 =	vor.u32 v8, v17  }
0x350: {  	v21 =	vadd.s32 v10, v18  }
0x351: {  	v22 =	vpop (erf)  }
0x352: {  	v19 =	vmul.f32 v22, v19;
	_ =	sdelay $0x1  }
0x353: {  	[tilespmem:v20+s25+$0x0] =	vst.idx.msk $0xffff, v19  }
0x354: {  	v19 =	vld.idx.msk [tilespmem:v21+s10+$0x0], $0xffff;
	_ =	sdelay $0x2  }
0x355: {  	v20 =	vor.u32 v10, v17  }
0x356: {  	v21 =	vadd.s32 $0x83, v18  }
0x357: {  	v23 =	vadd.s32 v12, v18  }
0x358: {  	v19 =	vmul.f32 v19, v22;
	_ =	sdelay $0x1  }
0x359: {  	[tilespmem:v20+s25+$0x0] =	vst.idx.msk $0xffff, v19  }
0x35a: {  	v19 =	vld.idx.msk [tilespmem:v21+s10+$0x0], $0xffff  }
0x35b: {  	v20 =	vld.idx.msk [tilespmem:v23+s10+$0x0], $0xffff;
	_ =	sdelay $0x4  }
0x35c: {  	v19 =	vadd.f32 $9.999999710e-10, v19;
	_ =	sdelay $0x1  }
0x35d: {  	(erf) = vrcp.f32 v19;
	_ =	sdelay $0x6  }
0x35e: {  	v19 =	vor.u32 v12, v17  }
0x35f: {  	v18 =	vadd.s32 v14, v18  }
0x360: {  	v22 =	vpop (erf)  }
0x361: {  	v20 =	vmul.f32 v22, v20;
	_ =	sdelay $0x1  }
0x362: {  	[tilespmem:v19+s25+$0x0] =	vst.idx.msk $0xffff, v20  }
0x363: {  	v23 =	vld.idx.msk [tilespmem:v18+s10+$0x0], $0xffff  }
0x364: {  	v19 =	vmov s7  }
.Ltmp17:
0x365: {  	v18 =	vmul.u32 $0x90, v19;
	v19 =	vshll.u32 v19, $0x7;
	(pc) =	sbr.rel @p2 .LBB2_28-.Ltmp17, $3  }
0x366: {  	v20 =	vor.u32 v14, v17;
	v17 =	vmov v19  }
0x367: {  	v21 =	vadd.s32 $0x80, v18;
	v19 =	vor.u32 v1, v18;
	_ =	sdelay $0x1  }
0x368: {  	v22 =	vmul.f32 v23, v22  }
0x369: {  	_ =	sdelay $0x3  }
0x36a: {  	[tilespmem:v20+s25+$0x0] =	vst.idx.msk $0xffff, v22  }
0x36b: {  	v20 =	vld.idx.msk [tilespmem:v21+s10+$0x0], $0xffff;
	_ =	sdelay $0x4  }
0x36c: {  	v20 =	vadd.f32 $9.999999710e-10, v20;
	_ =	sdelay $0x1  }
0x36d: {  	(erf) = vrcp.f32 v20;
	_ =	sdelay $0x4  }
0x36e: {  	v19 =	vld.idx.msk [tilespmem:v19+s10+$0x0], $0xffff;
	_ =	sdelay $0x1  }
0x36f: {  	v20 =	vor.u32 v1, v17  }
0x370: {  	v21 =	vadd.s32 v5, v18  }
0x371: {  	v22 =	vpop (erf)  }
0x372: {  	v19 =	vmul.f32 v22, v19;
	_ =	sdelay $0x1  }
0x373: {  	[tilespmem:v20+s25+$0x0] =	vst.idx.msk $0xffff, v19  }
0x374: {  	v19 =	vld.idx.msk [tilespmem:v21+s10+$0x0], $0xffff;
	_ =	sdelay $0x1  }
0x375: {  	v20 =	vor.u32 v5, v17  }
0x376: {  	v21 =	vadd.s32 $0x81, v18;
	_ =	sdelay $0x1  }
0x377: {  	v19 =	vmul.f32 v19, v22;
	_ =	sdelay $0x1  }
0x378: {  	[tilespmem:v20+s25+$0x0] =	vst.idx.msk $0xffff, v19  }
0x379: {  	v19 =	vld.idx.msk [tilespmem:v21+s10+$0x0], $0xffff;
	_ =	sdelay $0x4  }
0x37a: {  	v19 =	vadd.f32 $9.999999710e-10, v19;
	_ =	sdelay $0x1  }
0x37b: {  	v20 =	vadd.s32 v6, v18;
	(erf) = vrcp.f32 v19;
	_ =	sdelay $0x4  }
0x37c: {  	v19 =	vld.idx.msk [tilespmem:v20+s10+$0x0], $0xffff;
	_ =	sdelay $0x1  }
0x37d: {  	v20 =	vor.u32 v6, v17  }
0x37e: {  	v21 =	vadd.s32 v7, v18  }
0x37f: {  	v22 =	vpop (erf)  }
0x380: {  	v19 =	vmul.f32 v22, v19;
	_ =	sdelay $0x1  }
0x381: {  	[tilespmem:v20+s25+$0x0] =	vst.idx.msk $0xffff, v19  }
0x382: {  	v19 =	vld.idx.msk [tilespmem:v21+s10+$0x0], $0xffff;
	_ =	sdelay $0x1  }
0x383: {  	v20 =	vor.u32 v7, v17  }
0x384: {  	v21 =	vadd.s32 $0x82, v18;
	_ =	sdelay $0x1  }
0x385: {  	v19 =	vmul.f32 v19, v22;
	_ =	sdelay $0x1  }
0x386: {  	[tilespmem:v20+s25+$0x0] =	vst.idx.msk $0xffff, v19  }
0x387: {  	v19 =	vld.idx.msk [tilespmem:v21+s10+$0x0], $0xffff;
	_ =	sdelay $0x4  }
0x388: {  	v19 =	vadd.f32 $9.999999710e-10, v19;
	_ =	sdelay $0x1  }
0x389: {  	v20 =	vadd.s32 v8, v18;
	(erf) = vrcp.f32 v19;
	_ =	sdelay $0x4  }
0x38a: {  	v19 =	vld.idx.msk [tilespmem:v20+s10+$0x0], $0xffff;
	_ =	sdelay $0x1  }
0x38b: {  	v20 =	vor.u32 v8, v17  }
0x38c: {  	v21 =	vadd.s32 v10, v18  }
0x38d: {  	v22 =	vpop (erf)  }
0x38e: {  	v19 =	vmul.f32 v22, v19;
	_ =	sdelay $0x1  }
0x38f: {  	[tilespmem:v20+s25+$0x0] =	vst.idx.msk $0xffff, v19  }
0x390: {  	v19 =	vld.idx.msk [tilespmem:v21+s10+$0x0], $0xffff;
	_ =	sdelay $0x1  }
0x391: {  	v20 =	vor.u32 v10, v17  }
0x392: {  	v21 =	vadd.s32 $0x83, v18;
	_ =	sdelay $0x1  }
0x393: {  	v19 =	vmul.f32 v19, v22;
	_ =	sdelay $0x1  }
0x394: {  	[tilespmem:v20+s25+$0x0] =	vst.idx.msk $0xffff, v19  }
0x395: {  	v19 =	vld.idx.msk [tilespmem:v21+s10+$0x0], $0xffff;
	_ =	sdelay $0x4  }
0x396: {  	v19 =	vadd.f32 $9.999999710e-10, v19;
	_ =	sdelay $0x1  }
0x397: {  	v20 =	vadd.s32 v12, v18;
	(erf) = vrcp.f32 v19;
	_ =	sdelay $0x4  }
0x398: {  	v19 =	vld.idx.msk [tilespmem:v20+s10+$0x0], $0xffff;
	_ =	sdelay $0x1  }
0x399: {  	v20 =	vor.u32 v12, v17  }
0x39a: {  	v18 =	vadd.s32 v14, v18  }
0x39b: {  	v21 =	vpop (erf)  }
0x39c: {  	v19 =	vmul.f32 v21, v19;
	_ =	sdelay $0x1  }
0x39d: {  	[tilespmem:v20+s25+$0x0] =	vst.idx.msk $0xffff, v19  }
0x39e: {  	v18 =	vld.idx.msk [tilespmem:v18+s10+$0x0], $0xffff;
	_ =	sdelay $0x1  }
0x39f: {  	v17 =	vor.u32 v14, v17;
	_ =	sdelay $0x2  }
0x3a0: {  	v18 =	vmul.f32 v18, v21;
	_ =	sdelay $0x1  }
0x3a1: {  	s6 =	simm.s32 $0x0;
	s7 =	rddreg [dreg:$0xc];
	s14 =	simm.s32 $0x9;
	[tilespmem:v17+s25+$0x0] =	vst.idx.msk $0xffff, v18  }
0x3a2: {  	[hbm4b:s7+s6] =	stream.linear.scatter [tilespmem:s25], [sflag:$0x9], $0x1000, $0x38;
	[tilespmem:$0x1BEC8] =	vst v63  }
0x3a3: {  	_ =	swait.ge [sflag:s14], $0x1000  }
0x3a4: {  	[sflag:s14] =	ssyncset.done $0x0  }
0x3a5: {  	[sflag:s14] =	ssyncadd.s32 $0xFFFFF000  }
0x3a6: {  	v17 =	vld [tilespmem:s16+$0x4E40];
	_ =	sdelay $0x7  }
0x3a7: {  	v17 =	vld.idx.msk [tilespmem:v17+s15+$0x0], $0xffff;
	_ =	sdelay $0x4  }
0x3a8: {  	[tilespmem:$0x6620] =	vst v17  }
0x3a9: {  	v17 =	vld [tilespmem:s16+$0x4E50];
	_ =	sdelay $0x7  }
0x3aa: {  	v17 =	vld.idx.msk [tilespmem:v17+s15+$0x0], $0xffff;
	_ =	sdelay $0x1  }
0x3ab: {  	v18 =	vmov s6  }
0x3ac: {  	v19 =	vmul.u32 $0x90, v18;
	_ =	sdelay $0x1  }
0x3ad: {  	s26 =	simm.s32 $0x1;
	[tilespmem:$0x6630] =	vst v17;
	v17 =	vadd.s32 $0x80, v19  }
0x3ae: {  	[tilespmem:s10], [sflag:$0x1] =	stream.indirect.gather [spmem:s1], $0x90, s18, s11, $0xb8;
	[tilespmem:$0x1BEC8] =	vst v63  }
0x3af: {  	_ =	swait.ge [sflag:s26], $0x1200  }
0x3b0: {  	[sflag:s26] =	ssyncset.done $0x0  }
0x3b1: {  	[sflag:s26] =	ssyncadd.s32 $0xFFFFEE00  }
0x3b2: {  	v17 =	vld.idx.msk [tilespmem:v17+s10+$0x0], $0xffff;
	_ =	sdelay $0x4  }
0x3b3: {  	v17 =	vadd.f32 $9.999999710e-10, v17;
	_ =	sdelay $0x1  }
0x3b4: {  	v20 =	vor.u32 v1, v19;
	(erf) = vrcp.f32 v17;
	_ =	sdelay $0x4  }
0x3b5: {  	v17 =	vld.idx.msk [tilespmem:v20+s10+$0x0], $0xffff  }
0x3b6: {  	v20 =	vshll.u32 v18, $0x7  }
0x3b7: {  	v18 =	vor.u32 v1, v20  }
0x3b8: {  	v21 =	vadd.s32 v5, v19  }
0x3b9: {  	v22 =	vpop (erf)  }
0x3ba: {  	v17 =	vmul.f32 v22, v17;
	_ =	sdelay $0x1  }
0x3bb: {  	[tilespmem:v18+s25+$0x0] =	vst.idx.msk $0xffff, v17  }
0x3bc: {  	v17 =	vld.idx.msk [tilespmem:v21+s10+$0x0], $0xffff;
	_ =	sdelay $0x1  }
0x3bd: {  	v18 =	vor.u32 v5, v20  }
0x3be: {  	v21 =	vadd.s32 $0x81, v19;
	_ =	sdelay $0x1  }
0x3bf: {  	v17 =	vmul.f32 v17, v22;
	_ =	sdelay $0x1  }
0x3c0: {  	[tilespmem:v18+s25+$0x0] =	vst.idx.msk $0xffff, v17  }
0x3c1: {  	v17 =	vld.idx.msk [tilespmem:v21+s10+$0x0], $0xffff;
	_ =	sdelay $0x4  }
0x3c2: {  	v17 =	vadd.f32 $9.999999710e-10, v17;
	_ =	sdelay $0x1  }
0x3c3: {  	v18 =	vadd.s32 v6, v19;
	(erf) = vrcp.f32 v17;
	_ =	sdelay $0x4  }
0x3c4: {  	v17 =	vld.idx.msk [tilespmem:v18+s10+$0x0], $0xffff;
	_ =	sdelay $0x1  }
0x3c5: {  	v18 =	vor.u32 v6, v20  }
0x3c6: {  	v21 =	vadd.s32 v7, v19  }
0x3c7: {  	v22 =	vpop (erf)  }
0x3c8: {  	v17 =	vmul.f32 v22, v17;
	_ =	sdelay $0x1  }
0x3c9: {  	[tilespmem:v18+s25+$0x0] =	vst.idx.msk $0xffff, v17  }
0x3ca: {  	v17 =	vld.idx.msk [tilespmem:v21+s10+$0x0], $0xffff;
	_ =	sdelay $0x1  }
0x3cb: {  	v18 =	vor.u32 v7, v20  }
0x3cc: {  	v21 =	vadd.s32 $0x82, v19;
	_ =	sdelay $0x1  }
0x3cd: {  	v17 =	vmul.f32 v17, v22;
	_ =	sdelay $0x1  }
0x3ce: {  	[tilespmem:v18+s25+$0x0] =	vst.idx.msk $0xffff, v17  }
0x3cf: {  	v17 =	vld.idx.msk [tilespmem:v21+s10+$0x0], $0xffff;
	_ =	sdelay $0x4  }
0x3d0: {  	v17 =	vadd.f32 $9.999999710e-10, v17;
	_ =	sdelay $0x1  }
0x3d1: {  	v18 =	vadd.s32 v8, v19;
	(erf) = vrcp.f32 v17;
	_ =	sdelay $0x4  }
0x3d2: {  	v17 =	vld.idx.msk [tilespmem:v18+s10+$0x0], $0xffff;
	_ =	sdelay $0x1  }
0x3d3: {  	v18 =	vor.u32 v8, v20  }
0x3d4: {  	v21 =	vadd.s32 v10, v19  }
0x3d5: {  	v22 =	vpop (erf)  }
0x3d6: {  	v17 =	vmul.f32 v22, v17;
	_ =	sdelay $0x1  }
0x3d7: {  	[tilespmem:v18+s25+$0x0] =	vst.idx.msk $0xffff, v17  }
0x3d8: {  	v17 =	vld.idx.msk [tilespmem:v21+s10+$0x0], $0xffff;
	_ =	sdelay $0x1  }
0x3d9: {  	v18 =	vor.u32 v10, v20  }
0x3da: {  	v21 =	vadd.s32 $0x83, v19;
	_ =	sdelay $0x1  }
0x3db: {  	v17 =	vmul.f32 v17, v22;
	_ =	sdelay $0x1  }
0x3dc: {  	[tilespmem:v18+s25+$0x0] =	vst.idx.msk $0xffff, v17  }
0x3dd: {  	v17 =	vld.idx.msk [tilespmem:v21+s10+$0x0], $0xffff;
	_ =	sdelay $0x4  }
0x3de: {  	v17 =	vadd.f32 $9.999999710e-10, v17;
	_ =	sdelay $0x1  }
0x3df: {  	v18 =	vadd.s32 v12, v19;
	(erf) = vrcp.f32 v17;
	_ =	sdelay $0x4  }
0x3e0: {  	v17 =	vld.idx.msk [tilespmem:v18+s10+$0x0], $0xffff;
	_ =	sdelay $0x1  }
0x3e1: {  	v18 =	vor.u32 v12, v20  }
0x3e2: {  	v19 =	vadd.s32 v14, v19  }
0x3e3: {  	v22 =	vpop (erf)  }
0x3e4: {  	v17 =	vmul.f32 v22, v17;
	_ =	sdelay $0x1  }
0x3e5: {  	s28 =	simm.s32 $0x1;
	[tilespmem:v18+s25+$0x0] =	vst.idx.msk $0xffff, v17  }
0x3e6: {  	v17 =	vmov s28;
	v23 =	vld.idx.msk [tilespmem:v19+s10+$0x0], $0xffff  }
0x3e7: {  	v18 =	vmul.u32 $0x90, v17  }
0x3e8: {  	v20 =	vor.u32 v14, v20  }
0x3e9: {  	v21 =	vadd.s32 $0x80, v18;
	_ =	sdelay $0x1  }
0x3ea: {  	s6 =	simm.s32 $0x2;
	v17 =	vshll.u32 v17, $0x7;
	v19 =	vor.u32 v1, v18;
	v22 =	vmul.f32 v23, v22  }
.LBB2_30:
0x3eb: {  	_ = 	snop  }
0x3ec: {  	p2 =	sne.s32 s6, $0x1F;
	s7 =	smov.u32 s6;
	s6 =	sadd.s32 $0x1, s6;
	[tilespmem:v20+s25+$0x0] =	vst.idx.msk $0xffff, v22  }
0x3ed: {  	v20 =	vld.idx.msk [tilespmem:v21+s10+$0x0], $0xffff;
	_ =	sdelay $0x5  }
0x3ee: {  	v20 =	vadd.f32 $9.999999710e-10, v20;
	_ =	sdelay $0x1  }
0x3ef: {  	(erf) = vrcp.f32 v20;
	_ =	sdelay $0x3  }
0x3f0: {  	v19 =	vld.idx.msk [tilespmem:v19+s10+$0x0], $0xffff;
	_ =	sdelay $0x2  }
0x3f1: {  	v20 =	vor.u32 v1, v17  }
0x3f2: {  	v21 =	vadd.s32 v5, v18  }
0x3f3: {  	v22 =	vpop (erf)  }
0x3f4: {  	v19 =	vmul.f32 v22, v19;
	_ =	sdelay $0x1  }
0x3f5: {  	[tilespmem:v20+s25+$0x0] =	vst.idx.msk $0xffff, v19  }
0x3f6: {  	v19 =	vld.idx.msk [tilespmem:v21+s10+$0x0], $0xffff;
	_ =	sdelay $0x2  }
0x3f7: {  	v20 =	vor.u32 v5, v17  }
0x3f8: {  	v21 =	vadd.s32 $0x81, v18;
	_ =	sdelay $0x1  }
0x3f9: {  	v19 =	vmul.f32 v19, v22;
	_ =	sdelay $0x1  }
0x3fa: {  	[tilespmem:v20+s25+$0x0] =	vst.idx.msk $0xffff, v19  }
0x3fb: {  	v19 =	vld.idx.msk [tilespmem:v21+s10+$0x0], $0xffff;
	_ =	sdelay $0x5  }
0x3fc: {  	v19 =	vadd.f32 $9.999999710e-10, v19  }
0x3fd: {  	v20 =	vadd.s32 v6, v18  }
0x3fe: {  	(erf) = vrcp.f32 v19;
	_ =	sdelay $0x3  }
0x3ff: {  	v19 =	vld.idx.msk [tilespmem:v20+s10+$0x0], $0xffff;
	_ =	sdelay $0x2  }
0x400: {  	v20 =	vor.u32 v6, v17  }
0x401: {  	v21 =	vadd.s32 v7, v18  }
0x402: {  	v22 =	vpop (erf)  }
0x403: {  	v19 =	vmul.f32 v22, v19;
	_ =	sdelay $0x1  }
0x404: {  	[tilespmem:v20+s25+$0x0] =	vst.idx.msk $0xffff, v19  }
0x405: {  	v19 =	vld.idx.msk [tilespmem:v21+s10+$0x0], $0xffff;
	_ =	sdelay $0x2  }
0x406: {  	v20 =	vor.u32 v7, v17  }
0x407: {  	v21 =	vadd.s32 $0x82, v18;
	_ =	sdelay $0x1  }
0x408: {  	v19 =	vmul.f32 v19, v22;
	_ =	sdelay $0x1  }
0x409: {  	[tilespmem:v20+s25+$0x0] =	vst.idx.msk $0xffff, v19  }
0x40a: {  	v19 =	vld.idx.msk [tilespmem:v21+s10+$0x0], $0xffff;
	_ =	sdelay $0x5  }
0x40b: {  	v19 =	vadd.f32 $9.999999710e-10, v19  }
0x40c: {  	v20 =	vadd.s32 v8, v18  }
0x40d: {  	(erf) = vrcp.f32 v19;
	_ =	sdelay $0x3  }
0x40e: {  	v19 =	vld.idx.msk [tilespmem:v20+s10+$0x0], $0xffff;
	_ =	sdelay $0x2  }
0x40f: {  	v20 =	vor.u32 v8, v17  }
0x410: {  	v21 =	vadd.s32 v10, v18  }
0x411: {  	v22 =	vpop (erf)  }
0x412: {  	v19 =	vmul.f32 v22, v19;
	_ =	sdelay $0x1  }
0x413: {  	[tilespmem:v20+s25+$0x0] =	vst.idx.msk $0xffff, v19  }
0x414: {  	v19 =	vld.idx.msk [tilespmem:v21+s10+$0x0], $0xffff;
	_ =	sdelay $0x2  }
0x415: {  	v20 =	vor.u32 v10, v17  }
0x416: {  	v21 =	vadd.s32 $0x83, v18  }
0x417: {  	v23 =	vadd.s32 v12, v18  }
0x418: {  	v19 =	vmul.f32 v19, v22;
	_ =	sdelay $0x1  }
0x419: {  	[tilespmem:v20+s25+$0x0] =	vst.idx.msk $0xffff, v19  }
0x41a: {  	v19 =	vld.idx.msk [tilespmem:v21+s10+$0x0], $0xffff  }
0x41b: {  	v20 =	vld.idx.msk [tilespmem:v23+s10+$0x0], $0xffff;
	_ =	sdelay $0x4  }
0x41c: {  	v19 =	vadd.f32 $9.999999710e-10, v19;
	_ =	sdelay $0x1  }
0x41d: {  	(erf) = vrcp.f32 v19;
	_ =	sdelay $0x6  }
0x41e: {  	v19 =	vor.u32 v12, v17  }
0x41f: {  	v18 =	vadd.s32 v14, v18  }
0x420: {  	v22 =	vpop (erf)  }
0x421: {  	v20 =	vmul.f32 v22, v20;
	_ =	sdelay $0x1  }
0x422: {  	[tilespmem:v19+s25+$0x0] =	vst.idx.msk $0xffff, v20  }
0x423: {  	v23 =	vld.idx.msk [tilespmem:v18+s10+$0x0], $0xffff  }
0x424: {  	v19 =	vmov s7  }
.Ltmp18:
0x425: {  	v18 =	vmul.u32 $0x90, v19;
	v19 =	vshll.u32 v19, $0x7;
	(pc) =	sbr.rel @p2 .LBB2_30-.Ltmp18, $3  }
0x426: {  	v20 =	vor.u32 v14, v17;
	v17 =	vmov v19  }
0x427: {  	v21 =	vadd.s32 $0x80, v18;
	v19 =	vor.u32 v1, v18;
	_ =	sdelay $0x1  }
0x428: {  	v22 =	vmul.f32 v23, v22  }
0x429: {  	_ =	sdelay $0x3  }
0x42a: {  	[tilespmem:v20+s25+$0x0] =	vst.idx.msk $0xffff, v22  }
0x42b: {  	v20 =	vld.idx.msk [tilespmem:v21+s10+$0x0], $0xffff;
	_ =	sdelay $0x4  }
0x42c: {  	v20 =	vadd.f32 $9.999999710e-10, v20;
	_ =	sdelay $0x1  }
0x42d: {  	(erf) = vrcp.f32 v20;
	_ =	sdelay $0x4  }
0x42e: {  	v19 =	vld.idx.msk [tilespmem:v19+s10+$0x0], $0xffff;
	_ =	sdelay $0x1  }
0x42f: {  	v20 =	vor.u32 v1, v17  }
0x430: {  	v21 =	vadd.s32 v5, v18  }
0x431: {  	v22 =	vpop (erf)  }
0x432: {  	v19 =	vmul.f32 v22, v19;
	_ =	sdelay $0x1  }
0x433: {  	[tilespmem:v20+s25+$0x0] =	vst.idx.msk $0xffff, v19  }
0x434: {  	v19 =	vld.idx.msk [tilespmem:v21+s10+$0x0], $0xffff;
	_ =	sdelay $0x1  }
0x435: {  	v20 =	vor.u32 v5, v17  }
0x436: {  	v21 =	vadd.s32 $0x81, v18;
	_ =	sdelay $0x1  }
0x437: {  	v19 =	vmul.f32 v19, v22;
	_ =	sdelay $0x1  }
0x438: {  	[tilespmem:v20+s25+$0x0] =	vst.idx.msk $0xffff, v19  }
0x439: {  	v19 =	vld.idx.msk [tilespmem:v21+s10+$0x0], $0xffff;
	_ =	sdelay $0x4  }
0x43a: {  	v19 =	vadd.f32 $9.999999710e-10, v19;
	_ =	sdelay $0x1  }
0x43b: {  	v20 =	vadd.s32 v6, v18;
	(erf) = vrcp.f32 v19;
	_ =	sdelay $0x4  }
0x43c: {  	v19 =	vld.idx.msk [tilespmem:v20+s10+$0x0], $0xffff;
	_ =	sdelay $0x1  }
0x43d: {  	v20 =	vor.u32 v6, v17  }
0x43e: {  	v21 =	vadd.s32 v7, v18  }
0x43f: {  	v22 =	vpop (erf)  }
0x440: {  	v19 =	vmul.f32 v22, v19;
	_ =	sdelay $0x1  }
0x441: {  	[tilespmem:v20+s25+$0x0] =	vst.idx.msk $0xffff, v19  }
0x442: {  	v19 =	vld.idx.msk [tilespmem:v21+s10+$0x0], $0xffff;
	_ =	sdelay $0x1  }
0x443: {  	v20 =	vor.u32 v7, v17  }
0x444: {  	v21 =	vadd.s32 $0x82, v18;
	_ =	sdelay $0x1  }
0x445: {  	v19 =	vmul.f32 v19, v22;
	_ =	sdelay $0x1  }
0x446: {  	[tilespmem:v20+s25+$0x0] =	vst.idx.msk $0xffff, v19  }
0x447: {  	v19 =	vld.idx.msk [tilespmem:v21+s10+$0x0], $0xffff;
	_ =	sdelay $0x4  }
0x448: {  	v19 =	vadd.f32 $9.999999710e-10, v19;
	_ =	sdelay $0x1  }
0x449: {  	v20 =	vadd.s32 v8, v18;
	(erf) = vrcp.f32 v19;
	_ =	sdelay $0x4  }
0x44a: {  	v19 =	vld.idx.msk [tilespmem:v20+s10+$0x0], $0xffff;
	_ =	sdelay $0x1  }
0x44b: {  	v20 =	vor.u32 v8, v17  }
0x44c: {  	v21 =	vadd.s32 v10, v18  }
0x44d: {  	v22 =	vpop (erf)  }
0x44e: {  	v19 =	vmul.f32 v22, v19;
	_ =	sdelay $0x1  }
0x44f: {  	[tilespmem:v20+s25+$0x0] =	vst.idx.msk $0xffff, v19  }
0x450: {  	v19 =	vld.idx.msk [tilespmem:v21+s10+$0x0], $0xffff;
	_ =	sdelay $0x1  }
0x451: {  	v20 =	vor.u32 v10, v17  }
0x452: {  	v21 =	vadd.s32 $0x83, v18;
	_ =	sdelay $0x1  }
0x453: {  	v19 =	vmul.f32 v19, v22;
	_ =	sdelay $0x1  }
0x454: {  	[tilespmem:v20+s25+$0x0] =	vst.idx.msk $0xffff, v19  }
0x455: {  	v19 =	vld.idx.msk [tilespmem:v21+s10+$0x0], $0xffff;
	_ =	sdelay $0x4  }
0x456: {  	v19 =	vadd.f32 $9.999999710e-10, v19;
	_ =	sdelay $0x1  }
0x457: {  	v20 =	vadd.s32 v12, v18;
	(erf) = vrcp.f32 v19;
	_ =	sdelay $0x4  }
0x458: {  	v19 =	vld.idx.msk [tilespmem:v20+s10+$0x0], $0xffff;
	_ =	sdelay $0x1  }
0x459: {  	v20 =	vor.u32 v12, v17  }
0x45a: {  	v18 =	vadd.s32 v14, v18  }
0x45b: {  	v21 =	vpop (erf)  }
0x45c: {  	v19 =	vmul.f32 v21, v19;
	_ =	sdelay $0x1  }
0x45d: {  	[tilespmem:v20+s25+$0x0] =	vst.idx.msk $0xffff, v19  }
0x45e: {  	v18 =	vld.idx.msk [tilespmem:v18+s10+$0x0], $0xffff;
	_ =	sdelay $0x1  }
0x45f: {  	v17 =	vor.u32 v14, v17;
	_ =	sdelay $0x2  }
0x460: {  	v18 =	vmul.f32 v18, v21;
	_ =	sdelay $0x1  }
0x461: {  	s6 =	simm.s32 $0x0;
	s7 =	rddreg [dreg:$0xd];
	[tilespmem:v17+s25+$0x0] =	vst.idx.msk $0xffff, v18  }
0x462: {  	[hbm4b:s7+s6] =	stream.linear.scatter [tilespmem:s25], [sflag:$0x9], $0x1000, $0x38;
	[tilespmem:$0x1BEC8] =	vst v63  }
0x463: {  	_ =	swait.ge [sflag:s14], $0x1000  }
0x464: {  	[sflag:s14] =	ssyncset.done $0x0  }
0x465: {  	[sflag:s14] =	ssyncadd.s32 $0xFFFFF000  }
0x466: {  	v17 =	vld [tilespmem:s16+$0x4E60];
	_ =	sdelay $0x7  }
0x467: {  	v17 =	vld.idx.msk [tilespmem:v17+s15+$0x0], $0xffff;
	_ =	sdelay $0x4  }
0x468: {  	[tilespmem:$0x6620] =	vst v17  }
0x469: {  	v17 =	vld [tilespmem:s16+$0x4E70];
	_ =	sdelay $0x7  }
0x46a: {  	v17 =	vld.idx.msk [tilespmem:v17+s15+$0x0], $0xffff;
	_ =	sdelay $0x1  }
0x46b: {  	v18 =	vmov s6  }
0x46c: {  	v19 =	vmul.u32 $0x90, v18;
	_ =	sdelay $0x1  }
0x46d: {  	s26 =	simm.s32 $0x1;
	[tilespmem:$0x6630] =	vst v17;
	v17 =	vadd.s32 $0x80, v19  }
0x46e: {  	[tilespmem:s10], [sflag:$0x1] =	stream.indirect.gather [spmem:s1], $0x90, s18, s11, $0xb8;
	[tilespmem:$0x1BEC8] =	vst v63  }
0x46f: {  	_ =	swait.ge [sflag:s26], $0x1200  }
0x470: {  	[sflag:s26] =	ssyncset.done $0x0  }
0x471: {  	[sflag:s26] =	ssyncadd.s32 $0xFFFFEE00  }
0x472: {  	v17 =	vld.idx.msk [tilespmem:v17+s10+$0x0], $0xffff;
	_ =	sdelay $0x4  }
0x473: {  	v17 =	vadd.f32 $9.999999710e-10, v17;
	_ =	sdelay $0x1  }
0x474: {  	v20 =	vor.u32 v1, v19;
	(erf) = vrcp.f32 v17;
	_ =	sdelay $0x4  }
0x475: {  	v17 =	vld.idx.msk [tilespmem:v20+s10+$0x0], $0xffff  }
0x476: {  	v20 =	vshll.u32 v18, $0x7  }
0x477: {  	v18 =	vor.u32 v1, v20  }
0x478: {  	v21 =	vadd.s32 v5, v19  }
0x479: {  	v22 =	vpop (erf)  }
0x47a: {  	v17 =	vmul.f32 v22, v17;
	_ =	sdelay $0x1  }
0x47b: {  	[tilespmem:v18+s25+$0x0] =	vst.idx.msk $0xffff, v17  }
0x47c: {  	v17 =	vld.idx.msk [tilespmem:v21+s10+$0x0], $0xffff;
	_ =	sdelay $0x1  }
0x47d: {  	v18 =	vor.u32 v5, v20  }
0x47e: {  	v21 =	vadd.s32 $0x81, v19;
	_ =	sdelay $0x1  }
0x47f: {  	v17 =	vmul.f32 v17, v22;
	_ =	sdelay $0x1  }
0x480: {  	[tilespmem:v18+s25+$0x0] =	vst.idx.msk $0xffff, v17  }
0x481: {  	v17 =	vld.idx.msk [tilespmem:v21+s10+$0x0], $0xffff;
	_ =	sdelay $0x4  }
0x482: {  	v17 =	vadd.f32 $9.999999710e-10, v17;
	_ =	sdelay $0x1  }
0x483: {  	v18 =	vadd.s32 v6, v19;
	(erf) = vrcp.f32 v17;
	_ =	sdelay $0x4  }
0x484: {  	v17 =	vld.idx.msk [tilespmem:v18+s10+$0x0], $0xffff;
	_ =	sdelay $0x1  }
0x485: {  	v18 =	vor.u32 v6, v20  }
0x486: {  	v21 =	vadd.s32 v7, v19  }
0x487: {  	v22 =	vpop (erf)  }
0x488: {  	v17 =	vmul.f32 v22, v17;
	_ =	sdelay $0x1  }
0x489: {  	[tilespmem:v18+s25+$0x0] =	vst.idx.msk $0xffff, v17  }
0x48a: {  	v17 =	vld.idx.msk [tilespmem:v21+s10+$0x0], $0xffff;
	_ =	sdelay $0x1  }
0x48b: {  	v18 =	vor.u32 v7, v20  }
0x48c: {  	v21 =	vadd.s32 $0x82, v19;
	_ =	sdelay $0x1  }
0x48d: {  	v17 =	vmul.f32 v17, v22;
	_ =	sdelay $0x1  }
0x48e: {  	[tilespmem:v18+s25+$0x0] =	vst.idx.msk $0xffff, v17  }
0x48f: {  	v17 =	vld.idx.msk [tilespmem:v21+s10+$0x0], $0xffff;
	_ =	sdelay $0x4  }
0x490: {  	v17 =	vadd.f32 $9.999999710e-10, v17;
	_ =	sdelay $0x1  }
0x491: {  	v18 =	vadd.s32 v8, v19;
	(erf) = vrcp.f32 v17;
	_ =	sdelay $0x4  }
0x492: {  	v17 =	vld.idx.msk [tilespmem:v18+s10+$0x0], $0xffff;
	_ =	sdelay $0x1  }
0x493: {  	v18 =	vor.u32 v8, v20  }
0x494: {  	v21 =	vadd.s32 v10, v19  }
0x495: {  	v22 =	vpop (erf)  }
0x496: {  	v17 =	vmul.f32 v22, v17;
	_ =	sdelay $0x1  }
0x497: {  	[tilespmem:v18+s25+$0x0] =	vst.idx.msk $0xffff, v17  }
0x498: {  	v17 =	vld.idx.msk [tilespmem:v21+s10+$0x0], $0xffff;
	_ =	sdelay $0x1  }
0x499: {  	v18 =	vor.u32 v10, v20  }
0x49a: {  	v21 =	vadd.s32 $0x83, v19;
	_ =	sdelay $0x1  }
0x49b: {  	v17 =	vmul.f32 v17, v22;
	_ =	sdelay $0x1  }
0x49c: {  	[tilespmem:v18+s25+$0x0] =	vst.idx.msk $0xffff, v17  }
0x49d: {  	v17 =	vld.idx.msk [tilespmem:v21+s10+$0x0], $0xffff;
	_ =	sdelay $0x4  }
0x49e: {  	v17 =	vadd.f32 $9.999999710e-10, v17;
	_ =	sdelay $0x1  }
0x49f: {  	v18 =	vadd.s32 v12, v19;
	(erf) = vrcp.f32 v17;
	_ =	sdelay $0x4  }
0x4a0: {  	v17 =	vld.idx.msk [tilespmem:v18+s10+$0x0], $0xffff;
	_ =	sdelay $0x1  }
0x4a1: {  	v18 =	vor.u32 v12, v20  }
0x4a2: {  	v19 =	vadd.s32 v14, v19  }
0x4a3: {  	v22 =	vpop (erf)  }
0x4a4: {  	v17 =	vmul.f32 v22, v17;
	_ =	sdelay $0x1  }
0x4a5: {  	s28 =	simm.s32 $0x1;
	[tilespmem:v18+s25+$0x0] =	vst.idx.msk $0xffff, v17  }
0x4a6: {  	v17 =	vmov s28;
	v23 =	vld.idx.msk [tilespmem:v19+s10+$0x0], $0xffff  }
0x4a7: {  	v18 =	vmul.u32 $0x90, v17  }
0x4a8: {  	v20 =	vor.u32 v14, v20  }
0x4a9: {  	v21 =	vadd.s32 $0x80, v18;
	_ =	sdelay $0x1  }
0x4aa: {  	s6 =	simm.s32 $0x2;
	v17 =	vshll.u32 v17, $0x7;
	v19 =	vor.u32 v1, v18;
	v22 =	vmul.f32 v23, v22  }
.LBB2_32:
0x4ab: {  	_ = 	snop  }
0x4ac: {  	p2 =	sne.s32 s6, $0x1F;
	s7 =	smov.u32 s6;
	s6 =	sadd.s32 $0x1, s6;
	[tilespmem:v20+s25+$0x0] =	vst.idx.msk $0xffff, v22  }
0x4ad: {  	v20 =	vld.idx.msk [tilespmem:v21+s10+$0x0], $0xffff;
	_ =	sdelay $0x5  }
0x4ae: {  	v20 =	vadd.f32 $9.999999710e-10, v20;
	_ =	sdelay $0x1  }
0x4af: {  	(erf) = vrcp.f32 v20;
	_ =	sdelay $0x3  }
0x4b0: {  	v19 =	vld.idx.msk [tilespmem:v19+s10+$0x0], $0xffff;
	_ =	sdelay $0x2  }
0x4b1: {  	v20 =	vor.u32 v1, v17  }
0x4b2: {  	v21 =	vadd.s32 v5, v18  }
0x4b3: {  	v22 =	vpop (erf)  }
0x4b4: {  	v19 =	vmul.f32 v22, v19;
	_ =	sdelay $0x1  }
0x4b5: {  	[tilespmem:v20+s25+$0x0] =	vst.idx.msk $0xffff, v19  }
0x4b6: {  	v19 =	vld.idx.msk [tilespmem:v21+s10+$0x0], $0xffff;
	_ =	sdelay $0x2  }
0x4b7: {  	v20 =	vor.u32 v5, v17  }
0x4b8: {  	v21 =	vadd.s32 $0x81, v18;
	_ =	sdelay $0x1  }
0x4b9: {  	v19 =	vmul.f32 v19, v22;
	_ =	sdelay $0x1  }
0x4ba: {  	[tilespmem:v20+s25+$0x0] =	vst.idx.msk $0xffff, v19  }
0x4bb: {  	v19 =	vld.idx.msk [tilespmem:v21+s10+$0x0], $0xffff;
	_ =	sdelay $0x5  }
0x4bc: {  	v19 =	vadd.f32 $9.999999710e-10, v19  }
0x4bd: {  	v20 =	vadd.s32 v6, v18  }
0x4be: {  	(erf) = vrcp.f32 v19;
	_ =	sdelay $0x3  }
0x4bf: {  	v19 =	vld.idx.msk [tilespmem:v20+s10+$0x0], $0xffff;
	_ =	sdelay $0x2  }
0x4c0: {  	v20 =	vor.u32 v6, v17  }
0x4c1: {  	v21 =	vadd.s32 v7, v18  }
0x4c2: {  	v22 =	vpop (erf)  }
0x4c3: {  	v19 =	vmul.f32 v22, v19;
	_ =	sdelay $0x1  }
0x4c4: {  	[tilespmem:v20+s25+$0x0] =	vst.idx.msk $0xffff, v19  }
0x4c5: {  	v19 =	vld.idx.msk [tilespmem:v21+s10+$0x0], $0xffff;
	_ =	sdelay $0x2  }
0x4c6: {  	v20 =	vor.u32 v7, v17  }
0x4c7: {  	v21 =	vadd.s32 $0x82, v18;
	_ =	sdelay $0x1  }
0x4c8: {  	v19 =	vmul.f32 v19, v22;
	_ =	sdelay $0x1  }
0x4c9: {  	[tilespmem:v20+s25+$0x0] =	vst.idx.msk $0xffff, v19  }
0x4ca: {  	v19 =	vld.idx.msk [tilespmem:v21+s10+$0x0], $0xffff;
	_ =	sdelay $0x5  }
0x4cb: {  	v19 =	vadd.f32 $9.999999710e-10, v19  }
0x4cc: {  	v20 =	vadd.s32 v8, v18  }
0x4cd: {  	(erf) = vrcp.f32 v19;
	_ =	sdelay $0x3  }
0x4ce: {  	v19 =	vld.idx.msk [tilespmem:v20+s10+$0x0], $0xffff;
	_ =	sdelay $0x2  }
0x4cf: {  	v20 =	vor.u32 v8, v17  }
0x4d0: {  	v21 =	vadd.s32 v10, v18  }
0x4d1: {  	v22 =	vpop (erf)  }
0x4d2: {  	v19 =	vmul.f32 v22, v19;
	_ =	sdelay $0x1  }
0x4d3: {  	[tilespmem:v20+s25+$0x0] =	vst.idx.msk $0xffff, v19  }
0x4d4: {  	v19 =	vld.idx.msk [tilespmem:v21+s10+$0x0], $0xffff;
	_ =	sdelay $0x2  }
0x4d5: {  	v20 =	vor.u32 v10, v17  }
0x4d6: {  	v21 =	vadd.s32 $0x83, v18  }
0x4d7: {  	v23 =	vadd.s32 v12, v18  }
0x4d8: {  	v19 =	vmul.f32 v19, v22;
	_ =	sdelay $0x1  }
0x4d9: {  	[tilespmem:v20+s25+$0x0] =	vst.idx.msk $0xffff, v19  }
0x4da: {  	v19 =	vld.idx.msk [tilespmem:v21+s10+$0x0], $0xffff  }
0x4db: {  	v20 =	vld.idx.msk [tilespmem:v23+s10+$0x0], $0xffff;
	_ =	sdelay $0x4  }
0x4dc: {  	v19 =	vadd.f32 $9.999999710e-10, v19;
	_ =	sdelay $0x1  }
0x4dd: {  	(erf) = vrcp.f32 v19;
	_ =	sdelay $0x6  }
0x4de: {  	v19 =	vor.u32 v12, v17  }
0x4df: {  	v18 =	vadd.s32 v14, v18  }
0x4e0: {  	v22 =	vpop (erf)  }
0x4e1: {  	v20 =	vmul.f32 v22, v20;
	_ =	sdelay $0x1  }
0x4e2: {  	[tilespmem:v19+s25+$0x0] =	vst.idx.msk $0xffff, v20  }
0x4e3: {  	v23 =	vld.idx.msk [tilespmem:v18+s10+$0x0], $0xffff  }
0x4e4: {  	v19 =	vmov s7  }
.Ltmp19:
0x4e5: {  	v18 =	vmul.u32 $0x90, v19;
	v19 =	vshll.u32 v19, $0x7;
	(pc) =	sbr.rel @p2 .LBB2_32-.Ltmp19, $3  }
0x4e6: {  	v20 =	vor.u32 v14, v17;
	v17 =	vmov v19  }
0x4e7: {  	v21 =	vadd.s32 $0x80, v18;
	v19 =	vor.u32 v1, v18;
	_ =	sdelay $0x1  }
0x4e8: {  	v22 =	vmul.f32 v23, v22  }
0x4e9: {  	_ =	sdelay $0x3  }
0x4ea: {  	[tilespmem:v20+s25+$0x0] =	vst.idx.msk $0xffff, v22  }
0x4eb: {  	v20 =	vld.idx.msk [tilespmem:v21+s10+$0x0], $0xffff;
	_ =	sdelay $0x4  }
0x4ec: {  	v20 =	vadd.f32 $9.999999710e-10, v20;
	_ =	sdelay $0x1  }
0x4ed: {  	(erf) = vrcp.f32 v20;
	_ =	sdelay $0x4  }
0x4ee: {  	v19 =	vld.idx.msk [tilespmem:v19+s10+$0x0], $0xffff;
	_ =	sdelay $0x1  }
0x4ef: {  	v20 =	vor.u32 v1, v17  }
0x4f0: {  	v21 =	vadd.s32 v5, v18  }
0x4f1: {  	v22 =	vpop (erf)  }
0x4f2: {  	v19 =	vmul.f32 v22, v19;
	_ =	sdelay $0x1  }
0x4f3: {  	[tilespmem:v20+s25+$0x0] =	vst.idx.msk $0xffff, v19  }
0x4f4: {  	v19 =	vld.idx.msk [tilespmem:v21+s10+$0x0], $0xffff;
	_ =	sdelay $0x1  }
0x4f5: {  	v20 =	vor.u32 v5, v17  }
0x4f6: {  	v21 =	vadd.s32 $0x81, v18;
	_ =	sdelay $0x1  }
0x4f7: {  	v19 =	vmul.f32 v19, v22;
	_ =	sdelay $0x1  }
0x4f8: {  	[tilespmem:v20+s25+$0x0] =	vst.idx.msk $0xffff, v19  }
0x4f9: {  	v19 =	vld.idx.msk [tilespmem:v21+s10+$0x0], $0xffff;
	_ =	sdelay $0x4  }
0x4fa: {  	v19 =	vadd.f32 $9.999999710e-10, v19;
	_ =	sdelay $0x1  }
0x4fb: {  	v20 =	vadd.s32 v6, v18;
	(erf) = vrcp.f32 v19;
	_ =	sdelay $0x4  }
0x4fc: {  	v19 =	vld.idx.msk [tilespmem:v20+s10+$0x0], $0xffff;
	_ =	sdelay $0x1  }
0x4fd: {  	v20 =	vor.u32 v6, v17  }
0x4fe: {  	v21 =	vadd.s32 v7, v18  }
0x4ff: {  	v22 =	vpop (erf)  }
0x500: {  	v19 =	vmul.f32 v22, v19;
	_ =	sdelay $0x1  }
0x501: {  	[tilespmem:v20+s25+$0x0] =	vst.idx.msk $0xffff, v19  }
0x502: {  	v19 =	vld.idx.msk [tilespmem:v21+s10+$0x0], $0xffff;
	_ =	sdelay $0x1  }
0x503: {  	v20 =	vor.u32 v7, v17  }
0x504: {  	v21 =	vadd.s32 $0x82, v18;
	_ =	sdelay $0x1  }
0x505: {  	v19 =	vmul.f32 v19, v22;
	_ =	sdelay $0x1  }
0x506: {  	[tilespmem:v20+s25+$0x0] =	vst.idx.msk $0xffff, v19  }
0x507: {  	v19 =	vld.idx.msk [tilespmem:v21+s10+$0x0], $0xffff;
	_ =	sdelay $0x4  }
0x508: {  	v19 =	vadd.f32 $9.999999710e-10, v19;
	_ =	sdelay $0x1  }
0x509: {  	v20 =	vadd.s32 v8, v18;
	(erf) = vrcp.f32 v19;
	_ =	sdelay $0x4  }
0x50a: {  	v19 =	vld.idx.msk [tilespmem:v20+s10+$0x0], $0xffff;
	_ =	sdelay $0x1  }
0x50b: {  	v20 =	vor.u32 v8, v17  }
0x50c: {  	v21 =	vadd.s32 v10, v18  }
0x50d: {  	v22 =	vpop (erf)  }
0x50e: {  	v19 =	vmul.f32 v22, v19;
	_ =	sdelay $0x1  }
0x50f: {  	[tilespmem:v20+s25+$0x0] =	vst.idx.msk $0xffff, v19  }
0x510: {  	v19 =	vld.idx.msk [tilespmem:v21+s10+$0x0], $0xffff;
	_ =	sdelay $0x1  }
0x511: {  	v20 =	vor.u32 v10, v17  }
0x512: {  	v21 =	vadd.s32 $0x83, v18;
	_ =	sdelay $0x1  }
0x513: {  	v19 =	vmul.f32 v19, v22;
	_ =	sdelay $0x1  }
0x514: {  	[tilespmem:v20+s25+$0x0] =	vst.idx.msk $0xffff, v19  }
0x515: {  	v19 =	vld.idx.msk [tilespmem:v21+s10+$0x0], $0xffff;
	_ =	sdelay $0x4  }
0x516: {  	v19 =	vadd.f32 $9.999999710e-10, v19;
	_ =	sdelay $0x1  }
0x517: {  	v20 =	vadd.s32 v12, v18;
	(erf) = vrcp.f32 v19;
	_ =	sdelay $0x4  }
0x518: {  	v19 =	vld.idx.msk [tilespmem:v20+s10+$0x0], $0xffff;
	_ =	sdelay $0x1  }
0x519: {  	v20 =	vor.u32 v12, v17  }
0x51a: {  	v18 =	vadd.s32 v14, v18  }
0x51b: {  	v21 =	vpop (erf)  }
0x51c: {  	v19 =	vmul.f32 v21, v19;
	_ =	sdelay $0x1  }
0x51d: {  	[tilespmem:v20+s25+$0x0] =	vst.idx.msk $0xffff, v19  }
0x51e: {  	v18 =	vld.idx.msk [tilespmem:v18+s10+$0x0], $0xffff;
	_ =	sdelay $0x1  }
0x51f: {  	v17 =	vor.u32 v14, v17;
	_ =	sdelay $0x2  }
0x520: {  	v18 =	vmul.f32 v18, v21;
	_ =	sdelay $0x1  }
0x521: {  	s6 =	simm.s32 $0x0;
	s7 =	rddreg [dreg:$0xe];
	[tilespmem:v17+s25+$0x0] =	vst.idx.msk $0xffff, v18  }
0x522: {  	[hbm4b:s7+s6] =	stream.linear.scatter [tilespmem:s25], [sflag:$0x9], $0x1000, $0x38;
	[tilespmem:$0x1BEC8] =	vst v63  }
0x523: {  	_ =	swait.ge [sflag:s14], $0x1000  }
0x524: {  	[sflag:s14] =	ssyncset.done $0x0  }
0x525: {  	[sflag:s14] =	ssyncadd.s32 $0xFFFFF000  }
0x526: {  	v17 =	vld [tilespmem:s16+$0x4E80];
	_ =	sdelay $0x7  }
0x527: {  	v17 =	vld.idx.msk [tilespmem:v17+s15+$0x0], $0xffff;
	_ =	sdelay $0x4  }
0x528: {  	[tilespmem:$0x6620] =	vst v17  }
0x529: {  	v17 =	vld [tilespmem:s16+$0x4E90];
	_ =	sdelay $0x7  }
0x52a: {  	v17 =	vld.idx.msk [tilespmem:v17+s15+$0x0], $0xffff;
	_ =	sdelay $0x1  }
0x52b: {  	v18 =	vmov s6  }
0x52c: {  	v19 =	vmul.u32 $0x90, v18;
	_ =	sdelay $0x1  }
0x52d: {  	s26 =	simm.s32 $0x1;
	[tilespmem:$0x6630] =	vst v17;
	v17 =	vadd.s32 $0x80, v19  }
0x52e: {  	[tilespmem:s10], [sflag:$0x1] =	stream.indirect.gather [spmem:s1], $0x90, s18, s11, $0xb8;
	[tilespmem:$0x1BEC8] =	vst v63  }
0x52f: {  	_ =	swait.ge [sflag:s26], $0x1200  }
0x530: {  	[sflag:s26] =	ssyncset.done $0x0  }
0x531: {  	[sflag:s26] =	ssyncadd.s32 $0xFFFFEE00  }
0x532: {  	v17 =	vld.idx.msk [tilespmem:v17+s10+$0x0], $0xffff;
	_ =	sdelay $0x4  }
0x533: {  	v17 =	vadd.f32 $9.999999710e-10, v17;
	_ =	sdelay $0x1  }
0x534: {  	v20 =	vor.u32 v1, v19;
	(erf) = vrcp.f32 v17;
	_ =	sdelay $0x4  }
0x535: {  	v17 =	vld.idx.msk [tilespmem:v20+s10+$0x0], $0xffff  }
0x536: {  	v20 =	vshll.u32 v18, $0x7  }
0x537: {  	v18 =	vor.u32 v1, v20  }
0x538: {  	v21 =	vadd.s32 v5, v19  }
0x539: {  	v22 =	vpop (erf)  }
0x53a: {  	v17 =	vmul.f32 v22, v17;
	_ =	sdelay $0x1  }
0x53b: {  	[tilespmem:v18+s25+$0x0] =	vst.idx.msk $0xffff, v17  }
0x53c: {  	v17 =	vld.idx.msk [tilespmem:v21+s10+$0x0], $0xffff;
	_ =	sdelay $0x1  }
0x53d: {  	v18 =	vor.u32 v5, v20  }
0x53e: {  	v21 =	vadd.s32 $0x81, v19;
	_ =	sdelay $0x1  }
0x53f: {  	v17 =	vmul.f32 v17, v22;
	_ =	sdelay $0x1  }
0x540: {  	[tilespmem:v18+s25+$0x0] =	vst.idx.msk $0xffff, v17  }
0x541: {  	v17 =	vld.idx.msk [tilespmem:v21+s10+$0x0], $0xffff;
	_ =	sdelay $0x4  }
0x542: {  	v17 =	vadd.f32 $9.999999710e-10, v17;
	_ =	sdelay $0x1  }
0x543: {  	v18 =	vadd.s32 v6, v19;
	(erf) = vrcp.f32 v17;
	_ =	sdelay $0x4  }
0x544: {  	v17 =	vld.idx.msk [tilespmem:v18+s10+$0x0], $0xffff;
	_ =	sdelay $0x1  }
0x545: {  	v18 =	vor.u32 v6, v20  }
0x546: {  	v21 =	vadd.s32 v7, v19  }
0x547: {  	v22 =	vpop (erf)  }
0x548: {  	v17 =	vmul.f32 v22, v17;
	_ =	sdelay $0x1  }
0x549: {  	[tilespmem:v18+s25+$0x0] =	vst.idx.msk $0xffff, v17  }
0x54a: {  	v17 =	vld.idx.msk [tilespmem:v21+s10+$0x0], $0xffff;
	_ =	sdelay $0x1  }
0x54b: {  	v18 =	vor.u32 v7, v20  }
0x54c: {  	v21 =	vadd.s32 $0x82, v19;
	_ =	sdelay $0x1  }
0x54d: {  	v17 =	vmul.f32 v17, v22;
	_ =	sdelay $0x1  }
0x54e: {  	[tilespmem:v18+s25+$0x0] =	vst.idx.msk $0xffff, v17  }
0x54f: {  	v17 =	vld.idx.msk [tilespmem:v21+s10+$0x0], $0xffff;
	_ =	sdelay $0x4  }
0x550: {  	v17 =	vadd.f32 $9.999999710e-10, v17;
	_ =	sdelay $0x1  }
0x551: {  	v18 =	vadd.s32 v8, v19;
	(erf) = vrcp.f32 v17;
	_ =	sdelay $0x4  }
0x552: {  	v17 =	vld.idx.msk [tilespmem:v18+s10+$0x0], $0xffff;
	_ =	sdelay $0x1  }
0x553: {  	v18 =	vor.u32 v8, v20  }
0x554: {  	v21 =	vadd.s32 v10, v19  }
0x555: {  	v22 =	vpop (erf)  }
0x556: {  	v17 =	vmul.f32 v22, v17;
	_ =	sdelay $0x1  }
0x557: {  	[tilespmem:v18+s25+$0x0] =	vst.idx.msk $0xffff, v17  }
0x558: {  	v17 =	vld.idx.msk [tilespmem:v21+s10+$0x0], $0xffff;
	_ =	sdelay $0x1  }
0x559: {  	v18 =	vor.u32 v10, v20  }
0x55a: {  	v21 =	vadd.s32 $0x83, v19;
	_ =	sdelay $0x1  }
0x55b: {  	v17 =	vmul.f32 v17, v22;
	_ =	sdelay $0x1  }
0x55c: {  	[tilespmem:v18+s25+$0x0] =	vst.idx.msk $0xffff, v17  }
0x55d: {  	v17 =	vld.idx.msk [tilespmem:v21+s10+$0x0], $0xffff;
	_ =	sdelay $0x4  }
0x55e: {  	v17 =	vadd.f32 $9.999999710e-10, v17;
	_ =	sdelay $0x1  }
0x55f: {  	v18 =	vadd.s32 v12, v19;
	(erf) = vrcp.f32 v17;
	_ =	sdelay $0x4  }
0x560: {  	v17 =	vld.idx.msk [tilespmem:v18+s10+$0x0], $0xffff;
	_ =	sdelay $0x1  }
0x561: {  	v18 =	vor.u32 v12, v20  }
0x562: {  	v19 =	vadd.s32 v14, v19  }
0x563: {  	v22 =	vpop (erf)  }
0x564: {  	v17 =	vmul.f32 v22, v17;
	_ =	sdelay $0x1  }
0x565: {  	s28 =	simm.s32 $0x1;
	[tilespmem:v18+s25+$0x0] =	vst.idx.msk $0xffff, v17  }
0x566: {  	v17 =	vmov s28;
	v23 =	vld.idx.msk [tilespmem:v19+s10+$0x0], $0xffff  }
0x567: {  	v18 =	vmul.u32 $0x90, v17  }
0x568: {  	v20 =	vor.u32 v14, v20  }
0x569: {  	v21 =	vadd.s32 $0x80, v18;
	_ =	sdelay $0x1  }
0x56a: {  	s6 =	simm.s32 $0x2;
	v17 =	vshll.u32 v17, $0x7;
	v19 =	vor.u32 v1, v18;
	v22 =	vmul.f32 v23, v22  }
.LBB2_34:
0x56b: {  	_ = 	snop  }
0x56c: {  	p2 =	sne.s32 s6, $0x1F;
	s7 =	smov.u32 s6;
	s6 =	sadd.s32 $0x1, s6;
	[tilespmem:v20+s25+$0x0] =	vst.idx.msk $0xffff, v22  }
0x56d: {  	v20 =	vld.idx.msk [tilespmem:v21+s10+$0x0], $0xffff;
	_ =	sdelay $0x5  }
0x56e: {  	v20 =	vadd.f32 $9.999999710e-10, v20;
	_ =	sdelay $0x1  }
0x56f: {  	(erf) = vrcp.f32 v20;
	_ =	sdelay $0x3  }
0x570: {  	v19 =	vld.idx.msk [tilespmem:v19+s10+$0x0], $0xffff;
	_ =	sdelay $0x2  }
0x571: {  	v20 =	vor.u32 v1, v17  }
0x572: {  	v21 =	vadd.s32 v5, v18  }
0x573: {  	v22 =	vpop (erf)  }
0x574: {  	v19 =	vmul.f32 v22, v19;
	_ =	sdelay $0x1  }
0x575: {  	[tilespmem:v20+s25+$0x0] =	vst.idx.msk $0xffff, v19  }
0x576: {  	v19 =	vld.idx.msk [tilespmem:v21+s10+$0x0], $0xffff;
	_ =	sdelay $0x2  }
0x577: {  	v20 =	vor.u32 v5, v17  }
0x578: {  	v21 =	vadd.s32 $0x81, v18;
	_ =	sdelay $0x1  }
0x579: {  	v19 =	vmul.f32 v19, v22;
	_ =	sdelay $0x1  }
0x57a: {  	[tilespmem:v20+s25+$0x0] =	vst.idx.msk $0xffff, v19  }
0x57b: {  	v19 =	vld.idx.msk [tilespmem:v21+s10+$0x0], $0xffff;
	_ =	sdelay $0x5  }
0x57c: {  	v19 =	vadd.f32 $9.999999710e-10, v19  }
0x57d: {  	v20 =	vadd.s32 v6, v18  }
0x57e: {  	(erf) = vrcp.f32 v19;
	_ =	sdelay $0x3  }
0x57f: {  	v19 =	vld.idx.msk [tilespmem:v20+s10+$0x0], $0xffff;
	_ =	sdelay $0x2  }
0x580: {  	v20 =	vor.u32 v6, v17  }
0x581: {  	v21 =	vadd.s32 v7, v18  }
0x582: {  	v22 =	vpop (erf)  }
0x583: {  	v19 =	vmul.f32 v22, v19;
	_ =	sdelay $0x1  }
0x584: {  	[tilespmem:v20+s25+$0x0] =	vst.idx.msk $0xffff, v19  }
0x585: {  	v19 =	vld.idx.msk [tilespmem:v21+s10+$0x0], $0xffff;
	_ =	sdelay $0x2  }
0x586: {  	v20 =	vor.u32 v7, v17  }
0x587: {  	v21 =	vadd.s32 $0x82, v18;
	_ =	sdelay $0x1  }
0x588: {  	v19 =	vmul.f32 v19, v22;
	_ =	sdelay $0x1  }
0x589: {  	[tilespmem:v20+s25+$0x0] =	vst.idx.msk $0xffff, v19  }
0x58a: {  	v19 =	vld.idx.msk [tilespmem:v21+s10+$0x0], $0xffff;
	_ =	sdelay $0x5  }
0x58b: {  	v19 =	vadd.f32 $9.999999710e-10, v19  }
0x58c: {  	v20 =	vadd.s32 v8, v18  }
0x58d: {  	(erf) = vrcp.f32 v19;
	_ =	sdelay $0x3  }
0x58e: {  	v19 =	vld.idx.msk [tilespmem:v20+s10+$0x0], $0xffff;
	_ =	sdelay $0x2  }
0x58f: {  	v20 =	vor.u32 v8, v17  }
0x590: {  	v21 =	vadd.s32 v10, v18  }
0x591: {  	v22 =	vpop (erf)  }
0x592: {  	v19 =	vmul.f32 v22, v19;
	_ =	sdelay $0x1  }
0x593: {  	[tilespmem:v20+s25+$0x0] =	vst.idx.msk $0xffff, v19  }
0x594: {  	v19 =	vld.idx.msk [tilespmem:v21+s10+$0x0], $0xffff;
	_ =	sdelay $0x2  }
0x595: {  	v20 =	vor.u32 v10, v17  }
0x596: {  	v21 =	vadd.s32 $0x83, v18  }
0x597: {  	v23 =	vadd.s32 v12, v18  }
0x598: {  	v19 =	vmul.f32 v19, v22;
	_ =	sdelay $0x1  }
0x599: {  	[tilespmem:v20+s25+$0x0] =	vst.idx.msk $0xffff, v19  }
0x59a: {  	v19 =	vld.idx.msk [tilespmem:v21+s10+$0x0], $0xffff  }
0x59b: {  	v20 =	vld.idx.msk [tilespmem:v23+s10+$0x0], $0xffff;
	_ =	sdelay $0x4  }
0x59c: {  	v19 =	vadd.f32 $9.999999710e-10, v19;
	_ =	sdelay $0x1  }
0x59d: {  	(erf) = vrcp.f32 v19;
	_ =	sdelay $0x6  }
0x59e: {  	v19 =	vor.u32 v12, v17  }
0x59f: {  	v18 =	vadd.s32 v14, v18  }
0x5a0: {  	v22 =	vpop (erf)  }
0x5a1: {  	v20 =	vmul.f32 v22, v20;
	_ =	sdelay $0x1  }
0x5a2: {  	[tilespmem:v19+s25+$0x0] =	vst.idx.msk $0xffff, v20  }
0x5a3: {  	v23 =	vld.idx.msk [tilespmem:v18+s10+$0x0], $0xffff  }
0x5a4: {  	v19 =	vmov s7  }
.Ltmp20:
0x5a5: {  	v18 =	vmul.u32 $0x90, v19;
	v19 =	vshll.u32 v19, $0x7;
	(pc) =	sbr.rel @p2 .LBB2_34-.Ltmp20, $3  }
0x5a6: {  	v20 =	vor.u32 v14, v17;
	v17 =	vmov v19  }
0x5a7: {  	v21 =	vadd.s32 $0x80, v18;
	v19 =	vor.u32 v1, v18;
	_ =	sdelay $0x1  }
0x5a8: {  	v22 =	vmul.f32 v23, v22  }
0x5a9: {  	_ =	sdelay $0x3  }
0x5aa: {  	[tilespmem:v20+s25+$0x0] =	vst.idx.msk $0xffff, v22  }
0x5ab: {  	v20 =	vld.idx.msk [tilespmem:v21+s10+$0x0], $0xffff;
	_ =	sdelay $0x4  }
0x5ac: {  	v20 =	vadd.f32 $9.999999710e-10, v20;
	_ =	sdelay $0x1  }
0x5ad: {  	(erf) = vrcp.f32 v20;
	_ =	sdelay $0x4  }
0x5ae: {  	v19 =	vld.idx.msk [tilespmem:v19+s10+$0x0], $0xffff;
	_ =	sdelay $0x1  }
0x5af: {  	v44 =	vor.u32 v1, v17  }
0x5b0: {  	v45 =	vadd.s32 v5, v18  }
0x5b1: {  	v46 =	vpop (erf)  }
0x5b2: {  	v19 =	vmul.f32 v46, v19;
	_ =	sdelay $0x1  }
0x5b3: {  	[tilespmem:v44+s25+$0x0] =	vst.idx.msk $0xffff, v19  }
0x5b4: {  	v19 =	vld.idx.msk [tilespmem:v45+s10+$0x0], $0xffff;
	_ =	sdelay $0x1  }
0x5b5: {  	v47 =	vor.u32 v5, v17  }
0x5b6: {  	v48 =	vadd.s32 $0x81, v18;
	_ =	sdelay $0x1  }
0x5b7: {  	v19 =	vmul.f32 v19, v46;
	_ =	sdelay $0x1  }
0x5b8: {  	[tilespmem:v47+s25+$0x0] =	vst.idx.msk $0xffff, v19  }
0x5b9: {  	v19 =	vld.idx.msk [tilespmem:v48+s10+$0x0], $0xffff;
	_ =	sdelay $0x4  }
0x5ba: {  	v19 =	vadd.f32 $9.999999710e-10, v19;
	_ =	sdelay $0x1  }
0x5bb: {  	v49 =	vadd.s32 v6, v18;
	(erf) = vrcp.f32 v19;
	_ =	sdelay $0x4  }
0x5bc: {  	v19 =	vld.idx.msk [tilespmem:v49+s10+$0x0], $0xffff;
	_ =	sdelay $0x1  }
0x5bd: {  	v50 =	vor.u32 v6, v17  }
0x5be: {  	v51 =	vadd.s32 v7, v18  }
0x5bf: {  	v52 =	vpop (erf)  }
0x5c0: {  	v19 =	vmul.f32 v52, v19;
	_ =	sdelay $0x1  }
0x5c1: {  	[tilespmem:v50+s25+$0x0] =	vst.idx.msk $0xffff, v19  }
0x5c2: {  	v19 =	vld.idx.msk [tilespmem:v51+s10+$0x0], $0xffff;
	_ =	sdelay $0x1  }
0x5c3: {  	v53 =	vor.u32 v7, v17  }
0x5c4: {  	v54 =	vadd.s32 $0x82, v18;
	_ =	sdelay $0x1  }
0x5c5: {  	v19 =	vmul.f32 v19, v52;
	_ =	sdelay $0x1  }
0x5c6: {  	[tilespmem:v53+s25+$0x0] =	vst.idx.msk $0xffff, v19  }
0x5c7: {  	v19 =	vld.idx.msk [tilespmem:v54+s10+$0x0], $0xffff;
	_ =	sdelay $0x4  }
0x5c8: {  	v19 =	vadd.f32 $9.999999710e-10, v19;
	_ =	sdelay $0x1  }
0x5c9: {  	v55 =	vadd.s32 v8, v18;
	(erf) = vrcp.f32 v19;
	_ =	sdelay $0x4  }
0x5ca: {  	v19 =	vld.idx.msk [tilespmem:v55+s10+$0x0], $0xffff;
	_ =	sdelay $0x1  }
0x5cb: {  	v56 =	vor.u32 v8, v17  }
0x5cc: {  	v57 =	vadd.s32 v10, v18  }
0x5cd: {  	v58 =	vpop (erf)  }
0x5ce: {  	v19 =	vmul.f32 v58, v19;
	_ =	sdelay $0x1  }
0x5cf: {  	[tilespmem:v56+s25+$0x0] =	vst.idx.msk $0xffff, v19  }
0x5d0: {  	v19 =	vld.idx.msk [tilespmem:v57+s10+$0x0], $0xffff;
	_ =	sdelay $0x1  }
0x5d1: {  	v59 =	vor.u32 v10, v17  }
0x5d2: {  	v60 =	vadd.s32 $0x83, v18;
	_ =	sdelay $0x1  }
0x5d3: {  	v19 =	vmul.f32 v19, v58;
	_ =	sdelay $0x1  }
0x5d4: {  	[tilespmem:v59+s25+$0x0] =	vst.idx.msk $0xffff, v19  }
0x5d5: {  	v19 =	vld.idx.msk [tilespmem:v60+s10+$0x0], $0xffff;
	_ =	sdelay $0x4  }
0x5d6: {  	v19 =	vadd.f32 $9.999999710e-10, v19;
	_ =	sdelay $0x1  }
0x5d7: {  	v61 =	vadd.s32 v12, v18;
	(erf) = vrcp.f32 v19;
	_ =	sdelay $0x4  }
0x5d8: {  	v19 =	vld.idx.msk [tilespmem:v61+s10+$0x0], $0xffff;
	_ =	sdelay $0x1  }
0x5d9: {  	v62 =	vor.u32 v12, v17  }
0x5da: {  	v18 =	vadd.s32 v14, v18  }
0x5db: {  	v63 =	vpop (erf)  }
0x5dc: {  	v19 =	vmul.f32 v63, v19;
	_ =	sdelay $0x1  }
0x5dd: {  	[tilespmem:v62+s25+$0x0] =	vst.idx.msk $0xffff, v19  }
0x5de: {  	v18 =	vld.idx.msk [tilespmem:v18+s10+$0x0], $0xffff;
	_ =	sdelay $0x1  }
0x5df: {  	v17 =	vor.u32 v14, v17;
	_ =	sdelay $0x2  }
0x5e0: {  	v18 =	vmul.f32 v18, v63;
	_ =	sdelay $0x1  }
0x5e1: {  	s6 =	simm.s32 $0x0;
	s7 =	rddreg [dreg:$0xf];
	[tilespmem:v17+s25+$0x0] =	vst.idx.msk $0xffff, v18  }
0x5e2: {  	[hbm4b:s7+s6] =	stream.linear.scatter [tilespmem:s25], [sflag:$0x9], $0x1000, $0x38;
	[tilespmem:$0x1BEC8] =	vst v63  }
0x5e3: {  	_ =	swait.ge [sflag:s14], $0x1000  }
0x5e4: {  	s26 =	sld [smem:$0x7F9];
	_ =	sdelay $0x2  }
0x5e5: {  	s28 =	rddreg [dreg:$0x10];
	s7 =	sadd.s32 $0x1, s26  }
0x5e6: {  	p2 =	sne.s32 s7, s28  }
.Ltmp21:
0x5e7: {  	_ = 	snop;
	(pc) =	sbr.rel @p2 .LBB2_1-.Ltmp21, $3  }
0x5e8: {  	_ =	sdelay $0x1  }
0x5e9: {  	[sflag:s14] =	ssyncset.done $0x0  }
0x5ea: {  	[sflag:s14] =	ssyncadd.s32 $0xFFFFF000  }
0x5eb: {  	_ =	sfence.sel $0x180000  }
0x5ec: {  	[bflag:$0x0] =	sbarrier.arrive $0xFFFF  }
0x5ed: {  	_ =	strace $0x90000047  }
0x5ee: {  	s0 =	stileid.u32;
	[bflag:$0x2] =	sbarrier.arrive $0xFFFF  }
0x5ef: {  	p0 =	sne.s32 s0, $0x0;
	s0 =	rddreg [dreg:$0x5]  }
0x5f0: {  	s0 =	sadd.s32 @!p0 $0x100000, s0  }
0x5f1: {  	[sflag:s0] =	ssyncadd.tile.s32 @!p0 $0x1;
	_ =	shalt  }
.Lfunc_end2:
_tile_overlayer_lowered:
.L_overlay_start_2:
0x5f2: {  	(tag) =	ssettag $0x2  }
0x5f3: {  	s0 =	rddreg [dreg:$0x0];
	s2 =	stileid.u32  }
0x5f4: {  	s1 =	rddreg [dreg:$0x1];
	p0 =	sne.s32 s2, $0x0  }
0x5f5: {  	s3 =	rddreg [dreg:$0x2];
	[bflag:$0x3] =	sbarrier.arrive $0xFFFF;
	s2 =	simm.s32 @!p0 $0x1C09  }
0x5f6: {  	[timem:s3], [sflag:s2] =	dma.local @!p0 [hbm:s0], s1  }
0x5f7: {  	s0 =	simm.s32 @!p0 $0x9  }
0x5f8: {  	_ =	swait.ge @!p0 [sflag:s0], s1  }
0x5f9: {  	s1 =	ssub.s32 @!p0 $0x0, s1;
	[sflag:s0] =	ssyncset.done @!p0 $0x0  }
0x5fa: {  	[sflag:s0] =	ssyncadd.s32 @!p0 s1  }
0x5fb: {  	[bflag:$0x3] =	sbarrier.arrive $0xFFFF  }
0x5fc: {  	_ =	shalt  }

</sc_bundles>
